<compile_context>
chip_gen: v7x
topology: tpu7x:2x2x1
jax: 0.10.2.dev20260603
libtpu: 0.0.44.dev20260713+nightly
codegen_flags: <defaults>
</compile_context>

<pallas_src>
import functools

import jax
import jax.numpy as jnp
from jax import lax
from jax.experimental import pallas as pl
from jax.experimental.pallas import tpu as pltpu
from jax.experimental.pallas import tpu_sc as plsc

D = 128
G = 256
EPS = 1e-5

NC = 2
NS = 16
NW = NC * NS
CHUNK = 128


def _ln_tanh(z, g, b):
    mu = jnp.mean(z, axis=-1, keepdims=True)
    var = jnp.mean((z - mu) ** 2, axis=-1, keepdims=True)
    return jnp.tanh((z - mu) * jax.lax.rsqrt(var + EPS) * g + b)


def _full(shape):
    return pl.BlockSpec(shape, lambda i: tuple(0 for _ in shape))



def _node0(x, Wa, ba, WmA0, WmB0):
    N = x.shape[0]
    R = 2000
    def body(x_r, Wa_r, ba_r, WmA_r, WmB_r, h_r, a_r, b_r):
        h = jnp.dot(x_r[...], Wa_r[...], preferred_element_type=jnp.float32) + ba_r[...]
        h_r[...] = h
        a_r[...] = jnp.dot(h, WmA_r[...], preferred_element_type=jnp.float32)
        b_r[...] = jnp.dot(h, WmB_r[...], preferred_element_type=jnp.float32)
    out = jax.ShapeDtypeStruct((N, D), jnp.float32)
    return pl.pallas_call(
        body,
        grid=(N // R,),
        in_specs=[pl.BlockSpec((R, D), lambda i: (i, 0)), _full((D, D)),
                  _full((1, D)), _full((D, D)), _full((D, D))],
        out_specs=[pl.BlockSpec((R, D), lambda i: (i, 0))] * 3,
        out_shape=[out, out, out],
    )(x, Wa, ba, WmA0, WmB0)


def _msg(s, ea, Wb, bb, WmC, bm, gm, bem):
    E, DE = ea.shape
    R = 4000
    def body(s_r, ea_r, Wb_r, bb_r, C_r, bm_r, g_r, b_r, m_r):
        e = jnp.dot(ea_r[...], Wb_r[...], preferred_element_type=jnp.float32) + bb_r[...]
        ee = jnp.dot(e, C_r[...], preferred_element_type=jnp.float32) + bm_r[...]
        z = s_r[...] + ee
        m_r[...] = _ln_tanh(z, g_r[...], b_r[...])
    return pl.pallas_call(
        body,
        grid=(E // R,),
        in_specs=[pl.BlockSpec((R, D), lambda i: (i, 0)),
                  pl.BlockSpec((R, DE), lambda i: (i, 0)),
                  _full((DE, DE)), _full((1, DE)), _full((DE, D)),
                  _full((1, D)), _full((1, D)), _full((1, D))],
        out_specs=pl.BlockSpec((R, D), lambda i: (i, 0)),
        out_shape=jax.ShapeDtypeStruct((E, D), jnp.float32),
    )(s, ea, Wb, bb, WmC, bm, gm, bem)


def _update(P, h, WuA, WuB, bu, gu, beu, WmA, WmB):
    N = h.shape[0]
    R = 2000
    def body(P_r, h_r, WuA_r, WuB_r, bu_r, gu_r, beu_r, WmA_r, WmB_r,
             h1_r, a_r, b_r):
        aggr = P_r[0] + P_r[1]
        z = (jnp.dot(aggr, WuA_r[...], preferred_element_type=jnp.float32)
             + jnp.dot(h_r[...], WuB_r[...], preferred_element_type=jnp.float32)
             + bu_r[...])
        h1 = _ln_tanh(z, gu_r[...], beu_r[...])
        h1_r[...] = h1
        a_r[...] = jnp.dot(h1, WmA_r[...], preferred_element_type=jnp.float32)
        b_r[...] = jnp.dot(h1, WmB_r[...], preferred_element_type=jnp.float32)
    out = jax.ShapeDtypeStruct((N, D), jnp.float32)
    return pl.pallas_call(
        body,
        grid=(N // R,),
        in_specs=[pl.BlockSpec((2, R, D), lambda i: (0, i, 0)),
                  pl.BlockSpec((R, D), lambda i: (i, 0)),
                  _full((D, D)), _full((D, D)), _full((1, D)),
                  _full((1, D)), _full((1, D)), _full((D, D)), _full((D, D))],
        out_specs=[pl.BlockSpec((R, D), lambda i: (i, 0))] * 3,
        out_shape=[out, out, out],
    )(P, h, WuA, WuB, bu, gu, beu, WmA, WmB)


def _final(P, h, WuA, WuB, bu, gu, beu, W1, b1, W2, b2, batch2d):
    N = h.shape[0]
    R = 2000
    nblk = N // R
    def body(P_r, h_r, WuA_r, WuB_r, bu_r, gu_r, beu_r,
             W1_r, b1_r, W2_r, b2_r, bi_r, out_r, sums, cnts):
        i = pl.program_id(0)
        aggr = P_r[0] + P_r[1]
        z = (jnp.dot(aggr, WuA_r[...], preferred_element_type=jnp.float32)
             + jnp.dot(h_r[...], WuB_r[...], preferred_element_type=jnp.float32)
             + bu_r[...])
        h2 = _ln_tanh(z, gu_r[...], beu_r[...])
        hid = jax.nn.relu(jnp.dot(h2, W1_r[...], preferred_element_type=jnp.float32)
                          + b1_r[...])
        r = jnp.dot(hid, W2_r[...], preferred_element_type=jnp.float32) + b2_r[...]
        gids = jax.lax.broadcasted_iota(jnp.int32, (R, G), 1)
        mask = (bi_r[...] == gids).astype(jnp.float32)
        blk_sum = jax.lax.dot_general(
            r, mask, (((0,), (0,)), ((), ())), preferred_element_type=jnp.float32)
        blk_cnt = jnp.sum(mask, axis=0, keepdims=True)

        @pl.when(i == 0)
        def _():
            sums[...] = jnp.zeros_like(sums)
            cnts[...] = jnp.zeros_like(cnts)
        sums[...] += blk_sum
        cnts[...] += blk_cnt

        @pl.when(i == nblk - 1)
        def _():
            out_r[...] = sums[...] / jnp.maximum(cnts[...], 1.0)
    return pl.pallas_call(
        body,
        grid=(nblk,),
        in_specs=[pl.BlockSpec((2, R, D), lambda i: (0, i, 0)),
                  pl.BlockSpec((R, D), lambda i: (i, 0)),
                  _full((D, D)), _full((D, D)), _full((1, D)),
                  _full((1, D)), _full((1, D)),
                  _full((D, D)), _full((1, D)), _full((D, 1)), _full((1, 1)),
                  pl.BlockSpec((R, 1), lambda i: (i, 0))],
        out_specs=_full((1, G)),
        out_shape=jax.ShapeDtypeStruct((1, G), jnp.float32),
        scratch_shapes=[pltpu.VMEM((1, G), jnp.float32),
                        pltpu.VMEM((1, G), jnp.float32)],
    )(P, h, WuA, WuB, bu, gu, beu, W1, b1, W2, b2, batch2d)



def _sc_gather(A, B, src2d, dst2d, E):
    n_pad, C = src2d.shape
    PER = n_pad // NW
    n_chunks = E // C
    NB = 3
    mesh = plsc.VectorSubcoreMesh(core_axis_name="c", subcore_axis_name="s",
                                  num_cores=NC, num_subcores=NS)
    out = jax.ShapeDtypeStruct((E, D), jnp.float32)

    @functools.partial(
        pl.kernel, out_type=out, mesh=mesh,
        scratch_types=[
            pltpu.VMEM((PER, C), jnp.int32),
            pltpu.VMEM((PER, C), jnp.int32),
            pltpu.VMEM((NB, C, D), jnp.float32),
            pltpu.VMEM((NB, C, D), jnp.float32),
            [pltpu.SemaphoreType.DMA] * NB,
            [pltpu.SemaphoreType.DMA] * NB,
            [pltpu.SemaphoreType.DMA] * NB,
        ])
    def k(A_h, B_h, src_h, dst_h, S_h,
          idxs, idxd, bufa, bufb, sga, sgb, swa):
        c = lax.axis_index("c")
        s = lax.axis_index("s")
        wid = s * NC + c
        chunk0 = wid * PER
        nvalid = jnp.minimum(jnp.maximum(n_chunks - chunk0, 0), PER)

        pltpu.sync_copy(src_h.at[pl.ds(chunk0, PER)], idxs)
        pltpu.sync_copy(dst_h.at[pl.ds(chunk0, PER)], idxd)

        def fire_gather(kk, b):
            pltpu.async_copy(A_h.at[idxs.at[kk]], bufa.at[b], sga[b])
            pltpu.async_copy(B_h.at[idxd.at[kk]], bufb.at[b], sgb[b])

        def drain_gather(kk, b):
            pltpu.make_async_copy(A_h.at[idxs.at[kk]], bufa.at[b], sga[b]).wait()
            pltpu.make_async_copy(B_h.at[idxd.at[kk]], bufb.at[b], sgb[b]).wait()

        def fire_wb(kk, b):
            base = (chunk0 + kk) * C
            pltpu.async_copy(bufa.at[b], S_h.at[pl.ds(base, C)], swa[b])

        def drain_wb(kk, b):
            base = (chunk0 + kk) * C
            pltpu.make_async_copy(bufa.at[b], S_h.at[pl.ds(base, C)], swa[b]).wait()

        def add_chunk(b):
            def arow(r, carry):
                for j in range(D // 16):
                    sl = pl.ds(j * 16, 16)
                    bufa[b, r, sl] = bufa[b, r, sl] + bufb[b, r, sl]
                return carry

            lax.fori_loop(0, C, arow, 0)

        @pl.when(nvalid > 0)
        def _():
            fire_gather(0, 0)

        @pl.when(nvalid > 1)
        def _():
            fire_gather(1, 1)

        def outer(i, carry):
            for bb in range(NB):
                kk = i * NB + bb
                bn = (bb + 2) % NB

                @pl.when(kk < nvalid)
                def _():
                    drain_gather(kk, bb)
                    add_chunk(bb)
                    fire_wb(kk, bb)

                    @pl.when((kk + 2 < nvalid) & (kk > 0))
                    def _():
                        drain_wb(kk - 1, bn)
                        fire_gather(kk + 2, bn)

                    @pl.when((kk + 2 < nvalid) & (kk == 0))
                    def _():
                        fire_gather(kk + 2, bn)
            return carry

        lax.fori_loop(0, -(-(PER + 2) // NB), outer, 0)

        for bb in range(NB):
            ct = nvalid - 1 - lax.rem(nvalid - 1 - bb + 2 * NB, NB)

            @pl.when((ct >= 0) & (ct >= nvalid - NB))
            def _():
                drain_wb(ct, bb)

    return k(A, B, src2d, dst2d)


def _sc_scatter(M, dst, N):
    E = dst.shape[0]
    C = CHUNK
    n_chunks = E // C
    PER = -(-n_chunks // NW)
    row_step = 624
    row_span = 640
    mesh = plsc.VectorSubcoreMesh(core_axis_name="c", subcore_axis_name="s",
                                  num_cores=NC, num_subcores=NS)

    @functools.partial(
        pl.kernel, out_type=jax.ShapeDtypeStruct((NC, N, D), jnp.float32),
        mesh=mesh,
        scratch_types=[
            pltpu.VMEM_SHARED((N, D), jnp.float32),
            pltpu.VMEM((2, C, D), jnp.float32),
            pltpu.VMEM((C,), jnp.int32),
            pltpu.VMEM((C,), jnp.int32),
            [pltpu.SemaphoreType.DMA] * 2,
            [pltpu.SemaphoreType.DMA] * 2,
        ])
    def k(M_h, dst_h, P_h, aggr, bufm, idx0, idx1, sm, si):
        c = lax.axis_index("c")
        s = lax.axis_index("s")
        wid = s * NC + c
        chunk0 = wid * PER
        nvalid = jnp.minimum(jnp.maximum(n_chunks - chunk0, 0), PER)
        idxb = (idx0, idx1)

        def zero_row(i, carry):
            for j in range(D // 16):
                bufm[0, i, pl.ds(j * 16, 16)] = jnp.zeros((16,), jnp.float32)
            return carry

        lax.fori_loop(0, C, zero_row, 0)
        for kk in range(row_span // C):
            pltpu.sync_copy(bufm.at[0],
                            aggr.at[pl.ds(s * row_step + kk * C, C)])
        plsc.subcore_barrier()

        def fire(kk, b):
            base = (chunk0 + kk) * C
            pltpu.async_copy(M_h.at[pl.ds(base, C)], bufm.at[b], sm[b])
            pltpu.async_copy(dst_h.at[pl.ds(base, C)], idxb[b], si[b])

        def drain(kk, b):
            base = (chunk0 + kk) * C
            pltpu.make_async_copy(M_h.at[pl.ds(base, C)], bufm.at[b], sm[b]).wait()
            pltpu.make_async_copy(dst_h.at[pl.ds(base, C)], idxb[b], si[b]).wait()

        @pl.when(nvalid > 0)
        def _():
            fire(0, 0)

        @pl.when(nvalid > 1)
        def _():
            fire(1, 1)

        def outer(i, carry):
            for b in range(2):
                kk = i * 2 + b

                @pl.when(kk < nvalid)
                def _():
                    drain(kk, b)
                    pltpu.sync_copy(bufm.at[b], aggr.at[idxb[b]], add=True)

                    @pl.when(kk + 2 < nvalid)
                    def _():
                        fire(kk + 2, b)
            return carry

        lax.fori_loop(0, -(-PER // 2), outer, 0)
        plsc.subcore_barrier()
        pltpu.sync_copy(aggr.at[pl.ds(s * row_step, row_span)],
                        P_h.at[c, pl.ds(s * row_step, row_span)])

    return k(M, dst)



def kernel(x, edge_index, edge_attr, batch_idx, Wa, ba, Wb, bb,
           Wm0, bm0, gm0, betam0, Wu0, bu0, gu0, betau0,
           Wm1, bm1, gm1, betam1, Wu1, bu1, gu1, betau1,
           W1, b1, W2, b2):
    N = x.shape[0]
    E = edge_index.shape[1]
    src = edge_index[0]
    dst = edge_index[1]

    n_chunks = E // CHUNK
    n_pad = -(-n_chunks // NW) * NW

    def chunked(v):
        return jnp.pad(v.reshape(n_chunks, CHUNK),
                       ((0, n_pad - n_chunks), (0, 0)))

    src2d = chunked(src)
    dst2d = chunked(dst)

    def row(v):
        return v.reshape(1, -1)

    h, A, B = _node0(x, Wa, row(ba), Wm0[:D], Wm0[D:2 * D])

    S = _sc_gather(A, B, src2d, dst2d, E)
    M = _msg(S, edge_attr, Wb, row(bb), Wm0[2 * D:], row(bm0),
             row(gm0), row(betam0))
    P = _sc_scatter(M, dst, N)
    h, A, B = _update(P, h, Wu0[:D], Wu0[D:], row(bu0), row(gu0), row(betau0),
                      Wm1[:D], Wm1[D:2 * D])

    S = _sc_gather(A, B, src2d, dst2d, E)
    M = _msg(S, edge_attr, Wb, row(bb), Wm1[2 * D:], row(bm1),
             row(gm1), row(betam1))
    P = _sc_scatter(M, dst, N)

    return _final(P, h, Wu1[:D], Wu1[D:], row(bu1), row(gu1), row(betau1),
                  W1, row(b1), W2.reshape(D, 1), b2.reshape(1, 1),
                  batch_idx.reshape(N, 1))

# --- scband reference (transcript-rebuilt; emitter-appended) ---
"""Pipeline reference for scband-model-33174327394500 (READ-ONLY COPY).

The authoritative reference and input builder live on the scoring server;
editing this copy changes nothing except your own understanding.
"""

import jax, jax.numpy as jnp
import numpy as np

N = 10000
E = 160000
D = 128
DE = 16
G = 256
H = 128
OUT = 1


def _ln(x, g, b, eps=1e-5):
    mu = jnp.mean(x, axis=-1, keepdims=True)
    var = jnp.mean((x - mu) ** 2, axis=-1, keepdims=True)
    return (x - mu) / jnp.sqrt(var + eps) * g + b


def setup_inputs(seed: int = 0) -> dict:
    key = jax.random.key(seed)
    ks = jax.random.split(key, 40)

    def w(i, shape):
        return (jax.random.normal(ks[i], shape, jnp.float32) / np.sqrt(shape[0])).astype(jnp.float32)

    inp = {
        'x': jax.random.normal(ks[0], (N, D), jnp.float32),
        'edge_index': jax.random.randint(ks[1], (2, E), 0, N, dtype=jnp.int32),
        'edge_attr': jax.random.normal(ks[2], (E, DE), jnp.float32),
        'batch_idx': jnp.sort(jax.random.randint(ks[3], (N,), 0, G, dtype=jnp.int32)),
        'Wa': w(4, (D, D)), 'ba': w(5, (D,)),
        'Wb': w(6, (DE, DE)), 'bb': w(7, (DE,)),
        'Wm0': w(8, (2 * D + DE, D)), 'bm0': w(9, (D,)),
        'gm0': jnp.ones((D,), jnp.float32), 'betam0': jnp.zeros((D,), jnp.float32),
        'Wu0': w(10, (2 * D, D)), 'bu0': w(11, (D,)),
        'gu0': jnp.ones((D,), jnp.float32), 'betau0': jnp.zeros((D,), jnp.float32),
        'Wm1': w(12, (2 * D + DE, D)), 'bm1': w(13, (D,)),
        'gm1': jnp.ones((D,), jnp.float32), 'betam1': jnp.zeros((D,), jnp.float32),
        'Wu1': w(14, (2 * D, D)), 'bu1': w(15, (D,)),
        'gu1': jnp.ones((D,), jnp.float32), 'betau1': jnp.zeros((D,), jnp.float32),
        'W1': w(16, (D, H)), 'b1': w(17, (H,)),
        'W2': w(18, (H, OUT)), 'b2': w(19, (OUT,)),
    }
    return inp


def reference(x, edge_index, edge_attr, batch_idx,
              Wa, ba, Wb, bb,
              Wm0, bm0, gm0, betam0, Wu0, bu0, gu0, betau0,
              Wm1, bm1, gm1, betam1, Wu1, bu1, gu1, betau1,
              W1, b1, W2, b2):
    h = x @ Wa + ba
    e = edge_attr @ Wb + bb
    src = edge_index[0]
    dst = edge_index[1]
    layers = [(Wm0, bm0, gm0, betam0, Wu0, bu0, gu0, betau0),
              (Wm1, bm1, gm1, betam1, Wu1, bu1, gu1, betau1)]
    for (Wm, bm, gm, bem, Wu, bu, gu, beu) in layers:
        x_j = jnp.take(h, src, axis=0)
        x_i = jnp.take(h, dst, axis=0)
        m = jnp.tanh(_ln(jnp.concatenate([x_j, x_i, e], axis=1) @ Wm + bm, gm, bem))
        aggr = jax.ops.segment_sum(m, dst, num_segments=N)
        h = jnp.tanh(_ln(jnp.concatenate([aggr, h], axis=1) @ Wu + bu, gu, beu))
    out = jax.nn.relu(h @ W1 + b1) @ W2 + b2
    sums = jax.ops.segment_sum(out, batch_idx, num_segments=G)
    cnt = jax.ops.segment_sum(jnp.ones((x.shape[0], 1), jnp.float32), batch_idx, num_segments=G)
    return (sums / jnp.maximum(cnt, 1.0)).T

if __name__ == "__main__":
    import jax
    _d = setup_inputs()
    print(jax.jit(kernel)(*tuple(_d.values())))

</pallas_src>

<mosaic_0001>
#map = affine_map<(d0, d1) -> (0, 0)>
module attributes {stable_mosaic.version = 14 : i64} {
  func.func @k(%arg0: i32, %arg1: i32, %arg2: memref<10000x128xf32, #tpu.memory_space<hbm>>, %arg3: memref<10000x128xf32, #tpu.memory_space<hbm>>, %arg4: memref<1280x128xi32, #tpu.memory_space<hbm>>, %arg5: memref<1280x128xi32, #tpu.memory_space<hbm>>, %arg6: memref<160000x128xf32, #tpu.memory_space<hbm>>, %arg7: memref<40x128xi32, #tpu.memory_space<vmem>>, %arg8: memref<40x128xi32, #tpu.memory_space<vmem>>, %arg9: memref<3x128x128xf32, #tpu.memory_space<vmem>>, %arg10: memref<3x128x128xf32, #tpu.memory_space<vmem>>, %arg11: memref<!tpu.dma_semaphore, #tpu.memory_space<semaphore_mem>>, %arg12: memref<!tpu.dma_semaphore, #tpu.memory_space<semaphore_mem>>, %arg13: memref<!tpu.dma_semaphore, #tpu.memory_space<semaphore_mem>>, %arg14: memref<!tpu.dma_semaphore, #tpu.memory_space<semaphore_mem>>, %arg15: memref<!tpu.dma_semaphore, #tpu.memory_space<semaphore_mem>>, %arg16: memref<!tpu.dma_semaphore, #tpu.memory_space<semaphore_mem>>, %arg17: memref<!tpu.dma_semaphore, #tpu.memory_space<semaphore_mem>>, %arg18: memref<!tpu.dma_semaphore, #tpu.memory_space<semaphore_mem>>, %arg19: memref<!tpu.dma_semaphore, #tpu.memory_space<semaphore_mem>>) attributes {dimension_semantics = [#tpu.dimension_semantics<core_parallel>, #tpu.dimension_semantics<subcore_parallel>], iteration_bounds = array<i64: 2, 16>, scalar_prefetch = 0 : i64, scratch_operands = 13 : i64, tpu.core_type = #tpu.core_type<sc_vector_subcore>, window_params = [{transform_indices = #map}, {transform_indices = #map}, {transform_indices = #map}, {transform_indices = #map}, {transform_indices = #map}]} {
    %mul3A = arith.constant 2 : i32
    %mul3A_0 = arith.muli %arg1, %mul3A : i32
    %add3A = arith.addi %mul3A_0, %arg0 : i32
    %mul3A_1 = arith.constant 40 : i32
    %mul3A_2 = arith.muli %add3A, %mul3A_1 : i32
    %sub3A = arith.constant 1250 : i32
    %sub3A_3 = arith.subi %sub3A, %mul3A_2 : i32
    %max3A = arith.constant 0 : i32
    %max3A_4 = arith.maxsi %sub3A_3, %max3A : i32
    %min3A = arith.constant 40 : i32
    %min3A_5 = arith.minsi %max3A_4, %min3A : i32
    "tpu.region"() ({
      %run_scoped3A = tpu.sem_alloc : memref<!tpu.dma_semaphore, #tpu.memory_space<semaphore_mem>>
      %dma_start3A = arith.constant 0 : i32
      %dma_start3A_75 = tpu.memref_slice %arg4[%mul3A_2, %dma_start3A] : memref<1280x128xi32, #tpu.memory_space<hbm>> -> memref<40x128xi32, #tpu.memory_space<hbm>>
      %dma_start3A_76 = arith.constant 0 : i32
      %dma_start3A_77 = tpu.memref_slice %arg4[%mul3A_2, %dma_start3A_76] : memref<1280x128xi32, #tpu.memory_space<hbm>> -> memref<40x128xi32, #tpu.memory_space<hbm>>
      tpu.enqueue_dma source(%dma_start3A_77 : memref<40x128xi32, #tpu.memory_space<hbm>>) target(%arg7 : memref<40x128xi32, #tpu.memory_space<vmem>>) target_semaphore(%run_scoped3A : memref<!tpu.dma_semaphore, #tpu.memory_space<semaphore_mem>>)
      %dma_wait3A = arith.constant 0 : i32
      %dma_wait3A_78 = tpu.memref_slice %arg4[%mul3A_2, %dma_wait3A] : memref<1280x128xi32, #tpu.memory_space<hbm>> -> memref<40x128xi32, #tpu.memory_space<hbm>>
      %dma_wait3A_79 = arith.constant 0 : i32
      %dma_wait3A_80 = tpu.memref_slice %arg4[%mul3A_2, %dma_wait3A_79] : memref<1280x128xi32, #tpu.memory_space<hbm>> -> memref<40x128xi32, #tpu.memory_space<hbm>>
      tpu.wait_dma2 semaphore(%run_scoped3A : memref<!tpu.dma_semaphore, #tpu.memory_space<semaphore_mem>>) src(%dma_wait3A_80 : memref<40x128xi32, #tpu.memory_space<hbm>>) dst(%arg7 : memref<40x128xi32, #tpu.memory_space<vmem>>)
      tpu.yield
    }) : () -> ()
    "tpu.region"() ({
      %run_scoped3A = tpu.sem_alloc : memref<!tpu.dma_semaphore, #tpu.memory_space<semaphore_mem>>
      %dma_start3A = arith.constant 0 : i32
      %dma_start3A_75 = tpu.memref_slice %arg5[%mul3A_2, %dma_start3A] : memref<1280x128xi32, #tpu.memory_space<hbm>> -> memref<40x128xi32, #tpu.memory_space<hbm>>
      %dma_start3A_76 = arith.constant 0 : i32
      %dma_start3A_77 = tpu.memref_slice %arg5[%mul3A_2, %dma_start3A_76] : memref<1280x128xi32, #tpu.memory_space<hbm>> -> memref<40x128xi32, #tpu.memory_space<hbm>>
      tpu.enqueue_dma source(%dma_start3A_77 : memref<40x128xi32, #tpu.memory_space<hbm>>) target(%arg8 : memref<40x128xi32, #tpu.memory_space<vmem>>) target_semaphore(%run_scoped3A : memref<!tpu.dma_semaphore, #tpu.memory_space<semaphore_mem>>)
      %dma_wait3A = arith.constant 0 : i32
      %dma_wait3A_78 = tpu.memref_slice %arg5[%mul3A_2, %dma_wait3A] : memref<1280x128xi32, #tpu.memory_space<hbm>> -> memref<40x128xi32, #tpu.memory_space<hbm>>
      %dma_wait3A_79 = arith.constant 0 : i32
      %dma_wait3A_80 = tpu.memref_slice %arg5[%mul3A_2, %dma_wait3A_79] : memref<1280x128xi32, #tpu.memory_space<hbm>> -> memref<40x128xi32, #tpu.memory_space<hbm>>
      tpu.wait_dma2 semaphore(%run_scoped3A : memref<!tpu.dma_semaphore, #tpu.memory_space<semaphore_mem>>) src(%dma_wait3A_80 : memref<40x128xi32, #tpu.memory_space<hbm>>) dst(%arg8 : memref<40x128xi32, #tpu.memory_space<vmem>>)
      tpu.yield
    }) : () -> ()
    %gt3A = arith.constant 0 : i32
    %gt3A_6 = arith.cmpi sgt, %min3A_5, %gt3A : i32
    %convert_element_type3A = arith.extui %gt3A_6 : i1 to i32
    %cond3A = arith.constant 0 : i32
    %cond3A_7 = arith.cmpi ne, %convert_element_type3A, %cond3A : i32
    scf.if %cond3A_7 {
      %dma_start3A = arith.constant 0 : i32
      %dma_start3A_75 = arith.constant 0 : i32
      %dma_start3A_76 = arith.constant 0 : i32
      %dma_start3A_77 = arith.constant 0 : i32
      %dma_start3A_78 = tpu.memref_slice %arg9[%dma_start3A_75, %dma_start3A_76, %dma_start3A_77] : memref<3x128x128xf32, #tpu.memory_space<vmem>> -> memref<1x128x128xf32, #tpu.memory_space<vmem>>
      %dma_start3A_79 = tpu.memref_squeeze %dma_start3A_78 : memref<1x128x128xf32, #tpu.memory_space<vmem>> -> memref<128x128xf32, #tpu.memory_space<vmem>>
      %dma_start3A_80 = arith.constant 0 : i32
      %dma_start3A_81 = tpu.memref_slice %arg7[%dma_start3A, %dma_start3A_80] : memref<40x128xi32, #tpu.memory_space<vmem>> -> memref<1x128xi32, #tpu.memory_space<vmem>>
      %dma_start3A_82 = tpu.memref_squeeze %dma_start3A_81 : memref<1x128xi32, #tpu.memory_space<vmem>> -> memref<128xi32, #tpu.memory_space<vmem>>
      %dma_start3A_83 = arith.constant 0 : i32
      %dma_start3A_84 = arith.constant 0 : i32
      %dma_start3A_85 = tpu.memref_slice %arg2[%dma_start3A_83, %dma_start3A_84] : memref<10000x128xf32, #tpu.memory_space<hbm>> -> memref<10000x128xf32, #tpu.memory_space<hbm>>
      tpu.enqueue_indirect_dma source(%dma_start3A_85 : memref<10000x128xf32, #tpu.memory_space<hbm>>) target(%dma_start3A_79 : memref<128x128xf32, #tpu.memory_space<vmem>>) offsets(%dma_start3A_82 : memref<128xi32, #tpu.memory_space<vmem>>) semaphore(%arg11 : memref<!tpu.dma_semaphore, #tpu.memory_space<semaphore_mem>>)
      %dma_start3A_86 = arith.constant 0 : i32
      %dma_start3A_87 = arith.constant 0 : i32
      %dma_start3A_88 = arith.constant 0 : i32
      %dma_start3A_89 = arith.constant 0 : i32
      %dma_start3A_90 = tpu.memref_slice %arg10[%dma_start3A_87, %dma_start3A_88, %dma_start3A_89] : memref<3x128x128xf32, #tpu.memory_space<vmem>> -> memref<1x128x128xf32, #tpu.memory_space<vmem>>
      %dma_start3A_91 = tpu.memref_squeeze %dma_start3A_90 : memref<1x128x128xf32, #tpu.memory_space<vmem>> -> memref<128x128xf32, #tpu.memory_space<vmem>>
      %dma_start3A_92 = arith.constant 0 : i32
      %dma_start3A_93 = tpu.memref_slice %arg8[%dma_start3A_86, %dma_start3A_92] : memref<40x128xi32, #tpu.memory_space<vmem>> -> memref<1x128xi32, #tpu.memory_space<vmem>>
      %dma_start3A_94 = tpu.memref_squeeze %dma_start3A_93 : memref<1x128xi32, #tpu.memory_space<vmem>> -> memref<128xi32, #tpu.memory_space<vmem>>
      %dma_start3A_95 = arith.constant 0 : i32
      %dma_start3A_96 = arith.constant 0 : i32
      %dma_start3A_97 = tpu.memref_slice %arg3[%dma_start3A_95, %dma_start3A_96] : memref<10000x128xf32, #tpu.memory_space<hbm>> -> memref<10000x128xf32, #tpu.memory_space<hbm>>
      tpu.enqueue_indirect_dma source(%dma_start3A_97 : memref<10000x128xf32, #tpu.memory_space<hbm>>) target(%dma_start3A_91 : memref<128x128xf32, #tpu.memory_space<vmem>>) offsets(%dma_start3A_94 : memref<128xi32, #tpu.memory_space<vmem>>) semaphore(%arg14 : memref<!tpu.dma_semaphore, #tpu.memory_space<semaphore_mem>>)
    } else {
    }
    %gt3A_8 = arith.constant 1 : i32
    %gt3A_9 = arith.cmpi sgt, %min3A_5, %gt3A_8 : i32
    %convert_element_type3A_10 = arith.extui %gt3A_9 : i1 to i32
    %cond3A_11 = arith.constant 0 : i32
    %cond3A_12 = arith.cmpi ne, %convert_element_type3A_10, %cond3A_11 : i32
    scf.if %cond3A_12 {
      %dma_start3A = arith.constant 1 : i32
      %dma_start3A_75 = arith.constant 1 : i32
      %dma_start3A_76 = arith.constant 0 : i32
      %dma_start3A_77 = arith.constant 0 : i32
      %dma_start3A_78 = tpu.memref_slice %arg9[%dma_start3A_75, %dma_start3A_76, %dma_start3A_77] : memref<3x128x128xf32, #tpu.memory_space<vmem>> -> memref<1x128x128xf32, #tpu.memory_space<vmem>>
      %dma_start3A_79 = tpu.memref_squeeze %dma_start3A_78 : memref<1x128x128xf32, #tpu.memory_space<vmem>> -> memref<128x128xf32, #tpu.memory_space<vmem>>
      %dma_start3A_80 = arith.constant 0 : i32
      %dma_start3A_81 = tpu.memref_slice %arg7[%dma_start3A, %dma_start3A_80] : memref<40x128xi32, #tpu.memory_space<vmem>> -> memref<1x128xi32, #tpu.memory_space<vmem>>
      %dma_start3A_82 = tpu.memref_squeeze %dma_start3A_81 : memref<1x128xi32, #tpu.memory_space<vmem>> -> memref<128xi32, #tpu.memory_space<vmem>>
      %dma_start3A_83 = arith.constant 0 : i32
      %dma_start3A_84 = arith.constant 0 : i32
      %dma_start3A_85 = tpu.memref_slice %arg2[%dma_start3A_83, %dma_start3A_84] : memref<10000x128xf32, #tpu.memory_space<hbm>> -> memref<10000x128xf32, #tpu.memory_space<hbm>>
      tpu.enqueue_indirect_dma source(%dma_start3A_85 : memref<10000x128xf32, #tpu.memory_space<hbm>>) target(%dma_start3A_79 : memref<128x128xf32, #tpu.memory_space<vmem>>) offsets(%dma_start3A_82 : memref<128xi32, #tpu.memory_space<vmem>>) semaphore(%arg12 : memref<!tpu.dma_semaphore, #tpu.memory_space<semaphore_mem>>)
      %dma_start3A_86 = arith.constant 1 : i32
      %dma_start3A_87 = arith.constant 1 : i32
      %dma_start3A_88 = arith.constant 0 : i32
      %dma_start3A_89 = arith.constant 0 : i32
      %dma_start3A_90 = tpu.memref_slice %arg10[%dma_start3A_87, %dma_start3A_88, %dma_start3A_89] : memref<3x128x128xf32, #tpu.memory_space<vmem>> -> memref<1x128x128xf32, #tpu.memory_space<vmem>>
      %dma_start3A_91 = tpu.memref_squeeze %dma_start3A_90 : memref<1x128x128xf32, #tpu.memory_space<vmem>> -> memref<128x128xf32, #tpu.memory_space<vmem>>
      %dma_start3A_92 = arith.constant 0 : i32
      %dma_start3A_93 = tpu.memref_slice %arg8[%dma_start3A_86, %dma_start3A_92] : memref<40x128xi32, #tpu.memory_space<vmem>> -> memref<1x128xi32, #tpu.memory_space<vmem>>
      %dma_start3A_94 = tpu.memref_squeeze %dma_start3A_93 : memref<1x128xi32, #tpu.memory_space<vmem>> -> memref<128xi32, #tpu.memory_space<vmem>>
      %dma_start3A_95 = arith.constant 0 : i32
      %dma_start3A_96 = arith.constant 0 : i32
      %dma_start3A_97 = tpu.memref_slice %arg3[%dma_start3A_95, %dma_start3A_96] : memref<10000x128xf32, #tpu.memory_space<hbm>> -> memref<10000x128xf32, #tpu.memory_space<hbm>>
      tpu.enqueue_indirect_dma source(%dma_start3A_97 : memref<10000x128xf32, #tpu.memory_space<hbm>>) target(%dma_start3A_91 : memref<128x128xf32, #tpu.memory_space<vmem>>) offsets(%dma_start3A_94 : memref<128xi32, #tpu.memory_space<vmem>>) semaphore(%arg15 : memref<!tpu.dma_semaphore, #tpu.memory_space<semaphore_mem>>)
    } else {
    }
    %scan3A = arith.constant 0 : i32
    %scan3A_13 = arith.constant 0 : i32
    %scan3A_14 = arith.constant 14 : i32
    %scan3A_15 = arith.addi %scan3A_13, %scan3A_14 : i32
    %scan3A_16 = arith.constant 1 : i32
    scf.for %scan3A_75 = %scan3A_13 to %scan3A_15 step %scan3A_16  : i32 {
      %mul3A_76 = arith.constant 3 : i32
      %mul3A_77 = arith.muli %scan3A_75, %mul3A_76 : i32
      %add3A_78 = arith.constant 0 : i32
      %add3A_79 = arith.addi %mul3A_77, %add3A_78 : i32
      %lt3A = arith.cmpi slt, %add3A_79, %min3A_5 : i32
      %convert_element_type3A_80 = arith.extui %lt3A : i1 to i32
      %cond3A_81 = arith.constant 0 : i32
      %cond3A_82 = arith.cmpi ne, %convert_element_type3A_80, %cond3A_81 : i32
      scf.if %cond3A_82 {
        %dma_wait3A = arith.constant 0 : i32
        %dma_wait3A_99 = arith.constant 0 : i32
        %dma_wait3A_100 = arith.constant 0 : i32
        %dma_wait3A_101 = tpu.memref_slice %arg9[%dma_wait3A, %dma_wait3A_99, %dma_wait3A_100] : memref<3x128x128xf32, #tpu.memory_space<vmem>> -> memref<1x128x128xf32, #tpu.memory_space<vmem>>
        %dma_wait3A_102 = tpu.memref_squeeze %dma_wait3A_101 : memref<1x128x128xf32, #tpu.memory_space<vmem>> -> memref<128x128xf32, #tpu.memory_space<vmem>>
        %dma_wait3A_103 = arith.constant 0 : i32
        %dma_wait3A_104 = tpu.memref_slice %arg7[%add3A_79, %dma_wait3A_103] : memref<40x128xi32, #tpu.memory_space<vmem>> -> memref<1x128xi32, #tpu.memory_space<vmem>>
        %dma_wait3A_105 = tpu.memref_squeeze %dma_wait3A_104 : memref<1x128xi32, #tpu.memory_space<vmem>> -> memref<128xi32, #tpu.memory_space<vmem>>
        %dma_wait3A_106 = arith.constant 0 : i32
        %dma_wait3A_107 = arith.constant 0 : i32
        %dma_wait3A_108 = tpu.memref_slice %arg2[%dma_wait3A_106, %dma_wait3A_107] : memref<10000x128xf32, #tpu.memory_space<hbm>> -> memref<10000x128xf32, #tpu.memory_space<hbm>>
        tpu.wait_indirect_dma semaphore(%arg11 : memref<!tpu.dma_semaphore, #tpu.memory_space<semaphore_mem>>) src(%dma_wait3A_108 : memref<10000x128xf32, #tpu.memory_space<hbm>>) dst(%dma_wait3A_102 : memref<128x128xf32, #tpu.memory_space<vmem>>)
        %dma_wait3A_109 = arith.constant 0 : i32
        %dma_wait3A_110 = arith.constant 0 : i32
        %dma_wait3A_111 = arith.constant 0 : i32
        %dma_wait3A_112 = tpu.memref_slice %arg10[%dma_wait3A_109, %dma_wait3A_110, %dma_wait3A_111] : memref<3x128x128xf32, #tpu.memory_space<vmem>> -> memref<1x128x128xf32, #tpu.memory_space<vmem>>
        %dma_wait3A_113 = tpu.memref_squeeze %dma_wait3A_112 : memref<1x128x128xf32, #tpu.memory_space<vmem>> -> memref<128x128xf32, #tpu.memory_space<vmem>>
        %dma_wait3A_114 = arith.constant 0 : i32
        %dma_wait3A_115 = tpu.memref_slice %arg8[%add3A_79, %dma_wait3A_114] : memref<40x128xi32, #tpu.memory_space<vmem>> -> memref<1x128xi32, #tpu.memory_space<vmem>>
        %dma_wait3A_116 = tpu.memref_squeeze %dma_wait3A_115 : memref<1x128xi32, #tpu.memory_space<vmem>> -> memref<128xi32, #tpu.memory_space<vmem>>
        %dma_wait3A_117 = arith.constant 0 : i32
        %dma_wait3A_118 = arith.constant 0 : i32
        %dma_wait3A_119 = tpu.memref_slice %arg3[%dma_wait3A_117, %dma_wait3A_118] : memref<10000x128xf32, #tpu.memory_space<hbm>> -> memref<10000x128xf32, #tpu.memory_space<hbm>>
        tpu.wait_indirect_dma semaphore(%arg14 : memref<!tpu.dma_semaphore, #tpu.memory_space<semaphore_mem>>) src(%dma_wait3A_119 : memref<10000x128xf32, #tpu.memory_space<hbm>>) dst(%dma_wait3A_113 : memref<128x128xf32, #tpu.memory_space<vmem>>)
        %scan3A_120 = arith.constant 0 : i32
        %scan3A_121 = arith.constant 0 : i32
        %scan3A_122 = arith.constant 128 : i32
        %scan3A_123 = arith.addi %scan3A_121, %scan3A_122 : i32
        %scan3A_124 = arith.constant 1 : i32
        scf.for %scan3A_158 = %scan3A_121 to %scan3A_123 step %scan3A_124  : i32 {
          %get3A = arith.constant 0 : i32
          %get3A_159 = arith.index_cast %get3A : i32 to index
          %get3A_160 = arith.index_cast %scan3A_158 : i32 to index
          %get3A_161 = arith.constant 0 : index
          %get3A_162 = tpu.vector_load %arg9[%get3A_159, %get3A_160, %get3A_161] {strides = array<i32>} : memref<3x128x128xf32, #tpu.memory_space<vmem>>, vector<1x1x16xf32>,
          %get3A_163 = vector.shape_cast %get3A_162 : vector<1x1x16xf32> to vector<16xf32>
          %get3A_164 = arith.constant 0 : i32
          %get3A_165 = arith.index_cast %get3A_164 : i32 to index
          %get3A_166 = arith.index_cast %scan3A_158 : i32 to index
          %get3A_167 = arith.constant 0 : index
          %get3A_168 = tpu.vector_load %arg10[%get3A_165, %get3A_166, %get3A_167] {strides = array<i32>} : memref<3x128x128xf32, #tpu.memory_space<vmem>>, vector<1x1x16xf32>,
          %get3A_169 = vector.shape_cast %get3A_168 : vector<1x1x16xf32> to vector<16xf32>
          %add3A_170 = arith.addf %get3A_163, %get3A_169 : vector<16xf32>
          %swap3A = arith.constant 0 : i32
          %swap3A_171 = arith.index_cast %swap3A : i32 to index
          %swap3A_172 = arith.index_cast %scan3A_158 : i32 to index
          %swap3A_173 = arith.constant 0 : index
          %swap3A_174 = tpu.vector_load %arg9[%swap3A_171, %swap3A_172, %swap3A_173] {strides = array<i32>} : memref<3x128x128xf32, #tpu.memory_space<vmem>>, vector<1x1x16xf32>,
          %swap3A_175 = vector.shape_cast %swap3A_174 : vector<1x1x16xf32> to vector<16xf32>
          %swap3A_176 = vector.shape_cast %add3A_170 : vector<16xf32> to vector<1x1x16xf32>
          tpu.vector_store %arg9[%swap3A_171, %swap3A_172, %swap3A_173], %swap3A_176 {strides = array<i32>} : memref<3x128x128xf32, #tpu.memory_space<vmem>>, vector<1x1x16xf32>,
          %get3A_177 = arith.constant 0 : i32
          %get3A_178 = arith.index_cast %get3A_177 : i32 to index
          %get3A_179 = arith.index_cast %scan3A_158 : i32 to index
          %get3A_180 = arith.constant 16 : index
          %get3A_181 = tpu.vector_load %arg9[%get3A_178, %get3A_179, %get3A_180] {strides = array<i32>} : memref<3x128x128xf32, #tpu.memory_space<vmem>>, vector<1x1x16xf32>,
          %get3A_182 = vector.shape_cast %get3A_181 : vector<1x1x16xf32> to vector<16xf32>
          %get3A_183 = arith.constant 0 : i32
          %get3A_184 = arith.index_cast %get3A_183 : i32 to index
          %get3A_185 = arith.index_cast %scan3A_158 : i32 to index
          %get3A_186 = arith.constant 16 : index
          %get3A_187 = tpu.vector_load %arg10[%get3A_184, %get3A_185, %get3A_186] {strides = array<i32>} : memref<3x128x128xf32, #tpu.memory_space<vmem>>, vector<1x1x16xf32>,
          %get3A_188 = vector.shape_cast %get3A_187 : vector<1x1x16xf32> to vector<16xf32>
          %add3A_189 = arith.addf %get3A_182, %get3A_188 : vector<16xf32>
          %swap3A_190 = arith.constant 0 : i32
          %swap3A_191 = arith.index_cast %swap3A_190 : i32 to index
          %swap3A_192 = arith.index_cast %scan3A_158 : i32 to index
          %swap3A_193 = arith.constant 16 : index
          %swap3A_194 = tpu.vector_load %arg9[%swap3A_191, %swap3A_192, %swap3A_193] {strides = array<i32>} : memref<3x128x128xf32, #tpu.memory_space<vmem>>, vector<1x1x16xf32>,
          %swap3A_195 = vector.shape_cast %swap3A_194 : vector<1x1x16xf32> to vector<16xf32>
          %swap3A_196 = vector.shape_cast %add3A_189 : vector<16xf32> to vector<1x1x16xf32>
          tpu.vector_store %arg9[%swap3A_191, %swap3A_192, %swap3A_193], %swap3A_196 {strides = array<i32>} : memref<3x128x128xf32, #tpu.memory_space<vmem>>, vector<1x1x16xf32>,
          %get3A_197 = arith.constant 0 : i32
          %get3A_198 = arith.index_cast %get3A_197 : i32 to index
          %get3A_199 = arith.index_cast %scan3A_158 : i32 to index
          %get3A_200 = arith.constant 32 : index
          %get3A_201 = tpu.vector_load %arg9[%get3A_198, %get3A_199, %get3A_200] {strides = array<i32>} : memref<3x128x128xf32, #tpu.memory_space<vmem>>, vector<1x1x16xf32>,
          %get3A_202 = vector.shape_cast %get3A_201 : vector<1x1x16xf32> to vector<16xf32>
          %get3A_203 = arith.constant 0 : i32
          %get3A_204 = arith.index_cast %get3A_203 : i32 to index
          %get3A_205 = arith.index_cast %scan3A_158 : i32 to index
          %get3A_206 = arith.constant 32 : index
          %get3A_207 = tpu.vector_load %arg10[%get3A_204, %get3A_205, %get3A_206] {strides = array<i32>} : memref<3x128x128xf32, #tpu.memory_space<vmem>>, vector<1x1x16xf32>,
          %get3A_208 = vector.shape_cast %get3A_207 : vector<1x1x16xf32> to vector<16xf32>
          %add3A_209 = arith.addf %get3A_202, %get3A_208 : vector<16xf32>
          %swap3A_210 = arith.constant 0 : i32
          %swap3A_211 = arith.index_cast %swap3A_210 : i32 to index
          %swap3A_212 = arith.index_cast %scan3A_158 : i32 to index
          %swap3A_213 = arith.constant 32 : index
          %swap3A_214 = tpu.vector_load %arg9[%swap3A_211, %swap3A_212, %swap3A_213] {strides = array<i32>} : memref<3x128x128xf32, #tpu.memory_space<vmem>>, vector<1x1x16xf32>,
          %swap3A_215 = vector.shape_cast %swap3A_214 : vector<1x1x16xf32> to vector<16xf32>
          %swap3A_216 = vector.shape_cast %add3A_209 : vector<16xf32> to vector<1x1x16xf32>
          tpu.vector_store %arg9[%swap3A_211, %swap3A_212, %swap3A_213], %swap3A_216 {strides = array<i32>} : memref<3x128x128xf32, #tpu.memory_space<vmem>>, vector<1x1x16xf32>,
          %get3A_217 = arith.constant 0 : i32
          %get3A_218 = arith.index_cast %get3A_217 : i32 to index
          %get3A_219 = arith.index_cast %scan3A_158 : i32 to index
          %get3A_220 = arith.constant 48 : index
          %get3A_221 = tpu.vector_load %arg9[%get3A_218, %get3A_219, %get3A_220] {strides = array<i32>} : memref<3x128x128xf32, #tpu.memory_space<vmem>>, vector<1x1x16xf32>,
          %get3A_222 = vector.shape_cast %get3A_221 : vector<1x1x16xf32> to vector<16xf32>
          %get3A_223 = arith.constant 0 : i32
          %get3A_224 = arith.index_cast %get3A_223 : i32 to index
          %get3A_225 = arith.index_cast %scan3A_158 : i32 to index
          %get3A_226 = arith.constant 48 : index
          %get3A_227 = tpu.vector_load %arg10[%get3A_224, %get3A_225, %get3A_226] {strides = array<i32>} : memref<3x128x128xf32, #tpu.memory_space<vmem>>, vector<1x1x16xf32>,
          %get3A_228 = vector.shape_cast %get3A_227 : vector<1x1x16xf32> to vector<16xf32>
          %add3A_229 = arith.addf %get3A_222, %get3A_228 : vector<16xf32>
          %swap3A_230 = arith.constant 0 : i32
          %swap3A_231 = arith.index_cast %swap3A_230 : i32 to index
          %swap3A_232 = arith.index_cast %scan3A_158 : i32 to index
          %swap3A_233 = arith.constant 48 : index
          %swap3A_234 = tpu.vector_load %arg9[%swap3A_231, %swap3A_232, %swap3A_233] {strides = array<i32>} : memref<3x128x128xf32, #tpu.memory_space<vmem>>, vector<1x1x16xf32>,
          %swap3A_235 = vector.shape_cast %swap3A_234 : vector<1x1x16xf32> to vector<16xf32>
          %swap3A_236 = vector.shape_cast %add3A_229 : vector<16xf32> to vector<1x1x16xf32>
          tpu.vector_store %arg9[%swap3A_231, %swap3A_232, %swap3A_233], %swap3A_236 {strides = array<i32>} : memref<3x128x128xf32, #tpu.memory_space<vmem>>, vector<1x1x16xf32>,
          %get3A_237 = arith.constant 0 : i32
          %get3A_238 = arith.index_cast %get3A_237 : i32 to index
          %get3A_239 = arith.index_cast %scan3A_158 : i32 to index
          %get3A_240 = arith.constant 64 : index
          %get3A_241 = tpu.vector_load %arg9[%get3A_238, %get3A_239, %get3A_240] {strides = array<i32>} : memref<3x128x128xf32, #tpu.memory_space<vmem>>, vector<1x1x16xf32>,
          %get3A_242 = vector.shape_cast %get3A_241 : vector<1x1x16xf32> to vector<16xf32>
          %get3A_243 = arith.constant 0 : i32
          %get3A_244 = arith.index_cast %get3A_243 : i32 to index
          %get3A_245 = arith.index_cast %scan3A_158 : i32 to index
          %get3A_246 = arith.constant 64 : index
          %get3A_247 = tpu.vector_load %arg10[%get3A_244, %get3A_245, %get3A_246] {strides = array<i32>} : memref<3x128x128xf32, #tpu.memory_space<vmem>>, vector<1x1x16xf32>,
          %get3A_248 = vector.shape_cast %get3A_247 : vector<1x1x16xf32> to vector<16xf32>
          %add3A_249 = arith.addf %get3A_242, %get3A_248 : vector<16xf32>
          %swap3A_250 = arith.constant 0 : i32
          %swap3A_251 = arith.index_cast %swap3A_250 : i32 to index
          %swap3A_252 = arith.index_cast %scan3A_158 : i32 to index
          %swap3A_253 = arith.constant 64 : index
          %swap3A_254 = tpu.vector_load %arg9[%swap3A_251, %swap3A_252, %swap3A_253] {strides = array<i32>} : memref<3x128x128xf32, #tpu.memory_space<vmem>>, vector<1x1x16xf32>,
          %swap3A_255 = vector.shape_cast %swap3A_254 : vector<1x1x16xf32> to vector<16xf32>
          %swap3A_256 = vector.shape_cast %add3A_249 : vector<16xf32> to vector<1x1x16xf32>
          tpu.vector_store %arg9[%swap3A_251, %swap3A_252, %swap3A_253], %swap3A_256 {strides = array<i32>} : memref<3x128x128xf32, #tpu.memory_space<vmem>>, vector<1x1x16xf32>,
          %get3A_257 = arith.constant 0 : i32
          %get3A_258 = arith.index_cast %get3A_257 : i32 to index
          %get3A_259 = arith.index_cast %scan3A_158 : i32 to index
          %get3A_260 = arith.constant 80 : index
          %get3A_261 = tpu.vector_load %arg9[%get3A_258, %get3A_259, %get3A_260] {strides = array<i32>} : memref<3x128x128xf32, #tpu.memory_space<vmem>>, vector<1x1x16xf32>,
          %get3A_262 = vector.shape_cast %get3A_261 : vector<1x1x16xf32> to vector<16xf32>
          %get3A_263 = arith.constant 0 : i32
          %get3A_264 = arith.index_cast %get3A_263 : i32 to index
          %get3A_265 = arith.index_cast %scan3A_158 : i32 to index
          %get3A_266 = arith.constant 80 : index
          %get3A_267 = tpu.vector_load %arg10[%get3A_264, %get3A_265, %get3A_266] {strides = array<i32>} : memref<3x128x128xf32, #tpu.memory_space<vmem>>, vector<1x1x16xf32>,
          %get3A_268 = vector.shape_cast %get3A_267 : vector<1x1x16xf32> to vector<16xf32>
          %add3A_269 = arith.addf %get3A_262, %get3A_268 : vector<16xf32>
          %swap3A_270 = arith.constant 0 : i32
          %swap3A_271 = arith.index_cast %swap3A_270 : i32 to index
          %swap3A_272 = arith.index_cast %scan3A_158 : i32 to index
          %swap3A_273 = arith.constant 80 : index
          %swap3A_274 = tpu.vector_load %arg9[%swap3A_271, %swap3A_272, %swap3A_273] {strides = array<i32>} : memref<3x128x128xf32, #tpu.memory_space<vmem>>, vector<1x1x16xf32>,
          %swap3A_275 = vector.shape_cast %swap3A_274 : vector<1x1x16xf32> to vector<16xf32>
          %swap3A_276 = vector.shape_cast %add3A_269 : vector<16xf32> to vector<1x1x16xf32>
          tpu.vector_store %arg9[%swap3A_271, %swap3A_272, %swap3A_273], %swap3A_276 {strides = array<i32>} : memref<3x128x128xf32, #tpu.memory_space<vmem>>, vector<1x1x16xf32>,
          %get3A_277 = arith.constant 0 : i32
          %get3A_278 = arith.index_cast %get3A_277 : i32 to index
          %get3A_279 = arith.index_cast %scan3A_158 : i32 to index
          %get3A_280 = arith.constant 96 : index
          %get3A_281 = tpu.vector_load %arg9[%get3A_278, %get3A_279, %get3A_280] {strides = array<i32>} : memref<3x128x128xf32, #tpu.memory_space<vmem>>, vector<1x1x16xf32>,
          %get3A_282 = vector.shape_cast %get3A_281 : vector<1x1x16xf32> to vector<16xf32>
          %get3A_283 = arith.constant 0 : i32
          %get3A_284 = arith.index_cast %get3A_283 : i32 to index
          %get3A_285 = arith.index_cast %scan3A_158 : i32 to index
          %get3A_286 = arith.constant 96 : index
          %get3A_287 = tpu.vector_load %arg10[%get3A_284, %get3A_285, %get3A_286] {strides = array<i32>} : memref<3x128x128xf32, #tpu.memory_space<vmem>>, vector<1x1x16xf32>,
          %get3A_288 = vector.shape_cast %get3A_287 : vector<1x1x16xf32> to vector<16xf32>
          %add3A_289 = arith.addf %get3A_282, %get3A_288 : vector<16xf32>
          %swap3A_290 = arith.constant 0 : i32
          %swap3A_291 = arith.index_cast %swap3A_290 : i32 to index
          %swap3A_292 = arith.index_cast %scan3A_158 : i32 to index
          %swap3A_293 = arith.constant 96 : index
          %swap3A_294 = tpu.vector_load %arg9[%swap3A_291, %swap3A_292, %swap3A_293] {strides = array<i32>} : memref<3x128x128xf32, #tpu.memory_space<vmem>>, vector<1x1x16xf32>,
          %swap3A_295 = vector.shape_cast %swap3A_294 : vector<1x1x16xf32> to vector<16xf32>
          %swap3A_296 = vector.shape_cast %add3A_289 : vector<16xf32> to vector<1x1x16xf32>
          tpu.vector_store %arg9[%swap3A_291, %swap3A_292, %swap3A_293], %swap3A_296 {strides = array<i32>} : memref<3x128x128xf32, #tpu.memory_space<vmem>>, vector<1x1x16xf32>,
          %get3A_297 = arith.constant 0 : i32
          %get3A_298 = arith.index_cast %get3A_297 : i32 to index
          %get3A_299 = arith.index_cast %scan3A_158 : i32 to index
          %get3A_300 = arith.constant 112 : index
          %get3A_301 = tpu.vector_load %arg9[%get3A_298, %get3A_299, %get3A_300] {strides = array<i32>} : memref<3x128x128xf32, #tpu.memory_space<vmem>>, vector<1x1x16xf32>,
          %get3A_302 = vector.shape_cast %get3A_301 : vector<1x1x16xf32> to vector<16xf32>
          %get3A_303 = arith.constant 0 : i32
          %get3A_304 = arith.index_cast %get3A_303 : i32 to index
          %get3A_305 = arith.index_cast %scan3A_158 : i32 to index
          %get3A_306 = arith.constant 112 : index
          %get3A_307 = tpu.vector_load %arg10[%get3A_304, %get3A_305, %get3A_306] {strides = array<i32>} : memref<3x128x128xf32, #tpu.memory_space<vmem>>, vector<1x1x16xf32>,
          %get3A_308 = vector.shape_cast %get3A_307 : vector<1x1x16xf32> to vector<16xf32>
          %add3A_309 = arith.addf %get3A_302, %get3A_308 : vector<16xf32>
          %swap3A_310 = arith.constant 0 : i32
          %swap3A_311 = arith.index_cast %swap3A_310 : i32 to index
          %swap3A_312 = arith.index_cast %scan3A_158 : i32 to index
          %swap3A_313 = arith.constant 112 : index
          %swap3A_314 = tpu.vector_load %arg9[%swap3A_311, %swap3A_312, %swap3A_313] {strides = array<i32>} : memref<3x128x128xf32, #tpu.memory_space<vmem>>, vector<1x1x16xf32>,
          %swap3A_315 = vector.shape_cast %swap3A_314 : vector<1x1x16xf32> to vector<16xf32>
          %swap3A_316 = vector.shape_cast %add3A_309 : vector<16xf32> to vector<1x1x16xf32>
          tpu.vector_store %arg9[%swap3A_311, %swap3A_312, %swap3A_313], %swap3A_316 {strides = array<i32>} : memref<3x128x128xf32, #tpu.memory_space<vmem>>, vector<1x1x16xf32>,
        }
        %scan3A_125 = arith.constant 128 : i32
        %add3A_126 = arith.addi %mul3A_2, %add3A_79 : i32
        %mul3A_127 = arith.constant 128 : i32
        %mul3A_128 = arith.muli %add3A_126, %mul3A_127 : i32
        %dma_start3A = arith.constant 0 : i32
        %dma_start3A_129 = arith.constant 0 : i32
        %dma_start3A_130 = arith.constant 0 : i32
        %dma_start3A_131 = tpu.memref_slice %arg9[%dma_start3A, %dma_start3A_129, %dma_start3A_130] : memref<3x128x128xf32, #tpu.memory_space<vmem>> -> memref<1x128x128xf32, #tpu.memory_space<vmem>>
        %dma_start3A_132 = tpu.memref_squeeze %dma_start3A_131 : memref<1x128x128xf32, #tpu.memory_space<vmem>> -> memref<128x128xf32, #tpu.memory_space<vmem>>
        %dma_start3A_133 = arith.constant 0 : i32
        %dma_start3A_134 = tpu.memref_slice %arg6[%mul3A_128, %dma_start3A_133] : memref<160000x128xf32, #tpu.memory_space<hbm>> -> memref<128x128xf32, #tpu.memory_space<hbm>>
        %dma_start3A_135 = arith.constant 0 : i32
        %dma_start3A_136 = tpu.memref_slice %arg6[%mul3A_128, %dma_start3A_135] : memref<160000x128xf32, #tpu.memory_space<hbm>> -> memref<128x128xf32, #tpu.memory_space<hbm>>
        %dma_start3A_137 = arith.constant 0 : i32
        %dma_start3A_138 = arith.constant 0 : i32
        %dma_start3A_139 = tpu.memref_slice %arg9[%dma_start3A, %dma_start3A_137, %dma_start3A_138] : memref<3x128x128xf32, #tpu.memory_space<vmem>> -> memref<1x128x128xf32, #tpu.memory_space<vmem>>
        %dma_start3A_140 = tpu.memref_squeeze %dma_start3A_139 : memref<1x128x128xf32, #tpu.memory_space<vmem>> -> memref<128x128xf32, #tpu.memory_space<vmem>>
        tpu.enqueue_dma source(%dma_start3A_140 : memref<128x128xf32, #tpu.memory_space<vmem>>) target(%dma_start3A_136 : memref<128x128xf32, #tpu.memory_space<hbm>>) target_semaphore(%arg17 : memref<!tpu.dma_semaphore, #tpu.memory_space<semaphore_mem>>)
        %add3A_141 = arith.constant 2 : i32
        %add3A_142 = arith.addi %add3A_79, %add3A_141 : i32
        %lt3A_143 = arith.cmpi slt, %add3A_142, %min3A_5 : i32
        %gt3A_144 = arith.constant 0 : i32
        %gt3A_145 = arith.cmpi sgt, %add3A_79, %gt3A_144 : i32
        %and3A_146 = arith.andi %lt3A_143, %gt3A_145 : i1
        %convert_element_type3A_147 = arith.extui %and3A_146 : i1 to i32
        %cond3A_148 = arith.constant 0 : i32
        %cond3A_149 = arith.cmpi ne, %convert_element_type3A_147, %cond3A_148 : i32
        scf.if %cond3A_149 {
          %sub3A_158 = arith.constant 1 : i32
          %sub3A_159 = arith.subi %add3A_79, %sub3A_158 : i32
          %add3A_160 = arith.addi %mul3A_2, %sub3A_159 : i32
          %mul3A_161 = arith.constant 128 : i32
          %mul3A_162 = arith.muli %add3A_160, %mul3A_161 : i32
          %dma_wait3A_163 = arith.constant 2 : i32
          %dma_wait3A_164 = arith.constant 0 : i32
          %dma_wait3A_165 = arith.constant 0 : i32
          %dma_wait3A_166 = tpu.memref_slice %arg9[%dma_wait3A_163, %dma_wait3A_164, %dma_wait3A_165] : memref<3x128x128xf32, #tpu.memory_space<vmem>> -> memref<1x128x128xf32, #tpu.memory_space<vmem>>
          %dma_wait3A_167 = tpu.memref_squeeze %dma_wait3A_166 : memref<1x128x128xf32, #tpu.memory_space<vmem>> -> memref<128x128xf32, #tpu.memory_space<vmem>>
          %dma_wait3A_168 = arith.constant 0 : i32
          %dma_wait3A_169 = tpu.memref_slice %arg6[%mul3A_162, %dma_wait3A_168] : memref<160000x128xf32, #tpu.memory_space<hbm>> -> memref<128x128xf32, #tpu.memory_space<hbm>>
          %dma_wait3A_170 = arith.constant 0 : i32
          %dma_wait3A_171 = tpu.memref_slice %arg6[%mul3A_162, %dma_wait3A_170] : memref<160000x128xf32, #tpu.memory_space<hbm>> -> memref<128x128xf32, #tpu.memory_space<hbm>>
          %dma_wait3A_172 = arith.constant 0 : i32
          %dma_wait3A_173 = arith.constant 0 : i32
          %dma_wait3A_174 = tpu.memref_slice %arg9[%dma_wait3A_163, %dma_wait3A_172, %dma_wait3A_173] : memref<3x128x128xf32, #tpu.memory_space<vmem>> -> memref<1x128x128xf32, #tpu.memory_space<vmem>>
          %dma_wait3A_175 = tpu.memref_squeeze %dma_wait3A_174 : memref<1x128x128xf32, #tpu.memory_space<vmem>> -> memref<128x128xf32, #tpu.memory_space<vmem>>
          tpu.wait_dma2 semaphore(%arg19 : memref<!tpu.dma_semaphore, #tpu.memory_space<semaphore_mem>>) src(%dma_wait3A_175 : memref<128x128xf32, #tpu.memory_space<vmem>>) dst(%dma_wait3A_171 : memref<128x128xf32, #tpu.memory_space<hbm>>)
          %add3A_176 = arith.constant 2 : i32
          %add3A_177 = arith.addi %add3A_79, %add3A_176 : i32
          %dma_start3A_178 = arith.constant 2 : i32
          %dma_start3A_179 = arith.constant 0 : i32
          %dma_start3A_180 = arith.constant 0 : i32
          %dma_start3A_181 = tpu.memref_slice %arg9[%dma_start3A_178, %dma_start3A_179, %dma_start3A_180] : memref<3x128x128xf32, #tpu.memory_space<vmem>> -> memref<1x128x128xf32, #tpu.memory_space<vmem>>
          %dma_start3A_182 = tpu.memref_squeeze %dma_start3A_181 : memref<1x128x128xf32, #tpu.memory_space<vmem>> -> memref<128x128xf32, #tpu.memory_space<vmem>>
          %dma_start3A_183 = arith.constant 0 : i32
          %dma_start3A_184 = tpu.memref_slice %arg7[%add3A_177, %dma_start3A_183] : memref<40x128xi32, #tpu.memory_space<vmem>> -> memref<1x128xi32, #tpu.memory_space<vmem>>
          %dma_start3A_185 = tpu.memref_squeeze %dma_start3A_184 : memref<1x128xi32, #tpu.memory_space<vmem>> -> memref<128xi32, #tpu.memory_space<vmem>>
          %dma_start3A_186 = arith.constant 0 : i32
          %dma_start3A_187 = arith.constant 0 : i32
          %dma_start3A_188 = tpu.memref_slice %arg2[%dma_start3A_186, %dma_start3A_187] : memref<10000x128xf32, #tpu.memory_space<hbm>> -> memref<10000x128xf32, #tpu.memory_space<hbm>>
          tpu.enqueue_indirect_dma source(%dma_start3A_188 : memref<10000x128xf32, #tpu.memory_space<hbm>>) target(%dma_start3A_182 : memref<128x128xf32, #tpu.memory_space<vmem>>) offsets(%dma_start3A_185 : memref<128xi32, #tpu.memory_space<vmem>>) semaphore(%arg13 : memref<!tpu.dma_semaphore, #tpu.memory_space<semaphore_mem>>)
          %dma_start3A_189 = arith.constant 2 : i32
          %dma_start3A_190 = arith.constant 0 : i32
          %dma_start3A_191 = arith.constant 0 : i32
          %dma_start3A_192 = tpu.memref_slice %arg10[%dma_start3A_189, %dma_start3A_190, %dma_start3A_191] : memref<3x128x128xf32, #tpu.memory_space<vmem>> -> memref<1x128x128xf32, #tpu.memory_space<vmem>>
          %dma_start3A_193 = tpu.memref_squeeze %dma_start3A_192 : memref<1x128x128xf32, #tpu.memory_space<vmem>> -> memref<128x128xf32, #tpu.memory_space<vmem>>
          %dma_start3A_194 = arith.constant 0 : i32
          %dma_start3A_195 = tpu.memref_slice %arg8[%add3A_177, %dma_start3A_194] : memref<40x128xi32, #tpu.memory_space<vmem>> -> memref<1x128xi32, #tpu.memory_space<vmem>>
          %dma_start3A_196 = tpu.memref_squeeze %dma_start3A_195 : memref<1x128xi32, #tpu.memory_space<vmem>> -> memref<128xi32, #tpu.memory_space<vmem>>
          %dma_start3A_197 = arith.constant 0 : i32
          %dma_start3A_198 = arith.constant 0 : i32
          %dma_start3A_199 = tpu.memref_slice %arg3[%dma_start3A_197, %dma_start3A_198] : memref<10000x128xf32, #tpu.memory_space<hbm>> -> memref<10000x128xf32, #tpu.memory_space<hbm>>
          tpu.enqueue_indirect_dma source(%dma_start3A_199 : memref<10000x128xf32, #tpu.memory_space<hbm>>) target(%dma_start3A_193 : memref<128x128xf32, #tpu.memory_space<vmem>>) offsets(%dma_start3A_196 : memref<128xi32, #tpu.memory_space<vmem>>) semaphore(%arg16 : memref<!tpu.dma_semaphore, #tpu.memory_space<semaphore_mem>>)
        } else {
        }
        %add3A_150 = arith.constant 2 : i32
        %add3A_151 = arith.addi %add3A_79, %add3A_150 : i32
        %lt3A_152 = arith.cmpi slt, %add3A_151, %min3A_5 : i32
        %eq3A = arith.constant 0 : i32
        %eq3A_153 = arith.cmpi eq, %add3A_79, %eq3A : i32
        %and3A_154 = arith.andi %lt3A_152, %eq3A_153 : i1
        %convert_element_type3A_155 = arith.extui %and3A_154 : i1 to i32
        %cond3A_156 = arith.constant 0 : i32
        %cond3A_157 = arith.cmpi ne, %convert_element_type3A_155, %cond3A_156 : i32
        scf.if %cond3A_157 {
          %add3A_158 = arith.constant 2 : i32
          %add3A_159 = arith.addi %add3A_79, %add3A_158 : i32
          %dma_start3A_160 = arith.constant 2 : i32
          %dma_start3A_161 = arith.constant 0 : i32
          %dma_start3A_162 = arith.constant 0 : i32
          %dma_start3A_163 = tpu.memref_slice %arg9[%dma_start3A_160, %dma_start3A_161, %dma_start3A_162] : memref<3x128x128xf32, #tpu.memory_space<vmem>> -> memref<1x128x128xf32, #tpu.memory_space<vmem>>
          %dma_start3A_164 = tpu.memref_squeeze %dma_start3A_163 : memref<1x128x128xf32, #tpu.memory_space<vmem>> -> memref<128x128xf32, #tpu.memory_space<vmem>>
          %dma_start3A_165 = arith.constant 0 : i32
          %dma_start3A_166 = tpu.memref_slice %arg7[%add3A_159, %dma_start3A_165] : memref<40x128xi32, #tpu.memory_space<vmem>> -> memref<1x128xi32, #tpu.memory_space<vmem>>
          %dma_start3A_167 = tpu.memref_squeeze %dma_start3A_166 : memref<1x128xi32, #tpu.memory_space<vmem>> -> memref<128xi32, #tpu.memory_space<vmem>>
          %dma_start3A_168 = arith.constant 0 : i32
          %dma_start3A_169 = arith.constant 0 : i32
          %dma_start3A_170 = tpu.memref_slice %arg2[%dma_start3A_168, %dma_start3A_169] : memref<10000x128xf32, #tpu.memory_space<hbm>> -> memref<10000x128xf32, #tpu.memory_space<hbm>>
          tpu.enqueue_indirect_dma source(%dma_start3A_170 : memref<10000x128xf32, #tpu.memory_space<hbm>>) target(%dma_start3A_164 : memref<128x128xf32, #tpu.memory_space<vmem>>) offsets(%dma_start3A_167 : memref<128xi32, #tpu.memory_space<vmem>>) semaphore(%arg13 : memref<!tpu.dma_semaphore, #tpu.memory_space<semaphore_mem>>)
          %dma_start3A_171 = arith.constant 2 : i32
          %dma_start3A_172 = arith.constant 0 : i32
          %dma_start3A_173 = arith.constant 0 : i32
          %dma_start3A_174 = tpu.memref_slice %arg10[%dma_start3A_171, %dma_start3A_172, %dma_start3A_173] : memref<3x128x128xf32, #tpu.memory_space<vmem>> -> memref<1x128x128xf32, #tpu.memory_space<vmem>>
          %dma_start3A_175 = tpu.memref_squeeze %dma_start3A_174 : memref<1x128x128xf32, #tpu.memory_space<vmem>> -> memref<128x128xf32, #tpu.memory_space<vmem>>
          %dma_start3A_176 = arith.constant 0 : i32
          %dma_start3A_177 = tpu.memref_slice %arg8[%add3A_159, %dma_start3A_176] : memref<40x128xi32, #tpu.memory_space<vmem>> -> memref<1x128xi32, #tpu.memory_space<vmem>>
          %dma_start3A_178 = tpu.memref_squeeze %dma_start3A_177 : memref<1x128xi32, #tpu.memory_space<vmem>> -> memref<128xi32, #tpu.memory_space<vmem>>
          %dma_start3A_179 = arith.constant 0 : i32
          %dma_start3A_180 = arith.constant 0 : i32
          %dma_start3A_181 = tpu.memref_slice %arg3[%dma_start3A_179, %dma_start3A_180] : memref<10000x128xf32, #tpu.memory_space<hbm>> -> memref<10000x128xf32, #tpu.memory_space<hbm>>
          tpu.enqueue_indirect_dma source(%dma_start3A_181 : memref<10000x128xf32, #tpu.memory_space<hbm>>) target(%dma_start3A_175 : memref<128x128xf32, #tpu.memory_space<vmem>>) offsets(%dma_start3A_178 : memref<128xi32, #tpu.memory_space<vmem>>) semaphore(%arg16 : memref<!tpu.dma_semaphore, #tpu.memory_space<semaphore_mem>>)
        } else {
        }
      } else {
      }
      %mul3A_83 = arith.constant 3 : i32
      %mul3A_84 = arith.muli %scan3A_75, %mul3A_83 : i32
      %add3A_85 = arith.constant 1 : i32
      %add3A_86 = arith.addi %mul3A_84, %add3A_85 : i32
      %lt3A_87 = arith.cmpi slt, %add3A_86, %min3A_5 : i32
      %convert_element_type3A_88 = arith.extui %lt3A_87 : i1 to i32
      %cond3A_89 = arith.constant 0 : i32
      %cond3A_90 = arith.cmpi ne, %convert_element_type3A_88, %cond3A_89 : i32
      scf.if %cond3A_90 {
        %dma_wait3A = arith.constant 1 : i32
        %dma_wait3A_99 = arith.constant 0 : i32
        %dma_wait3A_100 = arith.constant 0 : i32
        %dma_wait3A_101 = tpu.memref_slice %arg9[%dma_wait3A, %dma_wait3A_99, %dma_wait3A_100] : memref<3x128x128xf32, #tpu.memory_space<vmem>> -> memref<1x128x128xf32, #tpu.memory_space<vmem>>
        %dma_wait3A_102 = tpu.memref_squeeze %dma_wait3A_101 : memref<1x128x128xf32, #tpu.memory_space<vmem>> -> memref<128x128xf32, #tpu.memory_space<vmem>>
        %dma_wait3A_103 = arith.constant 0 : i32
        %dma_wait3A_104 = tpu.memref_slice %arg7[%add3A_86, %dma_wait3A_103] : memref<40x128xi32, #tpu.memory_space<vmem>> -> memref<1x128xi32, #tpu.memory_space<vmem>>
        %dma_wait3A_105 = tpu.memref_squeeze %dma_wait3A_104 : memref<1x128xi32, #tpu.memory_space<vmem>> -> memref<128xi32, #tpu.memory_space<vmem>>
        %dma_wait3A_106 = arith.constant 0 : i32
        %dma_wait3A_107 = arith.constant 0 : i32
        %dma_wait3A_108 = tpu.memref_slice %arg2[%dma_wait3A_106, %dma_wait3A_107] : memref<10000x128xf32, #tpu.memory_space<hbm>> -> memref<10000x128xf32, #tpu.memory_space<hbm>>
        tpu.wait_indirect_dma semaphore(%arg12 : memref<!tpu.dma_semaphore, #tpu.memory_space<semaphore_mem>>) src(%dma_wait3A_108 : memref<10000x128xf32, #tpu.memory_space<hbm>>) dst(%dma_wait3A_102 : memref<128x128xf32, #tpu.memory_space<vmem>>)
        %dma_wait3A_109 = arith.constant 1 : i32
        %dma_wait3A_110 = arith.constant 0 : i32
        %dma_wait3A_111 = arith.constant 0 : i32
        %dma_wait3A_112 = tpu.memref_slice %arg10[%dma_wait3A_109, %dma_wait3A_110, %dma_wait3A_111] : memref<3x128x128xf32, #tpu.memory_space<vmem>> -> memref<1x128x128xf32, #tpu.memory_space<vmem>>
        %dma_wait3A_113 = tpu.memref_squeeze %dma_wait3A_112 : memref<1x128x128xf32, #tpu.memory_space<vmem>> -> memref<128x128xf32, #tpu.memory_space<vmem>>
        %dma_wait3A_114 = arith.constant 0 : i32
        %dma_wait3A_115 = tpu.memref_slice %arg8[%add3A_86, %dma_wait3A_114] : memref<40x128xi32, #tpu.memory_space<vmem>> -> memref<1x128xi32, #tpu.memory_space<vmem>>
        %dma_wait3A_116 = tpu.memref_squeeze %dma_wait3A_115 : memref<1x128xi32, #tpu.memory_space<vmem>> -> memref<128xi32, #tpu.memory_space<vmem>>
        %dma_wait3A_117 = arith.constant 0 : i32
        %dma_wait3A_118 = arith.constant 0 : i32
        %dma_wait3A_119 = tpu.memref_slice %arg3[%dma_wait3A_117, %dma_wait3A_118] : memref<10000x128xf32, #tpu.memory_space<hbm>> -> memref<10000x128xf32, #tpu.memory_space<hbm>>
        tpu.wait_indirect_dma semaphore(%arg15 : memref<!tpu.dma_semaphore, #tpu.memory_space<semaphore_mem>>) src(%dma_wait3A_119 : memref<10000x128xf32, #tpu.memory_space<hbm>>) dst(%dma_wait3A_113 : memref<128x128xf32, #tpu.memory_space<vmem>>)
        %scan3A_120 = arith.constant 0 : i32
        %scan3A_121 = arith.constant 0 : i32
        %scan3A_122 = arith.constant 128 : i32
        %scan3A_123 = arith.addi %scan3A_121, %scan3A_122 : i32
        %scan3A_124 = arith.constant 1 : i32
        scf.for %scan3A_158 = %scan3A_121 to %scan3A_123 step %scan3A_124  : i32 {
          %get3A = arith.constant 1 : i32
          %get3A_159 = arith.index_cast %get3A : i32 to index
          %get3A_160 = arith.index_cast %scan3A_158 : i32 to index
          %get3A_161 = arith.constant 0 : index
          %get3A_162 = tpu.vector_load %arg9[%get3A_159, %get3A_160, %get3A_161] {strides = array<i32>} : memref<3x128x128xf32, #tpu.memory_space<vmem>>, vector<1x1x16xf32>,
          %get3A_163 = vector.shape_cast %get3A_162 : vector<1x1x16xf32> to vector<16xf32>
          %get3A_164 = arith.constant 1 : i32
          %get3A_165 = arith.index_cast %get3A_164 : i32 to index
          %get3A_166 = arith.index_cast %scan3A_158 : i32 to index
          %get3A_167 = arith.constant 0 : index
          %get3A_168 = tpu.vector_load %arg10[%get3A_165, %get3A_166, %get3A_167] {strides = array<i32>} : memref<3x128x128xf32, #tpu.memory_space<vmem>>, vector<1x1x16xf32>,
          %get3A_169 = vector.shape_cast %get3A_168 : vector<1x1x16xf32> to vector<16xf32>
          %add3A_170 = arith.addf %get3A_163, %get3A_169 : vector<16xf32>
          %swap3A = arith.constant 1 : i32
          %swap3A_171 = arith.index_cast %swap3A : i32 to index
          %swap3A_172 = arith.index_cast %scan3A_158 : i32 to index
          %swap3A_173 = arith.constant 0 : index
          %swap3A_174 = tpu.vector_load %arg9[%swap3A_171, %swap3A_172, %swap3A_173] {strides = array<i32>} : memref<3x128x128xf32, #tpu.memory_space<vmem>>, vector<1x1x16xf32>,
          %swap3A_175 = vector.shape_cast %swap3A_174 : vector<1x1x16xf32> to vector<16xf32>
          %swap3A_176 = vector.shape_cast %add3A_170 : vector<16xf32> to vector<1x1x16xf32>
          tpu.vector_store %arg9[%swap3A_171, %swap3A_172, %swap3A_173], %swap3A_176 {strides = array<i32>} : memref<3x128x128xf32, #tpu.memory_space<vmem>>, vector<1x1x16xf32>,
          %get3A_177 = arith.constant 1 : i32
          %get3A_178 = arith.index_cast %get3A_177 : i32 to index
          %get3A_179 = arith.index_cast %scan3A_158 : i32 to index
          %get3A_180 = arith.constant 16 : index
          %get3A_181 = tpu.vector_load %arg9[%get3A_178, %get3A_179, %get3A_180] {strides = array<i32>} : memref<3x128x128xf32, #tpu.memory_space<vmem>>, vector<1x1x16xf32>,
          %get3A_182 = vector.shape_cast %get3A_181 : vector<1x1x16xf32> to vector<16xf32>
          %get3A_183 = arith.constant 1 : i32
          %get3A_184 = arith.index_cast %get3A_183 : i32 to index
          %get3A_185 = arith.index_cast %scan3A_158 : i32 to index
          %get3A_186 = arith.constant 16 : index
          %get3A_187 = tpu.vector_load %arg10[%get3A_184, %get3A_185, %get3A_186] {strides = array<i32>} : memref<3x128x128xf32, #tpu.memory_space<vmem>>, vector<1x1x16xf32>,
          %get3A_188 = vector.shape_cast %get3A_187 : vector<1x1x16xf32> to vector<16xf32>
          %add3A_189 = arith.addf %get3A_182, %get3A_188 : vector<16xf32>
          %swap3A_190 = arith.constant 1 : i32
          %swap3A_191 = arith.index_cast %swap3A_190 : i32 to index
          %swap3A_192 = arith.index_cast %scan3A_158 : i32 to index
          %swap3A_193 = arith.constant 16 : index
          %swap3A_194 = tpu.vector_load %arg9[%swap3A_191, %swap3A_192, %swap3A_193] {strides = array<i32>} : memref<3x128x128xf32, #tpu.memory_space<vmem>>, vector<1x1x16xf32>,
          %swap3A_195 = vector.shape_cast %swap3A_194 : vector<1x1x16xf32> to vector<16xf32>
          %swap3A_196 = vector.shape_cast %add3A_189 : vector<16xf32> to vector<1x1x16xf32>
          tpu.vector_store %arg9[%swap3A_191, %swap3A_192, %swap3A_193], %swap3A_196 {strides = array<i32>} : memref<3x128x128xf32, #tpu.memory_space<vmem>>, vector<1x1x16xf32>,
          %get3A_197 = arith.constant 1 : i32
          %get3A_198 = arith.index_cast %get3A_197 : i32 to index
          %get3A_199 = arith.index_cast %scan3A_158 : i32 to index
          %get3A_200 = arith.constant 32 : index
          %get3A_201 = tpu.vector_load %arg9[%get3A_198, %get3A_199, %get3A_200] {strides = array<i32>} : memref<3x128x128xf32, #tpu.memory_space<vmem>>, vector<1x1x16xf32>,
          %get3A_202 = vector.shape_cast %get3A_201 : vector<1x1x16xf32> to vector<16xf32>
          %get3A_203 = arith.constant 1 : i32
          %get3A_204 = arith.index_cast %get3A_203 : i32 to index
          %get3A_205 = arith.index_cast %scan3A_158 : i32 to index
          %get3A_206 = arith.constant 32 : index
          %get3A_207 = tpu.vector_load %arg10[%get3A_204, %get3A_205, %get3A_206] {strides = array<i32>} : memref<3x128x128xf32, #tpu.memory_space<vmem>>, vector<1x1x16xf32>,
          %get3A_208 = vector.shape_cast %get3A_207 : vector<1x1x16xf32> to vector<16xf32>
          %add3A_209 = arith.addf %get3A_202, %get3A_208 : vector<16xf32>
          %swap3A_210 = arith.constant 1 : i32
          %swap3A_211 = arith.index_cast %swap3A_210 : i32 to index
          %swap3A_212 = arith.index_cast %scan3A_158 : i32 to index
          %swap3A_213 = arith.constant 32 : index
          %swap3A_214 = tpu.vector_load %arg9[%swap3A_211, %swap3A_212, %swap3A_213] {strides = array<i32>} : memref<3x128x128xf32, #tpu.memory_space<vmem>>, vector<1x1x16xf32>,
          %swap3A_215 = vector.shape_cast %swap3A_214 : vector<1x1x16xf32> to vector<16xf32>
          %swap3A_216 = vector.shape_cast %add3A_209 : vector<16xf32> to vector<1x1x16xf32>
          tpu.vector_store %arg9[%swap3A_211, %swap3A_212, %swap3A_213], %swap3A_216 {strides = array<i32>} : memref<3x128x128xf32, #tpu.memory_space<vmem>>, vector<1x1x16xf32>,
          %get3A_217 = arith.constant 1 : i32
          %get3A_218 = arith.index_cast %get3A_217 : i32 to index
          %get3A_219 = arith.index_cast %scan3A_158 : i32 to index
          %get3A_220 = arith.constant 48 : index
          %get3A_221 = tpu.vector_load %arg9[%get3A_218, %get3A_219, %get3A_220] {strides = array<i32>} : memref<3x128x128xf32, #tpu.memory_space<vmem>>, vector<1x1x16xf32>,
          %get3A_222 = vector.shape_cast %get3A_221 : vector<1x1x16xf32> to vector<16xf32>
          %get3A_223 = arith.constant 1 : i32
          %get3A_224 = arith.index_cast %get3A_223 : i32 to index
          %get3A_225 = arith.index_cast %scan3A_158 : i32 to index
          %get3A_226 = arith.constant 48 : index
          %get3A_227 = tpu.vector_load %arg10[%get3A_224, %get3A_225, %get3A_226] {strides = array<i32>} : memref<3x128x128xf32, #tpu.memory_space<vmem>>, vector<1x1x16xf32>,
          %get3A_228 = vector.shape_cast %get3A_227 : vector<1x1x16xf32> to vector<16xf32>
          %add3A_229 = arith.addf %get3A_222, %get3A_228 : vector<16xf32>
          %swap3A_230 = arith.constant 1 : i32
          %swap3A_231 = arith.index_cast %swap3A_230 : i32 to index
          %swap3A_232 = arith.index_cast %scan3A_158 : i32 to index
          %swap3A_233 = arith.constant 48 : index
          %swap3A_234 = tpu.vector_load %arg9[%swap3A_231, %swap3A_232, %swap3A_233] {strides = array<i32>} : memref<3x128x128xf32, #tpu.memory_space<vmem>>, vector<1x1x16xf32>,
          %swap3A_235 = vector.shape_cast %swap3A_234 : vector<1x1x16xf32> to vector<16xf32>
          %swap3A_236 = vector.shape_cast %add3A_229 : vector<16xf32> to vector<1x1x16xf32>
          tpu.vector_store %arg9[%swap3A_231, %swap3A_232, %swap3A_233], %swap3A_236 {strides = array<i32>} : memref<3x128x128xf32, #tpu.memory_space<vmem>>, vector<1x1x16xf32>,
          %get3A_237 = arith.constant 1 : i32
          %get3A_238 = arith.index_cast %get3A_237 : i32 to index
          %get3A_239 = arith.index_cast %scan3A_158 : i32 to index
          %get3A_240 = arith.constant 64 : index
          %get3A_241 = tpu.vector_load %arg9[%get3A_238, %get3A_239, %get3A_240] {strides = array<i32>} : memref<3x128x128xf32, #tpu.memory_space<vmem>>, vector<1x1x16xf32>,
          %get3A_242 = vector.shape_cast %get3A_241 : vector<1x1x16xf32> to vector<16xf32>
          %get3A_243 = arith.constant 1 : i32
          %get3A_244 = arith.index_cast %get3A_243 : i32 to index
          %get3A_245 = arith.index_cast %scan3A_158 : i32 to index
          %get3A_246 = arith.constant 64 : index
          %get3A_247 = tpu.vector_load %arg10[%get3A_244, %get3A_245, %get3A_246] {strides = array<i32>} : memref<3x128x128xf32, #tpu.memory_space<vmem>>, vector<1x1x16xf32>,
          %get3A_248 = vector.shape_cast %get3A_247 : vector<1x1x16xf32> to vector<16xf32>
          %add3A_249 = arith.addf %get3A_242, %get3A_248 : vector<16xf32>
          %swap3A_250 = arith.constant 1 : i32
          %swap3A_251 = arith.index_cast %swap3A_250 : i32 to index
          %swap3A_252 = arith.index_cast %scan3A_158 : i32 to index
          %swap3A_253 = arith.constant 64 : index
          %swap3A_254 = tpu.vector_load %arg9[%swap3A_251, %swap3A_252, %swap3A_253] {strides = array<i32>} : memref<3x128x128xf32, #tpu.memory_space<vmem>>, vector<1x1x16xf32>,
          %swap3A_255 = vector.shape_cast %swap3A_254 : vector<1x1x16xf32> to vector<16xf32>
          %swap3A_256 = vector.shape_cast %add3A_249 : vector<16xf32> to vector<1x1x16xf32>
          tpu.vector_store %arg9[%swap3A_251, %swap3A_252, %swap3A_253], %swap3A_256 {strides = array<i32>} : memref<3x128x128xf32, #tpu.memory_space<vmem>>, vector<1x1x16xf32>,
          %get3A_257 = arith.constant 1 : i32
          %get3A_258 = arith.index_cast %get3A_257 : i32 to index
          %get3A_259 = arith.index_cast %scan3A_158 : i32 to index
          %get3A_260 = arith.constant 80 : index
          %get3A_261 = tpu.vector_load %arg9[%get3A_258, %get3A_259, %get3A_260] {strides = array<i32>} : memref<3x128x128xf32, #tpu.memory_space<vmem>>, vector<1x1x16xf32>,
          %get3A_262 = vector.shape_cast %get3A_261 : vector<1x1x16xf32> to vector<16xf32>
          %get3A_263 = arith.constant 1 : i32
          %get3A_264 = arith.index_cast %get3A_263 : i32 to index
          %get3A_265 = arith.index_cast %scan3A_158 : i32 to index
          %get3A_266 = arith.constant 80 : index
          %get3A_267 = tpu.vector_load %arg10[%get3A_264, %get3A_265, %get3A_266] {strides = array<i32>} : memref<3x128x128xf32, #tpu.memory_space<vmem>>, vector<1x1x16xf32>,
          %get3A_268 = vector.shape_cast %get3A_267 : vector<1x1x16xf32> to vector<16xf32>
          %add3A_269 = arith.addf %get3A_262, %get3A_268 : vector<16xf32>
          %swap3A_270 = arith.constant 1 : i32
          %swap3A_271 = arith.index_cast %swap3A_270 : i32 to index
          %swap3A_272 = arith.index_cast %scan3A_158 : i32 to index
          %swap3A_273 = arith.constant 80 : index
          %swap3A_274 = tpu.vector_load %arg9[%swap3A_271, %swap3A_272, %swap3A_273] {strides = array<i32>} : memref<3x128x128xf32, #tpu.memory_space<vmem>>, vector<1x1x16xf32>,
          %swap3A_275 = vector.shape_cast %swap3A_274 : vector<1x1x16xf32> to vector<16xf32>
          %swap3A_276 = vector.shape_cast %add3A_269 : vector<16xf32> to vector<1x1x16xf32>
          tpu.vector_store %arg9[%swap3A_271, %swap3A_272, %swap3A_273], %swap3A_276 {strides = array<i32>} : memref<3x128x128xf32, #tpu.memory_space<vmem>>, vector<1x1x16xf32>,
          %get3A_277 = arith.constant 1 : i32
          %get3A_278 = arith.index_cast %get3A_277 : i32 to index
          %get3A_279 = arith.index_cast %scan3A_158 : i32 to index
          %get3A_280 = arith.constant 96 : index
          %get3A_281 = tpu.vector_load %arg9[%get3A_278, %get3A_279, %get3A_280] {strides = array<i32>} : memref<3x128x128xf32, #tpu.memory_space<vmem>>, vector<1x1x16xf32>,
          %get3A_282 = vector.shape_cast %get3A_281 : vector<1x1x16xf32> to vector<16xf32>
          %get3A_283 = arith.constant 1 : i32
          %get3A_284 = arith.index_cast %get3A_283 : i32 to index
          %get3A_285 = arith.index_cast %scan3A_158 : i32 to index
          %get3A_286 = arith.constant 96 : index
          %get3A_287 = tpu.vector_load %arg10[%get3A_284, %get3A_285, %get3A_286] {strides = array<i32>} : memref<3x128x128xf32, #tpu.memory_space<vmem>>, vector<1x1x16xf32>,
          %get3A_288 = vector.shape_cast %get3A_287 : vector<1x1x16xf32> to vector<16xf32>
          %add3A_289 = arith.addf %get3A_282, %get3A_288 : vector<16xf32>
          %swap3A_290 = arith.constant 1 : i32
          %swap3A_291 = arith.index_cast %swap3A_290 : i32 to index
          %swap3A_292 = arith.index_cast %scan3A_158 : i32 to index
          %swap3A_293 = arith.constant 96 : index
          %swap3A_294 = tpu.vector_load %arg9[%swap3A_291, %swap3A_292, %swap3A_293] {strides = array<i32>} : memref<3x128x128xf32, #tpu.memory_space<vmem>>, vector<1x1x16xf32>,
          %swap3A_295 = vector.shape_cast %swap3A_294 : vector<1x1x16xf32> to vector<16xf32>
          %swap3A_296 = vector.shape_cast %add3A_289 : vector<16xf32> to vector<1x1x16xf32>
          tpu.vector_store %arg9[%swap3A_291, %swap3A_292, %swap3A_293], %swap3A_296 {strides = array<i32>} : memref<3x128x128xf32, #tpu.memory_space<vmem>>, vector<1x1x16xf32>,
          %get3A_297 = arith.constant 1 : i32
          %get3A_298 = arith.index_cast %get3A_297 : i32 to index
          %get3A_299 = arith.index_cast %scan3A_158 : i32 to index
          %get3A_300 = arith.constant 112 : index
          %get3A_301 = tpu.vector_load %arg9[%get3A_298, %get3A_299, %get3A_300] {strides = array<i32>} : memref<3x128x128xf32, #tpu.memory_space<vmem>>, vector<1x1x16xf32>,
          %get3A_302 = vector.shape_cast %get3A_301 : vector<1x1x16xf32> to vector<16xf32>
          %get3A_303 = arith.constant 1 : i32
          %get3A_304 = arith.index_cast %get3A_303 : i32 to index
          %get3A_305 = arith.index_cast %scan3A_158 : i32 to index
          %get3A_306 = arith.constant 112 : index
          %get3A_307 = tpu.vector_load %arg10[%get3A_304, %get3A_305, %get3A_306] {strides = array<i32>} : memref<3x128x128xf32, #tpu.memory_space<vmem>>, vector<1x1x16xf32>,
          %get3A_308 = vector.shape_cast %get3A_307 : vector<1x1x16xf32> to vector<16xf32>
          %add3A_309 = arith.addf %get3A_302, %get3A_308 : vector<16xf32>
          %swap3A_310 = arith.constant 1 : i32
          %swap3A_311 = arith.index_cast %swap3A_310 : i32 to index
          %swap3A_312 = arith.index_cast %scan3A_158 : i32 to index
          %swap3A_313 = arith.constant 112 : index
          %swap3A_314 = tpu.vector_load %arg9[%swap3A_311, %swap3A_312, %swap3A_313] {strides = array<i32>} : memref<3x128x128xf32, #tpu.memory_space<vmem>>, vector<1x1x16xf32>,
          %swap3A_315 = vector.shape_cast %swap3A_314 : vector<1x1x16xf32> to vector<16xf32>
          %swap3A_316 = vector.shape_cast %add3A_309 : vector<16xf32> to vector<1x1x16xf32>
          tpu.vector_store %arg9[%swap3A_311, %swap3A_312, %swap3A_313], %swap3A_316 {strides = array<i32>} : memref<3x128x128xf32, #tpu.memory_space<vmem>>, vector<1x1x16xf32>,
        }
        %scan3A_125 = arith.constant 128 : i32
        %add3A_126 = arith.addi %mul3A_2, %add3A_86 : i32
        %mul3A_127 = arith.constant 128 : i32
        %mul3A_128 = arith.muli %add3A_126, %mul3A_127 : i32
        %dma_start3A = arith.constant 1 : i32
        %dma_start3A_129 = arith.constant 0 : i32
        %dma_start3A_130 = arith.constant 0 : i32
        %dma_start3A_131 = tpu.memref_slice %arg9[%dma_start3A, %dma_start3A_129, %dma_start3A_130] : memref<3x128x128xf32, #tpu.memory_space<vmem>> -> memref<1x128x128xf32, #tpu.memory_space<vmem>>
        %dma_start3A_132 = tpu.memref_squeeze %dma_start3A_131 : memref<1x128x128xf32, #tpu.memory_space<vmem>> -> memref<128x128xf32, #tpu.memory_space<vmem>>
        %dma_start3A_133 = arith.constant 0 : i32
        %dma_start3A_134 = tpu.memref_slice %arg6[%mul3A_128, %dma_start3A_133] : memref<160000x128xf32, #tpu.memory_space<hbm>> -> memref<128x128xf32, #tpu.memory_space<hbm>>
        %dma_start3A_135 = arith.constant 0 : i32
        %dma_start3A_136 = tpu.memref_slice %arg6[%mul3A_128, %dma_start3A_135] : memref<160000x128xf32, #tpu.memory_space<hbm>> -> memref<128x128xf32, #tpu.memory_space<hbm>>
        %dma_start3A_137 = arith.constant 0 : i32
        %dma_start3A_138 = arith.constant 0 : i32
        %dma_start3A_139 = tpu.memref_slice %arg9[%dma_start3A, %dma_start3A_137, %dma_start3A_138] : memref<3x128x128xf32, #tpu.memory_space<vmem>> -> memref<1x128x128xf32, #tpu.memory_space<vmem>>
        %dma_start3A_140 = tpu.memref_squeeze %dma_start3A_139 : memref<1x128x128xf32, #tpu.memory_space<vmem>> -> memref<128x128xf32, #tpu.memory_space<vmem>>
        tpu.enqueue_dma source(%dma_start3A_140 : memref<128x128xf32, #tpu.memory_space<vmem>>) target(%dma_start3A_136 : memref<128x128xf32, #tpu.memory_space<hbm>>) target_semaphore(%arg18 : memref<!tpu.dma_semaphore, #tpu.memory_space<semaphore_mem>>)
        %add3A_141 = arith.constant 2 : i32
        %add3A_142 = arith.addi %add3A_86, %add3A_141 : i32
        %lt3A_143 = arith.cmpi slt, %add3A_142, %min3A_5 : i32
        %gt3A_144 = arith.constant 0 : i32
        %gt3A_145 = arith.cmpi sgt, %add3A_86, %gt3A_144 : i32
        %and3A_146 = arith.andi %lt3A_143, %gt3A_145 : i1
        %convert_element_type3A_147 = arith.extui %and3A_146 : i1 to i32
        %cond3A_148 = arith.constant 0 : i32
        %cond3A_149 = arith.cmpi ne, %convert_element_type3A_147, %cond3A_148 : i32
        scf.if %cond3A_149 {
          %sub3A_158 = arith.constant 1 : i32
          %sub3A_159 = arith.subi %add3A_86, %sub3A_158 : i32
          %add3A_160 = arith.addi %mul3A_2, %sub3A_159 : i32
          %mul3A_161 = arith.constant 128 : i32
          %mul3A_162 = arith.muli %add3A_160, %mul3A_161 : i32
          %dma_wait3A_163 = arith.constant 0 : i32
          %dma_wait3A_164 = arith.constant 0 : i32
          %dma_wait3A_165 = arith.constant 0 : i32
          %dma_wait3A_166 = tpu.memref_slice %arg9[%dma_wait3A_163, %dma_wait3A_164, %dma_wait3A_165] : memref<3x128x128xf32, #tpu.memory_space<vmem>> -> memref<1x128x128xf32, #tpu.memory_space<vmem>>
          %dma_wait3A_167 = tpu.memref_squeeze %dma_wait3A_166 : memref<1x128x128xf32, #tpu.memory_space<vmem>> -> memref<128x128xf32, #tpu.memory_space<vmem>>
          %dma_wait3A_168 = arith.constant 0 : i32
          %dma_wait3A_169 = tpu.memref_slice %arg6[%mul3A_162, %dma_wait3A_168] : memref<160000x128xf32, #tpu.memory_space<hbm>> -> memref<128x128xf32, #tpu.memory_space<hbm>>
          %dma_wait3A_170 = arith.constant 0 : i32
          %dma_wait3A_171 = tpu.memref_slice %arg6[%mul3A_162, %dma_wait3A_170] : memref<160000x128xf32, #tpu.memory_space<hbm>> -> memref<128x128xf32, #tpu.memory_space<hbm>>
          %dma_wait3A_172 = arith.constant 0 : i32
          %dma_wait3A_173 = arith.constant 0 : i32
          %dma_wait3A_174 = tpu.memref_slice %arg9[%dma_wait3A_163, %dma_wait3A_172, %dma_wait3A_173] : memref<3x128x128xf32, #tpu.memory_space<vmem>> -> memref<1x128x128xf32, #tpu.memory_space<vmem>>
          %dma_wait3A_175 = tpu.memref_squeeze %dma_wait3A_174 : memref<1x128x128xf32, #tpu.memory_space<vmem>> -> memref<128x128xf32, #tpu.memory_space<vmem>>
          tpu.wait_dma2 semaphore(%arg17 : memref<!tpu.dma_semaphore, #tpu.memory_space<semaphore_mem>>) src(%dma_wait3A_175 : memref<128x128xf32, #tpu.memory_space<vmem>>) dst(%dma_wait3A_171 : memref<128x128xf32, #tpu.memory_space<hbm>>)
          %add3A_176 = arith.constant 2 : i32
          %add3A_177 = arith.addi %add3A_86, %add3A_176 : i32
          %dma_start3A_178 = arith.constant 0 : i32
          %dma_start3A_179 = arith.constant 0 : i32
          %dma_start3A_180 = arith.constant 0 : i32
          %dma_start3A_181 = tpu.memref_slice %arg9[%dma_start3A_178, %dma_start3A_179, %dma_start3A_180] : memref<3x128x128xf32, #tpu.memory_space<vmem>> -> memref<1x128x128xf32, #tpu.memory_space<vmem>>
          %dma_start3A_182 = tpu.memref_squeeze %dma_start3A_181 : memref<1x128x128xf32, #tpu.memory_space<vmem>> -> memref<128x128xf32, #tpu.memory_space<vmem>>
          %dma_start3A_183 = arith.constant 0 : i32
          %dma_start3A_184 = tpu.memref_slice %arg7[%add3A_177, %dma_start3A_183] : memref<40x128xi32, #tpu.memory_space<vmem>> -> memref<1x128xi32, #tpu.memory_space<vmem>>
          %dma_start3A_185 = tpu.memref_squeeze %dma_start3A_184 : memref<1x128xi32, #tpu.memory_space<vmem>> -> memref<128xi32, #tpu.memory_space<vmem>>
          %dma_start3A_186 = arith.constant 0 : i32
          %dma_start3A_187 = arith.constant 0 : i32
          %dma_start3A_188 = tpu.memref_slice %arg2[%dma_start3A_186, %dma_start3A_187] : memref<10000x128xf32, #tpu.memory_space<hbm>> -> memref<10000x128xf32, #tpu.memory_space<hbm>>
          tpu.enqueue_indirect_dma source(%dma_start3A_188 : memref<10000x128xf32, #tpu.memory_space<hbm>>) target(%dma_start3A_182 : memref<128x128xf32, #tpu.memory_space<vmem>>) offsets(%dma_start3A_185 : memref<128xi32, #tpu.memory_space<vmem>>) semaphore(%arg11 : memref<!tpu.dma_semaphore, #tpu.memory_space<semaphore_mem>>)
          %dma_start3A_189 = arith.constant 0 : i32
          %dma_start3A_190 = arith.constant 0 : i32
          %dma_start3A_191 = arith.constant 0 : i32
          %dma_start3A_192 = tpu.memref_slice %arg10[%dma_start3A_189, %dma_start3A_190, %dma_start3A_191] : memref<3x128x128xf32, #tpu.memory_space<vmem>> -> memref<1x128x128xf32, #tpu.memory_space<vmem>>
          %dma_start3A_193 = tpu.memref_squeeze %dma_start3A_192 : memref<1x128x128xf32, #tpu.memory_space<vmem>> -> memref<128x128xf32, #tpu.memory_space<vmem>>
          %dma_start3A_194 = arith.constant 0 : i32
          %dma_start3A_195 = tpu.memref_slice %arg8[%add3A_177, %dma_start3A_194] : memref<40x128xi32, #tpu.memory_space<vmem>> -> memref<1x128xi32, #tpu.memory_space<vmem>>
          %dma_start3A_196 = tpu.memref_squeeze %dma_start3A_195 : memref<1x128xi32, #tpu.memory_space<vmem>> -> memref<128xi32, #tpu.memory_space<vmem>>
          %dma_start3A_197 = arith.constant 0 : i32
          %dma_start3A_198 = arith.constant 0 : i32
          %dma_start3A_199 = tpu.memref_slice %arg3[%dma_start3A_197, %dma_start3A_198] : memref<10000x128xf32, #tpu.memory_space<hbm>> -> memref<10000x128xf32, #tpu.memory_space<hbm>>
          tpu.enqueue_indirect_dma source(%dma_start3A_199 : memref<10000x128xf32, #tpu.memory_space<hbm>>) target(%dma_start3A_193 : memref<128x128xf32, #tpu.memory_space<vmem>>) offsets(%dma_start3A_196 : memref<128xi32, #tpu.memory_space<vmem>>) semaphore(%arg14 : memref<!tpu.dma_semaphore, #tpu.memory_space<semaphore_mem>>)
        } else {
        }
        %add3A_150 = arith.constant 2 : i32
        %add3A_151 = arith.addi %add3A_86, %add3A_150 : i32
        %lt3A_152 = arith.cmpi slt, %add3A_151, %min3A_5 : i32
        %eq3A = arith.constant 0 : i32
        %eq3A_153 = arith.cmpi eq, %add3A_86, %eq3A : i32
        %and3A_154 = arith.andi %lt3A_152, %eq3A_153 : i1
        %convert_element_type3A_155 = arith.extui %and3A_154 : i1 to i32
        %cond3A_156 = arith.constant 0 : i32
        %cond3A_157 = arith.cmpi ne, %convert_element_type3A_155, %cond3A_156 : i32
        scf.if %cond3A_157 {
          %add3A_158 = arith.constant 2 : i32
          %add3A_159 = arith.addi %add3A_86, %add3A_158 : i32
          %dma_start3A_160 = arith.constant 0 : i32
          %dma_start3A_161 = arith.constant 0 : i32
          %dma_start3A_162 = arith.constant 0 : i32
          %dma_start3A_163 = tpu.memref_slice %arg9[%dma_start3A_160, %dma_start3A_161, %dma_start3A_162] : memref<3x128x128xf32, #tpu.memory_space<vmem>> -> memref<1x128x128xf32, #tpu.memory_space<vmem>>
          %dma_start3A_164 = tpu.memref_squeeze %dma_start3A_163 : memref<1x128x128xf32, #tpu.memory_space<vmem>> -> memref<128x128xf32, #tpu.memory_space<vmem>>
          %dma_start3A_165 = arith.constant 0 : i32
          %dma_start3A_166 = tpu.memref_slice %arg7[%add3A_159, %dma_start3A_165] : memref<40x128xi32, #tpu.memory_space<vmem>> -> memref<1x128xi32, #tpu.memory_space<vmem>>
          %dma_start3A_167 = tpu.memref_squeeze %dma_start3A_166 : memref<1x128xi32, #tpu.memory_space<vmem>> -> memref<128xi32, #tpu.memory_space<vmem>>
          %dma_start3A_168 = arith.constant 0 : i32
          %dma_start3A_169 = arith.constant 0 : i32
          %dma_start3A_170 = tpu.memref_slice %arg2[%dma_start3A_168, %dma_start3A_169] : memref<10000x128xf32, #tpu.memory_space<hbm>> -> memref<10000x128xf32, #tpu.memory_space<hbm>>
          tpu.enqueue_indirect_dma source(%dma_start3A_170 : memref<10000x128xf32, #tpu.memory_space<hbm>>) target(%dma_start3A_164 : memref<128x128xf32, #tpu.memory_space<vmem>>) offsets(%dma_start3A_167 : memref<128xi32, #tpu.memory_space<vmem>>) semaphore(%arg11 : memref<!tpu.dma_semaphore, #tpu.memory_space<semaphore_mem>>)
          %dma_start3A_171 = arith.constant 0 : i32
          %dma_start3A_172 = arith.constant 0 : i32
          %dma_start3A_173 = arith.constant 0 : i32
          %dma_start3A_174 = tpu.memref_slice %arg10[%dma_start3A_171, %dma_start3A_172, %dma_start3A_173] : memref<3x128x128xf32, #tpu.memory_space<vmem>> -> memref<1x128x128xf32, #tpu.memory_space<vmem>>
          %dma_start3A_175 = tpu.memref_squeeze %dma_start3A_174 : memref<1x128x128xf32, #tpu.memory_space<vmem>> -> memref<128x128xf32, #tpu.memory_space<vmem>>
          %dma_start3A_176 = arith.constant 0 : i32
          %dma_start3A_177 = tpu.memref_slice %arg8[%add3A_159, %dma_start3A_176] : memref<40x128xi32, #tpu.memory_space<vmem>> -> memref<1x128xi32, #tpu.memory_space<vmem>>
          %dma_start3A_178 = tpu.memref_squeeze %dma_start3A_177 : memref<1x128xi32, #tpu.memory_space<vmem>> -> memref<128xi32, #tpu.memory_space<vmem>>
          %dma_start3A_179 = arith.constant 0 : i32
          %dma_start3A_180 = arith.constant 0 : i32
          %dma_start3A_181 = tpu.memref_slice %arg3[%dma_start3A_179, %dma_start3A_180] : memref<10000x128xf32, #tpu.memory_space<hbm>> -> memref<10000x128xf32, #tpu.memory_space<hbm>>
          tpu.enqueue_indirect_dma source(%dma_start3A_181 : memref<10000x128xf32, #tpu.memory_space<hbm>>) target(%dma_start3A_175 : memref<128x128xf32, #tpu.memory_space<vmem>>) offsets(%dma_start3A_178 : memref<128xi32, #tpu.memory_space<vmem>>) semaphore(%arg14 : memref<!tpu.dma_semaphore, #tpu.memory_space<semaphore_mem>>)
        } else {
        }
      } else {
      }
      %mul3A_91 = arith.constant 3 : i32
      %mul3A_92 = arith.muli %scan3A_75, %mul3A_91 : i32
      %add3A_93 = arith.constant 2 : i32
      %add3A_94 = arith.addi %mul3A_92, %add3A_93 : i32
      %lt3A_95 = arith.cmpi slt, %add3A_94, %min3A_5 : i32
      %convert_element_type3A_96 = arith.extui %lt3A_95 : i1 to i32
      %cond3A_97 = arith.constant 0 : i32
      %cond3A_98 = arith.cmpi ne, %convert_element_type3A_96, %cond3A_97 : i32
      scf.if %cond3A_98 {
        %dma_wait3A = arith.constant 2 : i32
        %dma_wait3A_99 = arith.constant 0 : i32
        %dma_wait3A_100 = arith.constant 0 : i32
        %dma_wait3A_101 = tpu.memref_slice %arg9[%dma_wait3A, %dma_wait3A_99, %dma_wait3A_100] : memref<3x128x128xf32, #tpu.memory_space<vmem>> -> memref<1x128x128xf32, #tpu.memory_space<vmem>>
        %dma_wait3A_102 = tpu.memref_squeeze %dma_wait3A_101 : memref<1x128x128xf32, #tpu.memory_space<vmem>> -> memref<128x128xf32, #tpu.memory_space<vmem>>
        %dma_wait3A_103 = arith.constant 0 : i32
        %dma_wait3A_104 = tpu.memref_slice %arg7[%add3A_94, %dma_wait3A_103] : memref<40x128xi32, #tpu.memory_space<vmem>> -> memref<1x128xi32, #tpu.memory_space<vmem>>
        %dma_wait3A_105 = tpu.memref_squeeze %dma_wait3A_104 : memref<1x128xi32, #tpu.memory_space<vmem>> -> memref<128xi32, #tpu.memory_space<vmem>>
        %dma_wait3A_106 = arith.constant 0 : i32
        %dma_wait3A_107 = arith.constant 0 : i32
        %dma_wait3A_108 = tpu.memref_slice %arg2[%dma_wait3A_106, %dma_wait3A_107] : memref<10000x128xf32, #tpu.memory_space<hbm>> -> memref<10000x128xf32, #tpu.memory_space<hbm>>
        tpu.wait_indirect_dma semaphore(%arg13 : memref<!tpu.dma_semaphore, #tpu.memory_space<semaphore_mem>>) src(%dma_wait3A_108 : memref<10000x128xf32, #tpu.memory_space<hbm>>) dst(%dma_wait3A_102 : memref<128x128xf32, #tpu.memory_space<vmem>>)
        %dma_wait3A_109 = arith.constant 2 : i32
        %dma_wait3A_110 = arith.constant 0 : i32
        %dma_wait3A_111 = arith.constant 0 : i32
        %dma_wait3A_112 = tpu.memref_slice %arg10[%dma_wait3A_109, %dma_wait3A_110, %dma_wait3A_111] : memref<3x128x128xf32, #tpu.memory_space<vmem>> -> memref<1x128x128xf32, #tpu.memory_space<vmem>>
        %dma_wait3A_113 = tpu.memref_squeeze %dma_wait3A_112 : memref<1x128x128xf32, #tpu.memory_space<vmem>> -> memref<128x128xf32, #tpu.memory_space<vmem>>
        %dma_wait3A_114 = arith.constant 0 : i32
        %dma_wait3A_115 = tpu.memref_slice %arg8[%add3A_94, %dma_wait3A_114] : memref<40x128xi32, #tpu.memory_space<vmem>> -> memref<1x128xi32, #tpu.memory_space<vmem>>
        %dma_wait3A_116 = tpu.memref_squeeze %dma_wait3A_115 : memref<1x128xi32, #tpu.memory_space<vmem>> -> memref<128xi32, #tpu.memory_space<vmem>>
        %dma_wait3A_117 = arith.constant 0 : i32
        %dma_wait3A_118 = arith.constant 0 : i32
        %dma_wait3A_119 = tpu.memref_slice %arg3[%dma_wait3A_117, %dma_wait3A_118] : memref<10000x128xf32, #tpu.memory_space<hbm>> -> memref<10000x128xf32, #tpu.memory_space<hbm>>
        tpu.wait_indirect_dma semaphore(%arg16 : memref<!tpu.dma_semaphore, #tpu.memory_space<semaphore_mem>>) src(%dma_wait3A_119 : memref<10000x128xf32, #tpu.memory_space<hbm>>) dst(%dma_wait3A_113 : memref<128x128xf32, #tpu.memory_space<vmem>>)
        %scan3A_120 = arith.constant 0 : i32
        %scan3A_121 = arith.constant 0 : i32
        %scan3A_122 = arith.constant 128 : i32
        %scan3A_123 = arith.addi %scan3A_121, %scan3A_122 : i32
        %scan3A_124 = arith.constant 1 : i32
        scf.for %scan3A_158 = %scan3A_121 to %scan3A_123 step %scan3A_124  : i32 {
          %get3A = arith.constant 2 : i32
          %get3A_159 = arith.index_cast %get3A : i32 to index
          %get3A_160 = arith.index_cast %scan3A_158 : i32 to index
          %get3A_161 = arith.constant 0 : index
          %get3A_162 = tpu.vector_load %arg9[%get3A_159, %get3A_160, %get3A_161] {strides = array<i32>} : memref<3x128x128xf32, #tpu.memory_space<vmem>>, vector<1x1x16xf32>,
          %get3A_163 = vector.shape_cast %get3A_162 : vector<1x1x16xf32> to vector<16xf32>
          %get3A_164 = arith.constant 2 : i32
          %get3A_165 = arith.index_cast %get3A_164 : i32 to index
          %get3A_166 = arith.index_cast %scan3A_158 : i32 to index
          %get3A_167 = arith.constant 0 : index
          %get3A_168 = tpu.vector_load %arg10[%get3A_165, %get3A_166, %get3A_167] {strides = array<i32>} : memref<3x128x128xf32, #tpu.memory_space<vmem>>, vector<1x1x16xf32>,
          %get3A_169 = vector.shape_cast %get3A_168 : vector<1x1x16xf32> to vector<16xf32>
          %add3A_170 = arith.addf %get3A_163, %get3A_169 : vector<16xf32>
          %swap3A = arith.constant 2 : i32
          %swap3A_171 = arith.index_cast %swap3A : i32 to index
          %swap3A_172 = arith.index_cast %scan3A_158 : i32 to index
          %swap3A_173 = arith.constant 0 : index
          %swap3A_174 = tpu.vector_load %arg9[%swap3A_171, %swap3A_172, %swap3A_173] {strides = array<i32>} : memref<3x128x128xf32, #tpu.memory_space<vmem>>, vector<1x1x16xf32>,
          %swap3A_175 = vector.shape_cast %swap3A_174 : vector<1x1x16xf32> to vector<16xf32>
          %swap3A_176 = vector.shape_cast %add3A_170 : vector<16xf32> to vector<1x1x16xf32>
          tpu.vector_store %arg9[%swap3A_171, %swap3A_172, %swap3A_173], %swap3A_176 {strides = array<i32>} : memref<3x128x128xf32, #tpu.memory_space<vmem>>, vector<1x1x16xf32>,
          %get3A_177 = arith.constant 2 : i32
          %get3A_178 = arith.index_cast %get3A_177 : i32 to index
          %get3A_179 = arith.index_cast %scan3A_158 : i32 to index
          %get3A_180 = arith.constant 16 : index
          %get3A_181 = tpu.vector_load %arg9[%get3A_178, %get3A_179, %get3A_180] {strides = array<i32>} : memref<3x128x128xf32, #tpu.memory_space<vmem>>, vector<1x1x16xf32>,
          %get3A_182 = vector.shape_cast %get3A_181 : vector<1x1x16xf32> to vector<16xf32>
          %get3A_183 = arith.constant 2 : i32
          %get3A_184 = arith.index_cast %get3A_183 : i32 to index
          %get3A_185 = arith.index_cast %scan3A_158 : i32 to index
          %get3A_186 = arith.constant 16 : index
          %get3A_187 = tpu.vector_load %arg10[%get3A_184, %get3A_185, %get3A_186] {strides = array<i32>} : memref<3x128x128xf32, #tpu.memory_space<vmem>>, vector<1x1x16xf32>,
          %get3A_188 = vector.shape_cast %get3A_187 : vector<1x1x16xf32> to vector<16xf32>
          %add3A_189 = arith.addf %get3A_182, %get3A_188 : vector<16xf32>
          %swap3A_190 = arith.constant 2 : i32
          %swap3A_191 = arith.index_cast %swap3A_190 : i32 to index
          %swap3A_192 = arith.index_cast %scan3A_158 : i32 to index
          %swap3A_193 = arith.constant 16 : index
          %swap3A_194 = tpu.vector_load %arg9[%swap3A_191, %swap3A_192, %swap3A_193] {strides = array<i32>} : memref<3x128x128xf32, #tpu.memory_space<vmem>>, vector<1x1x16xf32>,
          %swap3A_195 = vector.shape_cast %swap3A_194 : vector<1x1x16xf32> to vector<16xf32>
          %swap3A_196 = vector.shape_cast %add3A_189 : vector<16xf32> to vector<1x1x16xf32>
          tpu.vector_store %arg9[%swap3A_191, %swap3A_192, %swap3A_193], %swap3A_196 {strides = array<i32>} : memref<3x128x128xf32, #tpu.memory_space<vmem>>, vector<1x1x16xf32>,
          %get3A_197 = arith.constant 2 : i32
          %get3A_198 = arith.index_cast %get3A_197 : i32 to index
          %get3A_199 = arith.index_cast %scan3A_158 : i32 to index
          %get3A_200 = arith.constant 32 : index
          %get3A_201 = tpu.vector_load %arg9[%get3A_198, %get3A_199, %get3A_200] {strides = array<i32>} : memref<3x128x128xf32, #tpu.memory_space<vmem>>, vector<1x1x16xf32>,
          %get3A_202 = vector.shape_cast %get3A_201 : vector<1x1x16xf32> to vector<16xf32>
          %get3A_203 = arith.constant 2 : i32
          %get3A_204 = arith.index_cast %get3A_203 : i32 to index
          %get3A_205 = arith.index_cast %scan3A_158 : i32 to index
          %get3A_206 = arith.constant 32 : index
          %get3A_207 = tpu.vector_load %arg10[%get3A_204, %get3A_205, %get3A_206] {strides = array<i32>} : memref<3x128x128xf32, #tpu.memory_space<vmem>>, vector<1x1x16xf32>,
          %get3A_208 = vector.shape_cast %get3A_207 : vector<1x1x16xf32> to vector<16xf32>
          %add3A_209 = arith.addf %get3A_202, %get3A_208 : vector<16xf32>
          %swap3A_210 = arith.constant 2 : i32
          %swap3A_211 = arith.index_cast %swap3A_210 : i32 to index
          %swap3A_212 = arith.index_cast %scan3A_158 : i32 to index
          %swap3A_213 = arith.constant 32 : index
          %swap3A_214 = tpu.vector_load %arg9[%swap3A_211, %swap3A_212, %swap3A_213] {strides = array<i32>} : memref<3x128x128xf32, #tpu.memory_space<vmem>>, vector<1x1x16xf32>,
          %swap3A_215 = vector.shape_cast %swap3A_214 : vector<1x1x16xf32> to vector<16xf32>
          %swap3A_216 = vector.shape_cast %add3A_209 : vector<16xf32> to vector<1x1x16xf32>
          tpu.vector_store %arg9[%swap3A_211, %swap3A_212, %swap3A_213], %swap3A_216 {strides = array<i32>} : memref<3x128x128xf32, #tpu.memory_space<vmem>>, vector<1x1x16xf32>,
          %get3A_217 = arith.constant 2 : i32
          %get3A_218 = arith.index_cast %get3A_217 : i32 to index
          %get3A_219 = arith.index_cast %scan3A_158 : i32 to index
          %get3A_220 = arith.constant 48 : index
          %get3A_221 = tpu.vector_load %arg9[%get3A_218, %get3A_219, %get3A_220] {strides = array<i32>} : memref<3x128x128xf32, #tpu.memory_space<vmem>>, vector<1x1x16xf32>,
          %get3A_222 = vector.shape_cast %get3A_221 : vector<1x1x16xf32> to vector<16xf32>
          %get3A_223 = arith.constant 2 : i32
          %get3A_224 = arith.index_cast %get3A_223 : i32 to index
          %get3A_225 = arith.index_cast %scan3A_158 : i32 to index
          %get3A_226 = arith.constant 48 : index
          %get3A_227 = tpu.vector_load %arg10[%get3A_224, %get3A_225, %get3A_226] {strides = array<i32>} : memref<3x128x128xf32, #tpu.memory_space<vmem>>, vector<1x1x16xf32>,
          %get3A_228 = vector.shape_cast %get3A_227 : vector<1x1x16xf32> to vector<16xf32>
          %add3A_229 = arith.addf %get3A_222, %get3A_228 : vector<16xf32>
          %swap3A_230 = arith.constant 2 : i32
          %swap3A_231 = arith.index_cast %swap3A_230 : i32 to index
          %swap3A_232 = arith.index_cast %scan3A_158 : i32 to index
          %swap3A_233 = arith.constant 48 : index
          %swap3A_234 = tpu.vector_load %arg9[%swap3A_231, %swap3A_232, %swap3A_233] {strides = array<i32>} : memref<3x128x128xf32, #tpu.memory_space<vmem>>, vector<1x1x16xf32>,
          %swap3A_235 = vector.shape_cast %swap3A_234 : vector<1x1x16xf32> to vector<16xf32>
          %swap3A_236 = vector.shape_cast %add3A_229 : vector<16xf32> to vector<1x1x16xf32>
          tpu.vector_store %arg9[%swap3A_231, %swap3A_232, %swap3A_233], %swap3A_236 {strides = array<i32>} : memref<3x128x128xf32, #tpu.memory_space<vmem>>, vector<1x1x16xf32>,
          %get3A_237 = arith.constant 2 : i32
          %get3A_238 = arith.index_cast %get3A_237 : i32 to index
          %get3A_239 = arith.index_cast %scan3A_158 : i32 to index
          %get3A_240 = arith.constant 64 : index
          %get3A_241 = tpu.vector_load %arg9[%get3A_238, %get3A_239, %get3A_240] {strides = array<i32>} : memref<3x128x128xf32, #tpu.memory_space<vmem>>, vector<1x1x16xf32>,
          %get3A_242 = vector.shape_cast %get3A_241 : vector<1x1x16xf32> to vector<16xf32>
          %get3A_243 = arith.constant 2 : i32
          %get3A_244 = arith.index_cast %get3A_243 : i32 to index
          %get3A_245 = arith.index_cast %scan3A_158 : i32 to index
          %get3A_246 = arith.constant 64 : index
          %get3A_247 = tpu.vector_load %arg10[%get3A_244, %get3A_245, %get3A_246] {strides = array<i32>} : memref<3x128x128xf32, #tpu.memory_space<vmem>>, vector<1x1x16xf32>,
          %get3A_248 = vector.shape_cast %get3A_247 : vector<1x1x16xf32> to vector<16xf32>
          %add3A_249 = arith.addf %get3A_242, %get3A_248 : vector<16xf32>
          %swap3A_250 = arith.constant 2 : i32
          %swap3A_251 = arith.index_cast %swap3A_250 : i32 to index
          %swap3A_252 = arith.index_cast %scan3A_158 : i32 to index
          %swap3A_253 = arith.constant 64 : index
          %swap3A_254 = tpu.vector_load %arg9[%swap3A_251, %swap3A_252, %swap3A_253] {strides = array<i32>} : memref<3x128x128xf32, #tpu.memory_space<vmem>>, vector<1x1x16xf32>,
          %swap3A_255 = vector.shape_cast %swap3A_254 : vector<1x1x16xf32> to vector<16xf32>
          %swap3A_256 = vector.shape_cast %add3A_249 : vector<16xf32> to vector<1x1x16xf32>
          tpu.vector_store %arg9[%swap3A_251, %swap3A_252, %swap3A_253], %swap3A_256 {strides = array<i32>} : memref<3x128x128xf32, #tpu.memory_space<vmem>>, vector<1x1x16xf32>,
          %get3A_257 = arith.constant 2 : i32
          %get3A_258 = arith.index_cast %get3A_257 : i32 to index
          %get3A_259 = arith.index_cast %scan3A_158 : i32 to index
          %get3A_260 = arith.constant 80 : index
          %get3A_261 = tpu.vector_load %arg9[%get3A_258, %get3A_259, %get3A_260] {strides = array<i32>} : memref<3x128x128xf32, #tpu.memory_space<vmem>>, vector<1x1x16xf32>,
          %get3A_262 = vector.shape_cast %get3A_261 : vector<1x1x16xf32> to vector<16xf32>
          %get3A_263 = arith.constant 2 : i32
          %get3A_264 = arith.index_cast %get3A_263 : i32 to index
          %get3A_265 = arith.index_cast %scan3A_158 : i32 to index
          %get3A_266 = arith.constant 80 : index
          %get3A_267 = tpu.vector_load %arg10[%get3A_264, %get3A_265, %get3A_266] {strides = array<i32>} : memref<3x128x128xf32, #tpu.memory_space<vmem>>, vector<1x1x16xf32>,
          %get3A_268 = vector.shape_cast %get3A_267 : vector<1x1x16xf32> to vector<16xf32>
          %add3A_269 = arith.addf %get3A_262, %get3A_268 : vector<16xf32>
          %swap3A_270 = arith.constant 2 : i32
          %swap3A_271 = arith.index_cast %swap3A_270 : i32 to index
          %swap3A_272 = arith.index_cast %scan3A_158 : i32 to index
          %swap3A_273 = arith.constant 80 : index
          %swap3A_274 = tpu.vector_load %arg9[%swap3A_271, %swap3A_272, %swap3A_273] {strides = array<i32>} : memref<3x128x128xf32, #tpu.memory_space<vmem>>, vector<1x1x16xf32>,
          %swap3A_275 = vector.shape_cast %swap3A_274 : vector<1x1x16xf32> to vector<16xf32>
          %swap3A_276 = vector.shape_cast %add3A_269 : vector<16xf32> to vector<1x1x16xf32>
          tpu.vector_store %arg9[%swap3A_271, %swap3A_272, %swap3A_273], %swap3A_276 {strides = array<i32>} : memref<3x128x128xf32, #tpu.memory_space<vmem>>, vector<1x1x16xf32>,
          %get3A_277 = arith.constant 2 : i32
          %get3A_278 = arith.index_cast %get3A_277 : i32 to index
          %get3A_279 = arith.index_cast %scan3A_158 : i32 to index
          %get3A_280 = arith.constant 96 : index
          %get3A_281 = tpu.vector_load %arg9[%get3A_278, %get3A_279, %get3A_280] {strides = array<i32>} : memref<3x128x128xf32, #tpu.memory_space<vmem>>, vector<1x1x16xf32>,
          %get3A_282 = vector.shape_cast %get3A_281 : vector<1x1x16xf32> to vector<16xf32>
          %get3A_283 = arith.constant 2 : i32
          %get3A_284 = arith.index_cast %get3A_283 : i32 to index
          %get3A_285 = arith.index_cast %scan3A_158 : i32 to index
          %get3A_286 = arith.constant 96 : index
          %get3A_287 = tpu.vector_load %arg10[%get3A_284, %get3A_285, %get3A_286] {strides = array<i32>} : memref<3x128x128xf32, #tpu.memory_space<vmem>>, vector<1x1x16xf32>,
          %get3A_288 = vector.shape_cast %get3A_287 : vector<1x1x16xf32> to vector<16xf32>
          %add3A_289 = arith.addf %get3A_282, %get3A_288 : vector<16xf32>
          %swap3A_290 = arith.constant 2 : i32
          %swap3A_291 = arith.index_cast %swap3A_290 : i32 to index
          %swap3A_292 = arith.index_cast %scan3A_158 : i32 to index
          %swap3A_293 = arith.constant 96 : index
          %swap3A_294 = tpu.vector_load %arg9[%swap3A_291, %swap3A_292, %swap3A_293] {strides = array<i32>} : memref<3x128x128xf32, #tpu.memory_space<vmem>>, vector<1x1x16xf32>,
          %swap3A_295 = vector.shape_cast %swap3A_294 : vector<1x1x16xf32> to vector<16xf32>
          %swap3A_296 = vector.shape_cast %add3A_289 : vector<16xf32> to vector<1x1x16xf32>
          tpu.vector_store %arg9[%swap3A_291, %swap3A_292, %swap3A_293], %swap3A_296 {strides = array<i32>} : memref<3x128x128xf32, #tpu.memory_space<vmem>>, vector<1x1x16xf32>,
          %get3A_297 = arith.constant 2 : i32
          %get3A_298 = arith.index_cast %get3A_297 : i32 to index
          %get3A_299 = arith.index_cast %scan3A_158 : i32 to index
          %get3A_300 = arith.constant 112 : index
          %get3A_301 = tpu.vector_load %arg9[%get3A_298, %get3A_299, %get3A_300] {strides = array<i32>} : memref<3x128x128xf32, #tpu.memory_space<vmem>>, vector<1x1x16xf32>,
          %get3A_302 = vector.shape_cast %get3A_301 : vector<1x1x16xf32> to vector<16xf32>
          %get3A_303 = arith.constant 2 : i32
          %get3A_304 = arith.index_cast %get3A_303 : i32 to index
          %get3A_305 = arith.index_cast %scan3A_158 : i32 to index
          %get3A_306 = arith.constant 112 : index
          %get3A_307 = tpu.vector_load %arg10[%get3A_304, %get3A_305, %get3A_306] {strides = array<i32>} : memref<3x128x128xf32, #tpu.memory_space<vmem>>, vector<1x1x16xf32>,
          %get3A_308 = vector.shape_cast %get3A_307 : vector<1x1x16xf32> to vector<16xf32>
          %add3A_309 = arith.addf %get3A_302, %get3A_308 : vector<16xf32>
          %swap3A_310 = arith.constant 2 : i32
          %swap3A_311 = arith.index_cast %swap3A_310 : i32 to index
          %swap3A_312 = arith.index_cast %scan3A_158 : i32 to index
          %swap3A_313 = arith.constant 112 : index
          %swap3A_314 = tpu.vector_load %arg9[%swap3A_311, %swap3A_312, %swap3A_313] {strides = array<i32>} : memref<3x128x128xf32, #tpu.memory_space<vmem>>, vector<1x1x16xf32>,
          %swap3A_315 = vector.shape_cast %swap3A_314 : vector<1x1x16xf32> to vector<16xf32>
          %swap3A_316 = vector.shape_cast %add3A_309 : vector<16xf32> to vector<1x1x16xf32>
          tpu.vector_store %arg9[%swap3A_311, %swap3A_312, %swap3A_313], %swap3A_316 {strides = array<i32>} : memref<3x128x128xf32, #tpu.memory_space<vmem>>, vector<1x1x16xf32>,
        }
        %scan3A_125 = arith.constant 128 : i32
        %add3A_126 = arith.addi %mul3A_2, %add3A_94 : i32
        %mul3A_127 = arith.constant 128 : i32
        %mul3A_128 = arith.muli %add3A_126, %mul3A_127 : i32
        %dma_start3A = arith.constant 2 : i32
        %dma_start3A_129 = arith.constant 0 : i32
        %dma_start3A_130 = arith.constant 0 : i32
        %dma_start3A_131 = tpu.memref_slice %arg9[%dma_start3A, %dma_start3A_129, %dma_start3A_130] : memref<3x128x128xf32, #tpu.memory_space<vmem>> -> memref<1x128x128xf32, #tpu.memory_space<vmem>>
        %dma_start3A_132 = tpu.memref_squeeze %dma_start3A_131 : memref<1x128x128xf32, #tpu.memory_space<vmem>> -> memref<128x128xf32, #tpu.memory_space<vmem>>
        %dma_start3A_133 = arith.constant 0 : i32
        %dma_start3A_134 = tpu.memref_slice %arg6[%mul3A_128, %dma_start3A_133] : memref<160000x128xf32, #tpu.memory_space<hbm>> -> memref<128x128xf32, #tpu.memory_space<hbm>>
        %dma_start3A_135 = arith.constant 0 : i32
        %dma_start3A_136 = tpu.memref_slice %arg6[%mul3A_128, %dma_start3A_135] : memref<160000x128xf32, #tpu.memory_space<hbm>> -> memref<128x128xf32, #tpu.memory_space<hbm>>
        %dma_start3A_137 = arith.constant 0 : i32
        %dma_start3A_138 = arith.constant 0 : i32
        %dma_start3A_139 = tpu.memref_slice %arg9[%dma_start3A, %dma_start3A_137, %dma_start3A_138] : memref<3x128x128xf32, #tpu.memory_space<vmem>> -> memref<1x128x128xf32, #tpu.memory_space<vmem>>
        %dma_start3A_140 = tpu.memref_squeeze %dma_start3A_139 : memref<1x128x128xf32, #tpu.memory_space<vmem>> -> memref<128x128xf32, #tpu.memory_space<vmem>>
        tpu.enqueue_dma source(%dma_start3A_140 : memref<128x128xf32, #tpu.memory_space<vmem>>) target(%dma_start3A_136 : memref<128x128xf32, #tpu.memory_space<hbm>>) target_semaphore(%arg19 : memref<!tpu.dma_semaphore, #tpu.memory_space<semaphore_mem>>)
        %add3A_141 = arith.constant 2 : i32
        %add3A_142 = arith.addi %add3A_94, %add3A_141 : i32
        %lt3A_143 = arith.cmpi slt, %add3A_142, %min3A_5 : i32
        %gt3A_144 = arith.constant 0 : i32
        %gt3A_145 = arith.cmpi sgt, %add3A_94, %gt3A_144 : i32
        %and3A_146 = arith.andi %lt3A_143, %gt3A_145 : i1
        %convert_element_type3A_147 = arith.extui %and3A_146 : i1 to i32
        %cond3A_148 = arith.constant 0 : i32
        %cond3A_149 = arith.cmpi ne, %convert_element_type3A_147, %cond3A_148 : i32
        scf.if %cond3A_149 {
          %sub3A_158 = arith.constant 1 : i32
          %sub3A_159 = arith.subi %add3A_94, %sub3A_158 : i32
          %add3A_160 = arith.addi %mul3A_2, %sub3A_159 : i32
          %mul3A_161 = arith.constant 128 : i32
          %mul3A_162 = arith.muli %add3A_160, %mul3A_161 : i32
          %dma_wait3A_163 = arith.constant 1 : i32
          %dma_wait3A_164 = arith.constant 0 : i32
          %dma_wait3A_165 = arith.constant 0 : i32
          %dma_wait3A_166 = tpu.memref_slice %arg9[%dma_wait3A_163, %dma_wait3A_164, %dma_wait3A_165] : memref<3x128x128xf32, #tpu.memory_space<vmem>> -> memref<1x128x128xf32, #tpu.memory_space<vmem>>
          %dma_wait3A_167 = tpu.memref_squeeze %dma_wait3A_166 : memref<1x128x128xf32, #tpu.memory_space<vmem>> -> memref<128x128xf32, #tpu.memory_space<vmem>>
          %dma_wait3A_168 = arith.constant 0 : i32
          %dma_wait3A_169 = tpu.memref_slice %arg6[%mul3A_162, %dma_wait3A_168] : memref<160000x128xf32, #tpu.memory_space<hbm>> -> memref<128x128xf32, #tpu.memory_space<hbm>>
          %dma_wait3A_170 = arith.constant 0 : i32
          %dma_wait3A_171 = tpu.memref_slice %arg6[%mul3A_162, %dma_wait3A_170] : memref<160000x128xf32, #tpu.memory_space<hbm>> -> memref<128x128xf32, #tpu.memory_space<hbm>>
          %dma_wait3A_172 = arith.constant 0 : i32
          %dma_wait3A_173 = arith.constant 0 : i32
          %dma_wait3A_174 = tpu.memref_slice %arg9[%dma_wait3A_163, %dma_wait3A_172, %dma_wait3A_173] : memref<3x128x128xf32, #tpu.memory_space<vmem>> -> memref<1x128x128xf32, #tpu.memory_space<vmem>>
          %dma_wait3A_175 = tpu.memref_squeeze %dma_wait3A_174 : memref<1x128x128xf32, #tpu.memory_space<vmem>> -> memref<128x128xf32, #tpu.memory_space<vmem>>
          tpu.wait_dma2 semaphore(%arg18 : memref<!tpu.dma_semaphore, #tpu.memory_space<semaphore_mem>>) src(%dma_wait3A_175 : memref<128x128xf32, #tpu.memory_space<vmem>>) dst(%dma_wait3A_171 : memref<128x128xf32, #tpu.memory_space<hbm>>)
          %add3A_176 = arith.constant 2 : i32
          %add3A_177 = arith.addi %add3A_94, %add3A_176 : i32
          %dma_start3A_178 = arith.constant 1 : i32
          %dma_start3A_179 = arith.constant 0 : i32
          %dma_start3A_180 = arith.constant 0 : i32
          %dma_start3A_181 = tpu.memref_slice %arg9[%dma_start3A_178, %dma_start3A_179, %dma_start3A_180] : memref<3x128x128xf32, #tpu.memory_space<vmem>> -> memref<1x128x128xf32, #tpu.memory_space<vmem>>
          %dma_start3A_182 = tpu.memref_squeeze %dma_start3A_181 : memref<1x128x128xf32, #tpu.memory_space<vmem>> -> memref<128x128xf32, #tpu.memory_space<vmem>>
          %dma_start3A_183 = arith.constant 0 : i32
          %dma_start3A_184 = tpu.memref_slice %arg7[%add3A_177, %dma_start3A_183] : memref<40x128xi32, #tpu.memory_space<vmem>> -> memref<1x128xi32, #tpu.memory_space<vmem>>
          %dma_start3A_185 = tpu.memref_squeeze %dma_start3A_184 : memref<1x128xi32, #tpu.memory_space<vmem>> -> memref<128xi32, #tpu.memory_space<vmem>>
          %dma_start3A_186 = arith.constant 0 : i32
          %dma_start3A_187 = arith.constant 0 : i32
          %dma_start3A_188 = tpu.memref_slice %arg2[%dma_start3A_186, %dma_start3A_187] : memref<10000x128xf32, #tpu.memory_space<hbm>> -> memref<10000x128xf32, #tpu.memory_space<hbm>>
          tpu.enqueue_indirect_dma source(%dma_start3A_188 : memref<10000x128xf32, #tpu.memory_space<hbm>>) target(%dma_start3A_182 : memref<128x128xf32, #tpu.memory_space<vmem>>) offsets(%dma_start3A_185 : memref<128xi32, #tpu.memory_space<vmem>>) semaphore(%arg12 : memref<!tpu.dma_semaphore, #tpu.memory_space<semaphore_mem>>)
          %dma_start3A_189 = arith.constant 1 : i32
          %dma_start3A_190 = arith.constant 0 : i32
          %dma_start3A_191 = arith.constant 0 : i32
          %dma_start3A_192 = tpu.memref_slice %arg10[%dma_start3A_189, %dma_start3A_190, %dma_start3A_191] : memref<3x128x128xf32, #tpu.memory_space<vmem>> -> memref<1x128x128xf32, #tpu.memory_space<vmem>>
          %dma_start3A_193 = tpu.memref_squeeze %dma_start3A_192 : memref<1x128x128xf32, #tpu.memory_space<vmem>> -> memref<128x128xf32, #tpu.memory_space<vmem>>
          %dma_start3A_194 = arith.constant 0 : i32
          %dma_start3A_195 = tpu.memref_slice %arg8[%add3A_177, %dma_start3A_194] : memref<40x128xi32, #tpu.memory_space<vmem>> -> memref<1x128xi32, #tpu.memory_space<vmem>>
          %dma_start3A_196 = tpu.memref_squeeze %dma_start3A_195 : memref<1x128xi32, #tpu.memory_space<vmem>> -> memref<128xi32, #tpu.memory_space<vmem>>
          %dma_start3A_197 = arith.constant 0 : i32
          %dma_start3A_198 = arith.constant 0 : i32
          %dma_start3A_199 = tpu.memref_slice %arg3[%dma_start3A_197, %dma_start3A_198] : memref<10000x128xf32, #tpu.memory_space<hbm>> -> memref<10000x128xf32, #tpu.memory_space<hbm>>
          tpu.enqueue_indirect_dma source(%dma_start3A_199 : memref<10000x128xf32, #tpu.memory_space<hbm>>) target(%dma_start3A_193 : memref<128x128xf32, #tpu.memory_space<vmem>>) offsets(%dma_start3A_196 : memref<128xi32, #tpu.memory_space<vmem>>) semaphore(%arg15 : memref<!tpu.dma_semaphore, #tpu.memory_space<semaphore_mem>>)
        } else {
        }
        %add3A_150 = arith.constant 2 : i32
        %add3A_151 = arith.addi %add3A_94, %add3A_150 : i32
        %lt3A_152 = arith.cmpi slt, %add3A_151, %min3A_5 : i32
        %eq3A = arith.constant 0 : i32
        %eq3A_153 = arith.cmpi eq, %add3A_94, %eq3A : i32
        %and3A_154 = arith.andi %lt3A_152, %eq3A_153 : i1
        %convert_element_type3A_155 = arith.extui %and3A_154 : i1 to i32
        %cond3A_156 = arith.constant 0 : i32
        %cond3A_157 = arith.cmpi ne, %convert_element_type3A_155, %cond3A_156 : i32
        scf.if %cond3A_157 {
          %add3A_158 = arith.constant 2 : i32
          %add3A_159 = arith.addi %add3A_94, %add3A_158 : i32
          %dma_start3A_160 = arith.constant 1 : i32
          %dma_start3A_161 = arith.constant 0 : i32
          %dma_start3A_162 = arith.constant 0 : i32
          %dma_start3A_163 = tpu.memref_slice %arg9[%dma_start3A_160, %dma_start3A_161, %dma_start3A_162] : memref<3x128x128xf32, #tpu.memory_space<vmem>> -> memref<1x128x128xf32, #tpu.memory_space<vmem>>
          %dma_start3A_164 = tpu.memref_squeeze %dma_start3A_163 : memref<1x128x128xf32, #tpu.memory_space<vmem>> -> memref<128x128xf32, #tpu.memory_space<vmem>>
          %dma_start3A_165 = arith.constant 0 : i32
          %dma_start3A_166 = tpu.memref_slice %arg7[%add3A_159, %dma_start3A_165] : memref<40x128xi32, #tpu.memory_space<vmem>> -> memref<1x128xi32, #tpu.memory_space<vmem>>
          %dma_start3A_167 = tpu.memref_squeeze %dma_start3A_166 : memref<1x128xi32, #tpu.memory_space<vmem>> -> memref<128xi32, #tpu.memory_space<vmem>>
          %dma_start3A_168 = arith.constant 0 : i32
          %dma_start3A_169 = arith.constant 0 : i32
          %dma_start3A_170 = tpu.memref_slice %arg2[%dma_start3A_168, %dma_start3A_169] : memref<10000x128xf32, #tpu.memory_space<hbm>> -> memref<10000x128xf32, #tpu.memory_space<hbm>>
          tpu.enqueue_indirect_dma source(%dma_start3A_170 : memref<10000x128xf32, #tpu.memory_space<hbm>>) target(%dma_start3A_164 : memref<128x128xf32, #tpu.memory_space<vmem>>) offsets(%dma_start3A_167 : memref<128xi32, #tpu.memory_space<vmem>>) semaphore(%arg12 : memref<!tpu.dma_semaphore, #tpu.memory_space<semaphore_mem>>)
          %dma_start3A_171 = arith.constant 1 : i32
          %dma_start3A_172 = arith.constant 0 : i32
          %dma_start3A_173 = arith.constant 0 : i32
          %dma_start3A_174 = tpu.memref_slice %arg10[%dma_start3A_171, %dma_start3A_172, %dma_start3A_173] : memref<3x128x128xf32, #tpu.memory_space<vmem>> -> memref<1x128x128xf32, #tpu.memory_space<vmem>>
          %dma_start3A_175 = tpu.memref_squeeze %dma_start3A_174 : memref<1x128x128xf32, #tpu.memory_space<vmem>> -> memref<128x128xf32, #tpu.memory_space<vmem>>
          %dma_start3A_176 = arith.constant 0 : i32
          %dma_start3A_177 = tpu.memref_slice %arg8[%add3A_159, %dma_start3A_176] : memref<40x128xi32, #tpu.memory_space<vmem>> -> memref<1x128xi32, #tpu.memory_space<vmem>>
          %dma_start3A_178 = tpu.memref_squeeze %dma_start3A_177 : memref<1x128xi32, #tpu.memory_space<vmem>> -> memref<128xi32, #tpu.memory_space<vmem>>
          %dma_start3A_179 = arith.constant 0 : i32
          %dma_start3A_180 = arith.constant 0 : i32
          %dma_start3A_181 = tpu.memref_slice %arg3[%dma_start3A_179, %dma_start3A_180] : memref<10000x128xf32, #tpu.memory_space<hbm>> -> memref<10000x128xf32, #tpu.memory_space<hbm>>
          tpu.enqueue_indirect_dma source(%dma_start3A_181 : memref<10000x128xf32, #tpu.memory_space<hbm>>) target(%dma_start3A_175 : memref<128x128xf32, #tpu.memory_space<vmem>>) offsets(%dma_start3A_178 : memref<128xi32, #tpu.memory_space<vmem>>) semaphore(%arg15 : memref<!tpu.dma_semaphore, #tpu.memory_space<semaphore_mem>>)
        } else {
        }
      } else {
      }
    }
    %scan3A_17 = arith.constant 14 : i32
    %sub3A_18 = arith.constant 1 : i32
    %sub3A_19 = arith.subi %min3A_5, %sub3A_18 : i32
    %sub3A_20 = arith.constant 1 : i32
    %sub3A_21 = arith.subi %min3A_5, %sub3A_20 : i32
    %sub3A_22 = arith.constant 0 : i32
    %sub3A_23 = arith.subi %sub3A_21, %sub3A_22 : i32
    %add3A_24 = arith.constant 6 : i32
    %add3A_25 = arith.addi %sub3A_23, %add3A_24 : i32
    %rem3A = arith.constant 3 : i32
    %rem3A_26 = arith.remsi %add3A_25, %rem3A : i32
    %sub3A_27 = arith.subi %sub3A_19, %rem3A_26 : i32
    %ge3A = arith.constant 0 : i32
    %ge3A_28 = arith.cmpi sge, %sub3A_27, %ge3A : i32
    %sub3A_29 = arith.constant 3 : i32
    %sub3A_30 = arith.subi %min3A_5, %sub3A_29 : i32
    %ge3A_31 = arith.cmpi sge, %sub3A_27, %sub3A_30 : i32
    %and3A = arith.andi %ge3A_28, %ge3A_31 : i1
    %convert_element_type3A_32 = arith.extui %and3A : i1 to i32
    %cond3A_33 = arith.constant 0 : i32
    %cond3A_34 = arith.cmpi ne, %convert_element_type3A_32, %cond3A_33 : i32
    scf.if %cond3A_34 {
      %add3A_75 = arith.addi %mul3A_2, %sub3A_27 : i32
      %mul3A_76 = arith.constant 128 : i32
      %mul3A_77 = arith.muli %add3A_75, %mul3A_76 : i32
      %dma_wait3A = arith.constant 0 : i32
      %dma_wait3A_78 = arith.constant 0 : i32
      %dma_wait3A_79 = arith.constant 0 : i32
      %dma_wait3A_80 = tpu.memref_slice %arg9[%dma_wait3A, %dma_wait3A_78, %dma_wait3A_79] : memref<3x128x128xf32, #tpu.memory_space<vmem>> -> memref<1x128x128xf32, #tpu.memory_space<vmem>>
      %dma_wait3A_81 = tpu.memref_squeeze %dma_wait3A_80 : memref<1x128x128xf32, #tpu.memory_space<vmem>> -> memref<128x128xf32, #tpu.memory_space<vmem>>
      %dma_wait3A_82 = arith.constant 0 : i32
      %dma_wait3A_83 = tpu.memref_slice %arg6[%mul3A_77, %dma_wait3A_82] : memref<160000x128xf32, #tpu.memory_space<hbm>> -> memref<128x128xf32, #tpu.memory_space<hbm>>
      %dma_wait3A_84 = arith.constant 0 : i32
      %dma_wait3A_85 = tpu.memref_slice %arg6[%mul3A_77, %dma_wait3A_84] : memref<160000x128xf32, #tpu.memory_space<hbm>> -> memref<128x128xf32, #tpu.memory_space<hbm>>
      %dma_wait3A_86 = arith.constant 0 : i32
      %dma_wait3A_87 = arith.constant 0 : i32
      %dma_wait3A_88 = tpu.memref_slice %arg9[%dma_wait3A, %dma_wait3A_86, %dma_wait3A_87] : memref<3x128x128xf32, #tpu.memory_space<vmem>> -> memref<1x128x128xf32, #tpu.memory_space<vmem>>
      %dma_wait3A_89 = tpu.memref_squeeze %dma_wait3A_88 : memref<1x128x128xf32, #tpu.memory_space<vmem>> -> memref<128x128xf32, #tpu.memory_space<vmem>>
      tpu.wait_dma2 semaphore(%arg17 : memref<!tpu.dma_semaphore, #tpu.memory_space<semaphore_mem>>) src(%dma_wait3A_89 : memref<128x128xf32, #tpu.memory_space<vmem>>) dst(%dma_wait3A_85 : memref<128x128xf32, #tpu.memory_space<hbm>>)
    } else {
    }
    %sub3A_35 = arith.constant 1 : i32
    %sub3A_36 = arith.subi %min3A_5, %sub3A_35 : i32
    %sub3A_37 = arith.constant 1 : i32
    %sub3A_38 = arith.subi %min3A_5, %sub3A_37 : i32
    %sub3A_39 = arith.constant 1 : i32
    %sub3A_40 = arith.subi %sub3A_38, %sub3A_39 : i32
    %add3A_41 = arith.constant 6 : i32
    %add3A_42 = arith.addi %sub3A_40, %add3A_41 : i32
    %rem3A_43 = arith.constant 3 : i32
    %rem3A_44 = arith.remsi %add3A_42, %rem3A_43 : i32
    %sub3A_45 = arith.subi %sub3A_36, %rem3A_44 : i32
    %ge3A_46 = arith.constant 0 : i32
    %ge3A_47 = arith.cmpi sge, %sub3A_45, %ge3A_46 : i32
    %sub3A_48 = arith.constant 3 : i32
    %sub3A_49 = arith.subi %min3A_5, %sub3A_48 : i32
    %ge3A_50 = arith.cmpi sge, %sub3A_45, %sub3A_49 : i32
    %and3A_51 = arith.andi %ge3A_47, %ge3A_50 : i1
    %convert_element_type3A_52 = arith.extui %and3A_51 : i1 to i32
    %cond3A_53 = arith.constant 0 : i32
    %cond3A_54 = arith.cmpi ne, %convert_element_type3A_52, %cond3A_53 : i32
    scf.if %cond3A_54 {
      %add3A_75 = arith.addi %mul3A_2, %sub3A_45 : i32
      %mul3A_76 = arith.constant 128 : i32
      %mul3A_77 = arith.muli %add3A_75, %mul3A_76 : i32
      %dma_wait3A = arith.constant 1 : i32
      %dma_wait3A_78 = arith.constant 0 : i32
      %dma_wait3A_79 = arith.constant 0 : i32
      %dma_wait3A_80 = tpu.memref_slice %arg9[%dma_wait3A, %dma_wait3A_78, %dma_wait3A_79] : memref<3x128x128xf32, #tpu.memory_space<vmem>> -> memref<1x128x128xf32, #tpu.memory_space<vmem>>
      %dma_wait3A_81 = tpu.memref_squeeze %dma_wait3A_80 : memref<1x128x128xf32, #tpu.memory_space<vmem>> -> memref<128x128xf32, #tpu.memory_space<vmem>>
      %dma_wait3A_82 = arith.constant 0 : i32
      %dma_wait3A_83 = tpu.memref_slice %arg6[%mul3A_77, %dma_wait3A_82] : memref<160000x128xf32, #tpu.memory_space<hbm>> -> memref<128x128xf32, #tpu.memory_space<hbm>>
      %dma_wait3A_84 = arith.constant 0 : i32
      %dma_wait3A_85 = tpu.memref_slice %arg6[%mul3A_77, %dma_wait3A_84] : memref<160000x128xf32, #tpu.memory_space<hbm>> -> memref<128x128xf32, #tpu.memory_space<hbm>>
      %dma_wait3A_86 = arith.constant 0 : i32
      %dma_wait3A_87 = arith.constant 0 : i32
      %dma_wait3A_88 = tpu.memref_slice %arg9[%dma_wait3A, %dma_wait3A_86, %dma_wait3A_87] : memref<3x128x128xf32, #tpu.memory_space<vmem>> -> memref<1x128x128xf32, #tpu.memory_space<vmem>>
      %dma_wait3A_89 = tpu.memref_squeeze %dma_wait3A_88 : memref<1x128x128xf32, #tpu.memory_space<vmem>> -> memref<128x128xf32, #tpu.memory_space<vmem>>
      tpu.wait_dma2 semaphore(%arg18 : memref<!tpu.dma_semaphore, #tpu.memory_space<semaphore_mem>>) src(%dma_wait3A_89 : memref<128x128xf32, #tpu.memory_space<vmem>>) dst(%dma_wait3A_85 : memref<128x128xf32, #tpu.memory_space<hbm>>)
    } else {
    }
    %sub3A_55 = arith.constant 1 : i32
    %sub3A_56 = arith.subi %min3A_5, %sub3A_55 : i32
    %sub3A_57 = arith.constant 1 : i32
    %sub3A_58 = arith.subi %min3A_5, %sub3A_57 : i32
    %sub3A_59 = arith.constant 2 : i32
    %sub3A_60 = arith.subi %sub3A_58, %sub3A_59 : i32
    %add3A_61 = arith.constant 6 : i32
    %add3A_62 = arith.addi %sub3A_60, %add3A_61 : i32
    %rem3A_63 = arith.constant 3 : i32
    %rem3A_64 = arith.remsi %add3A_62, %rem3A_63 : i32
    %sub3A_65 = arith.subi %sub3A_56, %rem3A_64 : i32
    %ge3A_66 = arith.constant 0 : i32
    %ge3A_67 = arith.cmpi sge, %sub3A_65, %ge3A_66 : i32
    %sub3A_68 = arith.constant 3 : i32
    %sub3A_69 = arith.subi %min3A_5, %sub3A_68 : i32
    %ge3A_70 = arith.cmpi sge, %sub3A_65, %sub3A_69 : i32
    %and3A_71 = arith.andi %ge3A_67, %ge3A_70 : i1
    %convert_element_type3A_72 = arith.extui %and3A_71 : i1 to i32
    %cond3A_73 = arith.constant 0 : i32
    %cond3A_74 = arith.cmpi ne, %convert_element_type3A_72, %cond3A_73 : i32
    scf.if %cond3A_74 {
      %add3A_75 = arith.addi %mul3A_2, %sub3A_65 : i32
      %mul3A_76 = arith.constant 128 : i32
      %mul3A_77 = arith.muli %add3A_75, %mul3A_76 : i32
      %dma_wait3A = arith.constant 2 : i32
      %dma_wait3A_78 = arith.constant 0 : i32
      %dma_wait3A_79 = arith.constant 0 : i32
      %dma_wait3A_80 = tpu.memref_slice %arg9[%dma_wait3A, %dma_wait3A_78, %dma_wait3A_79] : memref<3x128x128xf32, #tpu.memory_space<vmem>> -> memref<1x128x128xf32, #tpu.memory_space<vmem>>
      %dma_wait3A_81 = tpu.memref_squeeze %dma_wait3A_80 : memref<1x128x128xf32, #tpu.memory_space<vmem>> -> memref<128x128xf32, #tpu.memory_space<vmem>>
      %dma_wait3A_82 = arith.constant 0 : i32
      %dma_wait3A_83 = tpu.memref_slice %arg6[%mul3A_77, %dma_wait3A_82] : memref<160000x128xf32, #tpu.memory_space<hbm>> -> memref<128x128xf32, #tpu.memory_space<hbm>>
      %dma_wait3A_84 = arith.constant 0 : i32
      %dma_wait3A_85 = tpu.memref_slice %arg6[%mul3A_77, %dma_wait3A_84] : memref<160000x128xf32, #tpu.memory_space<hbm>> -> memref<128x128xf32, #tpu.memory_space<hbm>>
      %dma_wait3A_86 = arith.constant 0 : i32
      %dma_wait3A_87 = arith.constant 0 : i32
      %dma_wait3A_88 = tpu.memref_slice %arg9[%dma_wait3A, %dma_wait3A_86, %dma_wait3A_87] : memref<3x128x128xf32, #tpu.memory_space<vmem>> -> memref<1x128x128xf32, #tpu.memory_space<vmem>>
      %dma_wait3A_89 = tpu.memref_squeeze %dma_wait3A_88 : memref<1x128x128xf32, #tpu.memory_space<vmem>> -> memref<128x128xf32, #tpu.memory_space<vmem>>
      tpu.wait_dma2 semaphore(%arg19 : memref<!tpu.dma_semaphore, #tpu.memory_space<semaphore_mem>>) src(%dma_wait3A_89 : memref<128x128xf32, #tpu.memory_space<vmem>>) dst(%dma_wait3A_85 : memref<128x128xf32, #tpu.memory_space<hbm>>)
    } else {
    }
    return
  }
}

#map = affine_map<(d0, d1) -> (0, 0)>
#map1 = affine_map<(d0, d1) -> (0)>
#map2 = affine_map<(d0, d1) -> (0, 0, 0)>
module attributes {stable_mosaic.version = 14 : i64} {
  func.func @k(%arg0: i32, %arg1: i32, %arg2: memref<160000x128xf32, #tpu.memory_space<hbm>>, %arg3: memref<160000xi32, #tpu.memory_space<hbm>>, %arg4: memref<2x10000x128xf32, #tpu.memory_space<hbm>>, %arg5: memref<10000x128xf32, #tpu.memory_space<vmem_shared>>, %arg6: memref<2x128x128xf32, #tpu.memory_space<vmem>>, %arg7: memref<128xi32, #tpu.memory_space<vmem>>, %arg8: memref<128xi32, #tpu.memory_space<vmem>>, %arg9: memref<!tpu.dma_semaphore, #tpu.memory_space<semaphore_mem>>, %arg10: memref<!tpu.dma_semaphore, #tpu.memory_space<semaphore_mem>>, %arg11: memref<!tpu.dma_semaphore, #tpu.memory_space<semaphore_mem>>, %arg12: memref<!tpu.dma_semaphore, #tpu.memory_space<semaphore_mem>>) attributes {dimension_semantics = [#tpu.dimension_semantics<core_parallel>, #tpu.dimension_semantics<subcore_parallel>], iteration_bounds = array<i64: 2, 16>, scalar_prefetch = 0 : i64, scratch_operands = 8 : i64, tpu.core_type = #tpu.core_type<sc_vector_subcore>, window_params = [{transform_indices = #map}, {transform_indices = #map1}, {transform_indices = #map2}]} {
    %mul3A = arith.constant 2 : i32
    %mul3A_0 = arith.muli %arg1, %mul3A : i32
    %add3A = arith.addi %mul3A_0, %arg0 : i32
    %mul3A_1 = arith.constant 40 : i32
    %mul3A_2 = arith.muli %add3A, %mul3A_1 : i32
    %sub3A = arith.constant 1250 : i32
    %sub3A_3 = arith.subi %sub3A, %mul3A_2 : i32
    %max3A = arith.constant 0 : i32
    %max3A_4 = arith.maxsi %sub3A_3, %max3A : i32
    %min3A = arith.constant 40 : i32
    %min3A_5 = arith.minsi %max3A_4, %min3A : i32
    %scan3A = arith.constant 0 : i32
    %scan3A_6 = arith.constant 0 : i32
    %scan3A_7 = arith.constant 128 : i32
    %scan3A_8 = arith.addi %scan3A_6, %scan3A_7 : i32
    %scan3A_9 = arith.constant 1 : i32
    scf.for %scan3A_53 = %scan3A_6 to %scan3A_8 step %scan3A_9  : i32 {
      %broadcast_in_dim3A = arith.constant 0.000000e+00 : f32
      %broadcast_in_dim3A_54 = vector.broadcast %broadcast_in_dim3A : f32 to vector<16xf32>
      %swap3A = arith.constant 0 : i32
      %swap3A_55 = arith.index_cast %swap3A : i32 to index
      %swap3A_56 = arith.index_cast %scan3A_53 : i32 to index
      %swap3A_57 = arith.constant 0 : index
      %swap3A_58 = tpu.vector_load %arg6[%swap3A_55, %swap3A_56, %swap3A_57] {strides = array<i32>} : memref<2x128x128xf32, #tpu.memory_space<vmem>>, vector<1x1x16xf32>,
      %swap3A_59 = vector.shape_cast %swap3A_58 : vector<1x1x16xf32> to vector<16xf32>
      %swap3A_60 = vector.shape_cast %broadcast_in_dim3A_54 : vector<16xf32> to vector<1x1x16xf32>
      tpu.vector_store %arg6[%swap3A_55, %swap3A_56, %swap3A_57], %swap3A_60 {strides = array<i32>} : memref<2x128x128xf32, #tpu.memory_space<vmem>>, vector<1x1x16xf32>,
      %broadcast_in_dim3A_61 = arith.constant 0.000000e+00 : f32
      %broadcast_in_dim3A_62 = vector.broadcast %broadcast_in_dim3A_61 : f32 to vector<16xf32>
      %swap3A_63 = arith.constant 0 : i32
      %swap3A_64 = arith.index_cast %swap3A_63 : i32 to index
      %swap3A_65 = arith.index_cast %scan3A_53 : i32 to index
      %swap3A_66 = arith.constant 16 : index
      %swap3A_67 = tpu.vector_load %arg6[%swap3A_64, %swap3A_65, %swap3A_66] {strides = array<i32>} : memref<2x128x128xf32, #tpu.memory_space<vmem>>, vector<1x1x16xf32>,
      %swap3A_68 = vector.shape_cast %swap3A_67 : vector<1x1x16xf32> to vector<16xf32>
      %swap3A_69 = vector.shape_cast %broadcast_in_dim3A_62 : vector<16xf32> to vector<1x1x16xf32>
      tpu.vector_store %arg6[%swap3A_64, %swap3A_65, %swap3A_66], %swap3A_69 {strides = array<i32>} : memref<2x128x128xf32, #tpu.memory_space<vmem>>, vector<1x1x16xf32>,
      %broadcast_in_dim3A_70 = arith.constant 0.000000e+00 : f32
      %broadcast_in_dim3A_71 = vector.broadcast %broadcast_in_dim3A_70 : f32 to vector<16xf32>
      %swap3A_72 = arith.constant 0 : i32
      %swap3A_73 = arith.index_cast %swap3A_72 : i32 to index
      %swap3A_74 = arith.index_cast %scan3A_53 : i32 to index
      %swap3A_75 = arith.constant 32 : index
      %swap3A_76 = tpu.vector_load %arg6[%swap3A_73, %swap3A_74, %swap3A_75] {strides = array<i32>} : memref<2x128x128xf32, #tpu.memory_space<vmem>>, vector<1x1x16xf32>,
      %swap3A_77 = vector.shape_cast %swap3A_76 : vector<1x1x16xf32> to vector<16xf32>
      %swap3A_78 = vector.shape_cast %broadcast_in_dim3A_71 : vector<16xf32> to vector<1x1x16xf32>
      tpu.vector_store %arg6[%swap3A_73, %swap3A_74, %swap3A_75], %swap3A_78 {strides = array<i32>} : memref<2x128x128xf32, #tpu.memory_space<vmem>>, vector<1x1x16xf32>,
      %broadcast_in_dim3A_79 = arith.constant 0.000000e+00 : f32
      %broadcast_in_dim3A_80 = vector.broadcast %broadcast_in_dim3A_79 : f32 to vector<16xf32>
      %swap3A_81 = arith.constant 0 : i32
      %swap3A_82 = arith.index_cast %swap3A_81 : i32 to index
      %swap3A_83 = arith.index_cast %scan3A_53 : i32 to index
      %swap3A_84 = arith.constant 48 : index
      %swap3A_85 = tpu.vector_load %arg6[%swap3A_82, %swap3A_83, %swap3A_84] {strides = array<i32>} : memref<2x128x128xf32, #tpu.memory_space<vmem>>, vector<1x1x16xf32>,
      %swap3A_86 = vector.shape_cast %swap3A_85 : vector<1x1x16xf32> to vector<16xf32>
      %swap3A_87 = vector.shape_cast %broadcast_in_dim3A_80 : vector<16xf32> to vector<1x1x16xf32>
      tpu.vector_store %arg6[%swap3A_82, %swap3A_83, %swap3A_84], %swap3A_87 {strides = array<i32>} : memref<2x128x128xf32, #tpu.memory_space<vmem>>, vector<1x1x16xf32>,
      %broadcast_in_dim3A_88 = arith.constant 0.000000e+00 : f32
      %broadcast_in_dim3A_89 = vector.broadcast %broadcast_in_dim3A_88 : f32 to vector<16xf32>
      %swap3A_90 = arith.constant 0 : i32
      %swap3A_91 = arith.index_cast %swap3A_90 : i32 to index
      %swap3A_92 = arith.index_cast %scan3A_53 : i32 to index
      %swap3A_93 = arith.constant 64 : index
      %swap3A_94 = tpu.vector_load %arg6[%swap3A_91, %swap3A_92, %swap3A_93] {strides = array<i32>} : memref<2x128x128xf32, #tpu.memory_space<vmem>>, vector<1x1x16xf32>,
      %swap3A_95 = vector.shape_cast %swap3A_94 : vector<1x1x16xf32> to vector<16xf32>
      %swap3A_96 = vector.shape_cast %broadcast_in_dim3A_89 : vector<16xf32> to vector<1x1x16xf32>
      tpu.vector_store %arg6[%swap3A_91, %swap3A_92, %swap3A_93], %swap3A_96 {strides = array<i32>} : memref<2x128x128xf32, #tpu.memory_space<vmem>>, vector<1x1x16xf32>,
      %broadcast_in_dim3A_97 = arith.constant 0.000000e+00 : f32
      %broadcast_in_dim3A_98 = vector.broadcast %broadcast_in_dim3A_97 : f32 to vector<16xf32>
      %swap3A_99 = arith.constant 0 : i32
      %swap3A_100 = arith.index_cast %swap3A_99 : i32 to index
      %swap3A_101 = arith.index_cast %scan3A_53 : i32 to index
      %swap3A_102 = arith.constant 80 : index
      %swap3A_103 = tpu.vector_load %arg6[%swap3A_100, %swap3A_101, %swap3A_102] {strides = array<i32>} : memref<2x128x128xf32, #tpu.memory_space<vmem>>, vector<1x1x16xf32>,
      %swap3A_104 = vector.shape_cast %swap3A_103 : vector<1x1x16xf32> to vector<16xf32>
      %swap3A_105 = vector.shape_cast %broadcast_in_dim3A_98 : vector<16xf32> to vector<1x1x16xf32>
      tpu.vector_store %arg6[%swap3A_100, %swap3A_101, %swap3A_102], %swap3A_105 {strides = array<i32>} : memref<2x128x128xf32, #tpu.memory_space<vmem>>, vector<1x1x16xf32>,
      %broadcast_in_dim3A_106 = arith.constant 0.000000e+00 : f32
      %broadcast_in_dim3A_107 = vector.broadcast %broadcast_in_dim3A_106 : f32 to vector<16xf32>
      %swap3A_108 = arith.constant 0 : i32
      %swap3A_109 = arith.index_cast %swap3A_108 : i32 to index
      %swap3A_110 = arith.index_cast %scan3A_53 : i32 to index
      %swap3A_111 = arith.constant 96 : index
      %swap3A_112 = tpu.vector_load %arg6[%swap3A_109, %swap3A_110, %swap3A_111] {strides = array<i32>} : memref<2x128x128xf32, #tpu.memory_space<vmem>>, vector<1x1x16xf32>,
      %swap3A_113 = vector.shape_cast %swap3A_112 : vector<1x1x16xf32> to vector<16xf32>
      %swap3A_114 = vector.shape_cast %broadcast_in_dim3A_107 : vector<16xf32> to vector<1x1x16xf32>
      tpu.vector_store %arg6[%swap3A_109, %swap3A_110, %swap3A_111], %swap3A_114 {strides = array<i32>} : memref<2x128x128xf32, #tpu.memory_space<vmem>>, vector<1x1x16xf32>,
      %broadcast_in_dim3A_115 = arith.constant 0.000000e+00 : f32
      %broadcast_in_dim3A_116 = vector.broadcast %broadcast_in_dim3A_115 : f32 to vector<16xf32>
      %swap3A_117 = arith.constant 0 : i32
      %swap3A_118 = arith.index_cast %swap3A_117 : i32 to index
      %swap3A_119 = arith.index_cast %scan3A_53 : i32 to index
      %swap3A_120 = arith.constant 112 : index
      %swap3A_121 = tpu.vector_load %arg6[%swap3A_118, %swap3A_119, %swap3A_120] {strides = array<i32>} : memref<2x128x128xf32, #tpu.memory_space<vmem>>, vector<1x1x16xf32>,
      %swap3A_122 = vector.shape_cast %swap3A_121 : vector<1x1x16xf32> to vector<16xf32>
      %swap3A_123 = vector.shape_cast %broadcast_in_dim3A_116 : vector<16xf32> to vector<1x1x16xf32>
      tpu.vector_store %arg6[%swap3A_118, %swap3A_119, %swap3A_120], %swap3A_123 {strides = array<i32>} : memref<2x128x128xf32, #tpu.memory_space<vmem>>, vector<1x1x16xf32>,
    }
    %scan3A_10 = arith.constant 128 : i32
    %mul3A_11 = arith.constant 624 : i32
    %mul3A_12 = arith.muli %arg1, %mul3A_11 : i32
    %add3A_13 = arith.constant 0 : i32
    %add3A_14 = arith.addi %mul3A_12, %add3A_13 : i32
    %run_scoped3A = arith.constant 0 : i32
    "tpu.region"() ({
      %run_scoped3A_53 = tpu.sem_alloc : memref<!tpu.dma_semaphore, #tpu.memory_space<semaphore_mem>>
      %dma_start3A = arith.constant 0 : i32
      %dma_start3A_54 = arith.constant 0 : i32
      %dma_start3A_55 = tpu.memref_slice %arg6[%run_scoped3A, %dma_start3A, %dma_start3A_54] : memref<2x128x128xf32, #tpu.memory_space<vmem>> -> memref<1x128x128xf32, #tpu.memory_space<vmem>>
      %dma_start3A_56 = tpu.memref_squeeze %dma_start3A_55 : memref<1x128x128xf32, #tpu.memory_space<vmem>> -> memref<128x128xf32, #tpu.memory_space<vmem>>
      %dma_start3A_57 = arith.constant 0 : i32
      %dma_start3A_58 = tpu.memref_slice %arg5[%add3A_14, %dma_start3A_57] : memref<10000x128xf32, #tpu.memory_space<vmem_shared>> -> memref<128x128xf32, #tpu.memory_space<vmem_shared>>
      %dma_start3A_59 = arith.constant 0 : i32
      %dma_start3A_60 = tpu.memref_slice %arg5[%add3A_14, %dma_start3A_59] : memref<10000x128xf32, #tpu.memory_space<vmem_shared>> -> memref<128x128xf32, #tpu.memory_space<vmem_shared>>
      %dma_start3A_61 = arith.constant 0 : i32
      %dma_start3A_62 = arith.constant 0 : i32
      %dma_start3A_63 = tpu.memref_slice %arg6[%run_scoped3A, %dma_start3A_61, %dma_start3A_62] : memref<2x128x128xf32, #tpu.memory_space<vmem>> -> memref<1x128x128xf32, #tpu.memory_space<vmem>>
      %dma_start3A_64 = tpu.memref_squeeze %dma_start3A_63 : memref<1x128x128xf32, #tpu.memory_space<vmem>> -> memref<128x128xf32, #tpu.memory_space<vmem>>
      tpu.enqueue_dma source(%dma_start3A_64 : memref<128x128xf32, #tpu.memory_space<vmem>>) target(%dma_start3A_60 : memref<128x128xf32, #tpu.memory_space<vmem_shared>>) target_semaphore(%run_scoped3A_53 : memref<!tpu.dma_semaphore, #tpu.memory_space<semaphore_mem>>)
      %dma_wait3A = arith.constant 0 : i32
      %dma_wait3A_65 = arith.constant 0 : i32
      %dma_wait3A_66 = tpu.memref_slice %arg6[%run_scoped3A, %dma_wait3A, %dma_wait3A_65] : memref<2x128x128xf32, #tpu.memory_space<vmem>> -> memref<1x128x128xf32, #tpu.memory_space<vmem>>
      %dma_wait3A_67 = tpu.memref_squeeze %dma_wait3A_66 : memref<1x128x128xf32, #tpu.memory_space<vmem>> -> memref<128x128xf32, #tpu.memory_space<vmem>>
      %dma_wait3A_68 = arith.constant 0 : i32
      %dma_wait3A_69 = tpu.memref_slice %arg5[%add3A_14, %dma_wait3A_68] : memref<10000x128xf32, #tpu.memory_space<vmem_shared>> -> memref<128x128xf32, #tpu.memory_space<vmem_shared>>
      %dma_wait3A_70 = arith.constant 0 : i32
      %dma_wait3A_71 = tpu.memref_slice %arg5[%add3A_14, %dma_wait3A_70] : memref<10000x128xf32, #tpu.memory_space<vmem_shared>> -> memref<128x128xf32, #tpu.memory_space<vmem_shared>>
      %dma_wait3A_72 = arith.constant 0 : i32
      %dma_wait3A_73 = arith.constant 0 : i32
      %dma_wait3A_74 = tpu.memref_slice %arg6[%run_scoped3A, %dma_wait3A_72, %dma_wait3A_73] : memref<2x128x128xf32, #tpu.memory_space<vmem>> -> memref<1x128x128xf32, #tpu.memory_space<vmem>>
      %dma_wait3A_75 = tpu.memref_squeeze %dma_wait3A_74 : memref<1x128x128xf32, #tpu.memory_space<vmem>> -> memref<128x128xf32, #tpu.memory_space<vmem>>
      tpu.wait_dma2 semaphore(%run_scoped3A_53 : memref<!tpu.dma_semaphore, #tpu.memory_space<semaphore_mem>>) src(%dma_wait3A_75 : memref<128x128xf32, #tpu.memory_space<vmem>>) dst(%dma_wait3A_71 : memref<128x128xf32, #tpu.memory_space<vmem_shared>>)
      tpu.yield
    }) : () -> ()
    %mul3A_15 = arith.constant 624 : i32
    %mul3A_16 = arith.muli %arg1, %mul3A_15 : i32
    %add3A_17 = arith.constant 128 : i32
    %add3A_18 = arith.addi %mul3A_16, %add3A_17 : i32
    %run_scoped3A_19 = arith.constant 0 : i32
    "tpu.region"() ({
      %run_scoped3A_53 = tpu.sem_alloc : memref<!tpu.dma_semaphore, #tpu.memory_space<semaphore_mem>>
      %dma_start3A = arith.constant 0 : i32
      %dma_start3A_54 = arith.constant 0 : i32
      %dma_start3A_55 = tpu.memref_slice %arg6[%run_scoped3A_19, %dma_start3A, %dma_start3A_54] : memref<2x128x128xf32, #tpu.memory_space<vmem>> -> memref<1x128x128xf32, #tpu.memory_space<vmem>>
      %dma_start3A_56 = tpu.memref_squeeze %dma_start3A_55 : memref<1x128x128xf32, #tpu.memory_space<vmem>> -> memref<128x128xf32, #tpu.memory_space<vmem>>
      %dma_start3A_57 = arith.constant 0 : i32
      %dma_start3A_58 = tpu.memref_slice %arg5[%add3A_18, %dma_start3A_57] : memref<10000x128xf32, #tpu.memory_space<vmem_shared>> -> memref<128x128xf32, #tpu.memory_space<vmem_shared>>
      %dma_start3A_59 = arith.constant 0 : i32
      %dma_start3A_60 = tpu.memref_slice %arg5[%add3A_18, %dma_start3A_59] : memref<10000x128xf32, #tpu.memory_space<vmem_shared>> -> memref<128x128xf32, #tpu.memory_space<vmem_shared>>
      %dma_start3A_61 = arith.constant 0 : i32
      %dma_start3A_62 = arith.constant 0 : i32
      %dma_start3A_63 = tpu.memref_slice %arg6[%run_scoped3A_19, %dma_start3A_61, %dma_start3A_62] : memref<2x128x128xf32, #tpu.memory_space<vmem>> -> memref<1x128x128xf32, #tpu.memory_space<vmem>>
      %dma_start3A_64 = tpu.memref_squeeze %dma_start3A_63 : memref<1x128x128xf32, #tpu.memory_space<vmem>> -> memref<128x128xf32, #tpu.memory_space<vmem>>
      tpu.enqueue_dma source(%dma_start3A_64 : memref<128x128xf32, #tpu.memory_space<vmem>>) target(%dma_start3A_60 : memref<128x128xf32, #tpu.memory_space<vmem_shared>>) target_semaphore(%run_scoped3A_53 : memref<!tpu.dma_semaphore, #tpu.memory_space<semaphore_mem>>)
      %dma_wait3A = arith.constant 0 : i32
      %dma_wait3A_65 = arith.constant 0 : i32
      %dma_wait3A_66 = tpu.memref_slice %arg6[%run_scoped3A_19, %dma_wait3A, %dma_wait3A_65] : memref<2x128x128xf32, #tpu.memory_space<vmem>> -> memref<1x128x128xf32, #tpu.memory_space<vmem>>
      %dma_wait3A_67 = tpu.memref_squeeze %dma_wait3A_66 : memref<1x128x128xf32, #tpu.memory_space<vmem>> -> memref<128x128xf32, #tpu.memory_space<vmem>>
      %dma_wait3A_68 = arith.constant 0 : i32
      %dma_wait3A_69 = tpu.memref_slice %arg5[%add3A_18, %dma_wait3A_68] : memref<10000x128xf32, #tpu.memory_space<vmem_shared>> -> memref<128x128xf32, #tpu.memory_space<vmem_shared>>
      %dma_wait3A_70 = arith.constant 0 : i32
      %dma_wait3A_71 = tpu.memref_slice %arg5[%add3A_18, %dma_wait3A_70] : memref<10000x128xf32, #tpu.memory_space<vmem_shared>> -> memref<128x128xf32, #tpu.memory_space<vmem_shared>>
      %dma_wait3A_72 = arith.constant 0 : i32
      %dma_wait3A_73 = arith.constant 0 : i32
      %dma_wait3A_74 = tpu.memref_slice %arg6[%run_scoped3A_19, %dma_wait3A_72, %dma_wait3A_73] : memref<2x128x128xf32, #tpu.memory_space<vmem>> -> memref<1x128x128xf32, #tpu.memory_space<vmem>>
      %dma_wait3A_75 = tpu.memref_squeeze %dma_wait3A_74 : memref<1x128x128xf32, #tpu.memory_space<vmem>> -> memref<128x128xf32, #tpu.memory_space<vmem>>
      tpu.wait_dma2 semaphore(%run_scoped3A_53 : memref<!tpu.dma_semaphore, #tpu.memory_space<semaphore_mem>>) src(%dma_wait3A_75 : memref<128x128xf32, #tpu.memory_space<vmem>>) dst(%dma_wait3A_71 : memref<128x128xf32, #tpu.memory_space<vmem_shared>>)
      tpu.yield
    }) : () -> ()
    %mul3A_20 = arith.constant 624 : i32
    %mul3A_21 = arith.muli %arg1, %mul3A_20 : i32
    %add3A_22 = arith.constant 256 : i32
    %add3A_23 = arith.addi %mul3A_21, %add3A_22 : i32
    %run_scoped3A_24 = arith.constant 0 : i32
    "tpu.region"() ({
      %run_scoped3A_53 = tpu.sem_alloc : memref<!tpu.dma_semaphore, #tpu.memory_space<semaphore_mem>>
      %dma_start3A = arith.constant 0 : i32
      %dma_start3A_54 = arith.constant 0 : i32
      %dma_start3A_55 = tpu.memref_slice %arg6[%run_scoped3A_24, %dma_start3A, %dma_start3A_54] : memref<2x128x128xf32, #tpu.memory_space<vmem>> -> memref<1x128x128xf32, #tpu.memory_space<vmem>>
      %dma_start3A_56 = tpu.memref_squeeze %dma_start3A_55 : memref<1x128x128xf32, #tpu.memory_space<vmem>> -> memref<128x128xf32, #tpu.memory_space<vmem>>
      %dma_start3A_57 = arith.constant 0 : i32
      %dma_start3A_58 = tpu.memref_slice %arg5[%add3A_23, %dma_start3A_57] : memref<10000x128xf32, #tpu.memory_space<vmem_shared>> -> memref<128x128xf32, #tpu.memory_space<vmem_shared>>
      %dma_start3A_59 = arith.constant 0 : i32
      %dma_start3A_60 = tpu.memref_slice %arg5[%add3A_23, %dma_start3A_59] : memref<10000x128xf32, #tpu.memory_space<vmem_shared>> -> memref<128x128xf32, #tpu.memory_space<vmem_shared>>
      %dma_start3A_61 = arith.constant 0 : i32
      %dma_start3A_62 = arith.constant 0 : i32
      %dma_start3A_63 = tpu.memref_slice %arg6[%run_scoped3A_24, %dma_start3A_61, %dma_start3A_62] : memref<2x128x128xf32, #tpu.memory_space<vmem>> -> memref<1x128x128xf32, #tpu.memory_space<vmem>>
      %dma_start3A_64 = tpu.memref_squeeze %dma_start3A_63 : memref<1x128x128xf32, #tpu.memory_space<vmem>> -> memref<128x128xf32, #tpu.memory_space<vmem>>
      tpu.enqueue_dma source(%dma_start3A_64 : memref<128x128xf32, #tpu.memory_space<vmem>>) target(%dma_start3A_60 : memref<128x128xf32, #tpu.memory_space<vmem_shared>>) target_semaphore(%run_scoped3A_53 : memref<!tpu.dma_semaphore, #tpu.memory_space<semaphore_mem>>)
      %dma_wait3A = arith.constant 0 : i32
      %dma_wait3A_65 = arith.constant 0 : i32
      %dma_wait3A_66 = tpu.memref_slice %arg6[%run_scoped3A_24, %dma_wait3A, %dma_wait3A_65] : memref<2x128x128xf32, #tpu.memory_space<vmem>> -> memref<1x128x128xf32, #tpu.memory_space<vmem>>
      %dma_wait3A_67 = tpu.memref_squeeze %dma_wait3A_66 : memref<1x128x128xf32, #tpu.memory_space<vmem>> -> memref<128x128xf32, #tpu.memory_space<vmem>>
      %dma_wait3A_68 = arith.constant 0 : i32
      %dma_wait3A_69 = tpu.memref_slice %arg5[%add3A_23, %dma_wait3A_68] : memref<10000x128xf32, #tpu.memory_space<vmem_shared>> -> memref<128x128xf32, #tpu.memory_space<vmem_shared>>
      %dma_wait3A_70 = arith.constant 0 : i32
      %dma_wait3A_71 = tpu.memref_slice %arg5[%add3A_23, %dma_wait3A_70] : memref<10000x128xf32, #tpu.memory_space<vmem_shared>> -> memref<128x128xf32, #tpu.memory_space<vmem_shared>>
      %dma_wait3A_72 = arith.constant 0 : i32
      %dma_wait3A_73 = arith.constant 0 : i32
      %dma_wait3A_74 = tpu.memref_slice %arg6[%run_scoped3A_24, %dma_wait3A_72, %dma_wait3A_73] : memref<2x128x128xf32, #tpu.memory_space<vmem>> -> memref<1x128x128xf32, #tpu.memory_space<vmem>>
      %dma_wait3A_75 = tpu.memref_squeeze %dma_wait3A_74 : memref<1x128x128xf32, #tpu.memory_space<vmem>> -> memref<128x128xf32, #tpu.memory_space<vmem>>
      tpu.wait_dma2 semaphore(%run_scoped3A_53 : memref<!tpu.dma_semaphore, #tpu.memory_space<semaphore_mem>>) src(%dma_wait3A_75 : memref<128x128xf32, #tpu.memory_space<vmem>>) dst(%dma_wait3A_71 : memref<128x128xf32, #tpu.memory_space<vmem_shared>>)
      tpu.yield
    }) : () -> ()
    %mul3A_25 = arith.constant 624 : i32
    %mul3A_26 = arith.muli %arg1, %mul3A_25 : i32
    %add3A_27 = arith.constant 384 : i32
    %add3A_28 = arith.addi %mul3A_26, %add3A_27 : i32
    %run_scoped3A_29 = arith.constant 0 : i32
    "tpu.region"() ({
      %run_scoped3A_53 = tpu.sem_alloc : memref<!tpu.dma_semaphore, #tpu.memory_space<semaphore_mem>>
      %dma_start3A = arith.constant 0 : i32
      %dma_start3A_54 = arith.constant 0 : i32
      %dma_start3A_55 = tpu.memref_slice %arg6[%run_scoped3A_29, %dma_start3A, %dma_start3A_54] : memref<2x128x128xf32, #tpu.memory_space<vmem>> -> memref<1x128x128xf32, #tpu.memory_space<vmem>>
      %dma_start3A_56 = tpu.memref_squeeze %dma_start3A_55 : memref<1x128x128xf32, #tpu.memory_space<vmem>> -> memref<128x128xf32, #tpu.memory_space<vmem>>
      %dma_start3A_57 = arith.constant 0 : i32
      %dma_start3A_58 = tpu.memref_slice %arg5[%add3A_28, %dma_start3A_57] : memref<10000x128xf32, #tpu.memory_space<vmem_shared>> -> memref<128x128xf32, #tpu.memory_space<vmem_shared>>
      %dma_start3A_59 = arith.constant 0 : i32
      %dma_start3A_60 = tpu.memref_slice %arg5[%add3A_28, %dma_start3A_59] : memref<10000x128xf32, #tpu.memory_space<vmem_shared>> -> memref<128x128xf32, #tpu.memory_space<vmem_shared>>
      %dma_start3A_61 = arith.constant 0 : i32
      %dma_start3A_62 = arith.constant 0 : i32
      %dma_start3A_63 = tpu.memref_slice %arg6[%run_scoped3A_29, %dma_start3A_61, %dma_start3A_62] : memref<2x128x128xf32, #tpu.memory_space<vmem>> -> memref<1x128x128xf32, #tpu.memory_space<vmem>>
      %dma_start3A_64 = tpu.memref_squeeze %dma_start3A_63 : memref<1x128x128xf32, #tpu.memory_space<vmem>> -> memref<128x128xf32, #tpu.memory_space<vmem>>
      tpu.enqueue_dma source(%dma_start3A_64 : memref<128x128xf32, #tpu.memory_space<vmem>>) target(%dma_start3A_60 : memref<128x128xf32, #tpu.memory_space<vmem_shared>>) target_semaphore(%run_scoped3A_53 : memref<!tpu.dma_semaphore, #tpu.memory_space<semaphore_mem>>)
      %dma_wait3A = arith.constant 0 : i32
      %dma_wait3A_65 = arith.constant 0 : i32
      %dma_wait3A_66 = tpu.memref_slice %arg6[%run_scoped3A_29, %dma_wait3A, %dma_wait3A_65] : memref<2x128x128xf32, #tpu.memory_space<vmem>> -> memref<1x128x128xf32, #tpu.memory_space<vmem>>
      %dma_wait3A_67 = tpu.memref_squeeze %dma_wait3A_66 : memref<1x128x128xf32, #tpu.memory_space<vmem>> -> memref<128x128xf32, #tpu.memory_space<vmem>>
      %dma_wait3A_68 = arith.constant 0 : i32
      %dma_wait3A_69 = tpu.memref_slice %arg5[%add3A_28, %dma_wait3A_68] : memref<10000x128xf32, #tpu.memory_space<vmem_shared>> -> memref<128x128xf32, #tpu.memory_space<vmem_shared>>
      %dma_wait3A_70 = arith.constant 0 : i32
      %dma_wait3A_71 = tpu.memref_slice %arg5[%add3A_28, %dma_wait3A_70] : memref<10000x128xf32, #tpu.memory_space<vmem_shared>> -> memref<128x128xf32, #tpu.memory_space<vmem_shared>>
      %dma_wait3A_72 = arith.constant 0 : i32
      %dma_wait3A_73 = arith.constant 0 : i32
      %dma_wait3A_74 = tpu.memref_slice %arg6[%run_scoped3A_29, %dma_wait3A_72, %dma_wait3A_73] : memref<2x128x128xf32, #tpu.memory_space<vmem>> -> memref<1x128x128xf32, #tpu.memory_space<vmem>>
      %dma_wait3A_75 = tpu.memref_squeeze %dma_wait3A_74 : memref<1x128x128xf32, #tpu.memory_space<vmem>> -> memref<128x128xf32, #tpu.memory_space<vmem>>
      tpu.wait_dma2 semaphore(%run_scoped3A_53 : memref<!tpu.dma_semaphore, #tpu.memory_space<semaphore_mem>>) src(%dma_wait3A_75 : memref<128x128xf32, #tpu.memory_space<vmem>>) dst(%dma_wait3A_71 : memref<128x128xf32, #tpu.memory_space<vmem_shared>>)
      tpu.yield
    }) : () -> ()
    %mul3A_30 = arith.constant 624 : i32
    %mul3A_31 = arith.muli %arg1, %mul3A_30 : i32
    %add3A_32 = arith.constant 512 : i32
    %add3A_33 = arith.addi %mul3A_31, %add3A_32 : i32
    %run_scoped3A_34 = arith.constant 0 : i32
    "tpu.region"() ({
      %run_scoped3A_53 = tpu.sem_alloc : memref<!tpu.dma_semaphore, #tpu.memory_space<semaphore_mem>>
      %dma_start3A = arith.constant 0 : i32
      %dma_start3A_54 = arith.constant 0 : i32
      %dma_start3A_55 = tpu.memref_slice %arg6[%run_scoped3A_34, %dma_start3A, %dma_start3A_54] : memref<2x128x128xf32, #tpu.memory_space<vmem>> -> memref<1x128x128xf32, #tpu.memory_space<vmem>>
      %dma_start3A_56 = tpu.memref_squeeze %dma_start3A_55 : memref<1x128x128xf32, #tpu.memory_space<vmem>> -> memref<128x128xf32, #tpu.memory_space<vmem>>
      %dma_start3A_57 = arith.constant 0 : i32
      %dma_start3A_58 = tpu.memref_slice %arg5[%add3A_33, %dma_start3A_57] : memref<10000x128xf32, #tpu.memory_space<vmem_shared>> -> memref<128x128xf32, #tpu.memory_space<vmem_shared>>
      %dma_start3A_59 = arith.constant 0 : i32
      %dma_start3A_60 = tpu.memref_slice %arg5[%add3A_33, %dma_start3A_59] : memref<10000x128xf32, #tpu.memory_space<vmem_shared>> -> memref<128x128xf32, #tpu.memory_space<vmem_shared>>
      %dma_start3A_61 = arith.constant 0 : i32
      %dma_start3A_62 = arith.constant 0 : i32
      %dma_start3A_63 = tpu.memref_slice %arg6[%run_scoped3A_34, %dma_start3A_61, %dma_start3A_62] : memref<2x128x128xf32, #tpu.memory_space<vmem>> -> memref<1x128x128xf32, #tpu.memory_space<vmem>>
      %dma_start3A_64 = tpu.memref_squeeze %dma_start3A_63 : memref<1x128x128xf32, #tpu.memory_space<vmem>> -> memref<128x128xf32, #tpu.memory_space<vmem>>
      tpu.enqueue_dma source(%dma_start3A_64 : memref<128x128xf32, #tpu.memory_space<vmem>>) target(%dma_start3A_60 : memref<128x128xf32, #tpu.memory_space<vmem_shared>>) target_semaphore(%run_scoped3A_53 : memref<!tpu.dma_semaphore, #tpu.memory_space<semaphore_mem>>)
      %dma_wait3A = arith.constant 0 : i32
      %dma_wait3A_65 = arith.constant 0 : i32
      %dma_wait3A_66 = tpu.memref_slice %arg6[%run_scoped3A_34, %dma_wait3A, %dma_wait3A_65] : memref<2x128x128xf32, #tpu.memory_space<vmem>> -> memref<1x128x128xf32, #tpu.memory_space<vmem>>
      %dma_wait3A_67 = tpu.memref_squeeze %dma_wait3A_66 : memref<1x128x128xf32, #tpu.memory_space<vmem>> -> memref<128x128xf32, #tpu.memory_space<vmem>>
      %dma_wait3A_68 = arith.constant 0 : i32
      %dma_wait3A_69 = tpu.memref_slice %arg5[%add3A_33, %dma_wait3A_68] : memref<10000x128xf32, #tpu.memory_space<vmem_shared>> -> memref<128x128xf32, #tpu.memory_space<vmem_shared>>
      %dma_wait3A_70 = arith.constant 0 : i32
      %dma_wait3A_71 = tpu.memref_slice %arg5[%add3A_33, %dma_wait3A_70] : memref<10000x128xf32, #tpu.memory_space<vmem_shared>> -> memref<128x128xf32, #tpu.memory_space<vmem_shared>>
      %dma_wait3A_72 = arith.constant 0 : i32
      %dma_wait3A_73 = arith.constant 0 : i32
      %dma_wait3A_74 = tpu.memref_slice %arg6[%run_scoped3A_34, %dma_wait3A_72, %dma_wait3A_73] : memref<2x128x128xf32, #tpu.memory_space<vmem>> -> memref<1x128x128xf32, #tpu.memory_space<vmem>>
      %dma_wait3A_75 = tpu.memref_squeeze %dma_wait3A_74 : memref<1x128x128xf32, #tpu.memory_space<vmem>> -> memref<128x128xf32, #tpu.memory_space<vmem>>
      tpu.wait_dma2 semaphore(%run_scoped3A_53 : memref<!tpu.dma_semaphore, #tpu.memory_space<semaphore_mem>>) src(%dma_wait3A_75 : memref<128x128xf32, #tpu.memory_space<vmem>>) dst(%dma_wait3A_71 : memref<128x128xf32, #tpu.memory_space<vmem_shared>>)
      tpu.yield
    }) : () -> ()
    %barrier3A = arith.constant 0 : index
    tpu.barrier barrier_id(%barrier3A)
    %gt3A = arith.constant 0 : i32
    %gt3A_35 = arith.cmpi sgt, %min3A_5, %gt3A : i32
    %convert_element_type3A = arith.extui %gt3A_35 : i1 to i32
    %cond3A = arith.constant 0 : i32
    %cond3A_36 = arith.cmpi ne, %convert_element_type3A, %cond3A : i32
    scf.if %cond3A_36 {
      %add3A_53 = arith.constant 0 : i32
      %add3A_54 = arith.addi %mul3A_2, %add3A_53 : i32
      %mul3A_55 = arith.constant 128 : i32
      %mul3A_56 = arith.muli %add3A_54, %mul3A_55 : i32
      %dma_start3A = arith.constant 0 : i32
      %dma_start3A_57 = arith.constant 0 : i32
      %dma_start3A_58 = arith.constant 0 : i32
      %dma_start3A_59 = tpu.memref_slice %arg6[%dma_start3A, %dma_start3A_57, %dma_start3A_58] : memref<2x128x128xf32, #tpu.memory_space<vmem>> -> memref<1x128x128xf32, #tpu.memory_space<vmem>>
      %dma_start3A_60 = tpu.memref_squeeze %dma_start3A_59 : memref<1x128x128xf32, #tpu.memory_space<vmem>> -> memref<128x128xf32, #tpu.memory_space<vmem>>
      %dma_start3A_61 = arith.constant 0 : i32
      %dma_start3A_62 = tpu.memref_slice %arg2[%mul3A_56, %dma_start3A_61] : memref<160000x128xf32, #tpu.memory_space<hbm>> -> memref<128x128xf32, #tpu.memory_space<hbm>>
      %dma_start3A_63 = arith.constant 0 : i32
      %dma_start3A_64 = arith.constant 0 : i32
      %dma_start3A_65 = tpu.memref_slice %arg6[%dma_start3A, %dma_start3A_63, %dma_start3A_64] : memref<2x128x128xf32, #tpu.memory_space<vmem>> -> memref<1x128x128xf32, #tpu.memory_space<vmem>>
      %dma_start3A_66 = tpu.memref_squeeze %dma_start3A_65 : memref<1x128x128xf32, #tpu.memory_space<vmem>> -> memref<128x128xf32, #tpu.memory_space<vmem>>
      %dma_start3A_67 = arith.constant 0 : i32
      %dma_start3A_68 = tpu.memref_slice %arg2[%mul3A_56, %dma_start3A_67] : memref<160000x128xf32, #tpu.memory_space<hbm>> -> memref<128x128xf32, #tpu.memory_space<hbm>>
      tpu.enqueue_dma source(%dma_start3A_68 : memref<128x128xf32, #tpu.memory_space<hbm>>) target(%dma_start3A_66 : memref<128x128xf32, #tpu.memory_space<vmem>>) target_semaphore(%arg9 : memref<!tpu.dma_semaphore, #tpu.memory_space<semaphore_mem>>)
      %dma_start3A_69 = tpu.memref_slice %arg3[%mul3A_56] : memref<160000xi32, #tpu.memory_space<hbm>> -> memref<128xi32, #tpu.memory_space<hbm>>
      %dma_start3A_70 = tpu.memref_slice %arg3[%mul3A_56] : memref<160000xi32, #tpu.memory_space<hbm>> -> memref<128xi32, #tpu.memory_space<hbm>>
      tpu.enqueue_dma source(%dma_start3A_70 : memref<128xi32, #tpu.memory_space<hbm>>) target(%arg7 : memref<128xi32, #tpu.memory_space<vmem>>) target_semaphore(%arg11 : memref<!tpu.dma_semaphore, #tpu.memory_space<semaphore_mem>>)
    } else {
    }
    %gt3A_37 = arith.constant 1 : i32
    %gt3A_38 = arith.cmpi sgt, %min3A_5, %gt3A_37 : i32
    %convert_element_type3A_39 = arith.extui %gt3A_38 : i1 to i32
    %cond3A_40 = arith.constant 0 : i32
    %cond3A_41 = arith.cmpi ne, %convert_element_type3A_39, %cond3A_40 : i32
    scf.if %cond3A_41 {
      %add3A_53 = arith.constant 1 : i32
      %add3A_54 = arith.addi %mul3A_2, %add3A_53 : i32
      %mul3A_55 = arith.constant 128 : i32
      %mul3A_56 = arith.muli %add3A_54, %mul3A_55 : i32
      %dma_start3A = arith.constant 1 : i32
      %dma_start3A_57 = arith.constant 0 : i32
      %dma_start3A_58 = arith.constant 0 : i32
      %dma_start3A_59 = tpu.memref_slice %arg6[%dma_start3A, %dma_start3A_57, %dma_start3A_58] : memref<2x128x128xf32, #tpu.memory_space<vmem>> -> memref<1x128x128xf32, #tpu.memory_space<vmem>>
      %dma_start3A_60 = tpu.memref_squeeze %dma_start3A_59 : memref<1x128x128xf32, #tpu.memory_space<vmem>> -> memref<128x128xf32, #tpu.memory_space<vmem>>
      %dma_start3A_61 = arith.constant 0 : i32
      %dma_start3A_62 = tpu.memref_slice %arg2[%mul3A_56, %dma_start3A_61] : memref<160000x128xf32, #tpu.memory_space<hbm>> -> memref<128x128xf32, #tpu.memory_space<hbm>>
      %dma_start3A_63 = arith.constant 0 : i32
      %dma_start3A_64 = arith.constant 0 : i32
      %dma_start3A_65 = tpu.memref_slice %arg6[%dma_start3A, %dma_start3A_63, %dma_start3A_64] : memref<2x128x128xf32, #tpu.memory_space<vmem>> -> memref<1x128x128xf32, #tpu.memory_space<vmem>>
      %dma_start3A_66 = tpu.memref_squeeze %dma_start3A_65 : memref<1x128x128xf32, #tpu.memory_space<vmem>> -> memref<128x128xf32, #tpu.memory_space<vmem>>
      %dma_start3A_67 = arith.constant 0 : i32
      %dma_start3A_68 = tpu.memref_slice %arg2[%mul3A_56, %dma_start3A_67] : memref<160000x128xf32, #tpu.memory_space<hbm>> -> memref<128x128xf32, #tpu.memory_space<hbm>>
      tpu.enqueue_dma source(%dma_start3A_68 : memref<128x128xf32, #tpu.memory_space<hbm>>) target(%dma_start3A_66 : memref<128x128xf32, #tpu.memory_space<vmem>>) target_semaphore(%arg10 : memref<!tpu.dma_semaphore, #tpu.memory_space<semaphore_mem>>)
      %dma_start3A_69 = tpu.memref_slice %arg3[%mul3A_56] : memref<160000xi32, #tpu.memory_space<hbm>> -> memref<128xi32, #tpu.memory_space<hbm>>
      %dma_start3A_70 = tpu.memref_slice %arg3[%mul3A_56] : memref<160000xi32, #tpu.memory_space<hbm>> -> memref<128xi32, #tpu.memory_space<hbm>>
      tpu.enqueue_dma source(%dma_start3A_70 : memref<128xi32, #tpu.memory_space<hbm>>) target(%arg8 : memref<128xi32, #tpu.memory_space<vmem>>) target_semaphore(%arg12 : memref<!tpu.dma_semaphore, #tpu.memory_space<semaphore_mem>>)
    } else {
    }
    %scan3A_42 = arith.constant 0 : i32
    %scan3A_43 = arith.constant 0 : i32
    %scan3A_44 = arith.constant 20 : i32
    %scan3A_45 = arith.addi %scan3A_43, %scan3A_44 : i32
    %scan3A_46 = arith.constant 1 : i32
    scf.for %scan3A_53 = %scan3A_43 to %scan3A_45 step %scan3A_46  : i32 {
      %mul3A_54 = arith.constant 2 : i32
      %mul3A_55 = arith.muli %scan3A_53, %mul3A_54 : i32
      %add3A_56 = arith.constant 0 : i32
      %add3A_57 = arith.addi %mul3A_55, %add3A_56 : i32
      %lt3A = arith.cmpi slt, %add3A_57, %min3A_5 : i32
      %convert_element_type3A_58 = arith.extui %lt3A : i1 to i32
      %cond3A_59 = arith.constant 0 : i32
      %cond3A_60 = arith.cmpi ne, %convert_element_type3A_58, %cond3A_59 : i32
      scf.if %cond3A_60 {
        %add3A_69 = arith.addi %mul3A_2, %add3A_57 : i32
        %mul3A_70 = arith.constant 128 : i32
        %mul3A_71 = arith.muli %add3A_69, %mul3A_70 : i32
        %dma_wait3A = arith.constant 0 : i32
        %dma_wait3A_72 = arith.constant 0 : i32
        %dma_wait3A_73 = arith.constant 0 : i32
        %dma_wait3A_74 = tpu.memref_slice %arg6[%dma_wait3A, %dma_wait3A_72, %dma_wait3A_73] : memref<2x128x128xf32, #tpu.memory_space<vmem>> -> memref<1x128x128xf32, #tpu.memory_space<vmem>>
        %dma_wait3A_75 = tpu.memref_squeeze %dma_wait3A_74 : memref<1x128x128xf32, #tpu.memory_space<vmem>> -> memref<128x128xf32, #tpu.memory_space<vmem>>
        %dma_wait3A_76 = arith.constant 0 : i32
        %dma_wait3A_77 = tpu.memref_slice %arg2[%mul3A_71, %dma_wait3A_76] : memref<160000x128xf32, #tpu.memory_space<hbm>> -> memref<128x128xf32, #tpu.memory_space<hbm>>
        %dma_wait3A_78 = arith.constant 0 : i32
        %dma_wait3A_79 = arith.constant 0 : i32
        %dma_wait3A_80 = tpu.memref_slice %arg6[%dma_wait3A, %dma_wait3A_78, %dma_wait3A_79] : memref<2x128x128xf32, #tpu.memory_space<vmem>> -> memref<1x128x128xf32, #tpu.memory_space<vmem>>
        %dma_wait3A_81 = tpu.memref_squeeze %dma_wait3A_80 : memref<1x128x128xf32, #tpu.memory_space<vmem>> -> memref<128x128xf32, #tpu.memory_space<vmem>>
        %dma_wait3A_82 = arith.constant 0 : i32
        %dma_wait3A_83 = tpu.memref_slice %arg2[%mul3A_71, %dma_wait3A_82] : memref<160000x128xf32, #tpu.memory_space<hbm>> -> memref<128x128xf32, #tpu.memory_space<hbm>>
        tpu.wait_dma2 semaphore(%arg9 : memref<!tpu.dma_semaphore, #tpu.memory_space<semaphore_mem>>) src(%dma_wait3A_83 : memref<128x128xf32, #tpu.memory_space<hbm>>) dst(%dma_wait3A_81 : memref<128x128xf32, #tpu.memory_space<vmem>>)
        %dma_wait3A_84 = tpu.memref_slice %arg3[%mul3A_71] : memref<160000xi32, #tpu.memory_space<hbm>> -> memref<128xi32, #tpu.memory_space<hbm>>
        %dma_wait3A_85 = tpu.memref_slice %arg3[%mul3A_71] : memref<160000xi32, #tpu.memory_space<hbm>> -> memref<128xi32, #tpu.memory_space<hbm>>
        tpu.wait_dma2 semaphore(%arg11 : memref<!tpu.dma_semaphore, #tpu.memory_space<semaphore_mem>>) src(%dma_wait3A_85 : memref<128xi32, #tpu.memory_space<hbm>>) dst(%arg7 : memref<128xi32, #tpu.memory_space<vmem>>)
        %run_scoped3A_86 = arith.constant 0 : i32
        "tpu.region"() ({
          %run_scoped3A_93 = tpu.sem_alloc : memref<!tpu.dma_semaphore, #tpu.memory_space<semaphore_mem>>
          %dma_start3A = arith.constant 0 : i32
          %dma_start3A_94 = arith.constant 0 : i32
          %dma_start3A_95 = tpu.memref_slice %arg6[%run_scoped3A_86, %dma_start3A, %dma_start3A_94] : memref<2x128x128xf32, #tpu.memory_space<vmem>> -> memref<1x128x128xf32, #tpu.memory_space<vmem>>
          %dma_start3A_96 = tpu.memref_squeeze %dma_start3A_95 : memref<1x128x128xf32, #tpu.memory_space<vmem>> -> memref<128x128xf32, #tpu.memory_space<vmem>>
          %dma_start3A_97 = arith.constant 0 : i32
          %dma_start3A_98 = arith.constant 0 : i32
          %dma_start3A_99 = tpu.memref_slice %arg5[%dma_start3A_97, %dma_start3A_98] : memref<10000x128xf32, #tpu.memory_space<vmem_shared>> -> memref<10000x128xf32, #tpu.memory_space<vmem_shared>>
          tpu.enqueue_indirect_dma source(%dma_start3A_96 : memref<128x128xf32, #tpu.memory_space<vmem>>) target(%dma_start3A_99 : memref<10000x128xf32, #tpu.memory_space<vmem_shared>>) offsets(%arg7 : memref<128xi32, #tpu.memory_space<vmem>>) semaphore(%run_scoped3A_93 : memref<!tpu.dma_semaphore, #tpu.memory_space<semaphore_mem>>) {add = true}
          %dma_wait3A_100 = arith.constant 0 : i32
          %dma_wait3A_101 = arith.constant 0 : i32
          %dma_wait3A_102 = tpu.memref_slice %arg6[%run_scoped3A_86, %dma_wait3A_100, %dma_wait3A_101] : memref<2x128x128xf32, #tpu.memory_space<vmem>> -> memref<1x128x128xf32, #tpu.memory_space<vmem>>
          %dma_wait3A_103 = tpu.memref_squeeze %dma_wait3A_102 : memref<1x128x128xf32, #tpu.memory_space<vmem>> -> memref<128x128xf32, #tpu.memory_space<vmem>>
          %dma_wait3A_104 = arith.constant 0 : i32
          %dma_wait3A_105 = arith.constant 0 : i32
          %dma_wait3A_106 = tpu.memref_slice %arg5[%dma_wait3A_104, %dma_wait3A_105] : memref<10000x128xf32, #tpu.memory_space<vmem_shared>> -> memref<10000x128xf32, #tpu.memory_space<vmem_shared>>
          tpu.wait_indirect_dma semaphore(%run_scoped3A_93 : memref<!tpu.dma_semaphore, #tpu.memory_space<semaphore_mem>>) src(%dma_wait3A_103 : memref<128x128xf32, #tpu.memory_space<vmem>>) dst(%dma_wait3A_106 : memref<10000x128xf32, #tpu.memory_space<vmem_shared>>)
          tpu.yield
        }) : () -> ()
        %add3A_87 = arith.constant 2 : i32
        %add3A_88 = arith.addi %add3A_57, %add3A_87 : i32
        %lt3A_89 = arith.cmpi slt, %add3A_88, %min3A_5 : i32
        %convert_element_type3A_90 = arith.extui %lt3A_89 : i1 to i32
        %cond3A_91 = arith.constant 0 : i32
        %cond3A_92 = arith.cmpi ne, %convert_element_type3A_90, %cond3A_91 : i32
        scf.if %cond3A_92 {
          %add3A_93 = arith.constant 2 : i32
          %add3A_94 = arith.addi %add3A_57, %add3A_93 : i32
          %add3A_95 = arith.addi %mul3A_2, %add3A_94 : i32
          %mul3A_96 = arith.constant 128 : i32
          %mul3A_97 = arith.muli %add3A_95, %mul3A_96 : i32
          %dma_start3A = arith.constant 0 : i32
          %dma_start3A_98 = arith.constant 0 : i32
          %dma_start3A_99 = arith.constant 0 : i32
          %dma_start3A_100 = tpu.memref_slice %arg6[%dma_start3A, %dma_start3A_98, %dma_start3A_99] : memref<2x128x128xf32, #tpu.memory_space<vmem>> -> memref<1x128x128xf32, #tpu.memory_space<vmem>>
          %dma_start3A_101 = tpu.memref_squeeze %dma_start3A_100 : memref<1x128x128xf32, #tpu.memory_space<vmem>> -> memref<128x128xf32, #tpu.memory_space<vmem>>
          %dma_start3A_102 = arith.constant 0 : i32
          %dma_start3A_103 = tpu.memref_slice %arg2[%mul3A_97, %dma_start3A_102] : memref<160000x128xf32, #tpu.memory_space<hbm>> -> memref<128x128xf32, #tpu.memory_space<hbm>>
          %dma_start3A_104 = arith.constant 0 : i32
          %dma_start3A_105 = arith.constant 0 : i32
          %dma_start3A_106 = tpu.memref_slice %arg6[%dma_start3A, %dma_start3A_104, %dma_start3A_105] : memref<2x128x128xf32, #tpu.memory_space<vmem>> -> memref<1x128x128xf32, #tpu.memory_space<vmem>>
          %dma_start3A_107 = tpu.memref_squeeze %dma_start3A_106 : memref<1x128x128xf32, #tpu.memory_space<vmem>> -> memref<128x128xf32, #tpu.memory_space<vmem>>
          %dma_start3A_108 = arith.constant 0 : i32
          %dma_start3A_109 = tpu.memref_slice %arg2[%mul3A_97, %dma_start3A_108] : memref<160000x128xf32, #tpu.memory_space<hbm>> -> memref<128x128xf32, #tpu.memory_space<hbm>>
          tpu.enqueue_dma source(%dma_start3A_109 : memref<128x128xf32, #tpu.memory_space<hbm>>) target(%dma_start3A_107 : memref<128x128xf32, #tpu.memory_space<vmem>>) target_semaphore(%arg9 : memref<!tpu.dma_semaphore, #tpu.memory_space<semaphore_mem>>)
          %dma_start3A_110 = tpu.memref_slice %arg3[%mul3A_97] : memref<160000xi32, #tpu.memory_space<hbm>> -> memref<128xi32, #tpu.memory_space<hbm>>
          %dma_start3A_111 = tpu.memref_slice %arg3[%mul3A_97] : memref<160000xi32, #tpu.memory_space<hbm>> -> memref<128xi32, #tpu.memory_space<hbm>>
          tpu.enqueue_dma source(%dma_start3A_111 : memref<128xi32, #tpu.memory_space<hbm>>) target(%arg7 : memref<128xi32, #tpu.memory_space<vmem>>) target_semaphore(%arg11 : memref<!tpu.dma_semaphore, #tpu.memory_space<semaphore_mem>>)
        } else {
        }
      } else {
      }
      %mul3A_61 = arith.constant 2 : i32
      %mul3A_62 = arith.muli %scan3A_53, %mul3A_61 : i32
      %add3A_63 = arith.constant 1 : i32
      %add3A_64 = arith.addi %mul3A_62, %add3A_63 : i32
      %lt3A_65 = arith.cmpi slt, %add3A_64, %min3A_5 : i32
      %convert_element_type3A_66 = arith.extui %lt3A_65 : i1 to i32
      %cond3A_67 = arith.constant 0 : i32
      %cond3A_68 = arith.cmpi ne, %convert_element_type3A_66, %cond3A_67 : i32
      scf.if %cond3A_68 {
        %add3A_69 = arith.addi %mul3A_2, %add3A_64 : i32
        %mul3A_70 = arith.constant 128 : i32
        %mul3A_71 = arith.muli %add3A_69, %mul3A_70 : i32
        %dma_wait3A = arith.constant 1 : i32
        %dma_wait3A_72 = arith.constant 0 : i32
        %dma_wait3A_73 = arith.constant 0 : i32
        %dma_wait3A_74 = tpu.memref_slice %arg6[%dma_wait3A, %dma_wait3A_72, %dma_wait3A_73] : memref<2x128x128xf32, #tpu.memory_space<vmem>> -> memref<1x128x128xf32, #tpu.memory_space<vmem>>
        %dma_wait3A_75 = tpu.memref_squeeze %dma_wait3A_74 : memref<1x128x128xf32, #tpu.memory_space<vmem>> -> memref<128x128xf32, #tpu.memory_space<vmem>>
        %dma_wait3A_76 = arith.constant 0 : i32
        %dma_wait3A_77 = tpu.memref_slice %arg2[%mul3A_71, %dma_wait3A_76] : memref<160000x128xf32, #tpu.memory_space<hbm>> -> memref<128x128xf32, #tpu.memory_space<hbm>>
        %dma_wait3A_78 = arith.constant 0 : i32
        %dma_wait3A_79 = arith.constant 0 : i32
        %dma_wait3A_80 = tpu.memref_slice %arg6[%dma_wait3A, %dma_wait3A_78, %dma_wait3A_79] : memref<2x128x128xf32, #tpu.memory_space<vmem>> -> memref<1x128x128xf32, #tpu.memory_space<vmem>>
        %dma_wait3A_81 = tpu.memref_squeeze %dma_wait3A_80 : memref<1x128x128xf32, #tpu.memory_space<vmem>> -> memref<128x128xf32, #tpu.memory_space<vmem>>
        %dma_wait3A_82 = arith.constant 0 : i32
        %dma_wait3A_83 = tpu.memref_slice %arg2[%mul3A_71, %dma_wait3A_82] : memref<160000x128xf32, #tpu.memory_space<hbm>> -> memref<128x128xf32, #tpu.memory_space<hbm>>
        tpu.wait_dma2 semaphore(%arg10 : memref<!tpu.dma_semaphore, #tpu.memory_space<semaphore_mem>>) src(%dma_wait3A_83 : memref<128x128xf32, #tpu.memory_space<hbm>>) dst(%dma_wait3A_81 : memref<128x128xf32, #tpu.memory_space<vmem>>)
        %dma_wait3A_84 = tpu.memref_slice %arg3[%mul3A_71] : memref<160000xi32, #tpu.memory_space<hbm>> -> memref<128xi32, #tpu.memory_space<hbm>>
        %dma_wait3A_85 = tpu.memref_slice %arg3[%mul3A_71] : memref<160000xi32, #tpu.memory_space<hbm>> -> memref<128xi32, #tpu.memory_space<hbm>>
        tpu.wait_dma2 semaphore(%arg12 : memref<!tpu.dma_semaphore, #tpu.memory_space<semaphore_mem>>) src(%dma_wait3A_85 : memref<128xi32, #tpu.memory_space<hbm>>) dst(%arg8 : memref<128xi32, #tpu.memory_space<vmem>>)
        %run_scoped3A_86 = arith.constant 1 : i32
        "tpu.region"() ({
          %run_scoped3A_93 = tpu.sem_alloc : memref<!tpu.dma_semaphore, #tpu.memory_space<semaphore_mem>>
          %dma_start3A = arith.constant 0 : i32
          %dma_start3A_94 = arith.constant 0 : i32
          %dma_start3A_95 = tpu.memref_slice %arg6[%run_scoped3A_86, %dma_start3A, %dma_start3A_94] : memref<2x128x128xf32, #tpu.memory_space<vmem>> -> memref<1x128x128xf32, #tpu.memory_space<vmem>>
          %dma_start3A_96 = tpu.memref_squeeze %dma_start3A_95 : memref<1x128x128xf32, #tpu.memory_space<vmem>> -> memref<128x128xf32, #tpu.memory_space<vmem>>
          %dma_start3A_97 = arith.constant 0 : i32
          %dma_start3A_98 = arith.constant 0 : i32
          %dma_start3A_99 = tpu.memref_slice %arg5[%dma_start3A_97, %dma_start3A_98] : memref<10000x128xf32, #tpu.memory_space<vmem_shared>> -> memref<10000x128xf32, #tpu.memory_space<vmem_shared>>
          tpu.enqueue_indirect_dma source(%dma_start3A_96 : memref<128x128xf32, #tpu.memory_space<vmem>>) target(%dma_start3A_99 : memref<10000x128xf32, #tpu.memory_space<vmem_shared>>) offsets(%arg8 : memref<128xi32, #tpu.memory_space<vmem>>) semaphore(%run_scoped3A_93 : memref<!tpu.dma_semaphore, #tpu.memory_space<semaphore_mem>>) {add = true}
          %dma_wait3A_100 = arith.constant 0 : i32
          %dma_wait3A_101 = arith.constant 0 : i32
          %dma_wait3A_102 = tpu.memref_slice %arg6[%run_scoped3A_86, %dma_wait3A_100, %dma_wait3A_101] : memref<2x128x128xf32, #tpu.memory_space<vmem>> -> memref<1x128x128xf32, #tpu.memory_space<vmem>>
          %dma_wait3A_103 = tpu.memref_squeeze %dma_wait3A_102 : memref<1x128x128xf32, #tpu.memory_space<vmem>> -> memref<128x128xf32, #tpu.memory_space<vmem>>
          %dma_wait3A_104 = arith.constant 0 : i32
          %dma_wait3A_105 = arith.constant 0 : i32
          %dma_wait3A_106 = tpu.memref_slice %arg5[%dma_wait3A_104, %dma_wait3A_105] : memref<10000x128xf32, #tpu.memory_space<vmem_shared>> -> memref<10000x128xf32, #tpu.memory_space<vmem_shared>>
          tpu.wait_indirect_dma semaphore(%run_scoped3A_93 : memref<!tpu.dma_semaphore, #tpu.memory_space<semaphore_mem>>) src(%dma_wait3A_103 : memref<128x128xf32, #tpu.memory_space<vmem>>) dst(%dma_wait3A_106 : memref<10000x128xf32, #tpu.memory_space<vmem_shared>>)
          tpu.yield
        }) : () -> ()
        %add3A_87 = arith.constant 2 : i32
        %add3A_88 = arith.addi %add3A_64, %add3A_87 : i32
        %lt3A_89 = arith.cmpi slt, %add3A_88, %min3A_5 : i32
        %convert_element_type3A_90 = arith.extui %lt3A_89 : i1 to i32
        %cond3A_91 = arith.constant 0 : i32
        %cond3A_92 = arith.cmpi ne, %convert_element_type3A_90, %cond3A_91 : i32
        scf.if %cond3A_92 {
          %add3A_93 = arith.constant 2 : i32
          %add3A_94 = arith.addi %add3A_64, %add3A_93 : i32
          %add3A_95 = arith.addi %mul3A_2, %add3A_94 : i32
          %mul3A_96 = arith.constant 128 : i32
          %mul3A_97 = arith.muli %add3A_95, %mul3A_96 : i32
          %dma_start3A = arith.constant 1 : i32
          %dma_start3A_98 = arith.constant 0 : i32
          %dma_start3A_99 = arith.constant 0 : i32
          %dma_start3A_100 = tpu.memref_slice %arg6[%dma_start3A, %dma_start3A_98, %dma_start3A_99] : memref<2x128x128xf32, #tpu.memory_space<vmem>> -> memref<1x128x128xf32, #tpu.memory_space<vmem>>
          %dma_start3A_101 = tpu.memref_squeeze %dma_start3A_100 : memref<1x128x128xf32, #tpu.memory_space<vmem>> -> memref<128x128xf32, #tpu.memory_space<vmem>>
          %dma_start3A_102 = arith.constant 0 : i32
          %dma_start3A_103 = tpu.memref_slice %arg2[%mul3A_97, %dma_start3A_102] : memref<160000x128xf32, #tpu.memory_space<hbm>> -> memref<128x128xf32, #tpu.memory_space<hbm>>
          %dma_start3A_104 = arith.constant 0 : i32
          %dma_start3A_105 = arith.constant 0 : i32
          %dma_start3A_106 = tpu.memref_slice %arg6[%dma_start3A, %dma_start3A_104, %dma_start3A_105] : memref<2x128x128xf32, #tpu.memory_space<vmem>> -> memref<1x128x128xf32, #tpu.memory_space<vmem>>
          %dma_start3A_107 = tpu.memref_squeeze %dma_start3A_106 : memref<1x128x128xf32, #tpu.memory_space<vmem>> -> memref<128x128xf32, #tpu.memory_space<vmem>>
          %dma_start3A_108 = arith.constant 0 : i32
          %dma_start3A_109 = tpu.memref_slice %arg2[%mul3A_97, %dma_start3A_108] : memref<160000x128xf32, #tpu.memory_space<hbm>> -> memref<128x128xf32, #tpu.memory_space<hbm>>
          tpu.enqueue_dma source(%dma_start3A_109 : memref<128x128xf32, #tpu.memory_space<hbm>>) target(%dma_start3A_107 : memref<128x128xf32, #tpu.memory_space<vmem>>) target_semaphore(%arg10 : memref<!tpu.dma_semaphore, #tpu.memory_space<semaphore_mem>>)
          %dma_start3A_110 = tpu.memref_slice %arg3[%mul3A_97] : memref<160000xi32, #tpu.memory_space<hbm>> -> memref<128xi32, #tpu.memory_space<hbm>>
          %dma_start3A_111 = tpu.memref_slice %arg3[%mul3A_97] : memref<160000xi32, #tpu.memory_space<hbm>> -> memref<128xi32, #tpu.memory_space<hbm>>
          tpu.enqueue_dma source(%dma_start3A_111 : memref<128xi32, #tpu.memory_space<hbm>>) target(%arg8 : memref<128xi32, #tpu.memory_space<vmem>>) target_semaphore(%arg12 : memref<!tpu.dma_semaphore, #tpu.memory_space<semaphore_mem>>)
        } else {
        }
      } else {
      }
    }
    %scan3A_47 = arith.constant 20 : i32
    %barrier3A_48 = arith.constant 0 : index
    tpu.barrier barrier_id(%barrier3A_48)
    %mul3A_49 = arith.constant 624 : i32
    %mul3A_50 = arith.muli %arg1, %mul3A_49 : i32
    %mul3A_51 = arith.constant 624 : i32
    %mul3A_52 = arith.muli %arg1, %mul3A_51 : i32
    "tpu.region"() ({
      %run_scoped3A_53 = tpu.sem_alloc : memref<!tpu.dma_semaphore, #tpu.memory_space<semaphore_mem>>
      %dma_start3A = arith.constant 0 : i32
      %dma_start3A_54 = tpu.memref_slice %arg4[%arg0, %mul3A_52, %dma_start3A] : memref<2x10000x128xf32, #tpu.memory_space<hbm>> -> memref<1x640x128xf32, #tpu.memory_space<hbm>>
      %dma_start3A_55 = tpu.memref_squeeze %dma_start3A_54 : memref<1x640x128xf32, #tpu.memory_space<hbm>> -> memref<640x128xf32, #tpu.memory_space<hbm>>
      %dma_start3A_56 = arith.constant 0 : i32
      %dma_start3A_57 = tpu.memref_slice %arg5[%mul3A_50, %dma_start3A_56] : memref<10000x128xf32, #tpu.memory_space<vmem_shared>> -> memref<640x128xf32, #tpu.memory_space<vmem_shared>>
      tpu.enqueue_dma source(%dma_start3A_57 : memref<640x128xf32, #tpu.memory_space<vmem_shared>>) target(%dma_start3A_55 : memref<640x128xf32, #tpu.memory_space<hbm>>) target_semaphore(%run_scoped3A_53 : memref<!tpu.dma_semaphore, #tpu.memory_space<semaphore_mem>>)
      %dma_wait3A = arith.constant 0 : i32
      %dma_wait3A_58 = tpu.memref_slice %arg4[%arg0, %mul3A_52, %dma_wait3A] : memref<2x10000x128xf32, #tpu.memory_space<hbm>> -> memref<1x640x128xf32, #tpu.memory_space<hbm>>
      %dma_wait3A_59 = tpu.memref_squeeze %dma_wait3A_58 : memref<1x640x128xf32, #tpu.memory_space<hbm>> -> memref<640x128xf32, #tpu.memory_space<hbm>>
      %dma_wait3A_60 = arith.constant 0 : i32
      %dma_wait3A_61 = tpu.memref_slice %arg5[%mul3A_50, %dma_wait3A_60] : memref<10000x128xf32, #tpu.memory_space<vmem_shared>> -> memref<640x128xf32, #tpu.memory_space<vmem_shared>>
      tpu.wait_dma2 semaphore(%run_scoped3A_53 : memref<!tpu.dma_semaphore, #tpu.memory_space<semaphore_mem>>) src(%dma_wait3A_61 : memref<640x128xf32, #tpu.memory_space<vmem_shared>>) dst(%dma_wait3A_59 : memref<640x128xf32, #tpu.memory_space<hbm>>)
      tpu.yield
    }) : () -> ()
    return
  }
}

#map = affine_map<(d0, d1) -> (0, 0)>
#map1 = affine_map<(d0, d1) -> (0)>
#map2 = affine_map<(d0, d1) -> (0, 0, 0)>
module attributes {stable_mosaic.version = 14 : i64} {
  func.func @k(%arg0: i32, %arg1: i32, %arg2: memref<160000x128xf32, #tpu.memory_space<hbm>>, %arg3: memref<160000xi32, #tpu.memory_space<hbm>>, %arg4: memref<2x10000x128xf32, #tpu.memory_space<hbm>>, %arg5: memref<10000x128xf32, #tpu.memory_space<vmem_shared>>, %arg6: memref<2x128x128xf32, #tpu.memory_space<vmem>>, %arg7: memref<128xi32, #tpu.memory_space<vmem>>, %arg8: memref<128xi32, #tpu.memory_space<vmem>>, %arg9: memref<!tpu.dma_semaphore, #tpu.memory_space<semaphore_mem>>, %arg10: memref<!tpu.dma_semaphore, #tpu.memory_space<semaphore_mem>>, %arg11: memref<!tpu.dma_semaphore, #tpu.memory_space<semaphore_mem>>, %arg12: memref<!tpu.dma_semaphore, #tpu.memory_space<semaphore_mem>>) attributes {dimension_semantics = [#tpu.dimension_semantics<core_parallel>, #tpu.dimension_semantics<subcore_parallel>], iteration_bounds = array<i64: 2, 16>, scalar_prefetch = 0 : i64, scratch_operands = 8 : i64, tpu.core_type = #tpu.core_type<sc_vector_subcore>, window_params = [{transform_indices = #map}, {transform_indices = #map1}, {transform_indices = #map2}]} {
    %mul3A = arith.constant 2 : i32
    %mul3A_0 = arith.muli %arg1, %mul3A : i32
    %add3A = arith.addi %mul3A_0, %arg0 : i32
    %mul3A_1 = arith.constant 40 : i32
    %mul3A_2 = arith.muli %add3A, %mul3A_1 : i32
    %sub3A = arith.constant 1250 : i32
    %sub3A_3 = arith.subi %sub3A, %mul3A_2 : i32
    %max3A = arith.constant 0 : i32
    %max3A_4 = arith.maxsi %sub3A_3, %max3A : i32
    %min3A = arith.constant 40 : i32
    %min3A_5 = arith.minsi %max3A_4, %min3A : i32
    %scan3A = arith.constant 0 : i32
    %scan3A_6 = arith.constant 0 : i32
    %scan3A_7 = arith.constant 128 : i32
    %scan3A_8 = arith.addi %scan3A_6, %scan3A_7 : i32
    %scan3A_9 = arith.constant 1 : i32
    scf.for %scan3A_53 = %scan3A_6 to %scan3A_8 step %scan3A_9  : i32 {
      %broadcast_in_dim3A = arith.constant 0.000000e+00 : f32
      %broadcast_in_dim3A_54 = vector.broadcast %broadcast_in_dim3A : f32 to vector<16xf32>
      %swap3A = arith.constant 0 : i32
      %swap3A_55 = arith.index_cast %swap3A : i32 to index
      %swap3A_56 = arith.index_cast %scan3A_53 : i32 to index
      %swap3A_57 = arith.constant 0 : index
      %swap3A_58 = tpu.vector_load %arg6[%swap3A_55, %swap3A_56, %swap3A_57] {strides = array<i32>} : memref<2x128x128xf32, #tpu.memory_space<vmem>>, vector<1x1x16xf32>,
      %swap3A_59 = vector.shape_cast %swap3A_58 : vector<1x1x16xf32> to vector<16xf32>
      %swap3A_60 = vector.shape_cast %broadcast_in_dim3A_54 : vector<16xf32> to vector<1x1x16xf32>
      tpu.vector_store %arg6[%swap3A_55, %swap3A_56, %swap3A_57], %swap3A_60 {strides = array<i32>} : memref<2x128x128xf32, #tpu.memory_space<vmem>>, vector<1x1x16xf32>,
      %broadcast_in_dim3A_61 = arith.constant 0.000000e+00 : f32
      %broadcast_in_dim3A_62 = vector.broadcast %broadcast_in_dim3A_61 : f32 to vector<16xf32>
      %swap3A_63 = arith.constant 0 : i32
      %swap3A_64 = arith.index_cast %swap3A_63 : i32 to index
      %swap3A_65 = arith.index_cast %scan3A_53 : i32 to index
      %swap3A_66 = arith.constant 16 : index
      %swap3A_67 = tpu.vector_load %arg6[%swap3A_64, %swap3A_65, %swap3A_66] {strides = array<i32>} : memref<2x128x128xf32, #tpu.memory_space<vmem>>, vector<1x1x16xf32>,
      %swap3A_68 = vector.shape_cast %swap3A_67 : vector<1x1x16xf32> to vector<16xf32>
      %swap3A_69 = vector.shape_cast %broadcast_in_dim3A_62 : vector<16xf32> to vector<1x1x16xf32>
      tpu.vector_store %arg6[%swap3A_64, %swap3A_65, %swap3A_66], %swap3A_69 {strides = array<i32>} : memref<2x128x128xf32, #tpu.memory_space<vmem>>, vector<1x1x16xf32>,
      %broadcast_in_dim3A_70 = arith.constant 0.000000e+00 : f32
      %broadcast_in_dim3A_71 = vector.broadcast %broadcast_in_dim3A_70 : f32 to vector<16xf32>
      %swap3A_72 = arith.constant 0 : i32
      %swap3A_73 = arith.index_cast %swap3A_72 : i32 to index
      %swap3A_74 = arith.index_cast %scan3A_53 : i32 to index
      %swap3A_75 = arith.constant 32 : index
      %swap3A_76 = tpu.vector_load %arg6[%swap3A_73, %swap3A_74, %swap3A_75] {strides = array<i32>} : memref<2x128x128xf32, #tpu.memory_space<vmem>>, vector<1x1x16xf32>,
      %swap3A_77 = vector.shape_cast %swap3A_76 : vector<1x1x16xf32> to vector<16xf32>
      %swap3A_78 = vector.shape_cast %broadcast_in_dim3A_71 : vector<16xf32> to vector<1x1x16xf32>
      tpu.vector_store %arg6[%swap3A_73, %swap3A_74, %swap3A_75], %swap3A_78 {strides = array<i32>} : memref<2x128x128xf32, #tpu.memory_space<vmem>>, vector<1x1x16xf32>,
      %broadcast_in_dim3A_79 = arith.constant 0.000000e+00 : f32
      %broadcast_in_dim3A_80 = vector.broadcast %broadcast_in_dim3A_79 : f32 to vector<16xf32>
      %swap3A_81 = arith.constant 0 : i32
      %swap3A_82 = arith.index_cast %swap3A_81 : i32 to index
      %swap3A_83 = arith.index_cast %scan3A_53 : i32 to index
      %swap3A_84 = arith.constant 48 : index
      %swap3A_85 = tpu.vector_load %arg6[%swap3A_82, %swap3A_83, %swap3A_84] {strides = array<i32>} : memref<2x128x128xf32, #tpu.memory_space<vmem>>, vector<1x1x16xf32>,
      %swap3A_86 = vector.shape_cast %swap3A_85 : vector<1x1x16xf32> to vector<16xf32>
      %swap3A_87 = vector.shape_cast %broadcast_in_dim3A_80 : vector<16xf32> to vector<1x1x16xf32>
      tpu.vector_store %arg6[%swap3A_82, %swap3A_83, %swap3A_84], %swap3A_87 {strides = array<i32>} : memref<2x128x128xf32, #tpu.memory_space<vmem>>, vector<1x1x16xf32>,
      %broadcast_in_dim3A_88 = arith.constant 0.000000e+00 : f32
      %broadcast_in_dim3A_89 = vector.broadcast %broadcast_in_dim3A_88 : f32 to vector<16xf32>
      %swap3A_90 = arith.constant 0 : i32
      %swap3A_91 = arith.index_cast %swap3A_90 : i32 to index
      %swap3A_92 = arith.index_cast %scan3A_53 : i32 to index
      %swap3A_93 = arith.constant 64 : index
      %swap3A_94 = tpu.vector_load %arg6[%swap3A_91, %swap3A_92, %swap3A_93] {strides = array<i32>} : memref<2x128x128xf32, #tpu.memory_space<vmem>>, vector<1x1x16xf32>,
      %swap3A_95 = vector.shape_cast %swap3A_94 : vector<1x1x16xf32> to vector<16xf32>
      %swap3A_96 = vector.shape_cast %broadcast_in_dim3A_89 : vector<16xf32> to vector<1x1x16xf32>
      tpu.vector_store %arg6[%swap3A_91, %swap3A_92, %swap3A_93], %swap3A_96 {strides = array<i32>} : memref<2x128x128xf32, #tpu.memory_space<vmem>>, vector<1x1x16xf32>,
      %broadcast_in_dim3A_97 = arith.constant 0.000000e+00 : f32
      %broadcast_in_dim3A_98 = vector.broadcast %broadcast_in_dim3A_97 : f32 to vector<16xf32>
      %swap3A_99 = arith.constant 0 : i32
      %swap3A_100 = arith.index_cast %swap3A_99 : i32 to index
      %swap3A_101 = arith.index_cast %scan3A_53 : i32 to index
      %swap3A_102 = arith.constant 80 : index
      %swap3A_103 = tpu.vector_load %arg6[%swap3A_100, %swap3A_101, %swap3A_102] {strides = array<i32>} : memref<2x128x128xf32, #tpu.memory_space<vmem>>, vector<1x1x16xf32>,
      %swap3A_104 = vector.shape_cast %swap3A_103 : vector<1x1x16xf32> to vector<16xf32>
      %swap3A_105 = vector.shape_cast %broadcast_in_dim3A_98 : vector<16xf32> to vector<1x1x16xf32>
      tpu.vector_store %arg6[%swap3A_100, %swap3A_101, %swap3A_102], %swap3A_105 {strides = array<i32>} : memref<2x128x128xf32, #tpu.memory_space<vmem>>, vector<1x1x16xf32>,
      %broadcast_in_dim3A_106 = arith.constant 0.000000e+00 : f32
      %broadcast_in_dim3A_107 = vector.broadcast %broadcast_in_dim3A_106 : f32 to vector<16xf32>
      %swap3A_108 = arith.constant 0 : i32
      %swap3A_109 = arith.index_cast %swap3A_108 : i32 to index
      %swap3A_110 = arith.index_cast %scan3A_53 : i32 to index
      %swap3A_111 = arith.constant 96 : index
      %swap3A_112 = tpu.vector_load %arg6[%swap3A_109, %swap3A_110, %swap3A_111] {strides = array<i32>} : memref<2x128x128xf32, #tpu.memory_space<vmem>>, vector<1x1x16xf32>,
      %swap3A_113 = vector.shape_cast %swap3A_112 : vector<1x1x16xf32> to vector<16xf32>
      %swap3A_114 = vector.shape_cast %broadcast_in_dim3A_107 : vector<16xf32> to vector<1x1x16xf32>
      tpu.vector_store %arg6[%swap3A_109, %swap3A_110, %swap3A_111], %swap3A_114 {strides = array<i32>} : memref<2x128x128xf32, #tpu.memory_space<vmem>>, vector<1x1x16xf32>,
      %broadcast_in_dim3A_115 = arith.constant 0.000000e+00 : f32
      %broadcast_in_dim3A_116 = vector.broadcast %broadcast_in_dim3A_115 : f32 to vector<16xf32>
      %swap3A_117 = arith.constant 0 : i32
      %swap3A_118 = arith.index_cast %swap3A_117 : i32 to index
      %swap3A_119 = arith.index_cast %scan3A_53 : i32 to index
      %swap3A_120 = arith.constant 112 : index
      %swap3A_121 = tpu.vector_load %arg6[%swap3A_118, %swap3A_119, %swap3A_120] {strides = array<i32>} : memref<2x128x128xf32, #tpu.memory_space<vmem>>, vector<1x1x16xf32>,
      %swap3A_122 = vector.shape_cast %swap3A_121 : vector<1x1x16xf32> to vector<16xf32>
      %swap3A_123 = vector.shape_cast %broadcast_in_dim3A_116 : vector<16xf32> to vector<1x1x16xf32>
      tpu.vector_store %arg6[%swap3A_118, %swap3A_119, %swap3A_120], %swap3A_123 {strides = array<i32>} : memref<2x128x128xf32, #tpu.memory_space<vmem>>, vector<1x1x16xf32>,
    }
    %scan3A_10 = arith.constant 128 : i32
    %mul3A_11 = arith.constant 624 : i32
    %mul3A_12 = arith.muli %arg1, %mul3A_11 : i32
    %add3A_13 = arith.constant 0 : i32
    %add3A_14 = arith.addi %mul3A_12, %add3A_13 : i32
    %run_scoped3A = arith.constant 0 : i32
    "tpu.region"() ({
      %run_scoped3A_53 = tpu.sem_alloc : memref<!tpu.dma_semaphore, #tpu.memory_space<semaphore_mem>>
      %dma_start3A = arith.constant 0 : i32
      %dma_start3A_54 = arith.constant 0 : i32
      %dma_start3A_55 = tpu.memref_slice %arg6[%run_scoped3A, %dma_start3A, %dma_start3A_54] : memref<2x128x128xf32, #tpu.memory_space<vmem>> -> memref<1x128x128xf32, #tpu.memory_space<vmem>>
      %dma_start3A_56 = tpu.memref_squeeze %dma_start3A_55 : memref<1x128x128xf32, #tpu.memory_space<vmem>> -> memref<128x128xf32, #tpu.memory_space<vmem>>
      %dma_start3A_57 = arith.constant 0 : i32
      %dma_start3A_58 = tpu.memref_slice %arg5[%add3A_14, %dma_start3A_57] : memref<10000x128xf32, #tpu.memory_space<vmem_shared>> -> memref<128x128xf32, #tpu.memory_space<vmem_shared>>
      %dma_start3A_59 = arith.constant 0 : i32
      %dma_start3A_60 = tpu.memref_slice %arg5[%add3A_14, %dma_start3A_59] : memref<10000x128xf32, #tpu.memory_space<vmem_shared>> -> memref<128x128xf32, #tpu.memory_space<vmem_shared>>
      %dma_start3A_61 = arith.constant 0 : i32
      %dma_start3A_62 = arith.constant 0 : i32
      %dma_start3A_63 = tpu.memref_slice %arg6[%run_scoped3A, %dma_start3A_61, %dma_start3A_62] : memref<2x128x128xf32, #tpu.memory_space<vmem>> -> memref<1x128x128xf32, #tpu.memory_space<vmem>>
      %dma_start3A_64 = tpu.memref_squeeze %dma_start3A_63 : memref<1x128x128xf32, #tpu.memory_space<vmem>> -> memref<128x128xf32, #tpu.memory_space<vmem>>
      tpu.enqueue_dma source(%dma_start3A_64 : memref<128x128xf32, #tpu.memory_space<vmem>>) target(%dma_start3A_60 : memref<128x128xf32, #tpu.memory_space<vmem_shared>>) target_semaphore(%run_scoped3A_53 : memref<!tpu.dma_semaphore, #tpu.memory_space<semaphore_mem>>)
      %dma_wait3A = arith.constant 0 : i32
      %dma_wait3A_65 = arith.constant 0 : i32
      %dma_wait3A_66 = tpu.memref_slice %arg6[%run_scoped3A, %dma_wait3A, %dma_wait3A_65] : memref<2x128x128xf32, #tpu.memory_space<vmem>> -> memref<1x128x128xf32, #tpu.memory_space<vmem>>
      %dma_wait3A_67 = tpu.memref_squeeze %dma_wait3A_66 : memref<1x128x128xf32, #tpu.memory_space<vmem>> -> memref<128x128xf32, #tpu.memory_space<vmem>>
      %dma_wait3A_68 = arith.constant 0 : i32
      %dma_wait3A_69 = tpu.memref_slice %arg5[%add3A_14, %dma_wait3A_68] : memref<10000x128xf32, #tpu.memory_space<vmem_shared>> -> memref<128x128xf32, #tpu.memory_space<vmem_shared>>
      %dma_wait3A_70 = arith.constant 0 : i32
      %dma_wait3A_71 = tpu.memref_slice %arg5[%add3A_14, %dma_wait3A_70] : memref<10000x128xf32, #tpu.memory_space<vmem_shared>> -> memref<128x128xf32, #tpu.memory_space<vmem_shared>>
      %dma_wait3A_72 = arith.constant 0 : i32
      %dma_wait3A_73 = arith.constant 0 : i32
      %dma_wait3A_74 = tpu.memref_slice %arg6[%run_scoped3A, %dma_wait3A_72, %dma_wait3A_73] : memref<2x128x128xf32, #tpu.memory_space<vmem>> -> memref<1x128x128xf32, #tpu.memory_space<vmem>>
      %dma_wait3A_75 = tpu.memref_squeeze %dma_wait3A_74 : memref<1x128x128xf32, #tpu.memory_space<vmem>> -> memref<128x128xf32, #tpu.memory_space<vmem>>
      tpu.wait_dma2 semaphore(%run_scoped3A_53 : memref<!tpu.dma_semaphore, #tpu.memory_space<semaphore_mem>>) src(%dma_wait3A_75 : memref<128x128xf32, #tpu.memory_space<vmem>>) dst(%dma_wait3A_71 : memref<128x128xf32, #tpu.memory_space<vmem_shared>>)
      tpu.yield
    }) : () -> ()
    %mul3A_15 = arith.constant 624 : i32
    %mul3A_16 = arith.muli %arg1, %mul3A_15 : i32
    %add3A_17 = arith.constant 128 : i32
    %add3A_18 = arith.addi %mul3A_16, %add3A_17 : i32
    %run_scoped3A_19 = arith.constant 0 : i32
    "tpu.region"() ({
      %run_scoped3A_53 = tpu.sem_alloc : memref<!tpu.dma_semaphore, #tpu.memory_space<semaphore_mem>>
      %dma_start3A = arith.constant 0 : i32
      %dma_start3A_54 = arith.constant 0 : i32
      %dma_start3A_55 = tpu.memref_slice %arg6[%run_scoped3A_19, %dma_start3A, %dma_start3A_54] : memref<2x128x128xf32, #tpu.memory_space<vmem>> -> memref<1x128x128xf32, #tpu.memory_space<vmem>>
      %dma_start3A_56 = tpu.memref_squeeze %dma_start3A_55 : memref<1x128x128xf32, #tpu.memory_space<vmem>> -> memref<128x128xf32, #tpu.memory_space<vmem>>
      %dma_start3A_57 = arith.constant 0 : i32
      %dma_start3A_58 = tpu.memref_slice %arg5[%add3A_18, %dma_start3A_57] : memref<10000x128xf32, #tpu.memory_space<vmem_shared>> -> memref<128x128xf32, #tpu.memory_space<vmem_shared>>
      %dma_start3A_59 = arith.constant 0 : i32
      %dma_start3A_60 = tpu.memref_slice %arg5[%add3A_18, %dma_start3A_59] : memref<10000x128xf32, #tpu.memory_space<vmem_shared>> -> memref<128x128xf32, #tpu.memory_space<vmem_shared>>
      %dma_start3A_61 = arith.constant 0 : i32
      %dma_start3A_62 = arith.constant 0 : i32
      %dma_start3A_63 = tpu.memref_slice %arg6[%run_scoped3A_19, %dma_start3A_61, %dma_start3A_62] : memref<2x128x128xf32, #tpu.memory_space<vmem>> -> memref<1x128x128xf32, #tpu.memory_space<vmem>>
      %dma_start3A_64 = tpu.memref_squeeze %dma_start3A_63 : memref<1x128x128xf32, #tpu.memory_space<vmem>> -> memref<128x128xf32, #tpu.memory_space<vmem>>
      tpu.enqueue_dma source(%dma_start3A_64 : memref<128x128xf32, #tpu.memory_space<vmem>>) target(%dma_start3A_60 : memref<128x128xf32, #tpu.memory_space<vmem_shared>>) target_semaphore(%run_scoped3A_53 : memref<!tpu.dma_semaphore, #tpu.memory_space<semaphore_mem>>)
      %dma_wait3A = arith.constant 0 : i32
      %dma_wait3A_65 = arith.constant 0 : i32
      %dma_wait3A_66 = tpu.memref_slice %arg6[%run_scoped3A_19, %dma_wait3A, %dma_wait3A_65] : memref<2x128x128xf32, #tpu.memory_space<vmem>> -> memref<1x128x128xf32, #tpu.memory_space<vmem>>
      %dma_wait3A_67 = tpu.memref_squeeze %dma_wait3A_66 : memref<1x128x128xf32, #tpu.memory_space<vmem>> -> memref<128x128xf32, #tpu.memory_space<vmem>>
      %dma_wait3A_68 = arith.constant 0 : i32
      %dma_wait3A_69 = tpu.memref_slice %arg5[%add3A_18, %dma_wait3A_68] : memref<10000x128xf32, #tpu.memory_space<vmem_shared>> -> memref<128x128xf32, #tpu.memory_space<vmem_shared>>
      %dma_wait3A_70 = arith.constant 0 : i32
      %dma_wait3A_71 = tpu.memref_slice %arg5[%add3A_18, %dma_wait3A_70] : memref<10000x128xf32, #tpu.memory_space<vmem_shared>> -> memref<128x128xf32, #tpu.memory_space<vmem_shared>>
      %dma_wait3A_72 = arith.constant 0 : i32
      %dma_wait3A_73 = arith.constant 0 : i32
      %dma_wait3A_74 = tpu.memref_slice %arg6[%run_scoped3A_19, %dma_wait3A_72, %dma_wait3A_73] : memref<2x128x128xf32, #tpu.memory_space<vmem>> -> memref<1x128x128xf32, #tpu.memory_space<vmem>>
      %dma_wait3A_75 = tpu.memref_squeeze %dma_wait3A_74 : memref<1x128x128xf32, #tpu.memory_space<vmem>> -> memref<128x128xf32, #tpu.memory_space<vmem>>
      tpu.wait_dma2 semaphore(%run_scoped3A_53 : memref<!tpu.dma_semaphore, #tpu.memory_space<semaphore_mem>>) src(%dma_wait3A_75 : memref<128x128xf32, #tpu.memory_space<vmem>>) dst(%dma_wait3A_71 : memref<128x128xf32, #tpu.memory_space<vmem_shared>>)
      tpu.yield
    }) : () -> ()
    %mul3A_20 = arith.constant 624 : i32
    %mul3A_21 = arith.muli %arg1, %mul3A_20 : i32
    %add3A_22 = arith.constant 256 : i32
    %add3A_23 = arith.addi %mul3A_21, %add3A_22 : i32
    %run_scoped3A_24 = arith.constant 0 : i32
    "tpu.region"() ({
      %run_scoped3A_53 = tpu.sem_alloc : memref<!tpu.dma_semaphore, #tpu.memory_space<semaphore_mem>>
      %dma_start3A = arith.constant 0 : i32
      %dma_start3A_54 = arith.constant 0 : i32
      %dma_start3A_55 = tpu.memref_slice %arg6[%run_scoped3A_24, %dma_start3A, %dma_start3A_54] : memref<2x128x128xf32, #tpu.memory_space<vmem>> -> memref<1x128x128xf32, #tpu.memory_space<vmem>>
      %dma_start3A_56 = tpu.memref_squeeze %dma_start3A_55 : memref<1x128x128xf32, #tpu.memory_space<vmem>> -> memref<128x128xf32, #tpu.memory_space<vmem>>
      %dma_start3A_57 = arith.constant 0 : i32
      %dma_start3A_58 = tpu.memref_slice %arg5[%add3A_23, %dma_start3A_57] : memref<10000x128xf32, #tpu.memory_space<vmem_shared>> -> memref<128x128xf32, #tpu.memory_space<vmem_shared>>
      %dma_start3A_59 = arith.constant 0 : i32
      %dma_start3A_60 = tpu.memref_slice %arg5[%add3A_23, %dma_start3A_59] : memref<10000x128xf32, #tpu.memory_space<vmem_shared>> -> memref<128x128xf32, #tpu.memory_space<vmem_shared>>
      %dma_start3A_61 = arith.constant 0 : i32
      %dma_start3A_62 = arith.constant 0 : i32
      %dma_start3A_63 = tpu.memref_slice %arg6[%run_scoped3A_24, %dma_start3A_61, %dma_start3A_62] : memref<2x128x128xf32, #tpu.memory_space<vmem>> -> memref<1x128x128xf32, #tpu.memory_space<vmem>>
      %dma_start3A_64 = tpu.memref_squeeze %dma_start3A_63 : memref<1x128x128xf32, #tpu.memory_space<vmem>> -> memref<128x128xf32, #tpu.memory_space<vmem>>
      tpu.enqueue_dma source(%dma_start3A_64 : memref<128x128xf32, #tpu.memory_space<vmem>>) target(%dma_start3A_60 : memref<128x128xf32, #tpu.memory_space<vmem_shared>>) target_semaphore(%run_scoped3A_53 : memref<!tpu.dma_semaphore, #tpu.memory_space<semaphore_mem>>)
      %dma_wait3A = arith.constant 0 : i32
      %dma_wait3A_65 = arith.constant 0 : i32
      %dma_wait3A_66 = tpu.memref_slice %arg6[%run_scoped3A_24, %dma_wait3A, %dma_wait3A_65] : memref<2x128x128xf32, #tpu.memory_space<vmem>> -> memref<1x128x128xf32, #tpu.memory_space<vmem>>
      %dma_wait3A_67 = tpu.memref_squeeze %dma_wait3A_66 : memref<1x128x128xf32, #tpu.memory_space<vmem>> -> memref<128x128xf32, #tpu.memory_space<vmem>>
      %dma_wait3A_68 = arith.constant 0 : i32
      %dma_wait3A_69 = tpu.memref_slice %arg5[%add3A_23, %dma_wait3A_68] : memref<10000x128xf32, #tpu.memory_space<vmem_shared>> -> memref<128x128xf32, #tpu.memory_space<vmem_shared>>
      %dma_wait3A_70 = arith.constant 0 : i32
      %dma_wait3A_71 = tpu.memref_slice %arg5[%add3A_23, %dma_wait3A_70] : memref<10000x128xf32, #tpu.memory_space<vmem_shared>> -> memref<128x128xf32, #tpu.memory_space<vmem_shared>>
      %dma_wait3A_72 = arith.constant 0 : i32
      %dma_wait3A_73 = arith.constant 0 : i32
      %dma_wait3A_74 = tpu.memref_slice %arg6[%run_scoped3A_24, %dma_wait3A_72, %dma_wait3A_73] : memref<2x128x128xf32, #tpu.memory_space<vmem>> -> memref<1x128x128xf32, #tpu.memory_space<vmem>>
      %dma_wait3A_75 = tpu.memref_squeeze %dma_wait3A_74 : memref<1x128x128xf32, #tpu.memory_space<vmem>> -> memref<128x128xf32, #tpu.memory_space<vmem>>
      tpu.wait_dma2 semaphore(%run_scoped3A_53 : memref<!tpu.dma_semaphore, #tpu.memory_space<semaphore_mem>>) src(%dma_wait3A_75 : memref<128x128xf32, #tpu.memory_space<vmem>>) dst(%dma_wait3A_71 : memref<128x128xf32, #tpu.memory_space<vmem_shared>>)
      tpu.yield
    }) : () -> ()
    %mul3A_25 = arith.constant 624 : i32
    %mul3A_26 = arith.muli %arg1, %mul3A_25 : i32
    %add3A_27 = arith.constant 384 : i32
    %add3A_28 = arith.addi %mul3A_26, %add3A_27 : i32
    %run_scoped3A_29 = arith.constant 0 : i32
    "tpu.region"() ({
      %run_scoped3A_53 = tpu.sem_alloc : memref<!tpu.dma_semaphore, #tpu.memory_space<semaphore_mem>>
      %dma_start3A = arith.constant 0 : i32
      %dma_start3A_54 = arith.constant 0 : i32
      %dma_start3A_55 = tpu.memref_slice %arg6[%run_scoped3A_29, %dma_start3A, %dma_start3A_54] : memref<2x128x128xf32, #tpu.memory_space<vmem>> -> memref<1x128x128xf32, #tpu.memory_space<vmem>>
      %dma_start3A_56 = tpu.memref_squeeze %dma_start3A_55 : memref<1x128x128xf32, #tpu.memory_space<vmem>> -> memref<128x128xf32, #tpu.memory_space<vmem>>
      %dma_start3A_57 = arith.constant 0 : i32
      %dma_start3A_58 = tpu.memref_slice %arg5[%add3A_28, %dma_start3A_57] : memref<10000x128xf32, #tpu.memory_space<vmem_shared>> -> memref<128x128xf32, #tpu.memory_space<vmem_shared>>
      %dma_start3A_59 = arith.constant 0 : i32
      %dma_start3A_60 = tpu.memref_slice %arg5[%add3A_28, %dma_start3A_59] : memref<10000x128xf32, #tpu.memory_space<vmem_shared>> -> memref<128x128xf32, #tpu.memory_space<vmem_shared>>
      %dma_start3A_61 = arith.constant 0 : i32
      %dma_start3A_62 = arith.constant 0 : i32
      %dma_start3A_63 = tpu.memref_slice %arg6[%run_scoped3A_29, %dma_start3A_61, %dma_start3A_62] : memref<2x128x128xf32, #tpu.memory_space<vmem>> -> memref<1x128x128xf32, #tpu.memory_space<vmem>>
      %dma_start3A_64 = tpu.memref_squeeze %dma_start3A_63 : memref<1x128x128xf32, #tpu.memory_space<vmem>> -> memref<128x128xf32, #tpu.memory_space<vmem>>
      tpu.enqueue_dma source(%dma_start3A_64 : memref<128x128xf32, #tpu.memory_space<vmem>>) target(%dma_start3A_60 : memref<128x128xf32, #tpu.memory_space<vmem_shared>>) target_semaphore(%run_scoped3A_53 : memref<!tpu.dma_semaphore, #tpu.memory_space<semaphore_mem>>)
      %dma_wait3A = arith.constant 0 : i32
      %dma_wait3A_65 = arith.constant 0 : i32
      %dma_wait3A_66 = tpu.memref_slice %arg6[%run_scoped3A_29, %dma_wait3A, %dma_wait3A_65] : memref<2x128x128xf32, #tpu.memory_space<vmem>> -> memref<1x128x128xf32, #tpu.memory_space<vmem>>
      %dma_wait3A_67 = tpu.memref_squeeze %dma_wait3A_66 : memref<1x128x128xf32, #tpu.memory_space<vmem>> -> memref<128x128xf32, #tpu.memory_space<vmem>>
      %dma_wait3A_68 = arith.constant 0 : i32
      %dma_wait3A_69 = tpu.memref_slice %arg5[%add3A_28, %dma_wait3A_68] : memref<10000x128xf32, #tpu.memory_space<vmem_shared>> -> memref<128x128xf32, #tpu.memory_space<vmem_shared>>
      %dma_wait3A_70 = arith.constant 0 : i32
      %dma_wait3A_71 = tpu.memref_slice %arg5[%add3A_28, %dma_wait3A_70] : memref<10000x128xf32, #tpu.memory_space<vmem_shared>> -> memref<128x128xf32, #tpu.memory_space<vmem_shared>>
      %dma_wait3A_72 = arith.constant 0 : i32
      %dma_wait3A_73 = arith.constant 0 : i32
      %dma_wait3A_74 = tpu.memref_slice %arg6[%run_scoped3A_29, %dma_wait3A_72, %dma_wait3A_73] : memref<2x128x128xf32, #tpu.memory_space<vmem>> -> memref<1x128x128xf32, #tpu.memory_space<vmem>>
      %dma_wait3A_75 = tpu.memref_squeeze %dma_wait3A_74 : memref<1x128x128xf32, #tpu.memory_space<vmem>> -> memref<128x128xf32, #tpu.memory_space<vmem>>
      tpu.wait_dma2 semaphore(%run_scoped3A_53 : memref<!tpu.dma_semaphore, #tpu.memory_space<semaphore_mem>>) src(%dma_wait3A_75 : memref<128x128xf32, #tpu.memory_space<vmem>>) dst(%dma_wait3A_71 : memref<128x128xf32, #tpu.memory_space<vmem_shared>>)
      tpu.yield
    }) : () -> ()
    %mul3A_30 = arith.constant 624 : i32
    %mul3A_31 = arith.muli %arg1, %mul3A_30 : i32
    %add3A_32 = arith.constant 512 : i32
    %add3A_33 = arith.addi %mul3A_31, %add3A_32 : i32
    %run_scoped3A_34 = arith.constant 0 : i32
    "tpu.region"() ({
      %run_scoped3A_53 = tpu.sem_alloc : memref<!tpu.dma_semaphore, #tpu.memory_space<semaphore_mem>>
      %dma_start3A = arith.constant 0 : i32
      %dma_start3A_54 = arith.constant 0 : i32
      %dma_start3A_55 = tpu.memref_slice %arg6[%run_scoped3A_34, %dma_start3A, %dma_start3A_54] : memref<2x128x128xf32, #tpu.memory_space<vmem>> -> memref<1x128x128xf32, #tpu.memory_space<vmem>>
      %dma_start3A_56 = tpu.memref_squeeze %dma_start3A_55 : memref<1x128x128xf32, #tpu.memory_space<vmem>> -> memref<128x128xf32, #tpu.memory_space<vmem>>
      %dma_start3A_57 = arith.constant 0 : i32
      %dma_start3A_58 = tpu.memref_slice %arg5[%add3A_33, %dma_start3A_57] : memref<10000x128xf32, #tpu.memory_space<vmem_shared>> -> memref<128x128xf32, #tpu.memory_space<vmem_shared>>
      %dma_start3A_59 = arith.constant 0 : i32
      %dma_start3A_60 = tpu.memref_slice %arg5[%add3A_33, %dma_start3A_59] : memref<10000x128xf32, #tpu.memory_space<vmem_shared>> -> memref<128x128xf32, #tpu.memory_space<vmem_shared>>
      %dma_start3A_61 = arith.constant 0 : i32
      %dma_start3A_62 = arith.constant 0 : i32
      %dma_start3A_63 = tpu.memref_slice %arg6[%run_scoped3A_34, %dma_start3A_61, %dma_start3A_62] : memref<2x128x128xf32, #tpu.memory_space<vmem>> -> memref<1x128x128xf32, #tpu.memory_space<vmem>>
      %dma_start3A_64 = tpu.memref_squeeze %dma_start3A_63 : memref<1x128x128xf32, #tpu.memory_space<vmem>> -> memref<128x128xf32, #tpu.memory_space<vmem>>
      tpu.enqueue_dma source(%dma_start3A_64 : memref<128x128xf32, #tpu.memory_space<vmem>>) target(%dma_start3A_60 : memref<128x128xf32, #tpu.memory_space<vmem_shared>>) target_semaphore(%run_scoped3A_53 : memref<!tpu.dma_semaphore, #tpu.memory_space<semaphore_mem>>)
      %dma_wait3A = arith.constant 0 : i32
      %dma_wait3A_65 = arith.constant 0 : i32
      %dma_wait3A_66 = tpu.memref_slice %arg6[%run_scoped3A_34, %dma_wait3A, %dma_wait3A_65] : memref<2x128x128xf32, #tpu.memory_space<vmem>> -> memref<1x128x128xf32, #tpu.memory_space<vmem>>
      %dma_wait3A_67 = tpu.memref_squeeze %dma_wait3A_66 : memref<1x128x128xf32, #tpu.memory_space<vmem>> -> memref<128x128xf32, #tpu.memory_space<vmem>>
      %dma_wait3A_68 = arith.constant 0 : i32
      %dma_wait3A_69 = tpu.memref_slice %arg5[%add3A_33, %dma_wait3A_68] : memref<10000x128xf32, #tpu.memory_space<vmem_shared>> -> memref<128x128xf32, #tpu.memory_space<vmem_shared>>
      %dma_wait3A_70 = arith.constant 0 : i32
      %dma_wait3A_71 = tpu.memref_slice %arg5[%add3A_33, %dma_wait3A_70] : memref<10000x128xf32, #tpu.memory_space<vmem_shared>> -> memref<128x128xf32, #tpu.memory_space<vmem_shared>>
      %dma_wait3A_72 = arith.constant 0 : i32
      %dma_wait3A_73 = arith.constant 0 : i32
      %dma_wait3A_74 = tpu.memref_slice %arg6[%run_scoped3A_34, %dma_wait3A_72, %dma_wait3A_73] : memref<2x128x128xf32, #tpu.memory_space<vmem>> -> memref<1x128x128xf32, #tpu.memory_space<vmem>>
      %dma_wait3A_75 = tpu.memref_squeeze %dma_wait3A_74 : memref<1x128x128xf32, #tpu.memory_space<vmem>> -> memref<128x128xf32, #tpu.memory_space<vmem>>
      tpu.wait_dma2 semaphore(%run_scoped3A_53 : memref<!tpu.dma_semaphore, #tpu.memory_space<semaphore_mem>>) src(%dma_wait3A_75 : memref<128x128xf32, #tpu.memory_space<vmem>>) dst(%dma_wait3A_71 : memref<128x128xf32, #tpu.memory_space<vmem_shared>>)
      tpu.yield
    }) : () -> ()
    %barrier3A = arith.constant 0 : index
    tpu.barrier barrier_id(%barrier3A)
    %gt3A = arith.constant 0 : i32
    %gt3A_35 = arith.cmpi sgt, %min3A_5, %gt3A : i32
    %convert_element_type3A = arith.extui %gt3A_35 : i1 to i32
    %cond3A = arith.constant 0 : i32
    %cond3A_36 = arith.cmpi ne, %convert_element_type3A, %cond3A : i32
    scf.if %cond3A_36 {
      %add3A_53 = arith.constant 0 : i32
      %add3A_54 = arith.addi %mul3A_2, %add3A_53 : i32
      %mul3A_55 = arith.constant 128 : i32
      %mul3A_56 = arith.muli %add3A_54, %mul3A_55 : i32
      %dma_start3A = arith.constant 0 : i32
      %dma_start3A_57 = arith.constant 0 : i32
      %dma_start3A_58 = arith.constant 0 : i32
      %dma_start3A_59 = tpu.memref_slice %arg6[%dma_start3A, %dma_start3A_57, %dma_start3A_58] : memref<2x128x128xf32, #tpu.memory_space<vmem>> -> memref<1x128x128xf32, #tpu.memory_space<vmem>>
      %dma_start3A_60 = tpu.memref_squeeze %dma_start3A_59 : memref<1x128x128xf32, #tpu.memory_space<vmem>> -> memref<128x128xf32, #tpu.memory_space<vmem>>
      %dma_start3A_61 = arith.constant 0 : i32
      %dma_start3A_62 = tpu.memref_slice %arg2[%mul3A_56, %dma_start3A_61] : memref<160000x128xf32, #tpu.memory_space<hbm>> -> memref<128x128xf32, #tpu.memory_space<hbm>>
      %dma_start3A_63 = arith.constant 0 : i32
      %dma_start3A_64 = arith.constant 0 : i32
      %dma_start3A_65 = tpu.memref_slice %arg6[%dma_start3A, %dma_start3A_63, %dma_start3A_64] : memref<2x128x128xf32, #tpu.memory_space<vmem>> -> memref<1x128x128xf32, #tpu.memory_space<vmem>>
      %dma_start3A_66 = tpu.memref_squeeze %dma_start3A_65 : memref<1x128x128xf32, #tpu.memory_space<vmem>> -> memref<128x128xf32, #tpu.memory_space<vmem>>
      %dma_start3A_67 = arith.constant 0 : i32
      %dma_start3A_68 = tpu.memref_slice %arg2[%mul3A_56, %dma_start3A_67] : memref<160000x128xf32, #tpu.memory_space<hbm>> -> memref<128x128xf32, #tpu.memory_space<hbm>>
      tpu.enqueue_dma source(%dma_start3A_68 : memref<128x128xf32, #tpu.memory_space<hbm>>) target(%dma_start3A_66 : memref<128x128xf32, #tpu.memory_space<vmem>>) target_semaphore(%arg9 : memref<!tpu.dma_semaphore, #tpu.memory_space<semaphore_mem>>)
      %dma_start3A_69 = tpu.memref_slice %arg3[%mul3A_56] : memref<160000xi32, #tpu.memory_space<hbm>> -> memref<128xi32, #tpu.memory_space<hbm>>
      %dma_start3A_70 = tpu.memref_slice %arg3[%mul3A_56] : memref<160000xi32, #tpu.memory_space<hbm>> -> memref<128xi32, #tpu.memory_space<hbm>>
      tpu.enqueue_dma source(%dma_start3A_70 : memref<128xi32, #tpu.memory_space<hbm>>) target(%arg7 : memref<128xi32, #tpu.memory_space<vmem>>) target_semaphore(%arg11 : memref<!tpu.dma_semaphore, #tpu.memory_space<semaphore_mem>>)
    } else {
    }
    %gt3A_37 = arith.constant 1 : i32
    %gt3A_38 = arith.cmpi sgt, %min3A_5, %gt3A_37 : i32
    %convert_element_type3A_39 = arith.extui %gt3A_38 : i1 to i32
    %cond3A_40 = arith.constant 0 : i32
    %cond3A_41 = arith.cmpi ne, %convert_element_type3A_39, %cond3A_40 : i32
    scf.if %cond3A_41 {
      %add3A_53 = arith.constant 1 : i32
      %add3A_54 = arith.addi %mul3A_2, %add3A_53 : i32
      %mul3A_55 = arith.constant 128 : i32
      %mul3A_56 = arith.muli %add3A_54, %mul3A_55 : i32
      %dma_start3A = arith.constant 1 : i32
      %dma_start3A_57 = arith.constant 0 : i32
      %dma_start3A_58 = arith.constant 0 : i32
      %dma_start3A_59 = tpu.memref_slice %arg6[%dma_start3A, %dma_start3A_57, %dma_start3A_58] : memref<2x128x128xf32, #tpu.memory_space<vmem>> -> memref<1x128x128xf32, #tpu.memory_space<vmem>>
      %dma_start3A_60 = tpu.memref_squeeze %dma_start3A_59 : memref<1x128x128xf32, #tpu.memory_space<vmem>> -> memref<128x128xf32, #tpu.memory_space<vmem>>
      %dma_start3A_61 = arith.constant 0 : i32
      %dma_start3A_62 = tpu.memref_slice %arg2[%mul3A_56, %dma_start3A_61] : memref<160000x128xf32, #tpu.memory_space<hbm>> -> memref<128x128xf32, #tpu.memory_space<hbm>>
      %dma_start3A_63 = arith.constant 0 : i32
      %dma_start3A_64 = arith.constant 0 : i32
      %dma_start3A_65 = tpu.memref_slice %arg6[%dma_start3A, %dma_start3A_63, %dma_start3A_64] : memref<2x128x128xf32, #tpu.memory_space<vmem>> -> memref<1x128x128xf32, #tpu.memory_space<vmem>>
      %dma_start3A_66 = tpu.memref_squeeze %dma_start3A_65 : memref<1x128x128xf32, #tpu.memory_space<vmem>> -> memref<128x128xf32, #tpu.memory_space<vmem>>
      %dma_start3A_67 = arith.constant 0 : i32
      %dma_start3A_68 = tpu.memref_slice %arg2[%mul3A_56, %dma_start3A_67] : memref<160000x128xf32, #tpu.memory_space<hbm>> -> memref<128x128xf32, #tpu.memory_space<hbm>>
      tpu.enqueue_dma source(%dma_start3A_68 : memref<128x128xf32, #tpu.memory_space<hbm>>) target(%dma_start3A_66 : memref<128x128xf32, #tpu.memory_space<vmem>>) target_semaphore(%arg10 : memref<!tpu.dma_semaphore, #tpu.memory_space<semaphore_mem>>)
      %dma_start3A_69 = tpu.memref_slice %arg3[%mul3A_56] : memref<160000xi32, #tpu.memory_space<hbm>> -> memref<128xi32, #tpu.memory_space<hbm>>
      %dma_start3A_70 = tpu.memref_slice %arg3[%mul3A_56] : memref<160000xi32, #tpu.memory_space<hbm>> -> memref<128xi32, #tpu.memory_space<hbm>>
      tpu.enqueue_dma source(%dma_start3A_70 : memref<128xi32, #tpu.memory_space<hbm>>) target(%arg8 : memref<128xi32, #tpu.memory_space<vmem>>) target_semaphore(%arg12 : memref<!tpu.dma_semaphore, #tpu.memory_space<semaphore_mem>>)
    } else {
    }
    %scan3A_42 = arith.constant 0 : i32
    %scan3A_43 = arith.constant 0 : i32
    %scan3A_44 = arith.constant 20 : i32
    %scan3A_45 = arith.addi %scan3A_43, %scan3A_44 : i32
    %scan3A_46 = arith.constant 1 : i32
    scf.for %scan3A_53 = %scan3A_43 to %scan3A_45 step %scan3A_46  : i32 {
      %mul3A_54 = arith.constant 2 : i32
      %mul3A_55 = arith.muli %scan3A_53, %mul3A_54 : i32
      %add3A_56 = arith.constant 0 : i32
      %add3A_57 = arith.addi %mul3A_55, %add3A_56 : i32
      %lt3A = arith.cmpi slt, %add3A_57, %min3A_5 : i32
      %convert_element_type3A_58 = arith.extui %lt3A : i1 to i32
      %cond3A_59 = arith.constant 0 : i32
      %cond3A_60 = arith.cmpi ne, %convert_element_type3A_58, %cond3A_59 : i32
      scf.if %cond3A_60 {
        %add3A_69 = arith.addi %mul3A_2, %add3A_57 : i32
        %mul3A_70 = arith.constant 128 : i32
        %mul3A_71 = arith.muli %add3A_69, %mul3A_70 : i32
        %dma_wait3A = arith.constant 0 : i32
        %dma_wait3A_72 = arith.constant 0 : i32
        %dma_wait3A_73 = arith.constant 0 : i32
        %dma_wait3A_74 = tpu.memref_slice %arg6[%dma_wait3A, %dma_wait3A_72, %dma_wait3A_73] : memref<2x128x128xf32, #tpu.memory_space<vmem>> -> memref<1x128x128xf32, #tpu.memory_space<vmem>>
        %dma_wait3A_75 = tpu.memref_squeeze %dma_wait3A_74 : memref<1x128x128xf32, #tpu.memory_space<vmem>> -> memref<128x128xf32, #tpu.memory_space<vmem>>
        %dma_wait3A_76 = arith.constant 0 : i32
        %dma_wait3A_77 = tpu.memref_slice %arg2[%mul3A_71, %dma_wait3A_76] : memref<160000x128xf32, #tpu.memory_space<hbm>> -> memref<128x128xf32, #tpu.memory_space<hbm>>
        %dma_wait3A_78 = arith.constant 0 : i32
        %dma_wait3A_79 = arith.constant 0 : i32
        %dma_wait3A_80 = tpu.memref_slice %arg6[%dma_wait3A, %dma_wait3A_78, %dma_wait3A_79] : memref<2x128x128xf32, #tpu.memory_space<vmem>> -> memref<1x128x128xf32, #tpu.memory_space<vmem>>
        %dma_wait3A_81 = tpu.memref_squeeze %dma_wait3A_80 : memref<1x128x128xf32, #tpu.memory_space<vmem>> -> memref<128x128xf32, #tpu.memory_space<vmem>>
        %dma_wait3A_82 = arith.constant 0 : i32
        %dma_wait3A_83 = tpu.memref_slice %arg2[%mul3A_71, %dma_wait3A_82] : memref<160000x128xf32, #tpu.memory_space<hbm>> -> memref<128x128xf32, #tpu.memory_space<hbm>>
        tpu.wait_dma2 semaphore(%arg9 : memref<!tpu.dma_semaphore, #tpu.memory_space<semaphore_mem>>) src(%dma_wait3A_83 : memref<128x128xf32, #tpu.memory_space<hbm>>) dst(%dma_wait3A_81 : memref<128x128xf32, #tpu.memory_space<vmem>>)
        %dma_wait3A_84 = tpu.memref_slice %arg3[%mul3A_71] : memref<160000xi32, #tpu.memory_space<hbm>> -> memref<128xi32, #tpu.memory_space<hbm>>
        %dma_wait3A_85 = tpu.memref_slice %arg3[%mul3A_71] : memref<160000xi32, #tpu.memory_space<hbm>> -> memref<128xi32, #tpu.memory_space<hbm>>
        tpu.wait_dma2 semaphore(%arg11 : memref<!tpu.dma_semaphore, #tpu.memory_space<semaphore_mem>>) src(%dma_wait3A_85 : memref<128xi32, #tpu.memory_space<hbm>>) dst(%arg7 : memref<128xi32, #tpu.memory_space<vmem>>)
        %run_scoped3A_86 = arith.constant 0 : i32
        "tpu.region"() ({
          %run_scoped3A_93 = tpu.sem_alloc : memref<!tpu.dma_semaphore, #tpu.memory_space<semaphore_mem>>
          %dma_start3A = arith.constant 0 : i32
          %dma_start3A_94 = arith.constant 0 : i32
          %dma_start3A_95 = tpu.memref_slice %arg6[%run_scoped3A_86, %dma_start3A, %dma_start3A_94] : memref<2x128x128xf32, #tpu.memory_space<vmem>> -> memref<1x128x128xf32, #tpu.memory_space<vmem>>
          %dma_start3A_96 = tpu.memref_squeeze %dma_start3A_95 : memref<1x128x128xf32, #tpu.memory_space<vmem>> -> memref<128x128xf32, #tpu.memory_space<vmem>>
          %dma_start3A_97 = arith.constant 0 : i32
          %dma_start3A_98 = arith.constant 0 : i32
          %dma_start3A_99 = tpu.memref_slice %arg5[%dma_start3A_97, %dma_start3A_98] : memref<10000x128xf32, #tpu.memory_space<vmem_shared>> -> memref<10000x128xf32, #tpu.memory_space<vmem_shared>>
          tpu.enqueue_indirect_dma source(%dma_start3A_96 : memref<128x128xf32, #tpu.memory_space<vmem>>) target(%dma_start3A_99 : memref<10000x128xf32, #tpu.memory_space<vmem_shared>>) offsets(%arg7 : memref<128xi32, #tpu.memory_space<vmem>>) semaphore(%run_scoped3A_93 : memref<!tpu.dma_semaphore, #tpu.memory_space<semaphore_mem>>) {add = true}
          %dma_wait3A_100 = arith.constant 0 : i32
          %dma_wait3A_101 = arith.constant 0 : i32
          %dma_wait3A_102 = tpu.memref_slice %arg6[%run_scoped3A_86, %dma_wait3A_100, %dma_wait3A_101] : memref<2x128x128xf32, #tpu.memory_space<vmem>> -> memref<1x128x128xf32, #tpu.memory_space<vmem>>
          %dma_wait3A_103 = tpu.memref_squeeze %dma_wait3A_102 : memref<1x128x128xf32, #tpu.memory_space<vmem>> -> memref<128x128xf32, #tpu.memory_space<vmem>>
          %dma_wait3A_104 = arith.constant 0 : i32
          %dma_wait3A_105 = arith.constant 0 : i32
          %dma_wait3A_106 = tpu.memref_slice %arg5[%dma_wait3A_104, %dma_wait3A_105] : memref<10000x128xf32, #tpu.memory_space<vmem_shared>> -> memref<10000x128xf32, #tpu.memory_space<vmem_shared>>
          tpu.wait_indirect_dma semaphore(%run_scoped3A_93 : memref<!tpu.dma_semaphore, #tpu.memory_space<semaphore_mem>>) src(%dma_wait3A_103 : memref<128x128xf32, #tpu.memory_space<vmem>>) dst(%dma_wait3A_106 : memref<10000x128xf32, #tpu.memory_space<vmem_shared>>)
          tpu.yield
        }) : () -> ()
        %add3A_87 = arith.constant 2 : i32
        %add3A_88 = arith.addi %add3A_57, %add3A_87 : i32
        %lt3A_89 = arith.cmpi slt, %add3A_88, %min3A_5 : i32
        %convert_element_type3A_90 = arith.extui %lt3A_89 : i1 to i32
        %cond3A_91 = arith.constant 0 : i32
        %cond3A_92 = arith.cmpi ne, %convert_element_type3A_90, %cond3A_91 : i32
        scf.if %cond3A_92 {
          %add3A_93 = arith.constant 2 : i32
          %add3A_94 = arith.addi %add3A_57, %add3A_93 : i32
          %add3A_95 = arith.addi %mul3A_2, %add3A_94 : i32
          %mul3A_96 = arith.constant 128 : i32
          %mul3A_97 = arith.muli %add3A_95, %mul3A_96 : i32
          %dma_start3A = arith.constant 0 : i32
          %dma_start3A_98 = arith.constant 0 : i32
          %dma_start3A_99 = arith.constant 0 : i32
          %dma_start3A_100 = tpu.memref_slice %arg6[%dma_start3A, %dma_start3A_98, %dma_start3A_99] : memref<2x128x128xf32, #tpu.memory_space<vmem>> -> memref<1x128x128xf32, #tpu.memory_space<vmem>>
          %dma_start3A_101 = tpu.memref_squeeze %dma_start3A_100 : memref<1x128x128xf32, #tpu.memory_space<vmem>> -> memref<128x128xf32, #tpu.memory_space<vmem>>
          %dma_start3A_102 = arith.constant 0 : i32
          %dma_start3A_103 = tpu.memref_slice %arg2[%mul3A_97, %dma_start3A_102] : memref<160000x128xf32, #tpu.memory_space<hbm>> -> memref<128x128xf32, #tpu.memory_space<hbm>>
          %dma_start3A_104 = arith.constant 0 : i32
          %dma_start3A_105 = arith.constant 0 : i32
          %dma_start3A_106 = tpu.memref_slice %arg6[%dma_start3A, %dma_start3A_104, %dma_start3A_105] : memref<2x128x128xf32, #tpu.memory_space<vmem>> -> memref<1x128x128xf32, #tpu.memory_space<vmem>>
          %dma_start3A_107 = tpu.memref_squeeze %dma_start3A_106 : memref<1x128x128xf32, #tpu.memory_space<vmem>> -> memref<128x128xf32, #tpu.memory_space<vmem>>
          %dma_start3A_108 = arith.constant 0 : i32
          %dma_start3A_109 = tpu.memref_slice %arg2[%mul3A_97, %dma_start3A_108] : memref<160000x128xf32, #tpu.memory_space<hbm>> -> memref<128x128xf32, #tpu.memory_space<hbm>>
          tpu.enqueue_dma source(%dma_start3A_109 : memref<128x128xf32, #tpu.memory_space<hbm>>) target(%dma_start3A_107 : memref<128x128xf32, #tpu.memory_space<vmem>>) target_semaphore(%arg9 : memref<!tpu.dma_semaphore, #tpu.memory_space<semaphore_mem>>)
          %dma_start3A_110 = tpu.memref_slice %arg3[%mul3A_97] : memref<160000xi32, #tpu.memory_space<hbm>> -> memref<128xi32, #tpu.memory_space<hbm>>
          %dma_start3A_111 = tpu.memref_slice %arg3[%mul3A_97] : memref<160000xi32, #tpu.memory_space<hbm>> -> memref<128xi32, #tpu.memory_space<hbm>>
          tpu.enqueue_dma source(%dma_start3A_111 : memref<128xi32, #tpu.memory_space<hbm>>) target(%arg7 : memref<128xi32, #tpu.memory_space<vmem>>) target_semaphore(%arg11 : memref<!tpu.dma_semaphore, #tpu.memory_space<semaphore_mem>>)
        } else {
        }
      } else {
      }
      %mul3A_61 = arith.constant 2 : i32
      %mul3A_62 = arith.muli %scan3A_53, %mul3A_61 : i32
      %add3A_63 = arith.constant 1 : i32
      %add3A_64 = arith.addi %mul3A_62, %add3A_63 : i32
      %lt3A_65 = arith.cmpi slt, %add3A_64, %min3A_5 : i32
      %convert_element_type3A_66 = arith.extui %lt3A_65 : i1 to i32
      %cond3A_67 = arith.constant 0 : i32
      %cond3A_68 = arith.cmpi ne, %convert_element_type3A_66, %cond3A_67 : i32
      scf.if %cond3A_68 {
        %add3A_69 = arith.addi %mul3A_2, %add3A_64 : i32
        %mul3A_70 = arith.constant 128 : i32
        %mul3A_71 = arith.muli %add3A_69, %mul3A_70 : i32
        %dma_wait3A = arith.constant 1 : i32
        %dma_wait3A_72 = arith.constant 0 : i32
        %dma_wait3A_73 = arith.constant 0 : i32
        %dma_wait3A_74 = tpu.memref_slice %arg6[%dma_wait3A, %dma_wait3A_72, %dma_wait3A_73] : memref<2x128x128xf32, #tpu.memory_space<vmem>> -> memref<1x128x128xf32, #tpu.memory_space<vmem>>
        %dma_wait3A_75 = tpu.memref_squeeze %dma_wait3A_74 : memref<1x128x128xf32, #tpu.memory_space<vmem>> -> memref<128x128xf32, #tpu.memory_space<vmem>>
        %dma_wait3A_76 = arith.constant 0 : i32
        %dma_wait3A_77 = tpu.memref_slice %arg2[%mul3A_71, %dma_wait3A_76] : memref<160000x128xf32, #tpu.memory_space<hbm>> -> memref<128x128xf32, #tpu.memory_space<hbm>>
        %dma_wait3A_78 = arith.constant 0 : i32
        %dma_wait3A_79 = arith.constant 0 : i32
        %dma_wait3A_80 = tpu.memref_slice %arg6[%dma_wait3A, %dma_wait3A_78, %dma_wait3A_79] : memref<2x128x128xf32, #tpu.memory_space<vmem>> -> memref<1x128x128xf32, #tpu.memory_space<vmem>>
        %dma_wait3A_81 = tpu.memref_squeeze %dma_wait3A_80 : memref<1x128x128xf32, #tpu.memory_space<vmem>> -> memref<128x128xf32, #tpu.memory_space<vmem>>
        %dma_wait3A_82 = arith.constant 0 : i32
        %dma_wait3A_83 = tpu.memref_slice %arg2[%mul3A_71, %dma_wait3A_82] : memref<160000x128xf32, #tpu.memory_space<hbm>> -> memref<128x128xf32, #tpu.memory_space<hbm>>
        tpu.wait_dma2 semaphore(%arg10 : memref<!tpu.dma_semaphore, #tpu.memory_space<semaphore_mem>>) src(%dma_wait3A_83 : memref<128x128xf32, #tpu.memory_space<hbm>>) dst(%dma_wait3A_81 : memref<128x128xf32, #tpu.memory_space<vmem>>)
        %dma_wait3A_84 = tpu.memref_slice %arg3[%mul3A_71] : memref<160000xi32, #tpu.memory_space<hbm>> -> memref<128xi32, #tpu.memory_space<hbm>>
        %dma_wait3A_85 = tpu.memref_slice %arg3[%mul3A_71] : memref<160000xi32, #tpu.memory_space<hbm>> -> memref<128xi32, #tpu.memory_space<hbm>>
        tpu.wait_dma2 semaphore(%arg12 : memref<!tpu.dma_semaphore, #tpu.memory_space<semaphore_mem>>) src(%dma_wait3A_85 : memref<128xi32, #tpu.memory_space<hbm>>) dst(%arg8 : memref<128xi32, #tpu.memory_space<vmem>>)
        %run_scoped3A_86 = arith.constant 1 : i32
        "tpu.region"() ({
          %run_scoped3A_93 = tpu.sem_alloc : memref<!tpu.dma_semaphore, #tpu.memory_space<semaphore_mem>>
          %dma_start3A = arith.constant 0 : i32
          %dma_start3A_94 = arith.constant 0 : i32
          %dma_start3A_95 = tpu.memref_slice %arg6[%run_scoped3A_86, %dma_start3A, %dma_start3A_94] : memref<2x128x128xf32, #tpu.memory_space<vmem>> -> memref<1x128x128xf32, #tpu.memory_space<vmem>>
          %dma_start3A_96 = tpu.memref_squeeze %dma_start3A_95 : memref<1x128x128xf32, #tpu.memory_space<vmem>> -> memref<128x128xf32, #tpu.memory_space<vmem>>
          %dma_start3A_97 = arith.constant 0 : i32
          %dma_start3A_98 = arith.constant 0 : i32
          %dma_start3A_99 = tpu.memref_slice %arg5[%dma_start3A_97, %dma_start3A_98] : memref<10000x128xf32, #tpu.memory_space<vmem_shared>> -> memref<10000x128xf32, #tpu.memory_space<vmem_shared>>
          tpu.enqueue_indirect_dma source(%dma_start3A_96 : memref<128x128xf32, #tpu.memory_space<vmem>>) target(%dma_start3A_99 : memref<10000x128xf32, #tpu.memory_space<vmem_shared>>) offsets(%arg8 : memref<128xi32, #tpu.memory_space<vmem>>) semaphore(%run_scoped3A_93 : memref<!tpu.dma_semaphore, #tpu.memory_space<semaphore_mem>>) {add = true}
          %dma_wait3A_100 = arith.constant 0 : i32
          %dma_wait3A_101 = arith.constant 0 : i32
          %dma_wait3A_102 = tpu.memref_slice %arg6[%run_scoped3A_86, %dma_wait3A_100, %dma_wait3A_101] : memref<2x128x128xf32, #tpu.memory_space<vmem>> -> memref<1x128x128xf32, #tpu.memory_space<vmem>>
          %dma_wait3A_103 = tpu.memref_squeeze %dma_wait3A_102 : memref<1x128x128xf32, #tpu.memory_space<vmem>> -> memref<128x128xf32, #tpu.memory_space<vmem>>
          %dma_wait3A_104 = arith.constant 0 : i32
          %dma_wait3A_105 = arith.constant 0 : i32
          %dma_wait3A_106 = tpu.memref_slice %arg5[%dma_wait3A_104, %dma_wait3A_105] : memref<10000x128xf32, #tpu.memory_space<vmem_shared>> -> memref<10000x128xf32, #tpu.memory_space<vmem_shared>>
          tpu.wait_indirect_dma semaphore(%run_scoped3A_93 : memref<!tpu.dma_semaphore, #tpu.memory_space<semaphore_mem>>) src(%dma_wait3A_103 : memref<128x128xf32, #tpu.memory_space<vmem>>) dst(%dma_wait3A_106 : memref<10000x128xf32, #tpu.memory_space<vmem_shared>>)
          tpu.yield
        }) : () -> ()
        %add3A_87 = arith.constant 2 : i32
        %add3A_88 = arith.addi %add3A_64, %add3A_87 : i32
        %lt3A_89 = arith.cmpi slt, %add3A_88, %min3A_5 : i32
        %convert_element_type3A_90 = arith.extui %lt3A_89 : i1 to i32
        %cond3A_91 = arith.constant 0 : i32
        %cond3A_92 = arith.cmpi ne, %convert_element_type3A_90, %cond3A_91 : i32
        scf.if %cond3A_92 {
          %add3A_93 = arith.constant 2 : i32
          %add3A_94 = arith.addi %add3A_64, %add3A_93 : i32
          %add3A_95 = arith.addi %mul3A_2, %add3A_94 : i32
          %mul3A_96 = arith.constant 128 : i32
          %mul3A_97 = arith.muli %add3A_95, %mul3A_96 : i32
          %dma_start3A = arith.constant 1 : i32
          %dma_start3A_98 = arith.constant 0 : i32
          %dma_start3A_99 = arith.constant 0 : i32
          %dma_start3A_100 = tpu.memref_slice %arg6[%dma_start3A, %dma_start3A_98, %dma_start3A_99] : memref<2x128x128xf32, #tpu.memory_space<vmem>> -> memref<1x128x128xf32, #tpu.memory_space<vmem>>
          %dma_start3A_101 = tpu.memref_squeeze %dma_start3A_100 : memref<1x128x128xf32, #tpu.memory_space<vmem>> -> memref<128x128xf32, #tpu.memory_space<vmem>>
          %dma_start3A_102 = arith.constant 0 : i32
          %dma_start3A_103 = tpu.memref_slice %arg2[%mul3A_97, %dma_start3A_102] : memref<160000x128xf32, #tpu.memory_space<hbm>> -> memref<128x128xf32, #tpu.memory_space<hbm>>
          %dma_start3A_104 = arith.constant 0 : i32
          %dma_start3A_105 = arith.constant 0 : i32
          %dma_start3A_106 = tpu.memref_slice %arg6[%dma_start3A, %dma_start3A_104, %dma_start3A_105] : memref<2x128x128xf32, #tpu.memory_space<vmem>> -> memref<1x128x128xf32, #tpu.memory_space<vmem>>
          %dma_start3A_107 = tpu.memref_squeeze %dma_start3A_106 : memref<1x128x128xf32, #tpu.memory_space<vmem>> -> memref<128x128xf32, #tpu.memory_space<vmem>>
          %dma_start3A_108 = arith.constant 0 : i32
          %dma_start3A_109 = tpu.memref_slice %arg2[%mul3A_97, %dma_start3A_108] : memref<160000x128xf32, #tpu.memory_space<hbm>> -> memref<128x128xf32, #tpu.memory_space<hbm>>
          tpu.enqueue_dma source(%dma_start3A_109 : memref<128x128xf32, #tpu.memory_space<hbm>>) target(%dma_start3A_107 : memref<128x128xf32, #tpu.memory_space<vmem>>) target_semaphore(%arg10 : memref<!tpu.dma_semaphore, #tpu.memory_space<semaphore_mem>>)
          %dma_start3A_110 = tpu.memref_slice %arg3[%mul3A_97] : memref<160000xi32, #tpu.memory_space<hbm>> -> memref<128xi32, #tpu.memory_space<hbm>>
          %dma_start3A_111 = tpu.memref_slice %arg3[%mul3A_97] : memref<160000xi32, #tpu.memory_space<hbm>> -> memref<128xi32, #tpu.memory_space<hbm>>
          tpu.enqueue_dma source(%dma_start3A_111 : memref<128xi32, #tpu.memory_space<hbm>>) target(%arg8 : memref<128xi32, #tpu.memory_space<vmem>>) target_semaphore(%arg12 : memref<!tpu.dma_semaphore, #tpu.memory_space<semaphore_mem>>)
        } else {
        }
      } else {
      }
    }
    %scan3A_47 = arith.constant 20 : i32
    %barrier3A_48 = arith.constant 0 : index
    tpu.barrier barrier_id(%barrier3A_48)
    %mul3A_49 = arith.constant 624 : i32
    %mul3A_50 = arith.muli %arg1, %mul3A_49 : i32
    %mul3A_51 = arith.constant 624 : i32
    %mul3A_52 = arith.muli %arg1, %mul3A_51 : i32
    "tpu.region"() ({
      %run_scoped3A_53 = tpu.sem_alloc : memref<!tpu.dma_semaphore, #tpu.memory_space<semaphore_mem>>
      %dma_start3A = arith.constant 0 : i32
      %dma_start3A_54 = tpu.memref_slice %arg4[%arg0, %mul3A_52, %dma_start3A] : memref<2x10000x128xf32, #tpu.memory_space<hbm>> -> memref<1x640x128xf32, #tpu.memory_space<hbm>>
      %dma_start3A_55 = tpu.memref_squeeze %dma_start3A_54 : memref<1x640x128xf32, #tpu.memory_space<hbm>> -> memref<640x128xf32, #tpu.memory_space<hbm>>
      %dma_start3A_56 = arith.constant 0 : i32
      %dma_start3A_57 = tpu.memref_slice %arg5[%mul3A_50, %dma_start3A_56] : memref<10000x128xf32, #tpu.memory_space<vmem_shared>> -> memref<640x128xf32, #tpu.memory_space<vmem_shared>>
      tpu.enqueue_dma source(%dma_start3A_57 : memref<640x128xf32, #tpu.memory_space<vmem_shared>>) target(%dma_start3A_55 : memref<640x128xf32, #tpu.memory_space<hbm>>) target_semaphore(%run_scoped3A_53 : memref<!tpu.dma_semaphore, #tpu.memory_space<semaphore_mem>>)
      %dma_wait3A = arith.constant 0 : i32
      %dma_wait3A_58 = tpu.memref_slice %arg4[%arg0, %mul3A_52, %dma_wait3A] : memref<2x10000x128xf32, #tpu.memory_space<hbm>> -> memref<1x640x128xf32, #tpu.memory_space<hbm>>
      %dma_wait3A_59 = tpu.memref_squeeze %dma_wait3A_58 : memref<1x640x128xf32, #tpu.memory_space<hbm>> -> memref<640x128xf32, #tpu.memory_space<hbm>>
      %dma_wait3A_60 = arith.constant 0 : i32
      %dma_wait3A_61 = tpu.memref_slice %arg5[%mul3A_50, %dma_wait3A_60] : memref<10000x128xf32, #tpu.memory_space<vmem_shared>> -> memref<640x128xf32, #tpu.memory_space<vmem_shared>>
      tpu.wait_dma2 semaphore(%run_scoped3A_53 : memref<!tpu.dma_semaphore, #tpu.memory_space<semaphore_mem>>) src(%dma_wait3A_61 : memref<640x128xf32, #tpu.memory_space<vmem_shared>>) dst(%dma_wait3A_59 : memref<640x128xf32, #tpu.memory_space<hbm>>)
      tpu.yield
    }) : () -> ()
    return
  }
}

#map = affine_map<(d0, d1) -> (0, 0)>
module attributes {stable_mosaic.version = 14 : i64} {
  func.func @k(%arg0: i32, %arg1: i32, %arg2: memref<10000x128xf32, #tpu.memory_space<hbm>>, %arg3: memref<10000x128xf32, #tpu.memory_space<hbm>>, %arg4: memref<1280x128xi32, #tpu.memory_space<hbm>>, %arg5: memref<1280x128xi32, #tpu.memory_space<hbm>>, %arg6: memref<160000x128xf32, #tpu.memory_space<hbm>>, %arg7: memref<40x128xi32, #tpu.memory_space<vmem>>, %arg8: memref<40x128xi32, #tpu.memory_space<vmem>>, %arg9: memref<3x128x128xf32, #tpu.memory_space<vmem>>, %arg10: memref<3x128x128xf32, #tpu.memory_space<vmem>>, %arg11: memref<!tpu.dma_semaphore, #tpu.memory_space<semaphore_mem>>, %arg12: memref<!tpu.dma_semaphore, #tpu.memory_space<semaphore_mem>>, %arg13: memref<!tpu.dma_semaphore, #tpu.memory_space<semaphore_mem>>, %arg14: memref<!tpu.dma_semaphore, #tpu.memory_space<semaphore_mem>>, %arg15: memref<!tpu.dma_semaphore, #tpu.memory_space<semaphore_mem>>, %arg16: memref<!tpu.dma_semaphore, #tpu.memory_space<semaphore_mem>>, %arg17: memref<!tpu.dma_semaphore, #tpu.memory_space<semaphore_mem>>, %arg18: memref<!tpu.dma_semaphore, #tpu.memory_space<semaphore_mem>>, %arg19: memref<!tpu.dma_semaphore, #tpu.memory_space<semaphore_mem>>) attributes {dimension_semantics = [#tpu.dimension_semantics<core_parallel>, #tpu.dimension_semantics<subcore_parallel>], iteration_bounds = array<i64: 2, 16>, scalar_prefetch = 0 : i64, scratch_operands = 13 : i64, tpu.core_type = #tpu.core_type<sc_vector_subcore>, window_params = [{transform_indices = #map}, {transform_indices = #map}, {transform_indices = #map}, {transform_indices = #map}, {transform_indices = #map}]} {
    %mul3A = arith.constant 2 : i32
    %mul3A_0 = arith.muli %arg1, %mul3A : i32
    %add3A = arith.addi %mul3A_0, %arg0 : i32
    %mul3A_1 = arith.constant 40 : i32
    %mul3A_2 = arith.muli %add3A, %mul3A_1 : i32
    %sub3A = arith.constant 1250 : i32
    %sub3A_3 = arith.subi %sub3A, %mul3A_2 : i32
    %max3A = arith.constant 0 : i32
    %max3A_4 = arith.maxsi %sub3A_3, %max3A : i32
    %min3A = arith.constant 40 : i32
    %min3A_5 = arith.minsi %max3A_4, %min3A : i32
    "tpu.region"() ({
      %run_scoped3A = tpu.sem_alloc : memref<!tpu.dma_semaphore, #tpu.memory_space<semaphore_mem>>
      %dma_start3A = arith.constant 0 : i32
      %dma_start3A_75 = tpu.memref_slice %arg4[%mul3A_2, %dma_start3A] : memref<1280x128xi32, #tpu.memory_space<hbm>> -> memref<40x128xi32, #tpu.memory_space<hbm>>
      %dma_start3A_76 = arith.constant 0 : i32
      %dma_start3A_77 = tpu.memref_slice %arg4[%mul3A_2, %dma_start3A_76] : memref<1280x128xi32, #tpu.memory_space<hbm>> -> memref<40x128xi32, #tpu.memory_space<hbm>>
      tpu.enqueue_dma source(%dma_start3A_77 : memref<40x128xi32, #tpu.memory_space<hbm>>) target(%arg7 : memref<40x128xi32, #tpu.memory_space<vmem>>) target_semaphore(%run_scoped3A : memref<!tpu.dma_semaphore, #tpu.memory_space<semaphore_mem>>)
      %dma_wait3A = arith.constant 0 : i32
      %dma_wait3A_78 = tpu.memref_slice %arg4[%mul3A_2, %dma_wait3A] : memref<1280x128xi32, #tpu.memory_space<hbm>> -> memref<40x128xi32, #tpu.memory_space<hbm>>
      %dma_wait3A_79 = arith.constant 0 : i32
      %dma_wait3A_80 = tpu.memref_slice %arg4[%mul3A_2, %dma_wait3A_79] : memref<1280x128xi32, #tpu.memory_space<hbm>> -> memref<40x128xi32, #tpu.memory_space<hbm>>
      tpu.wait_dma2 semaphore(%run_scoped3A : memref<!tpu.dma_semaphore, #tpu.memory_space<semaphore_mem>>) src(%dma_wait3A_80 : memref<40x128xi32, #tpu.memory_space<hbm>>) dst(%arg7 : memref<40x128xi32, #tpu.memory_space<vmem>>)
      tpu.yield
    }) : () -> ()
    "tpu.region"() ({
      %run_scoped3A = tpu.sem_alloc : memref<!tpu.dma_semaphore, #tpu.memory_space<semaphore_mem>>
      %dma_start3A = arith.constant 0 : i32
      %dma_start3A_75 = tpu.memref_slice %arg5[%mul3A_2, %dma_start3A] : memref<1280x128xi32, #tpu.memory_space<hbm>> -> memref<40x128xi32, #tpu.memory_space<hbm>>
      %dma_start3A_76 = arith.constant 0 : i32
      %dma_start3A_77 = tpu.memref_slice %arg5[%mul3A_2, %dma_start3A_76] : memref<1280x128xi32, #tpu.memory_space<hbm>> -> memref<40x128xi32, #tpu.memory_space<hbm>>
      tpu.enqueue_dma source(%dma_start3A_77 : memref<40x128xi32, #tpu.memory_space<hbm>>) target(%arg8 : memref<40x128xi32, #tpu.memory_space<vmem>>) target_semaphore(%run_scoped3A : memref<!tpu.dma_semaphore, #tpu.memory_space<semaphore_mem>>)
      %dma_wait3A = arith.constant 0 : i32
      %dma_wait3A_78 = tpu.memref_slice %arg5[%mul3A_2, %dma_wait3A] : memref<1280x128xi32, #tpu.memory_space<hbm>> -> memref<40x128xi32, #tpu.memory_space<hbm>>
      %dma_wait3A_79 = arith.constant 0 : i32
      %dma_wait3A_80 = tpu.memref_slice %arg5[%mul3A_2, %dma_wait3A_79] : memref<1280x128xi32, #tpu.memory_space<hbm>> -> memref<40x128xi32, #tpu.memory_space<hbm>>
      tpu.wait_dma2 semaphore(%run_scoped3A : memref<!tpu.dma_semaphore, #tpu.memory_space<semaphore_mem>>) src(%dma_wait3A_80 : memref<40x128xi32, #tpu.memory_space<hbm>>) dst(%arg8 : memref<40x128xi32, #tpu.memory_space<vmem>>)
      tpu.yield
    }) : () -> ()
    %gt3A = arith.constant 0 : i32
    %gt3A_6 = arith.cmpi sgt, %min3A_5, %gt3A : i32
    %convert_element_type3A = arith.extui %gt3A_6 : i1 to i32
    %cond3A = arith.constant 0 : i32
    %cond3A_7 = arith.cmpi ne, %convert_element_type3A, %cond3A : i32
    scf.if %cond3A_7 {
      %dma_start3A = arith.constant 0 : i32
      %dma_start3A_75 = arith.constant 0 : i32
      %dma_start3A_76 = arith.constant 0 : i32
      %dma_start3A_77 = arith.constant 0 : i32
      %dma_start3A_78 = tpu.memref_slice %arg9[%dma_start3A_75, %dma_start3A_76, %dma_start3A_77] : memref<3x128x128xf32, #tpu.memory_space<vmem>> -> memref<1x128x128xf32, #tpu.memory_space<vmem>>
      %dma_start3A_79 = tpu.memref_squeeze %dma_start3A_78 : memref<1x128x128xf32, #tpu.memory_space<vmem>> -> memref<128x128xf32, #tpu.memory_space<vmem>>
      %dma_start3A_80 = arith.constant 0 : i32
      %dma_start3A_81 = tpu.memref_slice %arg7[%dma_start3A, %dma_start3A_80] : memref<40x128xi32, #tpu.memory_space<vmem>> -> memref<1x128xi32, #tpu.memory_space<vmem>>
      %dma_start3A_82 = tpu.memref_squeeze %dma_start3A_81 : memref<1x128xi32, #tpu.memory_space<vmem>> -> memref<128xi32, #tpu.memory_space<vmem>>
      %dma_start3A_83 = arith.constant 0 : i32
      %dma_start3A_84 = arith.constant 0 : i32
      %dma_start3A_85 = tpu.memref_slice %arg2[%dma_start3A_83, %dma_start3A_84] : memref<10000x128xf32, #tpu.memory_space<hbm>> -> memref<10000x128xf32, #tpu.memory_space<hbm>>
      tpu.enqueue_indirect_dma source(%dma_start3A_85 : memref<10000x128xf32, #tpu.memory_space<hbm>>) target(%dma_start3A_79 : memref<128x128xf32, #tpu.memory_space<vmem>>) offsets(%dma_start3A_82 : memref<128xi32, #tpu.memory_space<vmem>>) semaphore(%arg11 : memref<!tpu.dma_semaphore, #tpu.memory_space<semaphore_mem>>)
      %dma_start3A_86 = arith.constant 0 : i32
      %dma_start3A_87 = arith.constant 0 : i32
      %dma_start3A_88 = arith.constant 0 : i32
      %dma_start3A_89 = arith.constant 0 : i32
      %dma_start3A_90 = tpu.memref_slice %arg10[%dma_start3A_87, %dma_start3A_88, %dma_start3A_89] : memref<3x128x128xf32, #tpu.memory_space<vmem>> -> memref<1x128x128xf32, #tpu.memory_space<vmem>>
      %dma_start3A_91 = tpu.memref_squeeze %dma_start3A_90 : memref<1x128x128xf32, #tpu.memory_space<vmem>> -> memref<128x128xf32, #tpu.memory_space<vmem>>
      %dma_start3A_92 = arith.constant 0 : i32
      %dma_start3A_93 = tpu.memref_slice %arg8[%dma_start3A_86, %dma_start3A_92] : memref<40x128xi32, #tpu.memory_space<vmem>> -> memref<1x128xi32, #tpu.memory_space<vmem>>
      %dma_start3A_94 = tpu.memref_squeeze %dma_start3A_93 : memref<1x128xi32, #tpu.memory_space<vmem>> -> memref<128xi32, #tpu.memory_space<vmem>>
      %dma_start3A_95 = arith.constant 0 : i32
      %dma_start3A_96 = arith.constant 0 : i32
      %dma_start3A_97 = tpu.memref_slice %arg3[%dma_start3A_95, %dma_start3A_96] : memref<10000x128xf32, #tpu.memory_space<hbm>> -> memref<10000x128xf32, #tpu.memory_space<hbm>>
      tpu.enqueue_indirect_dma source(%dma_start3A_97 : memref<10000x128xf32, #tpu.memory_space<hbm>>) target(%dma_start3A_91 : memref<128x128xf32, #tpu.memory_space<vmem>>) offsets(%dma_start3A_94 : memref<128xi32, #tpu.memory_space<vmem>>) semaphore(%arg14 : memref<!tpu.dma_semaphore, #tpu.memory_space<semaphore_mem>>)
    } else {
    }
    %gt3A_8 = arith.constant 1 : i32
    %gt3A_9 = arith.cmpi sgt, %min3A_5, %gt3A_8 : i32
    %convert_element_type3A_10 = arith.extui %gt3A_9 : i1 to i32
    %cond3A_11 = arith.constant 0 : i32
    %cond3A_12 = arith.cmpi ne, %convert_element_type3A_10, %cond3A_11 : i32
    scf.if %cond3A_12 {
      %dma_start3A = arith.constant 1 : i32
      %dma_start3A_75 = arith.constant 1 : i32
      %dma_start3A_76 = arith.constant 0 : i32
      %dma_start3A_77 = arith.constant 0 : i32
      %dma_start3A_78 = tpu.memref_slice %arg9[%dma_start3A_75, %dma_start3A_76, %dma_start3A_77] : memref<3x128x128xf32, #tpu.memory_space<vmem>> -> memref<1x128x128xf32, #tpu.memory_space<vmem>>
      %dma_start3A_79 = tpu.memref_squeeze %dma_start3A_78 : memref<1x128x128xf32, #tpu.memory_space<vmem>> -> memref<128x128xf32, #tpu.memory_space<vmem>>
      %dma_start3A_80 = arith.constant 0 : i32
      %dma_start3A_81 = tpu.memref_slice %arg7[%dma_start3A, %dma_start3A_80] : memref<40x128xi32, #tpu.memory_space<vmem>> -> memref<1x128xi32, #tpu.memory_space<vmem>>
      %dma_start3A_82 = tpu.memref_squeeze %dma_start3A_81 : memref<1x128xi32, #tpu.memory_space<vmem>> -> memref<128xi32, #tpu.memory_space<vmem>>
      %dma_start3A_83 = arith.constant 0 : i32
      %dma_start3A_84 = arith.constant 0 : i32
      %dma_start3A_85 = tpu.memref_slice %arg2[%dma_start3A_83, %dma_start3A_84] : memref<10000x128xf32, #tpu.memory_space<hbm>> -> memref<10000x128xf32, #tpu.memory_space<hbm>>
      tpu.enqueue_indirect_dma source(%dma_start3A_85 : memref<10000x128xf32, #tpu.memory_space<hbm>>) target(%dma_start3A_79 : memref<128x128xf32, #tpu.memory_space<vmem>>) offsets(%dma_start3A_82 : memref<128xi32, #tpu.memory_space<vmem>>) semaphore(%arg12 : memref<!tpu.dma_semaphore, #tpu.memory_space<semaphore_mem>>)
      %dma_start3A_86 = arith.constant 1 : i32
      %dma_start3A_87 = arith.constant 1 : i32
      %dma_start3A_88 = arith.constant 0 : i32
      %dma_start3A_89 = arith.constant 0 : i32
      %dma_start3A_90 = tpu.memref_slice %arg10[%dma_start3A_87, %dma_start3A_88, %dma_start3A_89] : memref<3x128x128xf32, #tpu.memory_space<vmem>> -> memref<1x128x128xf32, #tpu.memory_space<vmem>>
      %dma_start3A_91 = tpu.memref_squeeze %dma_start3A_90 : memref<1x128x128xf32, #tpu.memory_space<vmem>> -> memref<128x128xf32, #tpu.memory_space<vmem>>
      %dma_start3A_92 = arith.constant 0 : i32
      %dma_start3A_93 = tpu.memref_slice %arg8[%dma_start3A_86, %dma_start3A_92] : memref<40x128xi32, #tpu.memory_space<vmem>> -> memref<1x128xi32, #tpu.memory_space<vmem>>
      %dma_start3A_94 = tpu.memref_squeeze %dma_start3A_93 : memref<1x128xi32, #tpu.memory_space<vmem>> -> memref<128xi32, #tpu.memory_space<vmem>>
      %dma_start3A_95 = arith.constant 0 : i32
      %dma_start3A_96 = arith.constant 0 : i32
      %dma_start3A_97 = tpu.memref_slice %arg3[%dma_start3A_95, %dma_start3A_96] : memref<10000x128xf32, #tpu.memory_space<hbm>> -> memref<10000x128xf32, #tpu.memory_space<hbm>>
      tpu.enqueue_indirect_dma source(%dma_start3A_97 : memref<10000x128xf32, #tpu.memory_space<hbm>>) target(%dma_start3A_91 : memref<128x128xf32, #tpu.memory_space<vmem>>) offsets(%dma_start3A_94 : memref<128xi32, #tpu.memory_space<vmem>>) semaphore(%arg15 : memref<!tpu.dma_semaphore, #tpu.memory_space<semaphore_mem>>)
    } else {
    }
    %scan3A = arith.constant 0 : i32
    %scan3A_13 = arith.constant 0 : i32
    %scan3A_14 = arith.constant 14 : i32
    %scan3A_15 = arith.addi %scan3A_13, %scan3A_14 : i32
    %scan3A_16 = arith.constant 1 : i32
    scf.for %scan3A_75 = %scan3A_13 to %scan3A_15 step %scan3A_16  : i32 {
      %mul3A_76 = arith.constant 3 : i32
      %mul3A_77 = arith.muli %scan3A_75, %mul3A_76 : i32
      %add3A_78 = arith.constant 0 : i32
      %add3A_79 = arith.addi %mul3A_77, %add3A_78 : i32
      %lt3A = arith.cmpi slt, %add3A_79, %min3A_5 : i32
      %convert_element_type3A_80 = arith.extui %lt3A : i1 to i32
      %cond3A_81 = arith.constant 0 : i32
      %cond3A_82 = arith.cmpi ne, %convert_element_type3A_80, %cond3A_81 : i32
      scf.if %cond3A_82 {
        %dma_wait3A = arith.constant 0 : i32
        %dma_wait3A_99 = arith.constant 0 : i32
        %dma_wait3A_100 = arith.constant 0 : i32
        %dma_wait3A_101 = tpu.memref_slice %arg9[%dma_wait3A, %dma_wait3A_99, %dma_wait3A_100] : memref<3x128x128xf32, #tpu.memory_space<vmem>> -> memref<1x128x128xf32, #tpu.memory_space<vmem>>
        %dma_wait3A_102 = tpu.memref_squeeze %dma_wait3A_101 : memref<1x128x128xf32, #tpu.memory_space<vmem>> -> memref<128x128xf32, #tpu.memory_space<vmem>>
        %dma_wait3A_103 = arith.constant 0 : i32
        %dma_wait3A_104 = tpu.memref_slice %arg7[%add3A_79, %dma_wait3A_103] : memref<40x128xi32, #tpu.memory_space<vmem>> -> memref<1x128xi32, #tpu.memory_space<vmem>>
        %dma_wait3A_105 = tpu.memref_squeeze %dma_wait3A_104 : memref<1x128xi32, #tpu.memory_space<vmem>> -> memref<128xi32, #tpu.memory_space<vmem>>
        %dma_wait3A_106 = arith.constant 0 : i32
        %dma_wait3A_107 = arith.constant 0 : i32
        %dma_wait3A_108 = tpu.memref_slice %arg2[%dma_wait3A_106, %dma_wait3A_107] : memref<10000x128xf32, #tpu.memory_space<hbm>> -> memref<10000x128xf32, #tpu.memory_space<hbm>>
        tpu.wait_indirect_dma semaphore(%arg11 : memref<!tpu.dma_semaphore, #tpu.memory_space<semaphore_mem>>) src(%dma_wait3A_108 : memref<10000x128xf32, #tpu.memory_space<hbm>>) dst(%dma_wait3A_102 : memref<128x128xf32, #tpu.memory_space<vmem>>)
        %dma_wait3A_109 = arith.constant 0 : i32
        %dma_wait3A_110 = arith.constant 0 : i32
        %dma_wait3A_111 = arith.constant 0 : i32
        %dma_wait3A_112 = tpu.memref_slice %arg10[%dma_wait3A_109, %dma_wait3A_110, %dma_wait3A_111] : memref<3x128x128xf32, #tpu.memory_space<vmem>> -> memref<1x128x128xf32, #tpu.memory_space<vmem>>
        %dma_wait3A_113 = tpu.memref_squeeze %dma_wait3A_112 : memref<1x128x128xf32, #tpu.memory_space<vmem>> -> memref<128x128xf32, #tpu.memory_space<vmem>>
        %dma_wait3A_114 = arith.constant 0 : i32
        %dma_wait3A_115 = tpu.memref_slice %arg8[%add3A_79, %dma_wait3A_114] : memref<40x128xi32, #tpu.memory_space<vmem>> -> memref<1x128xi32, #tpu.memory_space<vmem>>
        %dma_wait3A_116 = tpu.memref_squeeze %dma_wait3A_115 : memref<1x128xi32, #tpu.memory_space<vmem>> -> memref<128xi32, #tpu.memory_space<vmem>>
        %dma_wait3A_117 = arith.constant 0 : i32
        %dma_wait3A_118 = arith.constant 0 : i32
        %dma_wait3A_119 = tpu.memref_slice %arg3[%dma_wait3A_117, %dma_wait3A_118] : memref<10000x128xf32, #tpu.memory_space<hbm>> -> memref<10000x128xf32, #tpu.memory_space<hbm>>
        tpu.wait_indirect_dma semaphore(%arg14 : memref<!tpu.dma_semaphore, #tpu.memory_space<semaphore_mem>>) src(%dma_wait3A_119 : memref<10000x128xf32, #tpu.memory_space<hbm>>) dst(%dma_wait3A_113 : memref<128x128xf32, #tpu.memory_space<vmem>>)
        %scan3A_120 = arith.constant 0 : i32
        %scan3A_121 = arith.constant 0 : i32
        %scan3A_122 = arith.constant 128 : i32
        %scan3A_123 = arith.addi %scan3A_121, %scan3A_122 : i32
        %scan3A_124 = arith.constant 1 : i32
        scf.for %scan3A_158 = %scan3A_121 to %scan3A_123 step %scan3A_124  : i32 {
          %get3A = arith.constant 0 : i32
          %get3A_159 = arith.index_cast %get3A : i32 to index
          %get3A_160 = arith.index_cast %scan3A_158 : i32 to index
          %get3A_161 = arith.constant 0 : index
          %get3A_162 = tpu.vector_load %arg9[%get3A_159, %get3A_160, %get3A_161] {strides = array<i32>} : memref<3x128x128xf32, #tpu.memory_space<vmem>>, vector<1x1x16xf32>,
          %get3A_163 = vector.shape_cast %get3A_162 : vector<1x1x16xf32> to vector<16xf32>
          %get3A_164 = arith.constant 0 : i32
          %get3A_165 = arith.index_cast %get3A_164 : i32 to index
          %get3A_166 = arith.index_cast %scan3A_158 : i32 to index
          %get3A_167 = arith.constant 0 : index
          %get3A_168 = tpu.vector_load %arg10[%get3A_165, %get3A_166, %get3A_167] {strides = array<i32>} : memref<3x128x128xf32, #tpu.memory_space<vmem>>, vector<1x1x16xf32>,
          %get3A_169 = vector.shape_cast %get3A_168 : vector<1x1x16xf32> to vector<16xf32>
          %add3A_170 = arith.addf %get3A_163, %get3A_169 : vector<16xf32>
          %swap3A = arith.constant 0 : i32
          %swap3A_171 = arith.index_cast %swap3A : i32 to index
          %swap3A_172 = arith.index_cast %scan3A_158 : i32 to index
          %swap3A_173 = arith.constant 0 : index
          %swap3A_174 = tpu.vector_load %arg9[%swap3A_171, %swap3A_172, %swap3A_173] {strides = array<i32>} : memref<3x128x128xf32, #tpu.memory_space<vmem>>, vector<1x1x16xf32>,
          %swap3A_175 = vector.shape_cast %swap3A_174 : vector<1x1x16xf32> to vector<16xf32>
          %swap3A_176 = vector.shape_cast %add3A_170 : vector<16xf32> to vector<1x1x16xf32>
          tpu.vector_store %arg9[%swap3A_171, %swap3A_172, %swap3A_173], %swap3A_176 {strides = array<i32>} : memref<3x128x128xf32, #tpu.memory_space<vmem>>, vector<1x1x16xf32>,
          %get3A_177 = arith.constant 0 : i32
          %get3A_178 = arith.index_cast %get3A_177 : i32 to index
          %get3A_179 = arith.index_cast %scan3A_158 : i32 to index
          %get3A_180 = arith.constant 16 : index
          %get3A_181 = tpu.vector_load %arg9[%get3A_178, %get3A_179, %get3A_180] {strides = array<i32>} : memref<3x128x128xf32, #tpu.memory_space<vmem>>, vector<1x1x16xf32>,
          %get3A_182 = vector.shape_cast %get3A_181 : vector<1x1x16xf32> to vector<16xf32>
          %get3A_183 = arith.constant 0 : i32
          %get3A_184 = arith.index_cast %get3A_183 : i32 to index
          %get3A_185 = arith.index_cast %scan3A_158 : i32 to index
          %get3A_186 = arith.constant 16 : index
          %get3A_187 = tpu.vector_load %arg10[%get3A_184, %get3A_185, %get3A_186] {strides = array<i32>} : memref<3x128x128xf32, #tpu.memory_space<vmem>>, vector<1x1x16xf32>,
          %get3A_188 = vector.shape_cast %get3A_187 : vector<1x1x16xf32> to vector<16xf32>
          %add3A_189 = arith.addf %get3A_182, %get3A_188 : vector<16xf32>
          %swap3A_190 = arith.constant 0 : i32
          %swap3A_191 = arith.index_cast %swap3A_190 : i32 to index
          %swap3A_192 = arith.index_cast %scan3A_158 : i32 to index
          %swap3A_193 = arith.constant 16 : index
          %swap3A_194 = tpu.vector_load %arg9[%swap3A_191, %swap3A_192, %swap3A_193] {strides = array<i32>} : memref<3x128x128xf32, #tpu.memory_space<vmem>>, vector<1x1x16xf32>,
          %swap3A_195 = vector.shape_cast %swap3A_194 : vector<1x1x16xf32> to vector<16xf32>
          %swap3A_196 = vector.shape_cast %add3A_189 : vector<16xf32> to vector<1x1x16xf32>
          tpu.vector_store %arg9[%swap3A_191, %swap3A_192, %swap3A_193], %swap3A_196 {strides = array<i32>} : memref<3x128x128xf32, #tpu.memory_space<vmem>>, vector<1x1x16xf32>,
          %get3A_197 = arith.constant 0 : i32
          %get3A_198 = arith.index_cast %get3A_197 : i32 to index
          %get3A_199 = arith.index_cast %scan3A_158 : i32 to index
          %get3A_200 = arith.constant 32 : index
          %get3A_201 = tpu.vector_load %arg9[%get3A_198, %get3A_199, %get3A_200] {strides = array<i32>} : memref<3x128x128xf32, #tpu.memory_space<vmem>>, vector<1x1x16xf32>,
          %get3A_202 = vector.shape_cast %get3A_201 : vector<1x1x16xf32> to vector<16xf32>
          %get3A_203 = arith.constant 0 : i32
          %get3A_204 = arith.index_cast %get3A_203 : i32 to index
          %get3A_205 = arith.index_cast %scan3A_158 : i32 to index
          %get3A_206 = arith.constant 32 : index
          %get3A_207 = tpu.vector_load %arg10[%get3A_204, %get3A_205, %get3A_206] {strides = array<i32>} : memref<3x128x128xf32, #tpu.memory_space<vmem>>, vector<1x1x16xf32>,
          %get3A_208 = vector.shape_cast %get3A_207 : vector<1x1x16xf32> to vector<16xf32>
          %add3A_209 = arith.addf %get3A_202, %get3A_208 : vector<16xf32>
          %swap3A_210 = arith.constant 0 : i32
          %swap3A_211 = arith.index_cast %swap3A_210 : i32 to index
          %swap3A_212 = arith.index_cast %scan3A_158 : i32 to index
          %swap3A_213 = arith.constant 32 : index
          %swap3A_214 = tpu.vector_load %arg9[%swap3A_211, %swap3A_212, %swap3A_213] {strides = array<i32>} : memref<3x128x128xf32, #tpu.memory_space<vmem>>, vector<1x1x16xf32>,
          %swap3A_215 = vector.shape_cast %swap3A_214 : vector<1x1x16xf32> to vector<16xf32>
          %swap3A_216 = vector.shape_cast %add3A_209 : vector<16xf32> to vector<1x1x16xf32>
          tpu.vector_store %arg9[%swap3A_211, %swap3A_212, %swap3A_213], %swap3A_216 {strides = array<i32>} : memref<3x128x128xf32, #tpu.memory_space<vmem>>, vector<1x1x16xf32>,
          %get3A_217 = arith.constant 0 : i32
          %get3A_218 = arith.index_cast %get3A_217 : i32 to index
          %get3A_219 = arith.index_cast %scan3A_158 : i32 to index
          %get3A_220 = arith.constant 48 : index
          %get3A_221 = tpu.vector_load %arg9[%get3A_218, %get3A_219, %get3A_220] {strides = array<i32>} : memref<3x128x128xf32, #tpu.memory_space<vmem>>, vector<1x1x16xf32>,
          %get3A_222 = vector.shape_cast %get3A_221 : vector<1x1x16xf32> to vector<16xf32>
          %get3A_223 = arith.constant 0 : i32
          %get3A_224 = arith.index_cast %get3A_223 : i32 to index
          %get3A_225 = arith.index_cast %scan3A_158 : i32 to index
          %get3A_226 = arith.constant 48 : index
          %get3A_227 = tpu.vector_load %arg10[%get3A_224, %get3A_225, %get3A_226] {strides = array<i32>} : memref<3x128x128xf32, #tpu.memory_space<vmem>>, vector<1x1x16xf32>,
          %get3A_228 = vector.shape_cast %get3A_227 : vector<1x1x16xf32> to vector<16xf32>
          %add3A_229 = arith.addf %get3A_222, %get3A_228 : vector<16xf32>
          %swap3A_230 = arith.constant 0 : i32
          %swap3A_231 = arith.index_cast %swap3A_230 : i32 to index
          %swap3A_232 = arith.index_cast %scan3A_158 : i32 to index
          %swap3A_233 = arith.constant 48 : index
          %swap3A_234 = tpu.vector_load %arg9[%swap3A_231, %swap3A_232, %swap3A_233] {strides = array<i32>} : memref<3x128x128xf32, #tpu.memory_space<vmem>>, vector<1x1x16xf32>,
          %swap3A_235 = vector.shape_cast %swap3A_234 : vector<1x1x16xf32> to vector<16xf32>
          %swap3A_236 = vector.shape_cast %add3A_229 : vector<16xf32> to vector<1x1x16xf32>
          tpu.vector_store %arg9[%swap3A_231, %swap3A_232, %swap3A_233], %swap3A_236 {strides = array<i32>} : memref<3x128x128xf32, #tpu.memory_space<vmem>>, vector<1x1x16xf32>,
          %get3A_237 = arith.constant 0 : i32
          %get3A_238 = arith.index_cast %get3A_237 : i32 to index
          %get3A_239 = arith.index_cast %scan3A_158 : i32 to index
          %get3A_240 = arith.constant 64 : index
          %get3A_241 = tpu.vector_load %arg9[%get3A_238, %get3A_239, %get3A_240] {strides = array<i32>} : memref<3x128x128xf32, #tpu.memory_space<vmem>>, vector<1x1x16xf32>,
          %get3A_242 = vector.shape_cast %get3A_241 : vector<1x1x16xf32> to vector<16xf32>
          %get3A_243 = arith.constant 0 : i32
          %get3A_244 = arith.index_cast %get3A_243 : i32 to index
          %get3A_245 = arith.index_cast %scan3A_158 : i32 to index
          %get3A_246 = arith.constant 64 : index
          %get3A_247 = tpu.vector_load %arg10[%get3A_244, %get3A_245, %get3A_246] {strides = array<i32>} : memref<3x128x128xf32, #tpu.memory_space<vmem>>, vector<1x1x16xf32>,
          %get3A_248 = vector.shape_cast %get3A_247 : vector<1x1x16xf32> to vector<16xf32>
          %add3A_249 = arith.addf %get3A_242, %get3A_248 : vector<16xf32>
          %swap3A_250 = arith.constant 0 : i32
          %swap3A_251 = arith.index_cast %swap3A_250 : i32 to index
          %swap3A_252 = arith.index_cast %scan3A_158 : i32 to index
          %swap3A_253 = arith.constant 64 : index
          %swap3A_254 = tpu.vector_load %arg9[%swap3A_251, %swap3A_252, %swap3A_253] {strides = array<i32>} : memref<3x128x128xf32, #tpu.memory_space<vmem>>, vector<1x1x16xf32>,
          %swap3A_255 = vector.shape_cast %swap3A_254 : vector<1x1x16xf32> to vector<16xf32>
          %swap3A_256 = vector.shape_cast %add3A_249 : vector<16xf32> to vector<1x1x16xf32>
          tpu.vector_store %arg9[%swap3A_251, %swap3A_252, %swap3A_253], %swap3A_256 {strides = array<i32>} : memref<3x128x128xf32, #tpu.memory_space<vmem>>, vector<1x1x16xf32>,
          %get3A_257 = arith.constant 0 : i32
          %get3A_258 = arith.index_cast %get3A_257 : i32 to index
          %get3A_259 = arith.index_cast %scan3A_158 : i32 to index
          %get3A_260 = arith.constant 80 : index
          %get3A_261 = tpu.vector_load %arg9[%get3A_258, %get3A_259, %get3A_260] {strides = array<i32>} : memref<3x128x128xf32, #tpu.memory_space<vmem>>, vector<1x1x16xf32>,
          %get3A_262 = vector.shape_cast %get3A_261 : vector<1x1x16xf32> to vector<16xf32>
          %get3A_263 = arith.constant 0 : i32
          %get3A_264 = arith.index_cast %get3A_263 : i32 to index
          %get3A_265 = arith.index_cast %scan3A_158 : i32 to index
          %get3A_266 = arith.constant 80 : index
          %get3A_267 = tpu.vector_load %arg10[%get3A_264, %get3A_265, %get3A_266] {strides = array<i32>} : memref<3x128x128xf32, #tpu.memory_space<vmem>>, vector<1x1x16xf32>,
          %get3A_268 = vector.shape_cast %get3A_267 : vector<1x1x16xf32> to vector<16xf32>
          %add3A_269 = arith.addf %get3A_262, %get3A_268 : vector<16xf32>
          %swap3A_270 = arith.constant 0 : i32
          %swap3A_271 = arith.index_cast %swap3A_270 : i32 to index
          %swap3A_272 = arith.index_cast %scan3A_158 : i32 to index
          %swap3A_273 = arith.constant 80 : index
          %swap3A_274 = tpu.vector_load %arg9[%swap3A_271, %swap3A_272, %swap3A_273] {strides = array<i32>} : memref<3x128x128xf32, #tpu.memory_space<vmem>>, vector<1x1x16xf32>,
          %swap3A_275 = vector.shape_cast %swap3A_274 : vector<1x1x16xf32> to vector<16xf32>
          %swap3A_276 = vector.shape_cast %add3A_269 : vector<16xf32> to vector<1x1x16xf32>
          tpu.vector_store %arg9[%swap3A_271, %swap3A_272, %swap3A_273], %swap3A_276 {strides = array<i32>} : memref<3x128x128xf32, #tpu.memory_space<vmem>>, vector<1x1x16xf32>,
          %get3A_277 = arith.constant 0 : i32
          %get3A_278 = arith.index_cast %get3A_277 : i32 to index
          %get3A_279 = arith.index_cast %scan3A_158 : i32 to index
          %get3A_280 = arith.constant 96 : index
          %get3A_281 = tpu.vector_load %arg9[%get3A_278, %get3A_279, %get3A_280] {strides = array<i32>} : memref<3x128x128xf32, #tpu.memory_space<vmem>>, vector<1x1x16xf32>,
          %get3A_282 = vector.shape_cast %get3A_281 : vector<1x1x16xf32> to vector<16xf32>
          %get3A_283 = arith.constant 0 : i32
          %get3A_284 = arith.index_cast %get3A_283 : i32 to index
          %get3A_285 = arith.index_cast %scan3A_158 : i32 to index
          %get3A_286 = arith.constant 96 : index
          %get3A_287 = tpu.vector_load %arg10[%get3A_284, %get3A_285, %get3A_286] {strides = array<i32>} : memref<3x128x128xf32, #tpu.memory_space<vmem>>, vector<1x1x16xf32>,
          %get3A_288 = vector.shape_cast %get3A_287 : vector<1x1x16xf32> to vector<16xf32>
          %add3A_289 = arith.addf %get3A_282, %get3A_288 : vector<16xf32>
          %swap3A_290 = arith.constant 0 : i32
          %swap3A_291 = arith.index_cast %swap3A_290 : i32 to index
          %swap3A_292 = arith.index_cast %scan3A_158 : i32 to index
          %swap3A_293 = arith.constant 96 : index
          %swap3A_294 = tpu.vector_load %arg9[%swap3A_291, %swap3A_292, %swap3A_293] {strides = array<i32>} : memref<3x128x128xf32, #tpu.memory_space<vmem>>, vector<1x1x16xf32>,
          %swap3A_295 = vector.shape_cast %swap3A_294 : vector<1x1x16xf32> to vector<16xf32>
          %swap3A_296 = vector.shape_cast %add3A_289 : vector<16xf32> to vector<1x1x16xf32>
          tpu.vector_store %arg9[%swap3A_291, %swap3A_292, %swap3A_293], %swap3A_296 {strides = array<i32>} : memref<3x128x128xf32, #tpu.memory_space<vmem>>, vector<1x1x16xf32>,
          %get3A_297 = arith.constant 0 : i32
          %get3A_298 = arith.index_cast %get3A_297 : i32 to index
          %get3A_299 = arith.index_cast %scan3A_158 : i32 to index
          %get3A_300 = arith.constant 112 : index
          %get3A_301 = tpu.vector_load %arg9[%get3A_298, %get3A_299, %get3A_300] {strides = array<i32>} : memref<3x128x128xf32, #tpu.memory_space<vmem>>, vector<1x1x16xf32>,
          %get3A_302 = vector.shape_cast %get3A_301 : vector<1x1x16xf32> to vector<16xf32>
          %get3A_303 = arith.constant 0 : i32
          %get3A_304 = arith.index_cast %get3A_303 : i32 to index
          %get3A_305 = arith.index_cast %scan3A_158 : i32 to index
          %get3A_306 = arith.constant 112 : index
          %get3A_307 = tpu.vector_load %arg10[%get3A_304, %get3A_305, %get3A_306] {strides = array<i32>} : memref<3x128x128xf32, #tpu.memory_space<vmem>>, vector<1x1x16xf32>,
          %get3A_308 = vector.shape_cast %get3A_307 : vector<1x1x16xf32> to vector<16xf32>
          %add3A_309 = arith.addf %get3A_302, %get3A_308 : vector<16xf32>
          %swap3A_310 = arith.constant 0 : i32
          %swap3A_311 = arith.index_cast %swap3A_310 : i32 to index
          %swap3A_312 = arith.index_cast %scan3A_158 : i32 to index
          %swap3A_313 = arith.constant 112 : index
          %swap3A_314 = tpu.vector_load %arg9[%swap3A_311, %swap3A_312, %swap3A_313] {strides = array<i32>} : memref<3x128x128xf32, #tpu.memory_space<vmem>>, vector<1x1x16xf32>,
          %swap3A_315 = vector.shape_cast %swap3A_314 : vector<1x1x16xf32> to vector<16xf32>
          %swap3A_316 = vector.shape_cast %add3A_309 : vector<16xf32> to vector<1x1x16xf32>
          tpu.vector_store %arg9[%swap3A_311, %swap3A_312, %swap3A_313], %swap3A_316 {strides = array<i32>} : memref<3x128x128xf32, #tpu.memory_space<vmem>>, vector<1x1x16xf32>,
        }
        %scan3A_125 = arith.constant 128 : i32
        %add3A_126 = arith.addi %mul3A_2, %add3A_79 : i32
        %mul3A_127 = arith.constant 128 : i32
        %mul3A_128 = arith.muli %add3A_126, %mul3A_127 : i32
        %dma_start3A = arith.constant 0 : i32
        %dma_start3A_129 = arith.constant 0 : i32
        %dma_start3A_130 = arith.constant 0 : i32
        %dma_start3A_131 = tpu.memref_slice %arg9[%dma_start3A, %dma_start3A_129, %dma_start3A_130] : memref<3x128x128xf32, #tpu.memory_space<vmem>> -> memref<1x128x128xf32, #tpu.memory_space<vmem>>
        %dma_start3A_132 = tpu.memref_squeeze %dma_start3A_131 : memref<1x128x128xf32, #tpu.memory_space<vmem>> -> memref<128x128xf32, #tpu.memory_space<vmem>>
        %dma_start3A_133 = arith.constant 0 : i32
        %dma_start3A_134 = tpu.memref_slice %arg6[%mul3A_128, %dma_start3A_133] : memref<160000x128xf32, #tpu.memory_space<hbm>> -> memref<128x128xf32, #tpu.memory_space<hbm>>
        %dma_start3A_135 = arith.constant 0 : i32
        %dma_start3A_136 = tpu.memref_slice %arg6[%mul3A_128, %dma_start3A_135] : memref<160000x128xf32, #tpu.memory_space<hbm>> -> memref<128x128xf32, #tpu.memory_space<hbm>>
        %dma_start3A_137 = arith.constant 0 : i32
        %dma_start3A_138 = arith.constant 0 : i32
        %dma_start3A_139 = tpu.memref_slice %arg9[%dma_start3A, %dma_start3A_137, %dma_start3A_138] : memref<3x128x128xf32, #tpu.memory_space<vmem>> -> memref<1x128x128xf32, #tpu.memory_space<vmem>>
        %dma_start3A_140 = tpu.memref_squeeze %dma_start3A_139 : memref<1x128x128xf32, #tpu.memory_space<vmem>> -> memref<128x128xf32, #tpu.memory_space<vmem>>
        tpu.enqueue_dma source(%dma_start3A_140 : memref<128x128xf32, #tpu.memory_space<vmem>>) target(%dma_start3A_136 : memref<128x128xf32, #tpu.memory_space<hbm>>) target_semaphore(%arg17 : memref<!tpu.dma_semaphore, #tpu.memory_space<semaphore_mem>>)
        %add3A_141 = arith.constant 2 : i32
        %add3A_142 = arith.addi %add3A_79, %add3A_141 : i32
        %lt3A_143 = arith.cmpi slt, %add3A_142, %min3A_5 : i32
        %gt3A_144 = arith.constant 0 : i32
        %gt3A_145 = arith.cmpi sgt, %add3A_79, %gt3A_144 : i32
        %and3A_146 = arith.andi %lt3A_143, %gt3A_145 : i1
        %convert_element_type3A_147 = arith.extui %and3A_146 : i1 to i32
        %cond3A_148 = arith.constant 0 : i32
        %cond3A_149 = arith.cmpi ne, %convert_element_type3A_147, %cond3A_148 : i32
        scf.if %cond3A_149 {
          %sub3A_158 = arith.constant 1 : i32
          %sub3A_159 = arith.subi %add3A_79, %sub3A_158 : i32
          %add3A_160 = arith.addi %mul3A_2, %sub3A_159 : i32
          %mul3A_161 = arith.constant 128 : i32
          %mul3A_162 = arith.muli %add3A_160, %mul3A_161 : i32
          %dma_wait3A_163 = arith.constant 2 : i32
          %dma_wait3A_164 = arith.constant 0 : i32
          %dma_wait3A_165 = arith.constant 0 : i32
          %dma_wait3A_166 = tpu.memref_slice %arg9[%dma_wait3A_163, %dma_wait3A_164, %dma_wait3A_165] : memref<3x128x128xf32, #tpu.memory_space<vmem>> -> memref<1x128x128xf32, #tpu.memory_space<vmem>>
          %dma_wait3A_167 = tpu.memref_squeeze %dma_wait3A_166 : memref<1x128x128xf32, #tpu.memory_space<vmem>> -> memref<128x128xf32, #tpu.memory_space<vmem>>
          %dma_wait3A_168 = arith.constant 0 : i32
          %dma_wait3A_169 = tpu.memref_slice %arg6[%mul3A_162, %dma_wait3A_168] : memref<160000x128xf32, #tpu.memory_space<hbm>> -> memref<128x128xf32, #tpu.memory_space<hbm>>
          %dma_wait3A_170 = arith.constant 0 : i32
          %dma_wait3A_171 = tpu.memref_slice %arg6[%mul3A_162, %dma_wait3A_170] : memref<160000x128xf32, #tpu.memory_space<hbm>> -> memref<128x128xf32, #tpu.memory_space<hbm>>
          %dma_wait3A_172 = arith.constant 0 : i32
          %dma_wait3A_173 = arith.constant 0 : i32
          %dma_wait3A_174 = tpu.memref_slice %arg9[%dma_wait3A_163, %dma_wait3A_172, %dma_wait3A_173] : memref<3x128x128xf32, #tpu.memory_space<vmem>> -> memref<1x128x128xf32, #tpu.memory_space<vmem>>
          %dma_wait3A_175 = tpu.memref_squeeze %dma_wait3A_174 : memref<1x128x128xf32, #tpu.memory_space<vmem>> -> memref<128x128xf32, #tpu.memory_space<vmem>>
          tpu.wait_dma2 semaphore(%arg19 : memref<!tpu.dma_semaphore, #tpu.memory_space<semaphore_mem>>) src(%dma_wait3A_175 : memref<128x128xf32, #tpu.memory_space<vmem>>) dst(%dma_wait3A_171 : memref<128x128xf32, #tpu.memory_space<hbm>>)
          %add3A_176 = arith.constant 2 : i32
          %add3A_177 = arith.addi %add3A_79, %add3A_176 : i32
          %dma_start3A_178 = arith.constant 2 : i32
          %dma_start3A_179 = arith.constant 0 : i32
          %dma_start3A_180 = arith.constant 0 : i32
          %dma_start3A_181 = tpu.memref_slice %arg9[%dma_start3A_178, %dma_start3A_179, %dma_start3A_180] : memref<3x128x128xf32, #tpu.memory_space<vmem>> -> memref<1x128x128xf32, #tpu.memory_space<vmem>>
          %dma_start3A_182 = tpu.memref_squeeze %dma_start3A_181 : memref<1x128x128xf32, #tpu.memory_space<vmem>> -> memref<128x128xf32, #tpu.memory_space<vmem>>
          %dma_start3A_183 = arith.constant 0 : i32
          %dma_start3A_184 = tpu.memref_slice %arg7[%add3A_177, %dma_start3A_183] : memref<40x128xi32, #tpu.memory_space<vmem>> -> memref<1x128xi32, #tpu.memory_space<vmem>>
          %dma_start3A_185 = tpu.memref_squeeze %dma_start3A_184 : memref<1x128xi32, #tpu.memory_space<vmem>> -> memref<128xi32, #tpu.memory_space<vmem>>
          %dma_start3A_186 = arith.constant 0 : i32
          %dma_start3A_187 = arith.constant 0 : i32
          %dma_start3A_188 = tpu.memref_slice %arg2[%dma_start3A_186, %dma_start3A_187] : memref<10000x128xf32, #tpu.memory_space<hbm>> -> memref<10000x128xf32, #tpu.memory_space<hbm>>
          tpu.enqueue_indirect_dma source(%dma_start3A_188 : memref<10000x128xf32, #tpu.memory_space<hbm>>) target(%dma_start3A_182 : memref<128x128xf32, #tpu.memory_space<vmem>>) offsets(%dma_start3A_185 : memref<128xi32, #tpu.memory_space<vmem>>) semaphore(%arg13 : memref<!tpu.dma_semaphore, #tpu.memory_space<semaphore_mem>>)
          %dma_start3A_189 = arith.constant 2 : i32
          %dma_start3A_190 = arith.constant 0 : i32
          %dma_start3A_191 = arith.constant 0 : i32
          %dma_start3A_192 = tpu.memref_slice %arg10[%dma_start3A_189, %dma_start3A_190, %dma_start3A_191] : memref<3x128x128xf32, #tpu.memory_space<vmem>> -> memref<1x128x128xf32, #tpu.memory_space<vmem>>
          %dma_start3A_193 = tpu.memref_squeeze %dma_start3A_192 : memref<1x128x128xf32, #tpu.memory_space<vmem>> -> memref<128x128xf32, #tpu.memory_space<vmem>>
          %dma_start3A_194 = arith.constant 0 : i32
          %dma_start3A_195 = tpu.memref_slice %arg8[%add3A_177, %dma_start3A_194] : memref<40x128xi32, #tpu.memory_space<vmem>> -> memref<1x128xi32, #tpu.memory_space<vmem>>
          %dma_start3A_196 = tpu.memref_squeeze %dma_start3A_195 : memref<1x128xi32, #tpu.memory_space<vmem>> -> memref<128xi32, #tpu.memory_space<vmem>>
          %dma_start3A_197 = arith.constant 0 : i32
          %dma_start3A_198 = arith.constant 0 : i32
          %dma_start3A_199 = tpu.memref_slice %arg3[%dma_start3A_197, %dma_start3A_198] : memref<10000x128xf32, #tpu.memory_space<hbm>> -> memref<10000x128xf32, #tpu.memory_space<hbm>>
          tpu.enqueue_indirect_dma source(%dma_start3A_199 : memref<10000x128xf32, #tpu.memory_space<hbm>>) target(%dma_start3A_193 : memref<128x128xf32, #tpu.memory_space<vmem>>) offsets(%dma_start3A_196 : memref<128xi32, #tpu.memory_space<vmem>>) semaphore(%arg16 : memref<!tpu.dma_semaphore, #tpu.memory_space<semaphore_mem>>)
        } else {
        }
        %add3A_150 = arith.constant 2 : i32
        %add3A_151 = arith.addi %add3A_79, %add3A_150 : i32
        %lt3A_152 = arith.cmpi slt, %add3A_151, %min3A_5 : i32
        %eq3A = arith.constant 0 : i32
        %eq3A_153 = arith.cmpi eq, %add3A_79, %eq3A : i32
        %and3A_154 = arith.andi %lt3A_152, %eq3A_153 : i1
        %convert_element_type3A_155 = arith.extui %and3A_154 : i1 to i32
        %cond3A_156 = arith.constant 0 : i32
        %cond3A_157 = arith.cmpi ne, %convert_element_type3A_155, %cond3A_156 : i32
        scf.if %cond3A_157 {
          %add3A_158 = arith.constant 2 : i32
          %add3A_159 = arith.addi %add3A_79, %add3A_158 : i32
          %dma_start3A_160 = arith.constant 2 : i32
          %dma_start3A_161 = arith.constant 0 : i32
          %dma_start3A_162 = arith.constant 0 : i32
          %dma_start3A_163 = tpu.memref_slice %arg9[%dma_start3A_160, %dma_start3A_161, %dma_start3A_162] : memref<3x128x128xf32, #tpu.memory_space<vmem>> -> memref<1x128x128xf32, #tpu.memory_space<vmem>>
          %dma_start3A_164 = tpu.memref_squeeze %dma_start3A_163 : memref<1x128x128xf32, #tpu.memory_space<vmem>> -> memref<128x128xf32, #tpu.memory_space<vmem>>
          %dma_start3A_165 = arith.constant 0 : i32
          %dma_start3A_166 = tpu.memref_slice %arg7[%add3A_159, %dma_start3A_165] : memref<40x128xi32, #tpu.memory_space<vmem>> -> memref<1x128xi32, #tpu.memory_space<vmem>>
          %dma_start3A_167 = tpu.memref_squeeze %dma_start3A_166 : memref<1x128xi32, #tpu.memory_space<vmem>> -> memref<128xi32, #tpu.memory_space<vmem>>
          %dma_start3A_168 = arith.constant 0 : i32
          %dma_start3A_169 = arith.constant 0 : i32
          %dma_start3A_170 = tpu.memref_slice %arg2[%dma_start3A_168, %dma_start3A_169] : memref<10000x128xf32, #tpu.memory_space<hbm>> -> memref<10000x128xf32, #tpu.memory_space<hbm>>
          tpu.enqueue_indirect_dma source(%dma_start3A_170 : memref<10000x128xf32, #tpu.memory_space<hbm>>) target(%dma_start3A_164 : memref<128x128xf32, #tpu.memory_space<vmem>>) offsets(%dma_start3A_167 : memref<128xi32, #tpu.memory_space<vmem>>) semaphore(%arg13 : memref<!tpu.dma_semaphore, #tpu.memory_space<semaphore_mem>>)
          %dma_start3A_171 = arith.constant 2 : i32
          %dma_start3A_172 = arith.constant 0 : i32
          %dma_start3A_173 = arith.constant 0 : i32
          %dma_start3A_174 = tpu.memref_slice %arg10[%dma_start3A_171, %dma_start3A_172, %dma_start3A_173] : memref<3x128x128xf32, #tpu.memory_space<vmem>> -> memref<1x128x128xf32, #tpu.memory_space<vmem>>
          %dma_start3A_175 = tpu.memref_squeeze %dma_start3A_174 : memref<1x128x128xf32, #tpu.memory_space<vmem>> -> memref<128x128xf32, #tpu.memory_space<vmem>>
          %dma_start3A_176 = arith.constant 0 : i32
          %dma_start3A_177 = tpu.memref_slice %arg8[%add3A_159, %dma_start3A_176] : memref<40x128xi32, #tpu.memory_space<vmem>> -> memref<1x128xi32, #tpu.memory_space<vmem>>
          %dma_start3A_178 = tpu.memref_squeeze %dma_start3A_177 : memref<1x128xi32, #tpu.memory_space<vmem>> -> memref<128xi32, #tpu.memory_space<vmem>>
          %dma_start3A_179 = arith.constant 0 : i32
          %dma_start3A_180 = arith.constant 0 : i32
          %dma_start3A_181 = tpu.memref_slice %arg3[%dma_start3A_179, %dma_start3A_180] : memref<10000x128xf32, #tpu.memory_space<hbm>> -> memref<10000x128xf32, #tpu.memory_space<hbm>>
          tpu.enqueue_indirect_dma source(%dma_start3A_181 : memref<10000x128xf32, #tpu.memory_space<hbm>>) target(%dma_start3A_175 : memref<128x128xf32, #tpu.memory_space<vmem>>) offsets(%dma_start3A_178 : memref<128xi32, #tpu.memory_space<vmem>>) semaphore(%arg16 : memref<!tpu.dma_semaphore, #tpu.memory_space<semaphore_mem>>)
        } else {
        }
      } else {
      }
      %mul3A_83 = arith.constant 3 : i32
      %mul3A_84 = arith.muli %scan3A_75, %mul3A_83 : i32
      %add3A_85 = arith.constant 1 : i32
      %add3A_86 = arith.addi %mul3A_84, %add3A_85 : i32
      %lt3A_87 = arith.cmpi slt, %add3A_86, %min3A_5 : i32
      %convert_element_type3A_88 = arith.extui %lt3A_87 : i1 to i32
      %cond3A_89 = arith.constant 0 : i32
      %cond3A_90 = arith.cmpi ne, %convert_element_type3A_88, %cond3A_89 : i32
      scf.if %cond3A_90 {
        %dma_wait3A = arith.constant 1 : i32
        %dma_wait3A_99 = arith.constant 0 : i32
        %dma_wait3A_100 = arith.constant 0 : i32
        %dma_wait3A_101 = tpu.memref_slice %arg9[%dma_wait3A, %dma_wait3A_99, %dma_wait3A_100] : memref<3x128x128xf32, #tpu.memory_space<vmem>> -> memref<1x128x128xf32, #tpu.memory_space<vmem>>
        %dma_wait3A_102 = tpu.memref_squeeze %dma_wait3A_101 : memref<1x128x128xf32, #tpu.memory_space<vmem>> -> memref<128x128xf32, #tpu.memory_space<vmem>>
        %dma_wait3A_103 = arith.constant 0 : i32
        %dma_wait3A_104 = tpu.memref_slice %arg7[%add3A_86, %dma_wait3A_103] : memref<40x128xi32, #tpu.memory_space<vmem>> -> memref<1x128xi32, #tpu.memory_space<vmem>>
        %dma_wait3A_105 = tpu.memref_squeeze %dma_wait3A_104 : memref<1x128xi32, #tpu.memory_space<vmem>> -> memref<128xi32, #tpu.memory_space<vmem>>
        %dma_wait3A_106 = arith.constant 0 : i32
        %dma_wait3A_107 = arith.constant 0 : i32
        %dma_wait3A_108 = tpu.memref_slice %arg2[%dma_wait3A_106, %dma_wait3A_107] : memref<10000x128xf32, #tpu.memory_space<hbm>> -> memref<10000x128xf32, #tpu.memory_space<hbm>>
        tpu.wait_indirect_dma semaphore(%arg12 : memref<!tpu.dma_semaphore, #tpu.memory_space<semaphore_mem>>) src(%dma_wait3A_108 : memref<10000x128xf32, #tpu.memory_space<hbm>>) dst(%dma_wait3A_102 : memref<128x128xf32, #tpu.memory_space<vmem>>)
        %dma_wait3A_109 = arith.constant 1 : i32
        %dma_wait3A_110 = arith.constant 0 : i32
        %dma_wait3A_111 = arith.constant 0 : i32
        %dma_wait3A_112 = tpu.memref_slice %arg10[%dma_wait3A_109, %dma_wait3A_110, %dma_wait3A_111] : memref<3x128x128xf32, #tpu.memory_space<vmem>> -> memref<1x128x128xf32, #tpu.memory_space<vmem>>
        %dma_wait3A_113 = tpu.memref_squeeze %dma_wait3A_112 : memref<1x128x128xf32, #tpu.memory_space<vmem>> -> memref<128x128xf32, #tpu.memory_space<vmem>>
        %dma_wait3A_114 = arith.constant 0 : i32
        %dma_wait3A_115 = tpu.memref_slice %arg8[%add3A_86, %dma_wait3A_114] : memref<40x128xi32, #tpu.memory_space<vmem>> -> memref<1x128xi32, #tpu.memory_space<vmem>>
        %dma_wait3A_116 = tpu.memref_squeeze %dma_wait3A_115 : memref<1x128xi32, #tpu.memory_space<vmem>> -> memref<128xi32, #tpu.memory_space<vmem>>
        %dma_wait3A_117 = arith.constant 0 : i32
        %dma_wait3A_118 = arith.constant 0 : i32
        %dma_wait3A_119 = tpu.memref_slice %arg3[%dma_wait3A_117, %dma_wait3A_118] : memref<10000x128xf32, #tpu.memory_space<hbm>> -> memref<10000x128xf32, #tpu.memory_space<hbm>>
        tpu.wait_indirect_dma semaphore(%arg15 : memref<!tpu.dma_semaphore, #tpu.memory_space<semaphore_mem>>) src(%dma_wait3A_119 : memref<10000x128xf32, #tpu.memory_space<hbm>>) dst(%dma_wait3A_113 : memref<128x128xf32, #tpu.memory_space<vmem>>)
        %scan3A_120 = arith.constant 0 : i32
        %scan3A_121 = arith.constant 0 : i32
        %scan3A_122 = arith.constant 128 : i32
        %scan3A_123 = arith.addi %scan3A_121, %scan3A_122 : i32
        %scan3A_124 = arith.constant 1 : i32
        scf.for %scan3A_158 = %scan3A_121 to %scan3A_123 step %scan3A_124  : i32 {
          %get3A = arith.constant 1 : i32
          %get3A_159 = arith.index_cast %get3A : i32 to index
          %get3A_160 = arith.index_cast %scan3A_158 : i32 to index
          %get3A_161 = arith.constant 0 : index
          %get3A_162 = tpu.vector_load %arg9[%get3A_159, %get3A_160, %get3A_161] {strides = array<i32>} : memref<3x128x128xf32, #tpu.memory_space<vmem>>, vector<1x1x16xf32>,
          %get3A_163 = vector.shape_cast %get3A_162 : vector<1x1x16xf32> to vector<16xf32>
          %get3A_164 = arith.constant 1 : i32
          %get3A_165 = arith.index_cast %get3A_164 : i32 to index
          %get3A_166 = arith.index_cast %scan3A_158 : i32 to index
          %get3A_167 = arith.constant 0 : index
          %get3A_168 = tpu.vector_load %arg10[%get3A_165, %get3A_166, %get3A_167] {strides = array<i32>} : memref<3x128x128xf32, #tpu.memory_space<vmem>>, vector<1x1x16xf32>,
          %get3A_169 = vector.shape_cast %get3A_168 : vector<1x1x16xf32> to vector<16xf32>
          %add3A_170 = arith.addf %get3A_163, %get3A_169 : vector<16xf32>
          %swap3A = arith.constant 1 : i32
          %swap3A_171 = arith.index_cast %swap3A : i32 to index
          %swap3A_172 = arith.index_cast %scan3A_158 : i32 to index
          %swap3A_173 = arith.constant 0 : index
          %swap3A_174 = tpu.vector_load %arg9[%swap3A_171, %swap3A_172, %swap3A_173] {strides = array<i32>} : memref<3x128x128xf32, #tpu.memory_space<vmem>>, vector<1x1x16xf32>,
          %swap3A_175 = vector.shape_cast %swap3A_174 : vector<1x1x16xf32> to vector<16xf32>
          %swap3A_176 = vector.shape_cast %add3A_170 : vector<16xf32> to vector<1x1x16xf32>
          tpu.vector_store %arg9[%swap3A_171, %swap3A_172, %swap3A_173], %swap3A_176 {strides = array<i32>} : memref<3x128x128xf32, #tpu.memory_space<vmem>>, vector<1x1x16xf32>,
          %get3A_177 = arith.constant 1 : i32
          %get3A_178 = arith.index_cast %get3A_177 : i32 to index
          %get3A_179 = arith.index_cast %scan3A_158 : i32 to index
          %get3A_180 = arith.constant 16 : index
          %get3A_181 = tpu.vector_load %arg9[%get3A_178, %get3A_179, %get3A_180] {strides = array<i32>} : memref<3x128x128xf32, #tpu.memory_space<vmem>>, vector<1x1x16xf32>,
          %get3A_182 = vector.shape_cast %get3A_181 : vector<1x1x16xf32> to vector<16xf32>
          %get3A_183 = arith.constant 1 : i32
          %get3A_184 = arith.index_cast %get3A_183 : i32 to index
          %get3A_185 = arith.index_cast %scan3A_158 : i32 to index
          %get3A_186 = arith.constant 16 : index
          %get3A_187 = tpu.vector_load %arg10[%get3A_184, %get3A_185, %get3A_186] {strides = array<i32>} : memref<3x128x128xf32, #tpu.memory_space<vmem>>, vector<1x1x16xf32>,
          %get3A_188 = vector.shape_cast %get3A_187 : vector<1x1x16xf32> to vector<16xf32>
          %add3A_189 = arith.addf %get3A_182, %get3A_188 : vector<16xf32>
          %swap3A_190 = arith.constant 1 : i32
          %swap3A_191 = arith.index_cast %swap3A_190 : i32 to index
          %swap3A_192 = arith.index_cast %scan3A_158 : i32 to index
          %swap3A_193 = arith.constant 16 : index
          %swap3A_194 = tpu.vector_load %arg9[%swap3A_191, %swap3A_192, %swap3A_193] {strides = array<i32>} : memref<3x128x128xf32, #tpu.memory_space<vmem>>, vector<1x1x16xf32>,
          %swap3A_195 = vector.shape_cast %swap3A_194 : vector<1x1x16xf32> to vector<16xf32>
          %swap3A_196 = vector.shape_cast %add3A_189 : vector<16xf32> to vector<1x1x16xf32>
          tpu.vector_store %arg9[%swap3A_191, %swap3A_192, %swap3A_193], %swap3A_196 {strides = array<i32>} : memref<3x128x128xf32, #tpu.memory_space<vmem>>, vector<1x1x16xf32>,
          %get3A_197 = arith.constant 1 : i32
          %get3A_198 = arith.index_cast %get3A_197 : i32 to index
          %get3A_199 = arith.index_cast %scan3A_158 : i32 to index
          %get3A_200 = arith.constant 32 : index
          %get3A_201 = tpu.vector_load %arg9[%get3A_198, %get3A_199, %get3A_200] {strides = array<i32>} : memref<3x128x128xf32, #tpu.memory_space<vmem>>, vector<1x1x16xf32>,
          %get3A_202 = vector.shape_cast %get3A_201 : vector<1x1x16xf32> to vector<16xf32>
          %get3A_203 = arith.constant 1 : i32
          %get3A_204 = arith.index_cast %get3A_203 : i32 to index
          %get3A_205 = arith.index_cast %scan3A_158 : i32 to index
          %get3A_206 = arith.constant 32 : index
          %get3A_207 = tpu.vector_load %arg10[%get3A_204, %get3A_205, %get3A_206] {strides = array<i32>} : memref<3x128x128xf32, #tpu.memory_space<vmem>>, vector<1x1x16xf32>,
          %get3A_208 = vector.shape_cast %get3A_207 : vector<1x1x16xf32> to vector<16xf32>
          %add3A_209 = arith.addf %get3A_202, %get3A_208 : vector<16xf32>
          %swap3A_210 = arith.constant 1 : i32
          %swap3A_211 = arith.index_cast %swap3A_210 : i32 to index
          %swap3A_212 = arith.index_cast %scan3A_158 : i32 to index
          %swap3A_213 = arith.constant 32 : index
          %swap3A_214 = tpu.vector_load %arg9[%swap3A_211, %swap3A_212, %swap3A_213] {strides = array<i32>} : memref<3x128x128xf32, #tpu.memory_space<vmem>>, vector<1x1x16xf32>,
          %swap3A_215 = vector.shape_cast %swap3A_214 : vector<1x1x16xf32> to vector<16xf32>
          %swap3A_216 = vector.shape_cast %add3A_209 : vector<16xf32> to vector<1x1x16xf32>
          tpu.vector_store %arg9[%swap3A_211, %swap3A_212, %swap3A_213], %swap3A_216 {strides = array<i32>} : memref<3x128x128xf32, #tpu.memory_space<vmem>>, vector<1x1x16xf32>,
          %get3A_217 = arith.constant 1 : i32
          %get3A_218 = arith.index_cast %get3A_217 : i32 to index
          %get3A_219 = arith.index_cast %scan3A_158 : i32 to index
          %get3A_220 = arith.constant 48 : index
          %get3A_221 = tpu.vector_load %arg9[%get3A_218, %get3A_219, %get3A_220] {strides = array<i32>} : memref<3x128x128xf32, #tpu.memory_space<vmem>>, vector<1x1x16xf32>,
          %get3A_222 = vector.shape_cast %get3A_221 : vector<1x1x16xf32> to vector<16xf32>
          %get3A_223 = arith.constant 1 : i32
          %get3A_224 = arith.index_cast %get3A_223 : i32 to index
          %get3A_225 = arith.index_cast %scan3A_158 : i32 to index
          %get3A_226 = arith.constant 48 : index
          %get3A_227 = tpu.vector_load %arg10[%get3A_224, %get3A_225, %get3A_226] {strides = array<i32>} : memref<3x128x128xf32, #tpu.memory_space<vmem>>, vector<1x1x16xf32>,
          %get3A_228 = vector.shape_cast %get3A_227 : vector<1x1x16xf32> to vector<16xf32>
          %add3A_229 = arith.addf %get3A_222, %get3A_228 : vector<16xf32>
          %swap3A_230 = arith.constant 1 : i32
          %swap3A_231 = arith.index_cast %swap3A_230 : i32 to index
          %swap3A_232 = arith.index_cast %scan3A_158 : i32 to index
          %swap3A_233 = arith.constant 48 : index
          %swap3A_234 = tpu.vector_load %arg9[%swap3A_231, %swap3A_232, %swap3A_233] {strides = array<i32>} : memref<3x128x128xf32, #tpu.memory_space<vmem>>, vector<1x1x16xf32>,
          %swap3A_235 = vector.shape_cast %swap3A_234 : vector<1x1x16xf32> to vector<16xf32>
          %swap3A_236 = vector.shape_cast %add3A_229 : vector<16xf32> to vector<1x1x16xf32>
          tpu.vector_store %arg9[%swap3A_231, %swap3A_232, %swap3A_233], %swap3A_236 {strides = array<i32>} : memref<3x128x128xf32, #tpu.memory_space<vmem>>, vector<1x1x16xf32>,
          %get3A_237 = arith.constant 1 : i32
          %get3A_238 = arith.index_cast %get3A_237 : i32 to index
          %get3A_239 = arith.index_cast %scan3A_158 : i32 to index
          %get3A_240 = arith.constant 64 : index
          %get3A_241 = tpu.vector_load %arg9[%get3A_238, %get3A_239, %get3A_240] {strides = array<i32>} : memref<3x128x128xf32, #tpu.memory_space<vmem>>, vector<1x1x16xf32>,
          %get3A_242 = vector.shape_cast %get3A_241 : vector<1x1x16xf32> to vector<16xf32>
          %get3A_243 = arith.constant 1 : i32
          %get3A_244 = arith.index_cast %get3A_243 : i32 to index
          %get3A_245 = arith.index_cast %scan3A_158 : i32 to index
          %get3A_246 = arith.constant 64 : index
          %get3A_247 = tpu.vector_load %arg10[%get3A_244, %get3A_245, %get3A_246] {strides = array<i32>} : memref<3x128x128xf32, #tpu.memory_space<vmem>>, vector<1x1x16xf32>,
          %get3A_248 = vector.shape_cast %get3A_247 : vector<1x1x16xf32> to vector<16xf32>
          %add3A_249 = arith.addf %get3A_242, %get3A_248 : vector<16xf32>
          %swap3A_250 = arith.constant 1 : i32
          %swap3A_251 = arith.index_cast %swap3A_250 : i32 to index
          %swap3A_252 = arith.index_cast %scan3A_158 : i32 to index
          %swap3A_253 = arith.constant 64 : index
          %swap3A_254 = tpu.vector_load %arg9[%swap3A_251, %swap3A_252, %swap3A_253] {strides = array<i32>} : memref<3x128x128xf32, #tpu.memory_space<vmem>>, vector<1x1x16xf32>,
          %swap3A_255 = vector.shape_cast %swap3A_254 : vector<1x1x16xf32> to vector<16xf32>
          %swap3A_256 = vector.shape_cast %add3A_249 : vector<16xf32> to vector<1x1x16xf32>
          tpu.vector_store %arg9[%swap3A_251, %swap3A_252, %swap3A_253], %swap3A_256 {strides = array<i32>} : memref<3x128x128xf32, #tpu.memory_space<vmem>>, vector<1x1x16xf32>,
          %get3A_257 = arith.constant 1 : i32
          %get3A_258 = arith.index_cast %get3A_257 : i32 to index
          %get3A_259 = arith.index_cast %scan3A_158 : i32 to index
          %get3A_260 = arith.constant 80 : index
          %get3A_261 = tpu.vector_load %arg9[%get3A_258, %get3A_259, %get3A_260] {strides = array<i32>} : memref<3x128x128xf32, #tpu.memory_space<vmem>>, vector<1x1x16xf32>,
          %get3A_262 = vector.shape_cast %get3A_261 : vector<1x1x16xf32> to vector<16xf32>
          %get3A_263 = arith.constant 1 : i32
          %get3A_264 = arith.index_cast %get3A_263 : i32 to index
          %get3A_265 = arith.index_cast %scan3A_158 : i32 to index
          %get3A_266 = arith.constant 80 : index
          %get3A_267 = tpu.vector_load %arg10[%get3A_264, %get3A_265, %get3A_266] {strides = array<i32>} : memref<3x128x128xf32, #tpu.memory_space<vmem>>, vector<1x1x16xf32>,
          %get3A_268 = vector.shape_cast %get3A_267 : vector<1x1x16xf32> to vector<16xf32>
          %add3A_269 = arith.addf %get3A_262, %get3A_268 : vector<16xf32>
          %swap3A_270 = arith.constant 1 : i32
          %swap3A_271 = arith.index_cast %swap3A_270 : i32 to index
          %swap3A_272 = arith.index_cast %scan3A_158 : i32 to index
          %swap3A_273 = arith.constant 80 : index
          %swap3A_274 = tpu.vector_load %arg9[%swap3A_271, %swap3A_272, %swap3A_273] {strides = array<i32>} : memref<3x128x128xf32, #tpu.memory_space<vmem>>, vector<1x1x16xf32>,
          %swap3A_275 = vector.shape_cast %swap3A_274 : vector<1x1x16xf32> to vector<16xf32>
          %swap3A_276 = vector.shape_cast %add3A_269 : vector<16xf32> to vector<1x1x16xf32>
          tpu.vector_store %arg9[%swap3A_271, %swap3A_272, %swap3A_273], %swap3A_276 {strides = array<i32>} : memref<3x128x128xf32, #tpu.memory_space<vmem>>, vector<1x1x16xf32>,
          %get3A_277 = arith.constant 1 : i32
          %get3A_278 = arith.index_cast %get3A_277 : i32 to index
          %get3A_279 = arith.index_cast %scan3A_158 : i32 to index
          %get3A_280 = arith.constant 96 : index
          %get3A_281 = tpu.vector_load %arg9[%get3A_278, %get3A_279, %get3A_280] {strides = array<i32>} : memref<3x128x128xf32, #tpu.memory_space<vmem>>, vector<1x1x16xf32>,
          %get3A_282 = vector.shape_cast %get3A_281 : vector<1x1x16xf32> to vector<16xf32>
          %get3A_283 = arith.constant 1 : i32
          %get3A_284 = arith.index_cast %get3A_283 : i32 to index
          %get3A_285 = arith.index_cast %scan3A_158 : i32 to index
          %get3A_286 = arith.constant 96 : index
          %get3A_287 = tpu.vector_load %arg10[%get3A_284, %get3A_285, %get3A_286] {strides = array<i32>} : memref<3x128x128xf32, #tpu.memory_space<vmem>>, vector<1x1x16xf32>,
          %get3A_288 = vector.shape_cast %get3A_287 : vector<1x1x16xf32> to vector<16xf32>
          %add3A_289 = arith.addf %get3A_282, %get3A_288 : vector<16xf32>
          %swap3A_290 = arith.constant 1 : i32
          %swap3A_291 = arith.index_cast %swap3A_290 : i32 to index
          %swap3A_292 = arith.index_cast %scan3A_158 : i32 to index
          %swap3A_293 = arith.constant 96 : index
          %swap3A_294 = tpu.vector_load %arg9[%swap3A_291, %swap3A_292, %swap3A_293] {strides = array<i32>} : memref<3x128x128xf32, #tpu.memory_space<vmem>>, vector<1x1x16xf32>,
          %swap3A_295 = vector.shape_cast %swap3A_294 : vector<1x1x16xf32> to vector<16xf32>
          %swap3A_296 = vector.shape_cast %add3A_289 : vector<16xf32> to vector<1x1x16xf32>
          tpu.vector_store %arg9[%swap3A_291, %swap3A_292, %swap3A_293], %swap3A_296 {strides = array<i32>} : memref<3x128x128xf32, #tpu.memory_space<vmem>>, vector<1x1x16xf32>,
          %get3A_297 = arith.constant 1 : i32
          %get3A_298 = arith.index_cast %get3A_297 : i32 to index
          %get3A_299 = arith.index_cast %scan3A_158 : i32 to index
          %get3A_300 = arith.constant 112 : index
          %get3A_301 = tpu.vector_load %arg9[%get3A_298, %get3A_299, %get3A_300] {strides = array<i32>} : memref<3x128x128xf32, #tpu.memory_space<vmem>>, vector<1x1x16xf32>,
          %get3A_302 = vector.shape_cast %get3A_301 : vector<1x1x16xf32> to vector<16xf32>
          %get3A_303 = arith.constant 1 : i32
          %get3A_304 = arith.index_cast %get3A_303 : i32 to index
          %get3A_305 = arith.index_cast %scan3A_158 : i32 to index
          %get3A_306 = arith.constant 112 : index
          %get3A_307 = tpu.vector_load %arg10[%get3A_304, %get3A_305, %get3A_306] {strides = array<i32>} : memref<3x128x128xf32, #tpu.memory_space<vmem>>, vector<1x1x16xf32>,
          %get3A_308 = vector.shape_cast %get3A_307 : vector<1x1x16xf32> to vector<16xf32>
          %add3A_309 = arith.addf %get3A_302, %get3A_308 : vector<16xf32>
          %swap3A_310 = arith.constant 1 : i32
          %swap3A_311 = arith.index_cast %swap3A_310 : i32 to index
          %swap3A_312 = arith.index_cast %scan3A_158 : i32 to index
          %swap3A_313 = arith.constant 112 : index
          %swap3A_314 = tpu.vector_load %arg9[%swap3A_311, %swap3A_312, %swap3A_313] {strides = array<i32>} : memref<3x128x128xf32, #tpu.memory_space<vmem>>, vector<1x1x16xf32>,
          %swap3A_315 = vector.shape_cast %swap3A_314 : vector<1x1x16xf32> to vector<16xf32>
          %swap3A_316 = vector.shape_cast %add3A_309 : vector<16xf32> to vector<1x1x16xf32>
          tpu.vector_store %arg9[%swap3A_311, %swap3A_312, %swap3A_313], %swap3A_316 {strides = array<i32>} : memref<3x128x128xf32, #tpu.memory_space<vmem>>, vector<1x1x16xf32>,
        }
        %scan3A_125 = arith.constant 128 : i32
        %add3A_126 = arith.addi %mul3A_2, %add3A_86 : i32
        %mul3A_127 = arith.constant 128 : i32
        %mul3A_128 = arith.muli %add3A_126, %mul3A_127 : i32
        %dma_start3A = arith.constant 1 : i32
        %dma_start3A_129 = arith.constant 0 : i32
        %dma_start3A_130 = arith.constant 0 : i32
        %dma_start3A_131 = tpu.memref_slice %arg9[%dma_start3A, %dma_start3A_129, %dma_start3A_130] : memref<3x128x128xf32, #tpu.memory_space<vmem>> -> memref<1x128x128xf32, #tpu.memory_space<vmem>>
        %dma_start3A_132 = tpu.memref_squeeze %dma_start3A_131 : memref<1x128x128xf32, #tpu.memory_space<vmem>> -> memref<128x128xf32, #tpu.memory_space<vmem>>
        %dma_start3A_133 = arith.constant 0 : i32
        %dma_start3A_134 = tpu.memref_slice %arg6[%mul3A_128, %dma_start3A_133] : memref<160000x128xf32, #tpu.memory_space<hbm>> -> memref<128x128xf32, #tpu.memory_space<hbm>>
        %dma_start3A_135 = arith.constant 0 : i32
        %dma_start3A_136 = tpu.memref_slice %arg6[%mul3A_128, %dma_start3A_135] : memref<160000x128xf32, #tpu.memory_space<hbm>> -> memref<128x128xf32, #tpu.memory_space<hbm>>
        %dma_start3A_137 = arith.constant 0 : i32
        %dma_start3A_138 = arith.constant 0 : i32
        %dma_start3A_139 = tpu.memref_slice %arg9[%dma_start3A, %dma_start3A_137, %dma_start3A_138] : memref<3x128x128xf32, #tpu.memory_space<vmem>> -> memref<1x128x128xf32, #tpu.memory_space<vmem>>
        %dma_start3A_140 = tpu.memref_squeeze %dma_start3A_139 : memref<1x128x128xf32, #tpu.memory_space<vmem>> -> memref<128x128xf32, #tpu.memory_space<vmem>>
        tpu.enqueue_dma source(%dma_start3A_140 : memref<128x128xf32, #tpu.memory_space<vmem>>) target(%dma_start3A_136 : memref<128x128xf32, #tpu.memory_space<hbm>>) target_semaphore(%arg18 : memref<!tpu.dma_semaphore, #tpu.memory_space<semaphore_mem>>)
        %add3A_141 = arith.constant 2 : i32
        %add3A_142 = arith.addi %add3A_86, %add3A_141 : i32
        %lt3A_143 = arith.cmpi slt, %add3A_142, %min3A_5 : i32
        %gt3A_144 = arith.constant 0 : i32
        %gt3A_145 = arith.cmpi sgt, %add3A_86, %gt3A_144 : i32
        %and3A_146 = arith.andi %lt3A_143, %gt3A_145 : i1
        %convert_element_type3A_147 = arith.extui %and3A_146 : i1 to i32
        %cond3A_148 = arith.constant 0 : i32
        %cond3A_149 = arith.cmpi ne, %convert_element_type3A_147, %cond3A_148 : i32
        scf.if %cond3A_149 {
          %sub3A_158 = arith.constant 1 : i32
          %sub3A_159 = arith.subi %add3A_86, %sub3A_158 : i32
          %add3A_160 = arith.addi %mul3A_2, %sub3A_159 : i32
          %mul3A_161 = arith.constant 128 : i32
          %mul3A_162 = arith.muli %add3A_160, %mul3A_161 : i32
          %dma_wait3A_163 = arith.constant 0 : i32
          %dma_wait3A_164 = arith.constant 0 : i32
          %dma_wait3A_165 = arith.constant 0 : i32
          %dma_wait3A_166 = tpu.memref_slice %arg9[%dma_wait3A_163, %dma_wait3A_164, %dma_wait3A_165] : memref<3x128x128xf32, #tpu.memory_space<vmem>> -> memref<1x128x128xf32, #tpu.memory_space<vmem>>
          %dma_wait3A_167 = tpu.memref_squeeze %dma_wait3A_166 : memref<1x128x128xf32, #tpu.memory_space<vmem>> -> memref<128x128xf32, #tpu.memory_space<vmem>>
          %dma_wait3A_168 = arith.constant 0 : i32
          %dma_wait3A_169 = tpu.memref_slice %arg6[%mul3A_162, %dma_wait3A_168] : memref<160000x128xf32, #tpu.memory_space<hbm>> -> memref<128x128xf32, #tpu.memory_space<hbm>>
          %dma_wait3A_170 = arith.constant 0 : i32
          %dma_wait3A_171 = tpu.memref_slice %arg6[%mul3A_162, %dma_wait3A_170] : memref<160000x128xf32, #tpu.memory_space<hbm>> -> memref<128x128xf32, #tpu.memory_space<hbm>>
          %dma_wait3A_172 = arith.constant 0 : i32
          %dma_wait3A_173 = arith.constant 0 : i32
          %dma_wait3A_174 = tpu.memref_slice %arg9[%dma_wait3A_163, %dma_wait3A_172, %dma_wait3A_173] : memref<3x128x128xf32, #tpu.memory_space<vmem>> -> memref<1x128x128xf32, #tpu.memory_space<vmem>>
          %dma_wait3A_175 = tpu.memref_squeeze %dma_wait3A_174 : memref<1x128x128xf32, #tpu.memory_space<vmem>> -> memref<128x128xf32, #tpu.memory_space<vmem>>
          tpu.wait_dma2 semaphore(%arg17 : memref<!tpu.dma_semaphore, #tpu.memory_space<semaphore_mem>>) src(%dma_wait3A_175 : memref<128x128xf32, #tpu.memory_space<vmem>>) dst(%dma_wait3A_171 : memref<128x128xf32, #tpu.memory_space<hbm>>)
          %add3A_176 = arith.constant 2 : i32
          %add3A_177 = arith.addi %add3A_86, %add3A_176 : i32
          %dma_start3A_178 = arith.constant 0 : i32
          %dma_start3A_179 = arith.constant 0 : i32
          %dma_start3A_180 = arith.constant 0 : i32
          %dma_start3A_181 = tpu.memref_slice %arg9[%dma_start3A_178, %dma_start3A_179, %dma_start3A_180] : memref<3x128x128xf32, #tpu.memory_space<vmem>> -> memref<1x128x128xf32, #tpu.memory_space<vmem>>
          %dma_start3A_182 = tpu.memref_squeeze %dma_start3A_181 : memref<1x128x128xf32, #tpu.memory_space<vmem>> -> memref<128x128xf32, #tpu.memory_space<vmem>>
          %dma_start3A_183 = arith.constant 0 : i32
          %dma_start3A_184 = tpu.memref_slice %arg7[%add3A_177, %dma_start3A_183] : memref<40x128xi32, #tpu.memory_space<vmem>> -> memref<1x128xi32, #tpu.memory_space<vmem>>
          %dma_start3A_185 = tpu.memref_squeeze %dma_start3A_184 : memref<1x128xi32, #tpu.memory_space<vmem>> -> memref<128xi32, #tpu.memory_space<vmem>>
          %dma_start3A_186 = arith.constant 0 : i32
          %dma_start3A_187 = arith.constant 0 : i32
          %dma_start3A_188 = tpu.memref_slice %arg2[%dma_start3A_186, %dma_start3A_187] : memref<10000x128xf32, #tpu.memory_space<hbm>> -> memref<10000x128xf32, #tpu.memory_space<hbm>>
          tpu.enqueue_indirect_dma source(%dma_start3A_188 : memref<10000x128xf32, #tpu.memory_space<hbm>>) target(%dma_start3A_182 : memref<128x128xf32, #tpu.memory_space<vmem>>) offsets(%dma_start3A_185 : memref<128xi32, #tpu.memory_space<vmem>>) semaphore(%arg11 : memref<!tpu.dma_semaphore, #tpu.memory_space<semaphore_mem>>)
          %dma_start3A_189 = arith.constant 0 : i32
          %dma_start3A_190 = arith.constant 0 : i32
          %dma_start3A_191 = arith.constant 0 : i32
          %dma_start3A_192 = tpu.memref_slice %arg10[%dma_start3A_189, %dma_start3A_190, %dma_start3A_191] : memref<3x128x128xf32, #tpu.memory_space<vmem>> -> memref<1x128x128xf32, #tpu.memory_space<vmem>>
          %dma_start3A_193 = tpu.memref_squeeze %dma_start3A_192 : memref<1x128x128xf32, #tpu.memory_space<vmem>> -> memref<128x128xf32, #tpu.memory_space<vmem>>
          %dma_start3A_194 = arith.constant 0 : i32
          %dma_start3A_195 = tpu.memref_slice %arg8[%add3A_177, %dma_start3A_194] : memref<40x128xi32, #tpu.memory_space<vmem>> -> memref<1x128xi32, #tpu.memory_space<vmem>>
          %dma_start3A_196 = tpu.memref_squeeze %dma_start3A_195 : memref<1x128xi32, #tpu.memory_space<vmem>> -> memref<128xi32, #tpu.memory_space<vmem>>
          %dma_start3A_197 = arith.constant 0 : i32
          %dma_start3A_198 = arith.constant 0 : i32
          %dma_start3A_199 = tpu.memref_slice %arg3[%dma_start3A_197, %dma_start3A_198] : memref<10000x128xf32, #tpu.memory_space<hbm>> -> memref<10000x128xf32, #tpu.memory_space<hbm>>
          tpu.enqueue_indirect_dma source(%dma_start3A_199 : memref<10000x128xf32, #tpu.memory_space<hbm>>) target(%dma_start3A_193 : memref<128x128xf32, #tpu.memory_space<vmem>>) offsets(%dma_start3A_196 : memref<128xi32, #tpu.memory_space<vmem>>) semaphore(%arg14 : memref<!tpu.dma_semaphore, #tpu.memory_space<semaphore_mem>>)
        } else {
        }
        %add3A_150 = arith.constant 2 : i32
        %add3A_151 = arith.addi %add3A_86, %add3A_150 : i32
        %lt3A_152 = arith.cmpi slt, %add3A_151, %min3A_5 : i32
        %eq3A = arith.constant 0 : i32
        %eq3A_153 = arith.cmpi eq, %add3A_86, %eq3A : i32
        %and3A_154 = arith.andi %lt3A_152, %eq3A_153 : i1
        %convert_element_type3A_155 = arith.extui %and3A_154 : i1 to i32
        %cond3A_156 = arith.constant 0 : i32
        %cond3A_157 = arith.cmpi ne, %convert_element_type3A_155, %cond3A_156 : i32
        scf.if %cond3A_157 {
          %add3A_158 = arith.constant 2 : i32
          %add3A_159 = arith.addi %add3A_86, %add3A_158 : i32
          %dma_start3A_160 = arith.constant 0 : i32
          %dma_start3A_161 = arith.constant 0 : i32
          %dma_start3A_162 = arith.constant 0 : i32
          %dma_start3A_163 = tpu.memref_slice %arg9[%dma_start3A_160, %dma_start3A_161, %dma_start3A_162] : memref<3x128x128xf32, #tpu.memory_space<vmem>> -> memref<1x128x128xf32, #tpu.memory_space<vmem>>
          %dma_start3A_164 = tpu.memref_squeeze %dma_start3A_163 : memref<1x128x128xf32, #tpu.memory_space<vmem>> -> memref<128x128xf32, #tpu.memory_space<vmem>>
          %dma_start3A_165 = arith.constant 0 : i32
          %dma_start3A_166 = tpu.memref_slice %arg7[%add3A_159, %dma_start3A_165] : memref<40x128xi32, #tpu.memory_space<vmem>> -> memref<1x128xi32, #tpu.memory_space<vmem>>
          %dma_start3A_167 = tpu.memref_squeeze %dma_start3A_166 : memref<1x128xi32, #tpu.memory_space<vmem>> -> memref<128xi32, #tpu.memory_space<vmem>>
          %dma_start3A_168 = arith.constant 0 : i32
          %dma_start3A_169 = arith.constant 0 : i32
          %dma_start3A_170 = tpu.memref_slice %arg2[%dma_start3A_168, %dma_start3A_169] : memref<10000x128xf32, #tpu.memory_space<hbm>> -> memref<10000x128xf32, #tpu.memory_space<hbm>>
          tpu.enqueue_indirect_dma source(%dma_start3A_170 : memref<10000x128xf32, #tpu.memory_space<hbm>>) target(%dma_start3A_164 : memref<128x128xf32, #tpu.memory_space<vmem>>) offsets(%dma_start3A_167 : memref<128xi32, #tpu.memory_space<vmem>>) semaphore(%arg11 : memref<!tpu.dma_semaphore, #tpu.memory_space<semaphore_mem>>)
          %dma_start3A_171 = arith.constant 0 : i32
          %dma_start3A_172 = arith.constant 0 : i32
          %dma_start3A_173 = arith.constant 0 : i32
          %dma_start3A_174 = tpu.memref_slice %arg10[%dma_start3A_171, %dma_start3A_172, %dma_start3A_173] : memref<3x128x128xf32, #tpu.memory_space<vmem>> -> memref<1x128x128xf32, #tpu.memory_space<vmem>>
          %dma_start3A_175 = tpu.memref_squeeze %dma_start3A_174 : memref<1x128x128xf32, #tpu.memory_space<vmem>> -> memref<128x128xf32, #tpu.memory_space<vmem>>
          %dma_start3A_176 = arith.constant 0 : i32
          %dma_start3A_177 = tpu.memref_slice %arg8[%add3A_159, %dma_start3A_176] : memref<40x128xi32, #tpu.memory_space<vmem>> -> memref<1x128xi32, #tpu.memory_space<vmem>>
          %dma_start3A_178 = tpu.memref_squeeze %dma_start3A_177 : memref<1x128xi32, #tpu.memory_space<vmem>> -> memref<128xi32, #tpu.memory_space<vmem>>
          %dma_start3A_179 = arith.constant 0 : i32
          %dma_start3A_180 = arith.constant 0 : i32
          %dma_start3A_181 = tpu.memref_slice %arg3[%dma_start3A_179, %dma_start3A_180] : memref<10000x128xf32, #tpu.memory_space<hbm>> -> memref<10000x128xf32, #tpu.memory_space<hbm>>
          tpu.enqueue_indirect_dma source(%dma_start3A_181 : memref<10000x128xf32, #tpu.memory_space<hbm>>) target(%dma_start3A_175 : memref<128x128xf32, #tpu.memory_space<vmem>>) offsets(%dma_start3A_178 : memref<128xi32, #tpu.memory_space<vmem>>) semaphore(%arg14 : memref<!tpu.dma_semaphore, #tpu.memory_space<semaphore_mem>>)
        } else {
        }
      } else {
      }
      %mul3A_91 = arith.constant 3 : i32
      %mul3A_92 = arith.muli %scan3A_75, %mul3A_91 : i32
      %add3A_93 = arith.constant 2 : i32
      %add3A_94 = arith.addi %mul3A_92, %add3A_93 : i32
      %lt3A_95 = arith.cmpi slt, %add3A_94, %min3A_5 : i32
      %convert_element_type3A_96 = arith.extui %lt3A_95 : i1 to i32
      %cond3A_97 = arith.constant 0 : i32
      %cond3A_98 = arith.cmpi ne, %convert_element_type3A_96, %cond3A_97 : i32
      scf.if %cond3A_98 {
        %dma_wait3A = arith.constant 2 : i32
        %dma_wait3A_99 = arith.constant 0 : i32
        %dma_wait3A_100 = arith.constant 0 : i32
        %dma_wait3A_101 = tpu.memref_slice %arg9[%dma_wait3A, %dma_wait3A_99, %dma_wait3A_100] : memref<3x128x128xf32, #tpu.memory_space<vmem>> -> memref<1x128x128xf32, #tpu.memory_space<vmem>>
        %dma_wait3A_102 = tpu.memref_squeeze %dma_wait3A_101 : memref<1x128x128xf32, #tpu.memory_space<vmem>> -> memref<128x128xf32, #tpu.memory_space<vmem>>
        %dma_wait3A_103 = arith.constant 0 : i32
        %dma_wait3A_104 = tpu.memref_slice %arg7[%add3A_94, %dma_wait3A_103] : memref<40x128xi32, #tpu.memory_space<vmem>> -> memref<1x128xi32, #tpu.memory_space<vmem>>
        %dma_wait3A_105 = tpu.memref_squeeze %dma_wait3A_104 : memref<1x128xi32, #tpu.memory_space<vmem>> -> memref<128xi32, #tpu.memory_space<vmem>>
        %dma_wait3A_106 = arith.constant 0 : i32
        %dma_wait3A_107 = arith.constant 0 : i32
        %dma_wait3A_108 = tpu.memref_slice %arg2[%dma_wait3A_106, %dma_wait3A_107] : memref<10000x128xf32, #tpu.memory_space<hbm>> -> memref<10000x128xf32, #tpu.memory_space<hbm>>
        tpu.wait_indirect_dma semaphore(%arg13 : memref<!tpu.dma_semaphore, #tpu.memory_space<semaphore_mem>>) src(%dma_wait3A_108 : memref<10000x128xf32, #tpu.memory_space<hbm>>) dst(%dma_wait3A_102 : memref<128x128xf32, #tpu.memory_space<vmem>>)
        %dma_wait3A_109 = arith.constant 2 : i32
        %dma_wait3A_110 = arith.constant 0 : i32
        %dma_wait3A_111 = arith.constant 0 : i32
        %dma_wait3A_112 = tpu.memref_slice %arg10[%dma_wait3A_109, %dma_wait3A_110, %dma_wait3A_111] : memref<3x128x128xf32, #tpu.memory_space<vmem>> -> memref<1x128x128xf32, #tpu.memory_space<vmem>>
        %dma_wait3A_113 = tpu.memref_squeeze %dma_wait3A_112 : memref<1x128x128xf32, #tpu.memory_space<vmem>> -> memref<128x128xf32, #tpu.memory_space<vmem>>
        %dma_wait3A_114 = arith.constant 0 : i32
        %dma_wait3A_115 = tpu.memref_slice %arg8[%add3A_94, %dma_wait3A_114] : memref<40x128xi32, #tpu.memory_space<vmem>> -> memref<1x128xi32, #tpu.memory_space<vmem>>
        %dma_wait3A_116 = tpu.memref_squeeze %dma_wait3A_115 : memref<1x128xi32, #tpu.memory_space<vmem>> -> memref<128xi32, #tpu.memory_space<vmem>>
        %dma_wait3A_117 = arith.constant 0 : i32
        %dma_wait3A_118 = arith.constant 0 : i32
        %dma_wait3A_119 = tpu.memref_slice %arg3[%dma_wait3A_117, %dma_wait3A_118] : memref<10000x128xf32, #tpu.memory_space<hbm>> -> memref<10000x128xf32, #tpu.memory_space<hbm>>
        tpu.wait_indirect_dma semaphore(%arg16 : memref<!tpu.dma_semaphore, #tpu.memory_space<semaphore_mem>>) src(%dma_wait3A_119 : memref<10000x128xf32, #tpu.memory_space<hbm>>) dst(%dma_wait3A_113 : memref<128x128xf32, #tpu.memory_space<vmem>>)
        %scan3A_120 = arith.constant 0 : i32
        %scan3A_121 = arith.constant 0 : i32
        %scan3A_122 = arith.constant 128 : i32
        %scan3A_123 = arith.addi %scan3A_121, %scan3A_122 : i32
        %scan3A_124 = arith.constant 1 : i32
        scf.for %scan3A_158 = %scan3A_121 to %scan3A_123 step %scan3A_124  : i32 {
          %get3A = arith.constant 2 : i32
          %get3A_159 = arith.index_cast %get3A : i32 to index
          %get3A_160 = arith.index_cast %scan3A_158 : i32 to index
          %get3A_161 = arith.constant 0 : index
          %get3A_162 = tpu.vector_load %arg9[%get3A_159, %get3A_160, %get3A_161] {strides = array<i32>} : memref<3x128x128xf32, #tpu.memory_space<vmem>>, vector<1x1x16xf32>,
          %get3A_163 = vector.shape_cast %get3A_162 : vector<1x1x16xf32> to vector<16xf32>
          %get3A_164 = arith.constant 2 : i32
          %get3A_165 = arith.index_cast %get3A_164 : i32 to index
          %get3A_166 = arith.index_cast %scan3A_158 : i32 to index
          %get3A_167 = arith.constant 0 : index
          %get3A_168 = tpu.vector_load %arg10[%get3A_165, %get3A_166, %get3A_167] {strides = array<i32>} : memref<3x128x128xf32, #tpu.memory_space<vmem>>, vector<1x1x16xf32>,
          %get3A_169 = vector.shape_cast %get3A_168 : vector<1x1x16xf32> to vector<16xf32>
          %add3A_170 = arith.addf %get3A_163, %get3A_169 : vector<16xf32>
          %swap3A = arith.constant 2 : i32
          %swap3A_171 = arith.index_cast %swap3A : i32 to index
          %swap3A_172 = arith.index_cast %scan3A_158 : i32 to index
          %swap3A_173 = arith.constant 0 : index
          %swap3A_174 = tpu.vector_load %arg9[%swap3A_171, %swap3A_172, %swap3A_173] {strides = array<i32>} : memref<3x128x128xf32, #tpu.memory_space<vmem>>, vector<1x1x16xf32>,
          %swap3A_175 = vector.shape_cast %swap3A_174 : vector<1x1x16xf32> to vector<16xf32>
          %swap3A_176 = vector.shape_cast %add3A_170 : vector<16xf32> to vector<1x1x16xf32>
          tpu.vector_store %arg9[%swap3A_171, %swap3A_172, %swap3A_173], %swap3A_176 {strides = array<i32>} : memref<3x128x128xf32, #tpu.memory_space<vmem>>, vector<1x1x16xf32>,
          %get3A_177 = arith.constant 2 : i32
          %get3A_178 = arith.index_cast %get3A_177 : i32 to index
          %get3A_179 = arith.index_cast %scan3A_158 : i32 to index
          %get3A_180 = arith.constant 16 : index
          %get3A_181 = tpu.vector_load %arg9[%get3A_178, %get3A_179, %get3A_180] {strides = array<i32>} : memref<3x128x128xf32, #tpu.memory_space<vmem>>, vector<1x1x16xf32>,
          %get3A_182 = vector.shape_cast %get3A_181 : vector<1x1x16xf32> to vector<16xf32>
          %get3A_183 = arith.constant 2 : i32
          %get3A_184 = arith.index_cast %get3A_183 : i32 to index
          %get3A_185 = arith.index_cast %scan3A_158 : i32 to index
          %get3A_186 = arith.constant 16 : index
          %get3A_187 = tpu.vector_load %arg10[%get3A_184, %get3A_185, %get3A_186] {strides = array<i32>} : memref<3x128x128xf32, #tpu.memory_space<vmem>>, vector<1x1x16xf32>,
          %get3A_188 = vector.shape_cast %get3A_187 : vector<1x1x16xf32> to vector<16xf32>
          %add3A_189 = arith.addf %get3A_182, %get3A_188 : vector<16xf32>
          %swap3A_190 = arith.constant 2 : i32
          %swap3A_191 = arith.index_cast %swap3A_190 : i32 to index
          %swap3A_192 = arith.index_cast %scan3A_158 : i32 to index
          %swap3A_193 = arith.constant 16 : index
          %swap3A_194 = tpu.vector_load %arg9[%swap3A_191, %swap3A_192, %swap3A_193] {strides = array<i32>} : memref<3x128x128xf32, #tpu.memory_space<vmem>>, vector<1x1x16xf32>,
          %swap3A_195 = vector.shape_cast %swap3A_194 : vector<1x1x16xf32> to vector<16xf32>
          %swap3A_196 = vector.shape_cast %add3A_189 : vector<16xf32> to vector<1x1x16xf32>
          tpu.vector_store %arg9[%swap3A_191, %swap3A_192, %swap3A_193], %swap3A_196 {strides = array<i32>} : memref<3x128x128xf32, #tpu.memory_space<vmem>>, vector<1x1x16xf32>,
          %get3A_197 = arith.constant 2 : i32
          %get3A_198 = arith.index_cast %get3A_197 : i32 to index
          %get3A_199 = arith.index_cast %scan3A_158 : i32 to index
          %get3A_200 = arith.constant 32 : index
          %get3A_201 = tpu.vector_load %arg9[%get3A_198, %get3A_199, %get3A_200] {strides = array<i32>} : memref<3x128x128xf32, #tpu.memory_space<vmem>>, vector<1x1x16xf32>,
          %get3A_202 = vector.shape_cast %get3A_201 : vector<1x1x16xf32> to vector<16xf32>
          %get3A_203 = arith.constant 2 : i32
          %get3A_204 = arith.index_cast %get3A_203 : i32 to index
          %get3A_205 = arith.index_cast %scan3A_158 : i32 to index
          %get3A_206 = arith.constant 32 : index
          %get3A_207 = tpu.vector_load %arg10[%get3A_204, %get3A_205, %get3A_206] {strides = array<i32>} : memref<3x128x128xf32, #tpu.memory_space<vmem>>, vector<1x1x16xf32>,
          %get3A_208 = vector.shape_cast %get3A_207 : vector<1x1x16xf32> to vector<16xf32>
          %add3A_209 = arith.addf %get3A_202, %get3A_208 : vector<16xf32>
          %swap3A_210 = arith.constant 2 : i32
          %swap3A_211 = arith.index_cast %swap3A_210 : i32 to index
          %swap3A_212 = arith.index_cast %scan3A_158 : i32 to index
          %swap3A_213 = arith.constant 32 : index
          %swap3A_214 = tpu.vector_load %arg9[%swap3A_211, %swap3A_212, %swap3A_213] {strides = array<i32>} : memref<3x128x128xf32, #tpu.memory_space<vmem>>, vector<1x1x16xf32>,
          %swap3A_215 = vector.shape_cast %swap3A_214 : vector<1x1x16xf32> to vector<16xf32>
          %swap3A_216 = vector.shape_cast %add3A_209 : vector<16xf32> to vector<1x1x16xf32>
          tpu.vector_store %arg9[%swap3A_211, %swap3A_212, %swap3A_213], %swap3A_216 {strides = array<i32>} : memref<3x128x128xf32, #tpu.memory_space<vmem>>, vector<1x1x16xf32>,
          %get3A_217 = arith.constant 2 : i32
          %get3A_218 = arith.index_cast %get3A_217 : i32 to index
          %get3A_219 = arith.index_cast %scan3A_158 : i32 to index
          %get3A_220 = arith.constant 48 : index
          %get3A_221 = tpu.vector_load %arg9[%get3A_218, %get3A_219, %get3A_220] {strides = array<i32>} : memref<3x128x128xf32, #tpu.memory_space<vmem>>, vector<1x1x16xf32>,
          %get3A_222 = vector.shape_cast %get3A_221 : vector<1x1x16xf32> to vector<16xf32>
          %get3A_223 = arith.constant 2 : i32
          %get3A_224 = arith.index_cast %get3A_223 : i32 to index
          %get3A_225 = arith.index_cast %scan3A_158 : i32 to index
          %get3A_226 = arith.constant 48 : index
          %get3A_227 = tpu.vector_load %arg10[%get3A_224, %get3A_225, %get3A_226] {strides = array<i32>} : memref<3x128x128xf32, #tpu.memory_space<vmem>>, vector<1x1x16xf32>,
          %get3A_228 = vector.shape_cast %get3A_227 : vector<1x1x16xf32> to vector<16xf32>
          %add3A_229 = arith.addf %get3A_222, %get3A_228 : vector<16xf32>
          %swap3A_230 = arith.constant 2 : i32
          %swap3A_231 = arith.index_cast %swap3A_230 : i32 to index
          %swap3A_232 = arith.index_cast %scan3A_158 : i32 to index
          %swap3A_233 = arith.constant 48 : index
          %swap3A_234 = tpu.vector_load %arg9[%swap3A_231, %swap3A_232, %swap3A_233] {strides = array<i32>} : memref<3x128x128xf32, #tpu.memory_space<vmem>>, vector<1x1x16xf32>,
          %swap3A_235 = vector.shape_cast %swap3A_234 : vector<1x1x16xf32> to vector<16xf32>
          %swap3A_236 = vector.shape_cast %add3A_229 : vector<16xf32> to vector<1x1x16xf32>
          tpu.vector_store %arg9[%swap3A_231, %swap3A_232, %swap3A_233], %swap3A_236 {strides = array<i32>} : memref<3x128x128xf32, #tpu.memory_space<vmem>>, vector<1x1x16xf32>,
          %get3A_237 = arith.constant 2 : i32
          %get3A_238 = arith.index_cast %get3A_237 : i32 to index
          %get3A_239 = arith.index_cast %scan3A_158 : i32 to index
          %get3A_240 = arith.constant 64 : index
          %get3A_241 = tpu.vector_load %arg9[%get3A_238, %get3A_239, %get3A_240] {strides = array<i32>} : memref<3x128x128xf32, #tpu.memory_space<vmem>>, vector<1x1x16xf32>,
          %get3A_242 = vector.shape_cast %get3A_241 : vector<1x1x16xf32> to vector<16xf32>
          %get3A_243 = arith.constant 2 : i32
          %get3A_244 = arith.index_cast %get3A_243 : i32 to index
          %get3A_245 = arith.index_cast %scan3A_158 : i32 to index
          %get3A_246 = arith.constant 64 : index
          %get3A_247 = tpu.vector_load %arg10[%get3A_244, %get3A_245, %get3A_246] {strides = array<i32>} : memref<3x128x128xf32, #tpu.memory_space<vmem>>, vector<1x1x16xf32>,
          %get3A_248 = vector.shape_cast %get3A_247 : vector<1x1x16xf32> to vector<16xf32>
          %add3A_249 = arith.addf %get3A_242, %get3A_248 : vector<16xf32>
          %swap3A_250 = arith.constant 2 : i32
          %swap3A_251 = arith.index_cast %swap3A_250 : i32 to index
          %swap3A_252 = arith.index_cast %scan3A_158 : i32 to index
          %swap3A_253 = arith.constant 64 : index
          %swap3A_254 = tpu.vector_load %arg9[%swap3A_251, %swap3A_252, %swap3A_253] {strides = array<i32>} : memref<3x128x128xf32, #tpu.memory_space<vmem>>, vector<1x1x16xf32>,
          %swap3A_255 = vector.shape_cast %swap3A_254 : vector<1x1x16xf32> to vector<16xf32>
          %swap3A_256 = vector.shape_cast %add3A_249 : vector<16xf32> to vector<1x1x16xf32>
          tpu.vector_store %arg9[%swap3A_251, %swap3A_252, %swap3A_253], %swap3A_256 {strides = array<i32>} : memref<3x128x128xf32, #tpu.memory_space<vmem>>, vector<1x1x16xf32>,
          %get3A_257 = arith.constant 2 : i32
          %get3A_258 = arith.index_cast %get3A_257 : i32 to index
          %get3A_259 = arith.index_cast %scan3A_158 : i32 to index
          %get3A_260 = arith.constant 80 : index
          %get3A_261 = tpu.vector_load %arg9[%get3A_258, %get3A_259, %get3A_260] {strides = array<i32>} : memref<3x128x128xf32, #tpu.memory_space<vmem>>, vector<1x1x16xf32>,
          %get3A_262 = vector.shape_cast %get3A_261 : vector<1x1x16xf32> to vector<16xf32>
          %get3A_263 = arith.constant 2 : i32
          %get3A_264 = arith.index_cast %get3A_263 : i32 to index
          %get3A_265 = arith.index_cast %scan3A_158 : i32 to index
          %get3A_266 = arith.constant 80 : index
          %get3A_267 = tpu.vector_load %arg10[%get3A_264, %get3A_265, %get3A_266] {strides = array<i32>} : memref<3x128x128xf32, #tpu.memory_space<vmem>>, vector<1x1x16xf32>,
          %get3A_268 = vector.shape_cast %get3A_267 : vector<1x1x16xf32> to vector<16xf32>
          %add3A_269 = arith.addf %get3A_262, %get3A_268 : vector<16xf32>
          %swap3A_270 = arith.constant 2 : i32
          %swap3A_271 = arith.index_cast %swap3A_270 : i32 to index
          %swap3A_272 = arith.index_cast %scan3A_158 : i32 to index
          %swap3A_273 = arith.constant 80 : index
          %swap3A_274 = tpu.vector_load %arg9[%swap3A_271, %swap3A_272, %swap3A_273] {strides = array<i32>} : memref<3x128x128xf32, #tpu.memory_space<vmem>>, vector<1x1x16xf32>,
          %swap3A_275 = vector.shape_cast %swap3A_274 : vector<1x1x16xf32> to vector<16xf32>
          %swap3A_276 = vector.shape_cast %add3A_269 : vector<16xf32> to vector<1x1x16xf32>
          tpu.vector_store %arg9[%swap3A_271, %swap3A_272, %swap3A_273], %swap3A_276 {strides = array<i32>} : memref<3x128x128xf32, #tpu.memory_space<vmem>>, vector<1x1x16xf32>,
          %get3A_277 = arith.constant 2 : i32
          %get3A_278 = arith.index_cast %get3A_277 : i32 to index
          %get3A_279 = arith.index_cast %scan3A_158 : i32 to index
          %get3A_280 = arith.constant 96 : index
          %get3A_281 = tpu.vector_load %arg9[%get3A_278, %get3A_279, %get3A_280] {strides = array<i32>} : memref<3x128x128xf32, #tpu.memory_space<vmem>>, vector<1x1x16xf32>,
          %get3A_282 = vector.shape_cast %get3A_281 : vector<1x1x16xf32> to vector<16xf32>
          %get3A_283 = arith.constant 2 : i32
          %get3A_284 = arith.index_cast %get3A_283 : i32 to index
          %get3A_285 = arith.index_cast %scan3A_158 : i32 to index
          %get3A_286 = arith.constant 96 : index
          %get3A_287 = tpu.vector_load %arg10[%get3A_284, %get3A_285, %get3A_286] {strides = array<i32>} : memref<3x128x128xf32, #tpu.memory_space<vmem>>, vector<1x1x16xf32>,
          %get3A_288 = vector.shape_cast %get3A_287 : vector<1x1x16xf32> to vector<16xf32>
          %add3A_289 = arith.addf %get3A_282, %get3A_288 : vector<16xf32>
          %swap3A_290 = arith.constant 2 : i32
          %swap3A_291 = arith.index_cast %swap3A_290 : i32 to index
          %swap3A_292 = arith.index_cast %scan3A_158 : i32 to index
          %swap3A_293 = arith.constant 96 : index
          %swap3A_294 = tpu.vector_load %arg9[%swap3A_291, %swap3A_292, %swap3A_293] {strides = array<i32>} : memref<3x128x128xf32, #tpu.memory_space<vmem>>, vector<1x1x16xf32>,
          %swap3A_295 = vector.shape_cast %swap3A_294 : vector<1x1x16xf32> to vector<16xf32>
          %swap3A_296 = vector.shape_cast %add3A_289 : vector<16xf32> to vector<1x1x16xf32>
          tpu.vector_store %arg9[%swap3A_291, %swap3A_292, %swap3A_293], %swap3A_296 {strides = array<i32>} : memref<3x128x128xf32, #tpu.memory_space<vmem>>, vector<1x1x16xf32>,
          %get3A_297 = arith.constant 2 : i32
          %get3A_298 = arith.index_cast %get3A_297 : i32 to index
          %get3A_299 = arith.index_cast %scan3A_158 : i32 to index
          %get3A_300 = arith.constant 112 : index
          %get3A_301 = tpu.vector_load %arg9[%get3A_298, %get3A_299, %get3A_300] {strides = array<i32>} : memref<3x128x128xf32, #tpu.memory_space<vmem>>, vector<1x1x16xf32>,
          %get3A_302 = vector.shape_cast %get3A_301 : vector<1x1x16xf32> to vector<16xf32>
          %get3A_303 = arith.constant 2 : i32
          %get3A_304 = arith.index_cast %get3A_303 : i32 to index
          %get3A_305 = arith.index_cast %scan3A_158 : i32 to index
          %get3A_306 = arith.constant 112 : index
          %get3A_307 = tpu.vector_load %arg10[%get3A_304, %get3A_305, %get3A_306] {strides = array<i32>} : memref<3x128x128xf32, #tpu.memory_space<vmem>>, vector<1x1x16xf32>,
          %get3A_308 = vector.shape_cast %get3A_307 : vector<1x1x16xf32> to vector<16xf32>
          %add3A_309 = arith.addf %get3A_302, %get3A_308 : vector<16xf32>
          %swap3A_310 = arith.constant 2 : i32
          %swap3A_311 = arith.index_cast %swap3A_310 : i32 to index
          %swap3A_312 = arith.index_cast %scan3A_158 : i32 to index
          %swap3A_313 = arith.constant 112 : index
          %swap3A_314 = tpu.vector_load %arg9[%swap3A_311, %swap3A_312, %swap3A_313] {strides = array<i32>} : memref<3x128x128xf32, #tpu.memory_space<vmem>>, vector<1x1x16xf32>,
          %swap3A_315 = vector.shape_cast %swap3A_314 : vector<1x1x16xf32> to vector<16xf32>
          %swap3A_316 = vector.shape_cast %add3A_309 : vector<16xf32> to vector<1x1x16xf32>
          tpu.vector_store %arg9[%swap3A_311, %swap3A_312, %swap3A_313], %swap3A_316 {strides = array<i32>} : memref<3x128x128xf32, #tpu.memory_space<vmem>>, vector<1x1x16xf32>,
        }
        %scan3A_125 = arith.constant 128 : i32
        %add3A_126 = arith.addi %mul3A_2, %add3A_94 : i32
        %mul3A_127 = arith.constant 128 : i32
        %mul3A_128 = arith.muli %add3A_126, %mul3A_127 : i32
        %dma_start3A = arith.constant 2 : i32
        %dma_start3A_129 = arith.constant 0 : i32
        %dma_start3A_130 = arith.constant 0 : i32
        %dma_start3A_131 = tpu.memref_slice %arg9[%dma_start3A, %dma_start3A_129, %dma_start3A_130] : memref<3x128x128xf32, #tpu.memory_space<vmem>> -> memref<1x128x128xf32, #tpu.memory_space<vmem>>
        %dma_start3A_132 = tpu.memref_squeeze %dma_start3A_131 : memref<1x128x128xf32, #tpu.memory_space<vmem>> -> memref<128x128xf32, #tpu.memory_space<vmem>>
        %dma_start3A_133 = arith.constant 0 : i32
        %dma_start3A_134 = tpu.memref_slice %arg6[%mul3A_128, %dma_start3A_133] : memref<160000x128xf32, #tpu.memory_space<hbm>> -> memref<128x128xf32, #tpu.memory_space<hbm>>
        %dma_start3A_135 = arith.constant 0 : i32
        %dma_start3A_136 = tpu.memref_slice %arg6[%mul3A_128, %dma_start3A_135] : memref<160000x128xf32, #tpu.memory_space<hbm>> -> memref<128x128xf32, #tpu.memory_space<hbm>>
        %dma_start3A_137 = arith.constant 0 : i32
        %dma_start3A_138 = arith.constant 0 : i32
        %dma_start3A_139 = tpu.memref_slice %arg9[%dma_start3A, %dma_start3A_137, %dma_start3A_138] : memref<3x128x128xf32, #tpu.memory_space<vmem>> -> memref<1x128x128xf32, #tpu.memory_space<vmem>>
        %dma_start3A_140 = tpu.memref_squeeze %dma_start3A_139 : memref<1x128x128xf32, #tpu.memory_space<vmem>> -> memref<128x128xf32, #tpu.memory_space<vmem>>
        tpu.enqueue_dma source(%dma_start3A_140 : memref<128x128xf32, #tpu.memory_space<vmem>>) target(%dma_start3A_136 : memref<128x128xf32, #tpu.memory_space<hbm>>) target_semaphore(%arg19 : memref<!tpu.dma_semaphore, #tpu.memory_space<semaphore_mem>>)
        %add3A_141 = arith.constant 2 : i32
        %add3A_142 = arith.addi %add3A_94, %add3A_141 : i32
        %lt3A_143 = arith.cmpi slt, %add3A_142, %min3A_5 : i32
        %gt3A_144 = arith.constant 0 : i32
        %gt3A_145 = arith.cmpi sgt, %add3A_94, %gt3A_144 : i32
        %and3A_146 = arith.andi %lt3A_143, %gt3A_145 : i1
        %convert_element_type3A_147 = arith.extui %and3A_146 : i1 to i32
        %cond3A_148 = arith.constant 0 : i32
        %cond3A_149 = arith.cmpi ne, %convert_element_type3A_147, %cond3A_148 : i32
        scf.if %cond3A_149 {
          %sub3A_158 = arith.constant 1 : i32
          %sub3A_159 = arith.subi %add3A_94, %sub3A_158 : i32
          %add3A_160 = arith.addi %mul3A_2, %sub3A_159 : i32
          %mul3A_161 = arith.constant 128 : i32
          %mul3A_162 = arith.muli %add3A_160, %mul3A_161 : i32
          %dma_wait3A_163 = arith.constant 1 : i32
          %dma_wait3A_164 = arith.constant 0 : i32
          %dma_wait3A_165 = arith.constant 0 : i32
          %dma_wait3A_166 = tpu.memref_slice %arg9[%dma_wait3A_163, %dma_wait3A_164, %dma_wait3A_165] : memref<3x128x128xf32, #tpu.memory_space<vmem>> -> memref<1x128x128xf32, #tpu.memory_space<vmem>>
          %dma_wait3A_167 = tpu.memref_squeeze %dma_wait3A_166 : memref<1x128x128xf32, #tpu.memory_space<vmem>> -> memref<128x128xf32, #tpu.memory_space<vmem>>
          %dma_wait3A_168 = arith.constant 0 : i32
          %dma_wait3A_169 = tpu.memref_slice %arg6[%mul3A_162, %dma_wait3A_168] : memref<160000x128xf32, #tpu.memory_space<hbm>> -> memref<128x128xf32, #tpu.memory_space<hbm>>
          %dma_wait3A_170 = arith.constant 0 : i32
          %dma_wait3A_171 = tpu.memref_slice %arg6[%mul3A_162, %dma_wait3A_170] : memref<160000x128xf32, #tpu.memory_space<hbm>> -> memref<128x128xf32, #tpu.memory_space<hbm>>
          %dma_wait3A_172 = arith.constant 0 : i32
          %dma_wait3A_173 = arith.constant 0 : i32
          %dma_wait3A_174 = tpu.memref_slice %arg9[%dma_wait3A_163, %dma_wait3A_172, %dma_wait3A_173] : memref<3x128x128xf32, #tpu.memory_space<vmem>> -> memref<1x128x128xf32, #tpu.memory_space<vmem>>
          %dma_wait3A_175 = tpu.memref_squeeze %dma_wait3A_174 : memref<1x128x128xf32, #tpu.memory_space<vmem>> -> memref<128x128xf32, #tpu.memory_space<vmem>>
          tpu.wait_dma2 semaphore(%arg18 : memref<!tpu.dma_semaphore, #tpu.memory_space<semaphore_mem>>) src(%dma_wait3A_175 : memref<128x128xf32, #tpu.memory_space<vmem>>) dst(%dma_wait3A_171 : memref<128x128xf32, #tpu.memory_space<hbm>>)
          %add3A_176 = arith.constant 2 : i32
          %add3A_177 = arith.addi %add3A_94, %add3A_176 : i32
          %dma_start3A_178 = arith.constant 1 : i32
          %dma_start3A_179 = arith.constant 0 : i32
          %dma_start3A_180 = arith.constant 0 : i32
          %dma_start3A_181 = tpu.memref_slice %arg9[%dma_start3A_178, %dma_start3A_179, %dma_start3A_180] : memref<3x128x128xf32, #tpu.memory_space<vmem>> -> memref<1x128x128xf32, #tpu.memory_space<vmem>>
          %dma_start3A_182 = tpu.memref_squeeze %dma_start3A_181 : memref<1x128x128xf32, #tpu.memory_space<vmem>> -> memref<128x128xf32, #tpu.memory_space<vmem>>
          %dma_start3A_183 = arith.constant 0 : i32
          %dma_start3A_184 = tpu.memref_slice %arg7[%add3A_177, %dma_start3A_183] : memref<40x128xi32, #tpu.memory_space<vmem>> -> memref<1x128xi32, #tpu.memory_space<vmem>>
          %dma_start3A_185 = tpu.memref_squeeze %dma_start3A_184 : memref<1x128xi32, #tpu.memory_space<vmem>> -> memref<128xi32, #tpu.memory_space<vmem>>
          %dma_start3A_186 = arith.constant 0 : i32
          %dma_start3A_187 = arith.constant 0 : i32
          %dma_start3A_188 = tpu.memref_slice %arg2[%dma_start3A_186, %dma_start3A_187] : memref<10000x128xf32, #tpu.memory_space<hbm>> -> memref<10000x128xf32, #tpu.memory_space<hbm>>
          tpu.enqueue_indirect_dma source(%dma_start3A_188 : memref<10000x128xf32, #tpu.memory_space<hbm>>) target(%dma_start3A_182 : memref<128x128xf32, #tpu.memory_space<vmem>>) offsets(%dma_start3A_185 : memref<128xi32, #tpu.memory_space<vmem>>) semaphore(%arg12 : memref<!tpu.dma_semaphore, #tpu.memory_space<semaphore_mem>>)
          %dma_start3A_189 = arith.constant 1 : i32
          %dma_start3A_190 = arith.constant 0 : i32
          %dma_start3A_191 = arith.constant 0 : i32
          %dma_start3A_192 = tpu.memref_slice %arg10[%dma_start3A_189, %dma_start3A_190, %dma_start3A_191] : memref<3x128x128xf32, #tpu.memory_space<vmem>> -> memref<1x128x128xf32, #tpu.memory_space<vmem>>
          %dma_start3A_193 = tpu.memref_squeeze %dma_start3A_192 : memref<1x128x128xf32, #tpu.memory_space<vmem>> -> memref<128x128xf32, #tpu.memory_space<vmem>>
          %dma_start3A_194 = arith.constant 0 : i32
          %dma_start3A_195 = tpu.memref_slice %arg8[%add3A_177, %dma_start3A_194] : memref<40x128xi32, #tpu.memory_space<vmem>> -> memref<1x128xi32, #tpu.memory_space<vmem>>
          %dma_start3A_196 = tpu.memref_squeeze %dma_start3A_195 : memref<1x128xi32, #tpu.memory_space<vmem>> -> memref<128xi32, #tpu.memory_space<vmem>>
          %dma_start3A_197 = arith.constant 0 : i32
          %dma_start3A_198 = arith.constant 0 : i32
          %dma_start3A_199 = tpu.memref_slice %arg3[%dma_start3A_197, %dma_start3A_198] : memref<10000x128xf32, #tpu.memory_space<hbm>> -> memref<10000x128xf32, #tpu.memory_space<hbm>>
          tpu.enqueue_indirect_dma source(%dma_start3A_199 : memref<10000x128xf32, #tpu.memory_space<hbm>>) target(%dma_start3A_193 : memref<128x128xf32, #tpu.memory_space<vmem>>) offsets(%dma_start3A_196 : memref<128xi32, #tpu.memory_space<vmem>>) semaphore(%arg15 : memref<!tpu.dma_semaphore, #tpu.memory_space<semaphore_mem>>)
        } else {
        }
        %add3A_150 = arith.constant 2 : i32
        %add3A_151 = arith.addi %add3A_94, %add3A_150 : i32
        %lt3A_152 = arith.cmpi slt, %add3A_151, %min3A_5 : i32
        %eq3A = arith.constant 0 : i32
        %eq3A_153 = arith.cmpi eq, %add3A_94, %eq3A : i32
        %and3A_154 = arith.andi %lt3A_152, %eq3A_153 : i1
        %convert_element_type3A_155 = arith.extui %and3A_154 : i1 to i32
        %cond3A_156 = arith.constant 0 : i32
        %cond3A_157 = arith.cmpi ne, %convert_element_type3A_155, %cond3A_156 : i32
        scf.if %cond3A_157 {
          %add3A_158 = arith.constant 2 : i32
          %add3A_159 = arith.addi %add3A_94, %add3A_158 : i32
          %dma_start3A_160 = arith.constant 1 : i32
          %dma_start3A_161 = arith.constant 0 : i32
          %dma_start3A_162 = arith.constant 0 : i32
          %dma_start3A_163 = tpu.memref_slice %arg9[%dma_start3A_160, %dma_start3A_161, %dma_start3A_162] : memref<3x128x128xf32, #tpu.memory_space<vmem>> -> memref<1x128x128xf32, #tpu.memory_space<vmem>>
          %dma_start3A_164 = tpu.memref_squeeze %dma_start3A_163 : memref<1x128x128xf32, #tpu.memory_space<vmem>> -> memref<128x128xf32, #tpu.memory_space<vmem>>
          %dma_start3A_165 = arith.constant 0 : i32
          %dma_start3A_166 = tpu.memref_slice %arg7[%add3A_159, %dma_start3A_165] : memref<40x128xi32, #tpu.memory_space<vmem>> -> memref<1x128xi32, #tpu.memory_space<vmem>>
          %dma_start3A_167 = tpu.memref_squeeze %dma_start3A_166 : memref<1x128xi32, #tpu.memory_space<vmem>> -> memref<128xi32, #tpu.memory_space<vmem>>
          %dma_start3A_168 = arith.constant 0 : i32
          %dma_start3A_169 = arith.constant 0 : i32
          %dma_start3A_170 = tpu.memref_slice %arg2[%dma_start3A_168, %dma_start3A_169] : memref<10000x128xf32, #tpu.memory_space<hbm>> -> memref<10000x128xf32, #tpu.memory_space<hbm>>
          tpu.enqueue_indirect_dma source(%dma_start3A_170 : memref<10000x128xf32, #tpu.memory_space<hbm>>) target(%dma_start3A_164 : memref<128x128xf32, #tpu.memory_space<vmem>>) offsets(%dma_start3A_167 : memref<128xi32, #tpu.memory_space<vmem>>) semaphore(%arg12 : memref<!tpu.dma_semaphore, #tpu.memory_space<semaphore_mem>>)
          %dma_start3A_171 = arith.constant 1 : i32
          %dma_start3A_172 = arith.constant 0 : i32
          %dma_start3A_173 = arith.constant 0 : i32
          %dma_start3A_174 = tpu.memref_slice %arg10[%dma_start3A_171, %dma_start3A_172, %dma_start3A_173] : memref<3x128x128xf32, #tpu.memory_space<vmem>> -> memref<1x128x128xf32, #tpu.memory_space<vmem>>
          %dma_start3A_175 = tpu.memref_squeeze %dma_start3A_174 : memref<1x128x128xf32, #tpu.memory_space<vmem>> -> memref<128x128xf32, #tpu.memory_space<vmem>>
          %dma_start3A_176 = arith.constant 0 : i32
          %dma_start3A_177 = tpu.memref_slice %arg8[%add3A_159, %dma_start3A_176] : memref<40x128xi32, #tpu.memory_space<vmem>> -> memref<1x128xi32, #tpu.memory_space<vmem>>
          %dma_start3A_178 = tpu.memref_squeeze %dma_start3A_177 : memref<1x128xi32, #tpu.memory_space<vmem>> -> memref<128xi32, #tpu.memory_space<vmem>>
          %dma_start3A_179 = arith.constant 0 : i32
          %dma_start3A_180 = arith.constant 0 : i32
          %dma_start3A_181 = tpu.memref_slice %arg3[%dma_start3A_179, %dma_start3A_180] : memref<10000x128xf32, #tpu.memory_space<hbm>> -> memref<10000x128xf32, #tpu.memory_space<hbm>>
          tpu.enqueue_indirect_dma source(%dma_start3A_181 : memref<10000x128xf32, #tpu.memory_space<hbm>>) target(%dma_start3A_175 : memref<128x128xf32, #tpu.memory_space<vmem>>) offsets(%dma_start3A_178 : memref<128xi32, #tpu.memory_space<vmem>>) semaphore(%arg15 : memref<!tpu.dma_semaphore, #tpu.memory_space<semaphore_mem>>)
        } else {
        }
      } else {
      }
    }
    %scan3A_17 = arith.constant 14 : i32
    %sub3A_18 = arith.constant 1 : i32
    %sub3A_19 = arith.subi %min3A_5, %sub3A_18 : i32
    %sub3A_20 = arith.constant 1 : i32
    %sub3A_21 = arith.subi %min3A_5, %sub3A_20 : i32
    %sub3A_22 = arith.constant 0 : i32
    %sub3A_23 = arith.subi %sub3A_21, %sub3A_22 : i32
    %add3A_24 = arith.constant 6 : i32
    %add3A_25 = arith.addi %sub3A_23, %add3A_24 : i32
    %rem3A = arith.constant 3 : i32
    %rem3A_26 = arith.remsi %add3A_25, %rem3A : i32
    %sub3A_27 = arith.subi %sub3A_19, %rem3A_26 : i32
    %ge3A = arith.constant 0 : i32
    %ge3A_28 = arith.cmpi sge, %sub3A_27, %ge3A : i32
    %sub3A_29 = arith.constant 3 : i32
    %sub3A_30 = arith.subi %min3A_5, %sub3A_29 : i32
    %ge3A_31 = arith.cmpi sge, %sub3A_27, %sub3A_30 : i32
    %and3A = arith.andi %ge3A_28, %ge3A_31 : i1
    %convert_element_type3A_32 = arith.extui %and3A : i1 to i32
    %cond3A_33 = arith.constant 0 : i32
    %cond3A_34 = arith.cmpi ne, %convert_element_type3A_32, %cond3A_33 : i32
    scf.if %cond3A_34 {
      %add3A_75 = arith.addi %mul3A_2, %sub3A_27 : i32
      %mul3A_76 = arith.constant 128 : i32
      %mul3A_77 = arith.muli %add3A_75, %mul3A_76 : i32
      %dma_wait3A = arith.constant 0 : i32
      %dma_wait3A_78 = arith.constant 0 : i32
      %dma_wait3A_79 = arith.constant 0 : i32
      %dma_wait3A_80 = tpu.memref_slice %arg9[%dma_wait3A, %dma_wait3A_78, %dma_wait3A_79] : memref<3x128x128xf32, #tpu.memory_space<vmem>> -> memref<1x128x128xf32, #tpu.memory_space<vmem>>
      %dma_wait3A_81 = tpu.memref_squeeze %dma_wait3A_80 : memref<1x128x128xf32, #tpu.memory_space<vmem>> -> memref<128x128xf32, #tpu.memory_space<vmem>>
      %dma_wait3A_82 = arith.constant 0 : i32
      %dma_wait3A_83 = tpu.memref_slice %arg6[%mul3A_77, %dma_wait3A_82] : memref<160000x128xf32, #tpu.memory_space<hbm>> -> memref<128x128xf32, #tpu.memory_space<hbm>>
      %dma_wait3A_84 = arith.constant 0 : i32
      %dma_wait3A_85 = tpu.memref_slice %arg6[%mul3A_77, %dma_wait3A_84] : memref<160000x128xf32, #tpu.memory_space<hbm>> -> memref<128x128xf32, #tpu.memory_space<hbm>>
      %dma_wait3A_86 = arith.constant 0 : i32
      %dma_wait3A_87 = arith.constant 0 : i32
      %dma_wait3A_88 = tpu.memref_slice %arg9[%dma_wait3A, %dma_wait3A_86, %dma_wait3A_87] : memref<3x128x128xf32, #tpu.memory_space<vmem>> -> memref<1x128x128xf32, #tpu.memory_space<vmem>>
      %dma_wait3A_89 = tpu.memref_squeeze %dma_wait3A_88 : memref<1x128x128xf32, #tpu.memory_space<vmem>> -> memref<128x128xf32, #tpu.memory_space<vmem>>
      tpu.wait_dma2 semaphore(%arg17 : memref<!tpu.dma_semaphore, #tpu.memory_space<semaphore_mem>>) src(%dma_wait3A_89 : memref<128x128xf32, #tpu.memory_space<vmem>>) dst(%dma_wait3A_85 : memref<128x128xf32, #tpu.memory_space<hbm>>)
    } else {
    }
    %sub3A_35 = arith.constant 1 : i32
    %sub3A_36 = arith.subi %min3A_5, %sub3A_35 : i32
    %sub3A_37 = arith.constant 1 : i32
    %sub3A_38 = arith.subi %min3A_5, %sub3A_37 : i32
    %sub3A_39 = arith.constant 1 : i32
    %sub3A_40 = arith.subi %sub3A_38, %sub3A_39 : i32
    %add3A_41 = arith.constant 6 : i32
    %add3A_42 = arith.addi %sub3A_40, %add3A_41 : i32
    %rem3A_43 = arith.constant 3 : i32
    %rem3A_44 = arith.remsi %add3A_42, %rem3A_43 : i32
    %sub3A_45 = arith.subi %sub3A_36, %rem3A_44 : i32
    %ge3A_46 = arith.constant 0 : i32
    %ge3A_47 = arith.cmpi sge, %sub3A_45, %ge3A_46 : i32
    %sub3A_48 = arith.constant 3 : i32
    %sub3A_49 = arith.subi %min3A_5, %sub3A_48 : i32
    %ge3A_50 = arith.cmpi sge, %sub3A_45, %sub3A_49 : i32
    %and3A_51 = arith.andi %ge3A_47, %ge3A_50 : i1
    %convert_element_type3A_52 = arith.extui %and3A_51 : i1 to i32
    %cond3A_53 = arith.constant 0 : i32
    %cond3A_54 = arith.cmpi ne, %convert_element_type3A_52, %cond3A_53 : i32
    scf.if %cond3A_54 {
      %add3A_75 = arith.addi %mul3A_2, %sub3A_45 : i32
      %mul3A_76 = arith.constant 128 : i32
      %mul3A_77 = arith.muli %add3A_75, %mul3A_76 : i32
      %dma_wait3A = arith.constant 1 : i32
      %dma_wait3A_78 = arith.constant 0 : i32
      %dma_wait3A_79 = arith.constant 0 : i32
      %dma_wait3A_80 = tpu.memref_slice %arg9[%dma_wait3A, %dma_wait3A_78, %dma_wait3A_79] : memref<3x128x128xf32, #tpu.memory_space<vmem>> -> memref<1x128x128xf32, #tpu.memory_space<vmem>>
      %dma_wait3A_81 = tpu.memref_squeeze %dma_wait3A_80 : memref<1x128x128xf32, #tpu.memory_space<vmem>> -> memref<128x128xf32, #tpu.memory_space<vmem>>
      %dma_wait3A_82 = arith.constant 0 : i32
      %dma_wait3A_83 = tpu.memref_slice %arg6[%mul3A_77, %dma_wait3A_82] : memref<160000x128xf32, #tpu.memory_space<hbm>> -> memref<128x128xf32, #tpu.memory_space<hbm>>
      %dma_wait3A_84 = arith.constant 0 : i32
      %dma_wait3A_85 = tpu.memref_slice %arg6[%mul3A_77, %dma_wait3A_84] : memref<160000x128xf32, #tpu.memory_space<hbm>> -> memref<128x128xf32, #tpu.memory_space<hbm>>
      %dma_wait3A_86 = arith.constant 0 : i32
      %dma_wait3A_87 = arith.constant 0 : i32
      %dma_wait3A_88 = tpu.memref_slice %arg9[%dma_wait3A, %dma_wait3A_86, %dma_wait3A_87] : memref<3x128x128xf32, #tpu.memory_space<vmem>> -> memref<1x128x128xf32, #tpu.memory_space<vmem>>
      %dma_wait3A_89 = tpu.memref_squeeze %dma_wait3A_88 : memref<1x128x128xf32, #tpu.memory_space<vmem>> -> memref<128x128xf32, #tpu.memory_space<vmem>>
      tpu.wait_dma2 semaphore(%arg18 : memref<!tpu.dma_semaphore, #tpu.memory_space<semaphore_mem>>) src(%dma_wait3A_89 : memref<128x128xf32, #tpu.memory_space<vmem>>) dst(%dma_wait3A_85 : memref<128x128xf32, #tpu.memory_space<hbm>>)
    } else {
    }
    %sub3A_55 = arith.constant 1 : i32
    %sub3A_56 = arith.subi %min3A_5, %sub3A_55 : i32
    %sub3A_57 = arith.constant 1 : i32
    %sub3A_58 = arith.subi %min3A_5, %sub3A_57 : i32
    %sub3A_59 = arith.constant 2 : i32
    %sub3A_60 = arith.subi %sub3A_58, %sub3A_59 : i32
    %add3A_61 = arith.constant 6 : i32
    %add3A_62 = arith.addi %sub3A_60, %add3A_61 : i32
    %rem3A_63 = arith.constant 3 : i32
    %rem3A_64 = arith.remsi %add3A_62, %rem3A_63 : i32
    %sub3A_65 = arith.subi %sub3A_56, %rem3A_64 : i32
    %ge3A_66 = arith.constant 0 : i32
    %ge3A_67 = arith.cmpi sge, %sub3A_65, %ge3A_66 : i32
    %sub3A_68 = arith.constant 3 : i32
    %sub3A_69 = arith.subi %min3A_5, %sub3A_68 : i32
    %ge3A_70 = arith.cmpi sge, %sub3A_65, %sub3A_69 : i32
    %and3A_71 = arith.andi %ge3A_67, %ge3A_70 : i1
    %convert_element_type3A_72 = arith.extui %and3A_71 : i1 to i32
    %cond3A_73 = arith.constant 0 : i32
    %cond3A_74 = arith.cmpi ne, %convert_element_type3A_72, %cond3A_73 : i32
    scf.if %cond3A_74 {
      %add3A_75 = arith.addi %mul3A_2, %sub3A_65 : i32
      %mul3A_76 = arith.constant 128 : i32
      %mul3A_77 = arith.muli %add3A_75, %mul3A_76 : i32
      %dma_wait3A = arith.constant 2 : i32
      %dma_wait3A_78 = arith.constant 0 : i32
      %dma_wait3A_79 = arith.constant 0 : i32
      %dma_wait3A_80 = tpu.memref_slice %arg9[%dma_wait3A, %dma_wait3A_78, %dma_wait3A_79] : memref<3x128x128xf32, #tpu.memory_space<vmem>> -> memref<1x128x128xf32, #tpu.memory_space<vmem>>
      %dma_wait3A_81 = tpu.memref_squeeze %dma_wait3A_80 : memref<1x128x128xf32, #tpu.memory_space<vmem>> -> memref<128x128xf32, #tpu.memory_space<vmem>>
      %dma_wait3A_82 = arith.constant 0 : i32
      %dma_wait3A_83 = tpu.memref_slice %arg6[%mul3A_77, %dma_wait3A_82] : memref<160000x128xf32, #tpu.memory_space<hbm>> -> memref<128x128xf32, #tpu.memory_space<hbm>>
      %dma_wait3A_84 = arith.constant 0 : i32
      %dma_wait3A_85 = tpu.memref_slice %arg6[%mul3A_77, %dma_wait3A_84] : memref<160000x128xf32, #tpu.memory_space<hbm>> -> memref<128x128xf32, #tpu.memory_space<hbm>>
      %dma_wait3A_86 = arith.constant 0 : i32
      %dma_wait3A_87 = arith.constant 0 : i32
      %dma_wait3A_88 = tpu.memref_slice %arg9[%dma_wait3A, %dma_wait3A_86, %dma_wait3A_87] : memref<3x128x128xf32, #tpu.memory_space<vmem>> -> memref<1x128x128xf32, #tpu.memory_space<vmem>>
      %dma_wait3A_89 = tpu.memref_squeeze %dma_wait3A_88 : memref<1x128x128xf32, #tpu.memory_space<vmem>> -> memref<128x128xf32, #tpu.memory_space<vmem>>
      tpu.wait_dma2 semaphore(%arg19 : memref<!tpu.dma_semaphore, #tpu.memory_space<semaphore_mem>>) src(%dma_wait3A_89 : memref<128x128xf32, #tpu.memory_space<vmem>>) dst(%dma_wait3A_85 : memref<128x128xf32, #tpu.memory_space<hbm>>)
    } else {
    }
    return
  }
}

module attributes {stable_mosaic.version = 14 : i64} {
  func.func @body(%arg0: i32, %arg1: memref<2000x128xf32, #tpu.memory_space<vmem>>, %arg2: memref<128x128xf32, #tpu.memory_space<vmem>>, %arg3: memref<1x128xf32, #tpu.memory_space<vmem>>, %arg4: memref<128x128xf32, #tpu.memory_space<vmem>>, %arg5: memref<128x128xf32, #tpu.memory_space<vmem>>, %arg6: memref<2000x128xf32, #tpu.memory_space<vmem>>, %arg7: memref<2000x128xf32, #tpu.memory_space<vmem>>, %arg8: memref<2000x128xf32, #tpu.memory_space<vmem>>) attributes {dimension_semantics = [#tpu.dimension_semantics<arbitrary>], iteration_bounds = array<i64: 5>, scalar_prefetch = 0 : i64, scratch_operands = 0 : i64, tpu.core_type = #tpu.core_type<tc>, window_params = [{transform_indices = @transform_0, window_bounds = array<i64: 2000, 128>}, {pipeline_mode = #tpu.pipeline_mode<synchronous>, transform_indices = @transform_1, window_bounds = array<i64: 128, 128>}, {pipeline_mode = #tpu.pipeline_mode<synchronous>, transform_indices = @transform_2, window_bounds = array<i64: 1, 128>}, {pipeline_mode = #tpu.pipeline_mode<synchronous>, transform_indices = @transform_3, window_bounds = array<i64: 128, 128>}, {pipeline_mode = #tpu.pipeline_mode<synchronous>, transform_indices = @transform_4, window_bounds = array<i64: 128, 128>}, {transform_indices = @transform_5, window_bounds = array<i64: 2000, 128>}, {transform_indices = @transform_6, window_bounds = array<i64: 2000, 128>}, {transform_indices = @transform_7, window_bounds = array<i64: 2000, 128>}]} {
    %get3A = arith.constant 0 : index
    %get3A_0 = arith.constant 0 : index
    %get3A_1 = vector.load %arg1[%get3A, %get3A_0] : memref<2000x128xf32, #tpu.memory_space<vmem>>, vector<2000x128xf32>
    %get3A_2 = arith.constant 0 : index
    %get3A_3 = arith.constant 0 : index
    %get3A_4 = vector.load %arg2[%get3A_2, %get3A_3] : memref<128x128xf32, #tpu.memory_space<vmem>>, vector<128x128xf32>
    %dot_general3A = arith.constant dense<0.000000e+00> : vector<2000x128xf32>
    %dot_general3A_5 = tpu.matmul %get3A_1, %get3A_4, %dot_general3A {dimension_numbers = #tpu.dot_dimension_numbers<[1], [0], [0], [1], [0, 0, 1, 1], [], []>, transpose_lhs_hint = false} : vector<2000x128xf32>, vector<128x128xf32>, vector<2000x128xf32> -> vector<2000x128xf32>
    %get3A_6 = arith.constant 0 : index
    %get3A_7 = arith.constant 0 : index
    %get3A_8 = vector.load %arg3[%get3A_6, %get3A_7] : memref<1x128xf32, #tpu.memory_space<vmem>>, vector<1x128xf32>
    %add3A = vector.broadcast %get3A_8 : vector<1x128xf32> to vector<2000x128xf32>
    %add3A_9 = arith.addf %dot_general3A_5, %add3A : vector<2000x128xf32>
    %swap3A = arith.constant 0 : index
    %swap3A_10 = arith.constant 0 : index
    %swap3A_11 = vector.load %arg6[%swap3A, %swap3A_10] : memref<2000x128xf32, #tpu.memory_space<vmem>>, vector<2000x128xf32>
    tpu.vector_store %arg6[%swap3A, %swap3A_10], %add3A_9 {strides = array<i32>} : memref<2000x128xf32, #tpu.memory_space<vmem>>, vector<2000x128xf32>,
    %get3A_12 = arith.constant 0 : index
    %get3A_13 = arith.constant 0 : index
    %get3A_14 = vector.load %arg4[%get3A_12, %get3A_13] : memref<128x128xf32, #tpu.memory_space<vmem>>, vector<128x128xf32>
    %dot_general3A_15 = arith.constant dense<0.000000e+00> : vector<2000x128xf32>
    %dot_general3A_16 = tpu.matmul %add3A_9, %get3A_14, %dot_general3A_15 {dimension_numbers = #tpu.dot_dimension_numbers<[1], [0], [0], [1], [0, 0, 1, 1], [], []>, transpose_lhs_hint = false} : vector<2000x128xf32>, vector<128x128xf32>, vector<2000x128xf32> -> vector<2000x128xf32>
    %swap3A_17 = arith.constant 0 : index
    %swap3A_18 = arith.constant 0 : index
    %swap3A_19 = vector.load %arg7[%swap3A_17, %swap3A_18] : memref<2000x128xf32, #tpu.memory_space<vmem>>, vector<2000x128xf32>
    tpu.vector_store %arg7[%swap3A_17, %swap3A_18], %dot_general3A_16 {strides = array<i32>} : memref<2000x128xf32, #tpu.memory_space<vmem>>, vector<2000x128xf32>,
    %get3A_20 = arith.constant 0 : index
    %get3A_21 = arith.constant 0 : index
    %get3A_22 = vector.load %arg5[%get3A_20, %get3A_21] : memref<128x128xf32, #tpu.memory_space<vmem>>, vector<128x128xf32>
    %dot_general3A_23 = arith.constant dense<0.000000e+00> : vector<2000x128xf32>
    %dot_general3A_24 = tpu.matmul %add3A_9, %get3A_22, %dot_general3A_23 {dimension_numbers = #tpu.dot_dimension_numbers<[1], [0], [0], [1], [0, 0, 1, 1], [], []>, transpose_lhs_hint = false} : vector<2000x128xf32>, vector<128x128xf32>, vector<2000x128xf32> -> vector<2000x128xf32>
    %swap3A_25 = arith.constant 0 : index
    %swap3A_26 = arith.constant 0 : index
    %swap3A_27 = vector.load %arg8[%swap3A_25, %swap3A_26] : memref<2000x128xf32, #tpu.memory_space<vmem>>, vector<2000x128xf32>
    tpu.vector_store %arg8[%swap3A_25, %swap3A_26], %dot_general3A_24 {strides = array<i32>} : memref<2000x128xf32, #tpu.memory_space<vmem>>, vector<2000x128xf32>,
    return
  }
  func.func @transform_0(%arg0: i32) -> (i32, i32) {
    %c0_i32 = arith.constant 0 : i32
    %c0_i32_0 = arith.constant 0 : i32
    return %arg0, %c0_i32 : i32, i32
  }
  func.func @transform_1(%arg0: i32) -> (i32, i32) {
    %c0_i32 = arith.constant 0 : i32
    %c0_i32_0 = arith.constant 0 : i32
    %c0_i32_1 = arith.constant 0 : i32
    return %c0_i32, %c0_i32_0 : i32, i32
  }
  func.func @transform_2(%arg0: i32) -> (i32, i32) {
    %c0_i32 = arith.constant 0 : i32
    %c0_i32_0 = arith.constant 0 : i32
    %c0_i32_1 = arith.constant 0 : i32
    return %c0_i32, %c0_i32_0 : i32, i32
  }
  func.func @transform_3(%arg0: i32) -> (i32, i32) {
    %c0_i32 = arith.constant 0 : i32
    %c0_i32_0 = arith.constant 0 : i32
    %c0_i32_1 = arith.constant 0 : i32
    return %c0_i32, %c0_i32_0 : i32, i32
  }
  func.func @transform_4(%arg0: i32) -> (i32, i32) {
    %c0_i32 = arith.constant 0 : i32
    %c0_i32_0 = arith.constant 0 : i32
    %c0_i32_1 = arith.constant 0 : i32
    return %c0_i32, %c0_i32_0 : i32, i32
  }
  func.func @transform_5(%arg0: i32) -> (i32, i32) {
    %c0_i32 = arith.constant 0 : i32
    %c0_i32_0 = arith.constant 0 : i32
    return %arg0, %c0_i32 : i32, i32
  }
  func.func @transform_6(%arg0: i32) -> (i32, i32) {
    %c0_i32 = arith.constant 0 : i32
    %c0_i32_0 = arith.constant 0 : i32
    return %arg0, %c0_i32 : i32, i32
  }
  func.func @transform_7(%arg0: i32) -> (i32, i32) {
    %c0_i32 = arith.constant 0 : i32
    %c0_i32_0 = arith.constant 0 : i32
    return %arg0, %c0_i32 : i32, i32
  }
}

module attributes {stable_mosaic.version = 14 : i64} {
  func.func @body(%arg0: i32, %arg1: memref<4000x128xf32, #tpu.memory_space<vmem>>, %arg2: memref<4000x16xf32, #tpu.memory_space<vmem>>, %arg3: memref<16x16xf32, #tpu.memory_space<vmem>>, %arg4: memref<1x16xf32, #tpu.memory_space<vmem>>, %arg5: memref<16x128xf32, #tpu.memory_space<vmem>>, %arg6: memref<1x128xf32, #tpu.memory_space<vmem>>, %arg7: memref<1x128xf32, #tpu.memory_space<vmem>>, %arg8: memref<1x128xf32, #tpu.memory_space<vmem>>, %arg9: memref<4000x128xf32, #tpu.memory_space<vmem>>) attributes {dimension_semantics = [#tpu.dimension_semantics<arbitrary>], iteration_bounds = array<i64: 40>, scalar_prefetch = 0 : i64, scratch_operands = 0 : i64, tpu.core_type = #tpu.core_type<tc>, window_params = [{transform_indices = @transform_0, window_bounds = array<i64: 4000, 128>}, {transform_indices = @transform_1, window_bounds = array<i64: 4000, 16>}, {pipeline_mode = #tpu.pipeline_mode<synchronous>, transform_indices = @transform_2, window_bounds = array<i64: 16, 16>}, {pipeline_mode = #tpu.pipeline_mode<synchronous>, transform_indices = @transform_3, window_bounds = array<i64: 1, 16>}, {pipeline_mode = #tpu.pipeline_mode<synchronous>, transform_indices = @transform_4, window_bounds = array<i64: 16, 128>}, {pipeline_mode = #tpu.pipeline_mode<synchronous>, transform_indices = @transform_5, window_bounds = array<i64: 1, 128>}, {pipeline_mode = #tpu.pipeline_mode<synchronous>, transform_indices = @transform_6, window_bounds = array<i64: 1, 128>}, {pipeline_mode = #tpu.pipeline_mode<synchronous>, transform_indices = @transform_7, window_bounds = array<i64: 1, 128>}, {transform_indices = @transform_8, window_bounds = array<i64: 4000, 128>}]} {
    %get3A = arith.constant 0 : index
    %get3A_0 = arith.constant 0 : index
    %get3A_1 = vector.load %arg2[%get3A, %get3A_0] : memref<4000x16xf32, #tpu.memory_space<vmem>>, vector<4000x16xf32>
    %get3A_2 = arith.constant 0 : index
    %get3A_3 = arith.constant 0 : index
    %get3A_4 = vector.load %arg3[%get3A_2, %get3A_3] : memref<16x16xf32, #tpu.memory_space<vmem>>, vector<16x16xf32>
    %dot_general3A = arith.constant dense<0.000000e+00> : vector<4000x16xf32>
    %dot_general3A_5 = tpu.matmul %get3A_1, %get3A_4, %dot_general3A {dimension_numbers = #tpu.dot_dimension_numbers<[1], [0], [0], [1], [0, 0, 1, 1], [], []>, transpose_lhs_hint = false} : vector<4000x16xf32>, vector<16x16xf32>, vector<4000x16xf32> -> vector<4000x16xf32>
    %get3A_6 = arith.constant 0 : index
    %get3A_7 = arith.constant 0 : index
    %get3A_8 = vector.load %arg4[%get3A_6, %get3A_7] : memref<1x16xf32, #tpu.memory_space<vmem>>, vector<1x16xf32>
    %add3A = vector.broadcast %get3A_8 : vector<1x16xf32> to vector<4000x16xf32>
    %add3A_9 = arith.addf %dot_general3A_5, %add3A : vector<4000x16xf32>
    %get3A_10 = arith.constant 0 : index
    %get3A_11 = arith.constant 0 : index
    %get3A_12 = vector.load %arg5[%get3A_10, %get3A_11] : memref<16x128xf32, #tpu.memory_space<vmem>>, vector<16x128xf32>
    %dot_general3A_13 = arith.constant dense<0.000000e+00> : vector<4000x128xf32>
    %dot_general3A_14 = tpu.matmul %add3A_9, %get3A_12, %dot_general3A_13 {dimension_numbers = #tpu.dot_dimension_numbers<[1], [0], [0], [1], [0, 0, 1, 1], [], []>, transpose_lhs_hint = false} : vector<4000x16xf32>, vector<16x128xf32>, vector<4000x128xf32> -> vector<4000x128xf32>
    %get3A_15 = arith.constant 0 : index
    %get3A_16 = arith.constant 0 : index
    %get3A_17 = vector.load %arg6[%get3A_15, %get3A_16] : memref<1x128xf32, #tpu.memory_space<vmem>>, vector<1x128xf32>
    %add3A_18 = vector.broadcast %get3A_17 : vector<1x128xf32> to vector<4000x128xf32>
    %add3A_19 = arith.addf %dot_general3A_14, %add3A_18 : vector<4000x128xf32>
    %get3A_20 = arith.constant 0 : index
    %get3A_21 = arith.constant 0 : index
    %get3A_22 = vector.load %arg1[%get3A_20, %get3A_21] : memref<4000x128xf32, #tpu.memory_space<vmem>>, vector<4000x128xf32>
    %add3A_23 = arith.addf %get3A_22, %add3A_19 : vector<4000x128xf32>
    %get3A_24 = arith.constant 0 : index
    %get3A_25 = arith.constant 0 : index
    %get3A_26 = vector.load %arg7[%get3A_24, %get3A_25] : memref<1x128xf32, #tpu.memory_space<vmem>>, vector<1x128xf32>
    %get3A_27 = arith.constant 0 : index
    %get3A_28 = arith.constant 0 : index
    %get3A_29 = vector.load %arg8[%get3A_27, %get3A_28] : memref<1x128xf32, #tpu.memory_space<vmem>>, vector<1x128xf32>
    %reduce_sum3A = arith.constant dense<0.000000e+00> : vector<4000xf32>
    %reduce_sum3A_30 = vector.multi_reduction <add>, %add3A_23, %reduce_sum3A [1] : vector<4000x128xf32> to vector<4000xf32>
    %broadcast_in_dim3A = vector.shape_cast %reduce_sum3A_30 : vector<4000xf32> to vector<4000x1xf32>
    %div3A = arith.constant 1.280000e+02 : f32
    %div3A_31 = vector.broadcast %div3A : f32 to vector<4000x1xf32>
    %div3A_32 = arith.divf %broadcast_in_dim3A, %div3A_31 : vector<4000x1xf32>
    %sub3A = vector.broadcast %div3A_32 : vector<4000x1xf32> to vector<4000x128xf32>
    %sub3A_33 = arith.subf %add3A_23, %sub3A : vector<4000x128xf32>
    %integer_pow3A = arith.mulf %sub3A_33, %sub3A_33 : vector<4000x128xf32>
    %reduce_sum3A_34 = arith.constant dense<0.000000e+00> : vector<4000xf32>
    %reduce_sum3A_35 = vector.multi_reduction <add>, %integer_pow3A, %reduce_sum3A_34 [1] : vector<4000x128xf32> to vector<4000xf32>
    %broadcast_in_dim3A_36 = vector.shape_cast %reduce_sum3A_35 : vector<4000xf32> to vector<4000x1xf32>
    %div3A_37 = arith.constant 1.280000e+02 : f32
    %div3A_38 = vector.broadcast %div3A_37 : f32 to vector<4000x1xf32>
    %div3A_39 = arith.divf %broadcast_in_dim3A_36, %div3A_38 : vector<4000x1xf32>
    %sub3A_40 = vector.broadcast %div3A_32 : vector<4000x1xf32> to vector<4000x128xf32>
    %sub3A_41 = arith.subf %add3A_23, %sub3A_40 : vector<4000x128xf32>
    %add3A_42 = arith.constant 9.99999974E-6 : f32
    %add3A_43 = vector.broadcast %add3A_42 : f32 to vector<4000x1xf32>
    %add3A_44 = arith.addf %div3A_39, %add3A_43 : vector<4000x1xf32>
    %rsqrt3A = math.rsqrt %add3A_44 : vector<4000x1xf32>
    %mul3A = vector.broadcast %rsqrt3A : vector<4000x1xf32> to vector<4000x128xf32>
    %mul3A_45 = arith.mulf %sub3A_41, %mul3A : vector<4000x128xf32>
    %mul3A_46 = vector.broadcast %get3A_26 : vector<1x128xf32> to vector<4000x128xf32>
    %mul3A_47 = arith.mulf %mul3A_45, %mul3A_46 : vector<4000x128xf32>
    %add3A_48 = vector.broadcast %get3A_29 : vector<1x128xf32> to vector<4000x128xf32>
    %add3A_49 = arith.addf %mul3A_47, %add3A_48 : vector<4000x128xf32>
    %tanh3A = math.tanh %add3A_49 : vector<4000x128xf32>
    %swap3A = arith.constant 0 : index
    %swap3A_50 = arith.constant 0 : index
    %swap3A_51 = vector.load %arg9[%swap3A, %swap3A_50] : memref<4000x128xf32, #tpu.memory_space<vmem>>, vector<4000x128xf32>
    tpu.vector_store %arg9[%swap3A, %swap3A_50], %tanh3A {strides = array<i32>} : memref<4000x128xf32, #tpu.memory_space<vmem>>, vector<4000x128xf32>,
    return
  }
  func.func @transform_0(%arg0: i32) -> (i32, i32) {
    %c0_i32 = arith.constant 0 : i32
    %c0_i32_0 = arith.constant 0 : i32
    return %arg0, %c0_i32 : i32, i32
  }
  func.func @transform_1(%arg0: i32) -> (i32, i32) {
    %c0_i32 = arith.constant 0 : i32
    %c0_i32_0 = arith.constant 0 : i32
    return %arg0, %c0_i32 : i32, i32
  }
  func.func @transform_2(%arg0: i32) -> (i32, i32) {
    %c0_i32 = arith.constant 0 : i32
    %c0_i32_0 = arith.constant 0 : i32
    %c0_i32_1 = arith.constant 0 : i32
    return %c0_i32, %c0_i32_0 : i32, i32
  }
  func.func @transform_3(%arg0: i32) -> (i32, i32) {
    %c0_i32 = arith.constant 0 : i32
    %c0_i32_0 = arith.constant 0 : i32
    %c0_i32_1 = arith.constant 0 : i32
    return %c0_i32, %c0_i32_0 : i32, i32
  }
  func.func @transform_4(%arg0: i32) -> (i32, i32) {
    %c0_i32 = arith.constant 0 : i32
    %c0_i32_0 = arith.constant 0 : i32
    %c0_i32_1 = arith.constant 0 : i32
    return %c0_i32, %c0_i32_0 : i32, i32
  }
  func.func @transform_5(%arg0: i32) -> (i32, i32) {
    %c0_i32 = arith.constant 0 : i32
    %c0_i32_0 = arith.constant 0 : i32
    %c0_i32_1 = arith.constant 0 : i32
    return %c0_i32, %c0_i32_0 : i32, i32
  }
  func.func @transform_6(%arg0: i32) -> (i32, i32) {
    %c0_i32 = arith.constant 0 : i32
    %c0_i32_0 = arith.constant 0 : i32
    %c0_i32_1 = arith.constant 0 : i32
    return %c0_i32, %c0_i32_0 : i32, i32
  }
  func.func @transform_7(%arg0: i32) -> (i32, i32) {
    %c0_i32 = arith.constant 0 : i32
    %c0_i32_0 = arith.constant 0 : i32
    %c0_i32_1 = arith.constant 0 : i32
    return %c0_i32, %c0_i32_0 : i32, i32
  }
  func.func @transform_8(%arg0: i32) -> (i32, i32) {
    %c0_i32 = arith.constant 0 : i32
    %c0_i32_0 = arith.constant 0 : i32
    return %arg0, %c0_i32 : i32, i32
  }
}

module attributes {stable_mosaic.version = 14 : i64} {
  func.func @body(%arg0: i32, %arg1: memref<2x2000x128xf32, #tpu.memory_space<vmem>>, %arg2: memref<2000x128xf32, #tpu.memory_space<vmem>>, %arg3: memref<128x128xf32, #tpu.memory_space<vmem>>, %arg4: memref<128x128xf32, #tpu.memory_space<vmem>>, %arg5: memref<1x128xf32, #tpu.memory_space<vmem>>, %arg6: memref<1x128xf32, #tpu.memory_space<vmem>>, %arg7: memref<1x128xf32, #tpu.memory_space<vmem>>, %arg8: memref<128x128xf32, #tpu.memory_space<vmem>>, %arg9: memref<128x128xf32, #tpu.memory_space<vmem>>, %arg10: memref<2000x128xf32, #tpu.memory_space<vmem>>, %arg11: memref<2000x128xf32, #tpu.memory_space<vmem>>, %arg12: memref<2000x128xf32, #tpu.memory_space<vmem>>) attributes {dimension_semantics = [#tpu.dimension_semantics<arbitrary>], iteration_bounds = array<i64: 5>, scalar_prefetch = 0 : i64, scratch_operands = 0 : i64, tpu.core_type = #tpu.core_type<tc>, window_params = [{transform_indices = @transform_0, window_bounds = array<i64: 2, 2000, 128>}, {transform_indices = @transform_1, window_bounds = array<i64: 2000, 128>}, {pipeline_mode = #tpu.pipeline_mode<synchronous>, transform_indices = @transform_2, window_bounds = array<i64: 128, 128>}, {pipeline_mode = #tpu.pipeline_mode<synchronous>, transform_indices = @transform_3, window_bounds = array<i64: 128, 128>}, {pipeline_mode = #tpu.pipeline_mode<synchronous>, transform_indices = @transform_4, window_bounds = array<i64: 1, 128>}, {pipeline_mode = #tpu.pipeline_mode<synchronous>, transform_indices = @transform_5, window_bounds = array<i64: 1, 128>}, {pipeline_mode = #tpu.pipeline_mode<synchronous>, transform_indices = @transform_6, window_bounds = array<i64: 1, 128>}, {pipeline_mode = #tpu.pipeline_mode<synchronous>, transform_indices = @transform_7, window_bounds = array<i64: 128, 128>}, {pipeline_mode = #tpu.pipeline_mode<synchronous>, transform_indices = @transform_8, window_bounds = array<i64: 128, 128>}, {transform_indices = @transform_9, window_bounds = array<i64: 2000, 128>}, {transform_indices = @transform_10, window_bounds = array<i64: 2000, 128>}, {transform_indices = @transform_11, window_bounds = array<i64: 2000, 128>}]} {
    %get3A = arith.constant 0 : index
    %get3A_0 = arith.constant 0 : index
    %get3A_1 = arith.constant 0 : index
    %get3A_2 = vector.load %arg1[%get3A, %get3A_0, %get3A_1] : memref<2x2000x128xf32, #tpu.memory_space<vmem>>, vector<1x2000x128xf32>
    %get3A_3 = vector.shape_cast %get3A_2 : vector<1x2000x128xf32> to vector<2000x128xf32>
    %get3A_4 = arith.constant 1 : index
    %get3A_5 = arith.constant 0 : index
    %get3A_6 = arith.constant 0 : index
    %get3A_7 = vector.load %arg1[%get3A_4, %get3A_5, %get3A_6] : memref<2x2000x128xf32, #tpu.memory_space<vmem>>, vector<1x2000x128xf32>
    %get3A_8 = vector.shape_cast %get3A_7 : vector<1x2000x128xf32> to vector<2000x128xf32>
    %add3A = arith.addf %get3A_3, %get3A_8 : vector<2000x128xf32>
    %get3A_9 = arith.constant 0 : index
    %get3A_10 = arith.constant 0 : index
    %get3A_11 = vector.load %arg3[%get3A_9, %get3A_10] : memref<128x128xf32, #tpu.memory_space<vmem>>, vector<128x128xf32>
    %dot_general3A = arith.constant dense<0.000000e+00> : vector<2000x128xf32>
    %dot_general3A_12 = tpu.matmul %add3A, %get3A_11, %dot_general3A {dimension_numbers = #tpu.dot_dimension_numbers<[1], [0], [0], [1], [0, 0, 1, 1], [], []>, transpose_lhs_hint = false} : vector<2000x128xf32>, vector<128x128xf32>, vector<2000x128xf32> -> vector<2000x128xf32>
    %get3A_13 = arith.constant 0 : index
    %get3A_14 = arith.constant 0 : index
    %get3A_15 = vector.load %arg2[%get3A_13, %get3A_14] : memref<2000x128xf32, #tpu.memory_space<vmem>>, vector<2000x128xf32>
    %get3A_16 = arith.constant 0 : index
    %get3A_17 = arith.constant 0 : index
    %get3A_18 = vector.load %arg4[%get3A_16, %get3A_17] : memref<128x128xf32, #tpu.memory_space<vmem>>, vector<128x128xf32>
    %dot_general3A_19 = arith.constant dense<0.000000e+00> : vector<2000x128xf32>
    %dot_general3A_20 = tpu.matmul %get3A_15, %get3A_18, %dot_general3A_19 {dimension_numbers = #tpu.dot_dimension_numbers<[1], [0], [0], [1], [0, 0, 1, 1], [], []>, transpose_lhs_hint = false} : vector<2000x128xf32>, vector<128x128xf32>, vector<2000x128xf32> -> vector<2000x128xf32>
    %add3A_21 = arith.addf %dot_general3A_12, %dot_general3A_20 : vector<2000x128xf32>
    %get3A_22 = arith.constant 0 : index
    %get3A_23 = arith.constant 0 : index
    %get3A_24 = vector.load %arg5[%get3A_22, %get3A_23] : memref<1x128xf32, #tpu.memory_space<vmem>>, vector<1x128xf32>
    %add3A_25 = vector.broadcast %get3A_24 : vector<1x128xf32> to vector<2000x128xf32>
    %add3A_26 = arith.addf %add3A_21, %add3A_25 : vector<2000x128xf32>
    %get3A_27 = arith.constant 0 : index
    %get3A_28 = arith.constant 0 : index
    %get3A_29 = vector.load %arg6[%get3A_27, %get3A_28] : memref<1x128xf32, #tpu.memory_space<vmem>>, vector<1x128xf32>
    %get3A_30 = arith.constant 0 : index
    %get3A_31 = arith.constant 0 : index
    %get3A_32 = vector.load %arg7[%get3A_30, %get3A_31] : memref<1x128xf32, #tpu.memory_space<vmem>>, vector<1x128xf32>
    %reduce_sum3A = arith.constant dense<0.000000e+00> : vector<2000xf32>
    %reduce_sum3A_33 = vector.multi_reduction <add>, %add3A_26, %reduce_sum3A [1] : vector<2000x128xf32> to vector<2000xf32>
    %broadcast_in_dim3A = vector.shape_cast %reduce_sum3A_33 : vector<2000xf32> to vector<2000x1xf32>
    %div3A = arith.constant 1.280000e+02 : f32
    %div3A_34 = vector.broadcast %div3A : f32 to vector<2000x1xf32>
    %div3A_35 = arith.divf %broadcast_in_dim3A, %div3A_34 : vector<2000x1xf32>
    %sub3A = vector.broadcast %div3A_35 : vector<2000x1xf32> to vector<2000x128xf32>
    %sub3A_36 = arith.subf %add3A_26, %sub3A : vector<2000x128xf32>
    %integer_pow3A = arith.mulf %sub3A_36, %sub3A_36 : vector<2000x128xf32>
    %reduce_sum3A_37 = arith.constant dense<0.000000e+00> : vector<2000xf32>
    %reduce_sum3A_38 = vector.multi_reduction <add>, %integer_pow3A, %reduce_sum3A_37 [1] : vector<2000x128xf32> to vector<2000xf32>
    %broadcast_in_dim3A_39 = vector.shape_cast %reduce_sum3A_38 : vector<2000xf32> to vector<2000x1xf32>
    %div3A_40 = arith.constant 1.280000e+02 : f32
    %div3A_41 = vector.broadcast %div3A_40 : f32 to vector<2000x1xf32>
    %div3A_42 = arith.divf %broadcast_in_dim3A_39, %div3A_41 : vector<2000x1xf32>
    %sub3A_43 = vector.broadcast %div3A_35 : vector<2000x1xf32> to vector<2000x128xf32>
    %sub3A_44 = arith.subf %add3A_26, %sub3A_43 : vector<2000x128xf32>
    %add3A_45 = arith.constant 9.99999974E-6 : f32
    %add3A_46 = vector.broadcast %add3A_45 : f32 to vector<2000x1xf32>
    %add3A_47 = arith.addf %div3A_42, %add3A_46 : vector<2000x1xf32>
    %rsqrt3A = math.rsqrt %add3A_47 : vector<2000x1xf32>
    %mul3A = vector.broadcast %rsqrt3A : vector<2000x1xf32> to vector<2000x128xf32>
    %mul3A_48 = arith.mulf %sub3A_44, %mul3A : vector<2000x128xf32>
    %mul3A_49 = vector.broadcast %get3A_29 : vector<1x128xf32> to vector<2000x128xf32>
    %mul3A_50 = arith.mulf %mul3A_48, %mul3A_49 : vector<2000x128xf32>
    %add3A_51 = vector.broadcast %get3A_32 : vector<1x128xf32> to vector<2000x128xf32>
    %add3A_52 = arith.addf %mul3A_50, %add3A_51 : vector<2000x128xf32>
    %tanh3A = math.tanh %add3A_52 : vector<2000x128xf32>
    %swap3A = arith.constant 0 : index
    %swap3A_53 = arith.constant 0 : index
    %swap3A_54 = vector.load %arg10[%swap3A, %swap3A_53] : memref<2000x128xf32, #tpu.memory_space<vmem>>, vector<2000x128xf32>
    tpu.vector_store %arg10[%swap3A, %swap3A_53], %tanh3A {strides = array<i32>} : memref<2000x128xf32, #tpu.memory_space<vmem>>, vector<2000x128xf32>,
    %get3A_55 = arith.constant 0 : index
    %get3A_56 = arith.constant 0 : index
    %get3A_57 = vector.load %arg8[%get3A_55, %get3A_56] : memref<128x128xf32, #tpu.memory_space<vmem>>, vector<128x128xf32>
    %dot_general3A_58 = arith.constant dense<0.000000e+00> : vector<2000x128xf32>
    %dot_general3A_59 = tpu.matmul %tanh3A, %get3A_57, %dot_general3A_58 {dimension_numbers = #tpu.dot_dimension_numbers<[1], [0], [0], [1], [0, 0, 1, 1], [], []>, transpose_lhs_hint = false} : vector<2000x128xf32>, vector<128x128xf32>, vector<2000x128xf32> -> vector<2000x128xf32>
    %swap3A_60 = arith.constant 0 : index
    %swap3A_61 = arith.constant 0 : index
    %swap3A_62 = vector.load %arg11[%swap3A_60, %swap3A_61] : memref<2000x128xf32, #tpu.memory_space<vmem>>, vector<2000x128xf32>
    tpu.vector_store %arg11[%swap3A_60, %swap3A_61], %dot_general3A_59 {strides = array<i32>} : memref<2000x128xf32, #tpu.memory_space<vmem>>, vector<2000x128xf32>,
    %get3A_63 = arith.constant 0 : index
    %get3A_64 = arith.constant 0 : index
    %get3A_65 = vector.load %arg9[%get3A_63, %get3A_64] : memref<128x128xf32, #tpu.memory_space<vmem>>, vector<128x128xf32>
    %dot_general3A_66 = arith.constant dense<0.000000e+00> : vector<2000x128xf32>
    %dot_general3A_67 = tpu.matmul %tanh3A, %get3A_65, %dot_general3A_66 {dimension_numbers = #tpu.dot_dimension_numbers<[1], [0], [0], [1], [0, 0, 1, 1], [], []>, transpose_lhs_hint = false} : vector<2000x128xf32>, vector<128x128xf32>, vector<2000x128xf32> -> vector<2000x128xf32>
    %swap3A_68 = arith.constant 0 : index
    %swap3A_69 = arith.constant 0 : index
    %swap3A_70 = vector.load %arg12[%swap3A_68, %swap3A_69] : memref<2000x128xf32, #tpu.memory_space<vmem>>, vector<2000x128xf32>
    tpu.vector_store %arg12[%swap3A_68, %swap3A_69], %dot_general3A_67 {strides = array<i32>} : memref<2000x128xf32, #tpu.memory_space<vmem>>, vector<2000x128xf32>,
    return
  }
  func.func @transform_0(%arg0: i32) -> (i32, i32, i32) {
    %c0_i32 = arith.constant 0 : i32
    %c0_i32_0 = arith.constant 0 : i32
    %c0_i32_1 = arith.constant 0 : i32
    return %c0_i32, %arg0, %c0_i32_0 : i32, i32, i32
  }
  func.func @transform_1(%arg0: i32) -> (i32, i32) {
    %c0_i32 = arith.constant 0 : i32
    %c0_i32_0 = arith.constant 0 : i32
    return %arg0, %c0_i32 : i32, i32
  }
  func.func @transform_2(%arg0: i32) -> (i32, i32) {
    %c0_i32 = arith.constant 0 : i32
    %c0_i32_0 = arith.constant 0 : i32
    %c0_i32_1 = arith.constant 0 : i32
    return %c0_i32, %c0_i32_0 : i32, i32
  }
  func.func @transform_3(%arg0: i32) -> (i32, i32) {
    %c0_i32 = arith.constant 0 : i32
    %c0_i32_0 = arith.constant 0 : i32
    %c0_i32_1 = arith.constant 0 : i32
    return %c0_i32, %c0_i32_0 : i32, i32
  }
  func.func @transform_4(%arg0: i32) -> (i32, i32) {
    %c0_i32 = arith.constant 0 : i32
    %c0_i32_0 = arith.constant 0 : i32
    %c0_i32_1 = arith.constant 0 : i32
    return %c0_i32, %c0_i32_0 : i32, i32
  }
  func.func @transform_5(%arg0: i32) -> (i32, i32) {
    %c0_i32 = arith.constant 0 : i32
    %c0_i32_0 = arith.constant 0 : i32
    %c0_i32_1 = arith.constant 0 : i32
    return %c0_i32, %c0_i32_0 : i32, i32
  }
  func.func @transform_6(%arg0: i32) -> (i32, i32) {
    %c0_i32 = arith.constant 0 : i32
    %c0_i32_0 = arith.constant 0 : i32
    %c0_i32_1 = arith.constant 0 : i32
    return %c0_i32, %c0_i32_0 : i32, i32
  }
  func.func @transform_7(%arg0: i32) -> (i32, i32) {
    %c0_i32 = arith.constant 0 : i32
    %c0_i32_0 = arith.constant 0 : i32
    %c0_i32_1 = arith.constant 0 : i32
    return %c0_i32, %c0_i32_0 : i32, i32
  }
  func.func @transform_8(%arg0: i32) -> (i32, i32) {
    %c0_i32 = arith.constant 0 : i32
    %c0_i32_0 = arith.constant 0 : i32
    %c0_i32_1 = arith.constant 0 : i32
    return %c0_i32, %c0_i32_0 : i32, i32
  }
  func.func @transform_9(%arg0: i32) -> (i32, i32) {
    %c0_i32 = arith.constant 0 : i32
    %c0_i32_0 = arith.constant 0 : i32
    return %arg0, %c0_i32 : i32, i32
  }
  func.func @transform_10(%arg0: i32) -> (i32, i32) {
    %c0_i32 = arith.constant 0 : i32
    %c0_i32_0 = arith.constant 0 : i32
    return %arg0, %c0_i32 : i32, i32
  }
  func.func @transform_11(%arg0: i32) -> (i32, i32) {
    %c0_i32 = arith.constant 0 : i32
    %c0_i32_0 = arith.constant 0 : i32
    return %arg0, %c0_i32 : i32, i32
  }
}

module attributes {stable_mosaic.version = 14 : i64} {
  func.func @body(%arg0: i32, %arg1: memref<2x2000x128xf32, #tpu.memory_space<vmem>>, %arg2: memref<2000x128xf32, #tpu.memory_space<vmem>>, %arg3: memref<128x128xf32, #tpu.memory_space<vmem>>, %arg4: memref<128x128xf32, #tpu.memory_space<vmem>>, %arg5: memref<1x128xf32, #tpu.memory_space<vmem>>, %arg6: memref<1x128xf32, #tpu.memory_space<vmem>>, %arg7: memref<1x128xf32, #tpu.memory_space<vmem>>, %arg8: memref<128x128xf32, #tpu.memory_space<vmem>>, %arg9: memref<1x128xf32, #tpu.memory_space<vmem>>, %arg10: memref<128x1xf32, #tpu.memory_space<vmem>>, %arg11: memref<1x1xf32, #tpu.memory_space<vmem>>, %arg12: memref<2000x1xi32, #tpu.memory_space<vmem>>, %arg13: memref<1x256xf32, #tpu.memory_space<vmem>>, %arg14: memref<1x256xf32, #tpu.memory_space<vmem>>, %arg15: memref<1x256xf32, #tpu.memory_space<vmem>>) attributes {dimension_semantics = [#tpu.dimension_semantics<arbitrary>], iteration_bounds = array<i64: 5>, scalar_prefetch = 0 : i64, scratch_operands = 2 : i64, tpu.core_type = #tpu.core_type<tc>, window_params = [{transform_indices = @transform_0, window_bounds = array<i64: 2, 2000, 128>}, {transform_indices = @transform_1, window_bounds = array<i64: 2000, 128>}, {pipeline_mode = #tpu.pipeline_mode<synchronous>, transform_indices = @transform_2, window_bounds = array<i64: 128, 128>}, {pipeline_mode = #tpu.pipeline_mode<synchronous>, transform_indices = @transform_3, window_bounds = array<i64: 128, 128>}, {pipeline_mode = #tpu.pipeline_mode<synchronous>, transform_indices = @transform_4, window_bounds = array<i64: 1, 128>}, {pipeline_mode = #tpu.pipeline_mode<synchronous>, transform_indices = @transform_5, window_bounds = array<i64: 1, 128>}, {pipeline_mode = #tpu.pipeline_mode<synchronous>, transform_indices = @transform_6, window_bounds = array<i64: 1, 128>}, {pipeline_mode = #tpu.pipeline_mode<synchronous>, transform_indices = @transform_7, window_bounds = array<i64: 128, 128>}, {pipeline_mode = #tpu.pipeline_mode<synchronous>, transform_indices = @transform_8, window_bounds = array<i64: 1, 128>}, {pipeline_mode = #tpu.pipeline_mode<synchronous>, transform_indices = @transform_9, window_bounds = array<i64: 128, 1>}, {pipeline_mode = #tpu.pipeline_mode<synchronous>, transform_indices = @transform_10, window_bounds = array<i64: 1, 1>}, {transform_indices = @transform_11, window_bounds = array<i64: 2000, 1>}, {pipeline_mode = #tpu.pipeline_mode<synchronous>, transform_indices = @transform_12, window_bounds = array<i64: 1, 256>}]} {
    %get3A = arith.constant 0 : index
    %get3A_0 = arith.constant 0 : index
    %get3A_1 = arith.constant 0 : index
    %get3A_2 = vector.load %arg1[%get3A, %get3A_0, %get3A_1] : memref<2x2000x128xf32, #tpu.memory_space<vmem>>, vector<1x2000x128xf32>
    %get3A_3 = vector.shape_cast %get3A_2 : vector<1x2000x128xf32> to vector<2000x128xf32>
    %get3A_4 = arith.constant 1 : index
    %get3A_5 = arith.constant 0 : index
    %get3A_6 = arith.constant 0 : index
    %get3A_7 = vector.load %arg1[%get3A_4, %get3A_5, %get3A_6] : memref<2x2000x128xf32, #tpu.memory_space<vmem>>, vector<1x2000x128xf32>
    %get3A_8 = vector.shape_cast %get3A_7 : vector<1x2000x128xf32> to vector<2000x128xf32>
    %add3A = arith.addf %get3A_3, %get3A_8 : vector<2000x128xf32>
    %get3A_9 = arith.constant 0 : index
    %get3A_10 = arith.constant 0 : index
    %get3A_11 = vector.load %arg3[%get3A_9, %get3A_10] : memref<128x128xf32, #tpu.memory_space<vmem>>, vector<128x128xf32>
    %dot_general3A = arith.constant dense<0.000000e+00> : vector<2000x128xf32>
    %dot_general3A_12 = tpu.matmul %add3A, %get3A_11, %dot_general3A {dimension_numbers = #tpu.dot_dimension_numbers<[1], [0], [0], [1], [0, 0, 1, 1], [], []>, transpose_lhs_hint = false} : vector<2000x128xf32>, vector<128x128xf32>, vector<2000x128xf32> -> vector<2000x128xf32>
    %get3A_13 = arith.constant 0 : index
    %get3A_14 = arith.constant 0 : index
    %get3A_15 = vector.load %arg2[%get3A_13, %get3A_14] : memref<2000x128xf32, #tpu.memory_space<vmem>>, vector<2000x128xf32>
    %get3A_16 = arith.constant 0 : index
    %get3A_17 = arith.constant 0 : index
    %get3A_18 = vector.load %arg4[%get3A_16, %get3A_17] : memref<128x128xf32, #tpu.memory_space<vmem>>, vector<128x128xf32>
    %dot_general3A_19 = arith.constant dense<0.000000e+00> : vector<2000x128xf32>
    %dot_general3A_20 = tpu.matmul %get3A_15, %get3A_18, %dot_general3A_19 {dimension_numbers = #tpu.dot_dimension_numbers<[1], [0], [0], [1], [0, 0, 1, 1], [], []>, transpose_lhs_hint = false} : vector<2000x128xf32>, vector<128x128xf32>, vector<2000x128xf32> -> vector<2000x128xf32>
    %add3A_21 = arith.addf %dot_general3A_12, %dot_general3A_20 : vector<2000x128xf32>
    %get3A_22 = arith.constant 0 : index
    %get3A_23 = arith.constant 0 : index
    %get3A_24 = vector.load %arg5[%get3A_22, %get3A_23] : memref<1x128xf32, #tpu.memory_space<vmem>>, vector<1x128xf32>
    %add3A_25 = vector.broadcast %get3A_24 : vector<1x128xf32> to vector<2000x128xf32>
    %add3A_26 = arith.addf %add3A_21, %add3A_25 : vector<2000x128xf32>
    %get3A_27 = arith.constant 0 : index
    %get3A_28 = arith.constant 0 : index
    %get3A_29 = vector.load %arg6[%get3A_27, %get3A_28] : memref<1x128xf32, #tpu.memory_space<vmem>>, vector<1x128xf32>
    %get3A_30 = arith.constant 0 : index
    %get3A_31 = arith.constant 0 : index
    %get3A_32 = vector.load %arg7[%get3A_30, %get3A_31] : memref<1x128xf32, #tpu.memory_space<vmem>>, vector<1x128xf32>
    %reduce_sum3A = arith.constant dense<0.000000e+00> : vector<2000xf32>
    %reduce_sum3A_33 = vector.multi_reduction <add>, %add3A_26, %reduce_sum3A [1] : vector<2000x128xf32> to vector<2000xf32>
    %broadcast_in_dim3A = vector.shape_cast %reduce_sum3A_33 : vector<2000xf32> to vector<2000x1xf32>
    %div3A = arith.constant 1.280000e+02 : f32
    %div3A_34 = vector.broadcast %div3A : f32 to vector<2000x1xf32>
    %div3A_35 = arith.divf %broadcast_in_dim3A, %div3A_34 : vector<2000x1xf32>
    %sub3A = vector.broadcast %div3A_35 : vector<2000x1xf32> to vector<2000x128xf32>
    %sub3A_36 = arith.subf %add3A_26, %sub3A : vector<2000x128xf32>
    %integer_pow3A = arith.mulf %sub3A_36, %sub3A_36 : vector<2000x128xf32>
    %reduce_sum3A_37 = arith.constant dense<0.000000e+00> : vector<2000xf32>
    %reduce_sum3A_38 = vector.multi_reduction <add>, %integer_pow3A, %reduce_sum3A_37 [1] : vector<2000x128xf32> to vector<2000xf32>
    %broadcast_in_dim3A_39 = vector.shape_cast %reduce_sum3A_38 : vector<2000xf32> to vector<2000x1xf32>
    %div3A_40 = arith.constant 1.280000e+02 : f32
    %div3A_41 = vector.broadcast %div3A_40 : f32 to vector<2000x1xf32>
    %div3A_42 = arith.divf %broadcast_in_dim3A_39, %div3A_41 : vector<2000x1xf32>
    %sub3A_43 = vector.broadcast %div3A_35 : vector<2000x1xf32> to vector<2000x128xf32>
    %sub3A_44 = arith.subf %add3A_26, %sub3A_43 : vector<2000x128xf32>
    %add3A_45 = arith.constant 9.99999974E-6 : f32
    %add3A_46 = vector.broadcast %add3A_45 : f32 to vector<2000x1xf32>
    %add3A_47 = arith.addf %div3A_42, %add3A_46 : vector<2000x1xf32>
    %rsqrt3A = math.rsqrt %add3A_47 : vector<2000x1xf32>
    %mul3A = vector.broadcast %rsqrt3A : vector<2000x1xf32> to vector<2000x128xf32>
    %mul3A_48 = arith.mulf %sub3A_44, %mul3A : vector<2000x128xf32>
    %mul3A_49 = vector.broadcast %get3A_29 : vector<1x128xf32> to vector<2000x128xf32>
    %mul3A_50 = arith.mulf %mul3A_48, %mul3A_49 : vector<2000x128xf32>
    %add3A_51 = vector.broadcast %get3A_32 : vector<1x128xf32> to vector<2000x128xf32>
    %add3A_52 = arith.addf %mul3A_50, %add3A_51 : vector<2000x128xf32>
    %tanh3A = math.tanh %add3A_52 : vector<2000x128xf32>
    %get3A_53 = arith.constant 0 : index
    %get3A_54 = arith.constant 0 : index
    %get3A_55 = vector.load %arg8[%get3A_53, %get3A_54] : memref<128x128xf32, #tpu.memory_space<vmem>>, vector<128x128xf32>
    %dot_general3A_56 = arith.constant dense<0.000000e+00> : vector<2000x128xf32>
    %dot_general3A_57 = tpu.matmul %tanh3A, %get3A_55, %dot_general3A_56 {dimension_numbers = #tpu.dot_dimension_numbers<[1], [0], [0], [1], [0, 0, 1, 1], [], []>, transpose_lhs_hint = false} : vector<2000x128xf32>, vector<128x128xf32>, vector<2000x128xf32> -> vector<2000x128xf32>
    %get3A_58 = arith.constant 0 : index
    %get3A_59 = arith.constant 0 : index
    %get3A_60 = vector.load %arg9[%get3A_58, %get3A_59] : memref<1x128xf32, #tpu.memory_space<vmem>>, vector<1x128xf32>
    %add3A_61 = vector.broadcast %get3A_60 : vector<1x128xf32> to vector<2000x128xf32>
    %add3A_62 = arith.addf %dot_general3A_57, %add3A_61 : vector<2000x128xf32>
    %max3A = arith.constant 0.000000e+00 : f32
    %max3A_63 = vector.broadcast %max3A : f32 to vector<2000x128xf32>
    %max3A_64 = arith.maximumf %add3A_62, %max3A_63 : vector<2000x128xf32>
    %get3A_65 = arith.constant 0 : index
    %get3A_66 = arith.constant 0 : index
    %get3A_67 = vector.load %arg10[%get3A_65, %get3A_66] : memref<128x1xf32, #tpu.memory_space<vmem>>, vector<128x1xf32>
    %dot_general3A_68 = arith.constant dense<0.000000e+00> : vector<2000x1xf32>
    %dot_general3A_69 = tpu.matmul %max3A_64, %get3A_67, %dot_general3A_68 {dimension_numbers = #tpu.dot_dimension_numbers<[1], [0], [0], [1], [0, 0, 1, 1], [], []>, transpose_lhs_hint = false} : vector<2000x128xf32>, vector<128x1xf32>, vector<2000x1xf32> -> vector<2000x1xf32>
    %get3A_70 = arith.constant 0 : index
    %get3A_71 = arith.constant 0 : index
    %get3A_72 = vector.load %arg11[%get3A_70, %get3A_71] : memref<1x1xf32, #tpu.memory_space<vmem>>, vector<1x1xf32>
    %add3A_73 = vector.broadcast %get3A_72 : vector<1x1xf32> to vector<2000x1xf32>
    %add3A_74 = arith.addf %dot_general3A_69, %add3A_73 : vector<2000x1xf32>
    %iota3A = tpu.iota {dimensions = array<i32: 1>} : vector<2000x256xi32>
    %get3A_75 = arith.constant 0 : index
    %get3A_76 = arith.constant 0 : index
    %get3A_77 = vector.load %arg12[%get3A_75, %get3A_76] : memref<2000x1xi32, #tpu.memory_space<vmem>>, vector<2000x1xi32>
    %eq3A = vector.broadcast %get3A_77 : vector<2000x1xi32> to vector<2000x256xi32>
    %eq3A_78 = arith.cmpi eq, %eq3A, %iota3A : vector<2000x256xi32>
    %convert_element_type3A = arith.extui %eq3A_78 : vector<2000x256xi1> to vector<2000x256xi32>
    %convert_element_type3A_79 = arith.sitofp %convert_element_type3A : vector<2000x256xi32> to vector<2000x256xf32>
    %dot_general3A_80 = arith.constant dense<0.000000e+00> : vector<1x256xf32>
    %dot_general3A_81 = tpu.matmul %add3A_74, %convert_element_type3A_79, %dot_general3A_80 {dimension_numbers = #tpu.dot_dimension_numbers<[0], [0], [1], [1], [0, 1, 1, 1], [], []>, transpose_lhs_hint = false} : vector<2000x1xf32>, vector<2000x256xf32>, vector<1x256xf32> -> vector<1x256xf32>
    %reduce_sum3A_82 = arith.constant dense<0.000000e+00> : vector<256xf32>
    %reduce_sum3A_83 = vector.multi_reduction <add>, %convert_element_type3A_79, %reduce_sum3A_82 [0] : vector<2000x256xf32> to vector<256xf32>
    %broadcast_in_dim3A_84 = vector.shape_cast %reduce_sum3A_83 : vector<256xf32> to vector<1x256xf32>
    %eq3A_85 = arith.constant 0 : i32
    %eq3A_86 = arith.cmpi eq, %arg0, %eq3A_85 : i32
    %convert_element_type3A_87 = arith.extui %eq3A_86 : i1 to i32
    %cond3A = arith.constant 0 : i32
    %cond3A_88 = arith.cmpi ne, %convert_element_type3A_87, %cond3A : i32
    scf.if %cond3A_88 {
      %broadcast_in_dim3A_107 = arith.constant 0.000000e+00 : f32
      %broadcast_in_dim3A_108 = vector.broadcast %broadcast_in_dim3A_107 : f32 to vector<1x256xf32>
      %swap3A_109 = arith.constant 0 : index
      %swap3A_110 = arith.constant 0 : index
      %swap3A_111 = vector.load %arg14[%swap3A_109, %swap3A_110] : memref<1x256xf32, #tpu.memory_space<vmem>>, vector<1x256xf32>
      tpu.vector_store %arg14[%swap3A_109, %swap3A_110], %broadcast_in_dim3A_108 {strides = array<i32>} : memref<1x256xf32, #tpu.memory_space<vmem>>, vector<1x256xf32>,
      %broadcast_in_dim3A_112 = arith.constant 0.000000e+00 : f32
      %broadcast_in_dim3A_113 = vector.broadcast %broadcast_in_dim3A_112 : f32 to vector<1x256xf32>
      %swap3A_114 = arith.constant 0 : index
      %swap3A_115 = arith.constant 0 : index
      %swap3A_116 = vector.load %arg15[%swap3A_114, %swap3A_115] : memref<1x256xf32, #tpu.memory_space<vmem>>, vector<1x256xf32>
      tpu.vector_store %arg15[%swap3A_114, %swap3A_115], %broadcast_in_dim3A_113 {strides = array<i32>} : memref<1x256xf32, #tpu.memory_space<vmem>>, vector<1x256xf32>,
    } else {
    }
    %get3A_89 = arith.constant 0 : index
    %get3A_90 = arith.constant 0 : index
    %get3A_91 = vector.load %arg14[%get3A_89, %get3A_90] : memref<1x256xf32, #tpu.memory_space<vmem>>, vector<1x256xf32>
    %add3A_92 = arith.addf %get3A_91, %dot_general3A_81 : vector<1x256xf32>
    %swap3A = arith.constant 0 : index
    %swap3A_93 = arith.constant 0 : index
    %swap3A_94 = vector.load %arg14[%swap3A, %swap3A_93] : memref<1x256xf32, #tpu.memory_space<vmem>>, vector<1x256xf32>
    tpu.vector_store %arg14[%swap3A, %swap3A_93], %add3A_92 {strides = array<i32>} : memref<1x256xf32, #tpu.memory_space<vmem>>, vector<1x256xf32>,
    %get3A_95 = arith.constant 0 : index
    %get3A_96 = arith.constant 0 : index
    %get3A_97 = vector.load %arg15[%get3A_95, %get3A_96] : memref<1x256xf32, #tpu.memory_space<vmem>>, vector<1x256xf32>
    %add3A_98 = arith.addf %get3A_97, %broadcast_in_dim3A_84 : vector<1x256xf32>
    %swap3A_99 = arith.constant 0 : index
    %swap3A_100 = arith.constant 0 : index
    %swap3A_101 = vector.load %arg15[%swap3A_99, %swap3A_100] : memref<1x256xf32, #tpu.memory_space<vmem>>, vector<1x256xf32>
    tpu.vector_store %arg15[%swap3A_99, %swap3A_100], %add3A_98 {strides = array<i32>} : memref<1x256xf32, #tpu.memory_space<vmem>>, vector<1x256xf32>,
    %eq3A_102 = arith.constant 4 : i32
    %eq3A_103 = arith.cmpi eq, %arg0, %eq3A_102 : i32
    %convert_element_type3A_104 = arith.extui %eq3A_103 : i1 to i32
    %cond3A_105 = arith.constant 0 : i32
    %cond3A_106 = arith.cmpi ne, %convert_element_type3A_104, %cond3A_105 : i32
    scf.if %cond3A_106 {
      %get3A_107 = arith.constant 0 : index
      %get3A_108 = arith.constant 0 : index
      %get3A_109 = vector.load %arg14[%get3A_107, %get3A_108] : memref<1x256xf32, #tpu.memory_space<vmem>>, vector<1x256xf32>
      %get3A_110 = arith.constant 0 : index
      %get3A_111 = arith.constant 0 : index
      %get3A_112 = vector.load %arg15[%get3A_110, %get3A_111] : memref<1x256xf32, #tpu.memory_space<vmem>>, vector<1x256xf32>
      %max3A_113 = arith.constant 1.000000e+00 : f32
      %max3A_114 = vector.broadcast %max3A_113 : f32 to vector<1x256xf32>
      %max3A_115 = arith.maximumf %get3A_112, %max3A_114 : vector<1x256xf32>
      %div3A_116 = arith.divf %get3A_109, %max3A_115 : vector<1x256xf32>
      %swap3A_117 = arith.constant 0 : index
      %swap3A_118 = arith.constant 0 : index
      %swap3A_119 = vector.load %arg13[%swap3A_117, %swap3A_118] : memref<1x256xf32, #tpu.memory_space<vmem>>, vector<1x256xf32>
      tpu.vector_store %arg13[%swap3A_117, %swap3A_118], %div3A_116 {strides = array<i32>} : memref<1x256xf32, #tpu.memory_space<vmem>>, vector<1x256xf32>,
    } else {
    }
    return
  }
  func.func @transform_0(%arg0: i32) -> (i32, i32, i32) {
    %c0_i32 = arith.constant 0 : i32
    %c0_i32_0 = arith.constant 0 : i32
    %c0_i32_1 = arith.constant 0 : i32
    return %c0_i32, %arg0, %c0_i32_0 : i32, i32, i32
  }
  func.func @transform_1(%arg0: i32) -> (i32, i32) {
    %c0_i32 = arith.constant 0 : i32
    %c0_i32_0 = arith.constant 0 : i32
    return %arg0, %c0_i32 : i32, i32
  }
  func.func @transform_2(%arg0: i32) -> (i32, i32) {
    %c0_i32 = arith.constant 0 : i32
    %c0_i32_0 = arith.constant 0 : i32
    %c0_i32_1 = arith.constant 0 : i32
    return %c0_i32, %c0_i32_0 : i32, i32
  }
  func.func @transform_3(%arg0: i32) -> (i32, i32) {
    %c0_i32 = arith.constant 0 : i32
    %c0_i32_0 = arith.constant 0 : i32
    %c0_i32_1 = arith.constant 0 : i32
    return %c0_i32, %c0_i32_0 : i32, i32
  }
  func.func @transform_4(%arg0: i32) -> (i32, i32) {
    %c0_i32 = arith.constant 0 : i32
    %c0_i32_0 = arith.constant 0 : i32
    %c0_i32_1 = arith.constant 0 : i32
    return %c0_i32, %c0_i32_0 : i32, i32
  }
  func.func @transform_5(%arg0: i32) -> (i32, i32) {
    %c0_i32 = arith.constant 0 : i32
    %c0_i32_0 = arith.constant 0 : i32
    %c0_i32_1 = arith.constant 0 : i32
    return %c0_i32, %c0_i32_0 : i32, i32
  }
  func.func @transform_6(%arg0: i32) -> (i32, i32) {
    %c0_i32 = arith.constant 0 : i32
    %c0_i32_0 = arith.constant 0 : i32
    %c0_i32_1 = arith.constant 0 : i32
    return %c0_i32, %c0_i32_0 : i32, i32
  }
  func.func @transform_7(%arg0: i32) -> (i32, i32) {
    %c0_i32 = arith.constant 0 : i32
    %c0_i32_0 = arith.constant 0 : i32
    %c0_i32_1 = arith.constant 0 : i32
    return %c0_i32, %c0_i32_0 : i32, i32
  }
  func.func @transform_8(%arg0: i32) -> (i32, i32) {
    %c0_i32 = arith.constant 0 : i32
    %c0_i32_0 = arith.constant 0 : i32
    %c0_i32_1 = arith.constant 0 : i32
    return %c0_i32, %c0_i32_0 : i32, i32
  }
  func.func @transform_9(%arg0: i32) -> (i32, i32) {
    %c0_i32 = arith.constant 0 : i32
    %c0_i32_0 = arith.constant 0 : i32
    %c0_i32_1 = arith.constant 0 : i32
    return %c0_i32, %c0_i32_0 : i32, i32
  }
  func.func @transform_10(%arg0: i32) -> (i32, i32) {
    %c0_i32 = arith.constant 0 : i32
    %c0_i32_0 = arith.constant 0 : i32
    %c0_i32_1 = arith.constant 0 : i32
    return %c0_i32, %c0_i32_0 : i32, i32
  }
  func.func @transform_11(%arg0: i32) -> (i32, i32) {
    %c0_i32 = arith.constant 0 : i32
    %c0_i32_0 = arith.constant 0 : i32
    return %arg0, %c0_i32 : i32, i32
  }
  func.func @transform_12(%arg0: i32) -> (i32, i32) {
    %c0_i32 = arith.constant 0 : i32
    %c0_i32_0 = arith.constant 0 : i32
    %c0_i32_1 = arith.constant 0 : i32
    return %c0_i32, %c0_i32_0 : i32, i32
  }
}

</mosaic_0001>

<sc_bundles>
// kernel: kernel.11.cloned.1.call-start
scs
__scs_entry_jumppad:
0x0: {  	(pc) =	sbr.rel $0x88, $3  }
0x1: {  	(tag) =	ssettag $0x0;
	lr =	simm.s32 $0x1  }
0x2: {  	[smem:$0x3F85] =	sst lr;
	_ =	strace $0xD0000000  }
0x3: {  	_ = 	snop  }
0x4: {  	_ = 	snop  }
0x5: {  	_ = 	snop  }
0x6: {  	_ = 	snop  }
0x7: {  	_ = 	snop  }
__scs_overlays_trampoline_lowered:
0x8: {  	[smem:$0x3F94] =	sst s0  }
0x9: {  	[smem:$0x3F95] =	sst s1  }
0xa: {  	[smem:$0x3F96] =	sst s2  }
0xb: {  	[smem:$0x3F97] =	sst s3  }
0xc: {  	[smem:$0x3F98] =	sst s4  }
0xd: {  	[smem:$0x3F99] =	sst s5  }
0xe: {  	[smem:$0x3F9A] =	sst s6  }
0xf: {  	[smem:$0x3F9B] =	sst s7  }
0x10: {  	[smem:$0x3F9C] =	sst s8  }
0x11: {  	[smem:$0x3F9D] =	sst s9;
	s0 =	simm.s32 @!p0 $0x0  }
0x12: {  	s1 =	sld [smem:$0x3F83];
	s0 =	simm.s32 @p0 $0x1  }
0x13: {  	[smem:$0x3F9E] =	sst s0;
	s0 =	simm.s32 @!p1 $0x0  }
0x14: {  	s2 =	sld [smem:$0x3F82];
	s0 =	simm.s32 @p1 $0x1  }
0x15: {  	[smem:$0x3F9F] =	sst s0;
	s0 =	simm.s32 @!p2 $0x0  }
0x16: {  	s3 =	sld [smem:$0x3FDB];
	s0 =	simm.s32 @p2 $0x1  }
0x17: {  	s4 =	simm.s32 $0x1BF5;
	[smem:$0x3FA1] =	sst s0  }
0x18: {  	s0 =	sld [smem:$0x3F84];
	_ =	swait.ge [sflag:s4], $0x0  }
0x19: {  	s7 =	sld [smem:$0x3F85]  }
0x1a: {  	s8 =	sadd.s32 $0xFFFFE003, lr  }
0x1b: {  	s9 =	sadd.s32 $0xFFFFFEF7, lr;
	s5 =	simm.s32 $0xFFFFFFFF;
	p2 =	slt.u32 s8, $0xFFFFF086  }
0x1c: {  	p1 =	slt.u32 s9, $0xF7A;
	s5 =	simm.s32 @!p2 $0x0  }
0x1d: {  	s5 =	simm.s32 @p1 $0x1;
	p0 =	seq.s32 s7, s2  }
0x1e: {  	s7 =	smul.u32 @!p0 $0xF7A, s2;
	p2 =	seq.s32 @!p0 s5, $0x0  }
0x1f: {  	s9 =	smul.u32 $0xF7A, s1;
	s8 =	simm.s32 @!p0 $0x1BF5;
	p2 =	por !p2, p0  }
0x20: {  	[sflag:s8] =	ssyncset.s32 @!p0 $0xFFFFF086;
	s6 =	sadd.s32 @!p0 s3, s7;
	s7 =	simm.s32 @!p0 $0x108  }
0x21: {  	s3 =	sadd.s32 s3, s9;
	s6 =	sadd.s32 @!p0 $0x88, s6;
	s7 =	simm.s32 @p2 $0x1082  }
0x22: {  	[simem:s7], [sflag:s8] =	dma.local @!p0 [hbm:s6], $0xF7A  }
0x23: {  	s9 =	sor.u32 $0xD0000000, s2;
	s6 =	simm.s32 $0x108;
	_ =	swait.ge @!p0 [sflag:s8], $0x0  }
0x24: {  	s3 =	sadd.s32 $0x88, s3;
	s6 =	simm.s32 @!p1 $0x1082;
	[sflag:s4] =	ssyncset.s32 $0xFFFFF086  }
0x25: {  	[simem:s6], [sflag:s4] =	dma.local [hbm:s3], $0xF7A  }
0x26: {  	[smem:$0x3F85] =	sst s1;
	(tag) =	ssettag s2;
	_ =	strace s9  }
0x27: {  	s1 =	sld [smem:$0x3F95]  }
0x28: {  	s2 =	sld [smem:$0x3F96]  }
0x29: {  	s4 =	sld [smem:$0x3F98]  }
0x2a: {  	p0 =	seq.s32 s5, $0x0;
	s5 =	sld [smem:$0x3F99]  }
0x2b: {  	s6 =	sld [smem:$0x3F9A]  }
0x2c: {  	s7 =	sld [smem:$0x3F9B]  }
0x2d: {  	s3 =	simm.s32 $0x108;
	s8 =	sld [smem:$0x3F9C]  }
0x2e: {  	s3 =	simm.s32 @!p0 $0x1082;
	s9 =	sld [smem:$0x3F9D]  }
0x2f: {  	lr =	sadd.s32 s0, s3;
	s0 =	sld [smem:$0x3F94]  }
0x30: {  	s3 =	sld [smem:$0x3F97]  }
0x31: {  	[smem:$0x3FA0] =	sst s10  }
0x32: {  	s10 =	sld [smem:$0x3F9E];
	_ =	sdelay $0x3  }
0x33: {  	p0 =	seq.s32 s10, $0x1;
	s10 =	sld [smem:$0x3FA0];
	_ =	sdelay $0x3  }
0x34: {  	[smem:$0x3FA0] =	sst s10  }
0x35: {  	s10 =	sld [smem:$0x3F9F];
	_ =	sdelay $0x3  }
0x36: {  	p1 =	seq.s32 s10, $0x1;
	s10 =	sld [smem:$0x3FA0];
	_ =	sdelay $0x3  }
0x37: {  	[smem:$0x3FA0] =	sst s10  }
0x38: {  	s10 =	sld [smem:$0x3FA1]  }
0x39: {  	_ = 	snop;
	(pc) =	sbr.ind lr, $3  }
0x3a: {  	_ = 	snop  }
0x3b: {  	_ = 	snop  }
0x3c: {  	p2 =	seq.s32 s10, $0x1;
	s10 =	sld [smem:$0x3FA0]  }
0x3d: {  	_ =	shalt  }
0x3e: {  	_ =	shalt  }
0x3f: {  	_ =	shalt  }
0x40: {  	_ =	shalt  }
0x41: {  	_ =	shalt  }
0x42: {  	_ =	shalt  }
0x43: {  	_ =	shalt  }
0x44: {  	_ =	shalt  }
0x45: {  	_ =	shalt  }
0x46: {  	_ =	shalt  }
0x47: {  	_ =	shalt  }
0x48: {  	_ =	shalt  }
0x49: {  	_ =	shalt  }
0x4a: {  	_ =	shalt  }
0x4b: {  	_ =	shalt  }
0x4c: {  	_ =	shalt  }
0x4d: {  	_ =	shalt  }
0x4e: {  	_ =	shalt  }
0x4f: {  	_ =	shalt  }
0x50: {  	_ =	shalt  }
0x51: {  	_ =	shalt  }
0x52: {  	_ =	shalt  }
0x53: {  	_ =	shalt  }
0x54: {  	_ =	shalt  }
0x55: {  	_ =	shalt  }
0x56: {  	_ =	shalt  }
0x57: {  	_ =	shalt  }
0x58: {  	_ =	shalt  }
0x59: {  	_ =	shalt  }
0x5a: {  	_ =	shalt  }
0x5b: {  	_ =	shalt  }
0x5c: {  	_ =	shalt  }
0x5d: {  	_ =	shalt  }
0x5e: {  	_ =	shalt  }
0x5f: {  	_ =	shalt  }
0x60: {  	_ =	shalt  }
0x61: {  	_ =	shalt  }
0x62: {  	_ =	shalt  }
0x63: {  	_ =	shalt  }
0x64: {  	_ =	shalt  }
0x65: {  	_ =	shalt  }
0x66: {  	_ =	shalt  }
0x67: {  	_ =	shalt  }
0x68: {  	_ =	shalt  }
0x69: {  	_ =	shalt  }
0x6a: {  	_ =	shalt  }
0x6b: {  	_ =	shalt  }
0x6c: {  	_ =	shalt  }
0x6d: {  	_ =	shalt  }
0x6e: {  	_ =	shalt  }
0x6f: {  	_ =	shalt  }
0x70: {  	_ =	shalt  }
0x71: {  	_ =	shalt  }
0x72: {  	_ =	shalt  }
0x73: {  	_ =	shalt  }
0x74: {  	_ =	shalt  }
0x75: {  	_ =	shalt  }
0x76: {  	_ =	shalt  }
0x77: {  	_ =	shalt  }
0x78: {  	_ =	shalt  }
0x79: {  	_ =	shalt  }
0x7a: {  	_ =	shalt  }
0x7b: {  	_ =	shalt  }
0x7c: {  	_ =	shalt  }
0x7d: {  	_ =	shalt  }
0x7e: {  	_ =	shalt  }
0x7f: {  	_ =	shalt  }
0x80: {  	_ =	shalt  }
0x81: {  	_ =	shalt  }
0x82: {  	_ =	shalt  }
0x83: {  	_ =	shalt  }
0x84: {  	_ =	shalt  }
0x85: {  	_ =	shalt  }
0x86: {  	_ =	shalt  }
0x87: {  	_ =	shalt  }
.Lfunc_end0:
.L_simem_size_0:
called_computation_lowered:
.L_overlay_start_0:
0x88: {  	s2 =	sld [smem:$0x3FD9]  }
0x89: {  	s3 =	sld [smem:$0x3FFE];
	_ =	sdelay $0x1  }
0x8a: {  	s1 =	srdreg.scid  }
0x8b: {  	s0 =	sand.u32 $0x1, s1  }
0x8c: {  	s16 =	sshll.u32 s0, $0xA;
	s2 =	sadd.s32 s3, s2  }
0x8d: {  	s2 =	sadd.s32 s2, s16  }
0x8e: {  	[smem:$0x3FAC] =	sst s2  }
0x8f: {  	_ = 	snop  }
0x90: {  	(tm) =	ssettm $0x1  }
0x91: {  	s17 =	sld [smem:$0x3FFB];
	_ =	sdelay $0x3  }
0x92: {  	_ =	strace s17  }
0x93: {  	s2 =	sld [smem:$0x3FFC];
	_ =	sdelay $0x3  }
0x94: {  	_ =	strace s2  }
0x95: {  	s2 =	sld [smem:$0x3FFD];
	_ =	sdelay $0x3  }
0x96: {  	_ =	strace s2  }
0x97: {  	_ =	strace $0x8FFFFFFF  }
0x98: {  	s18 =	sld [smem:$0x3FDB];
	_ =	sdelay $0x1  }
0x99: {  	s19 =	simm.s32 $_scs_section_size  }
0x9a: {  	s4 =	simm.s32 $_size__tile_overlayer_lowered;
	s5 =	simm.s32 $_tile_overlayer_lowered  }
0x9b: {  	s22 =	simm.s32 $0x1BFF;
	s21 =	sshll.u32 s5, $0x1;
	s2 =	sadd.s32 s19, s18  }
0x9c: {  	s6 =	simm.s32 $0x0;
	s20 =	sshll.u32 s4, $0x1;
	s4 =	sadd.s32 s21, s2  }
0x9d: {  	[timem:s6], [sflag:s22] =	dma.local [hbm:s4], s20  }
0x9e: {  	_ =	swait.ge [sflag:s22], s20  }
0x9f: {  	s3 =	ssub.s32 $0x0, s20;
	[sflag:s22] =	ssyncset.done $0x0  }
0xa0: {  	[sflag:s22] =	ssyncadd.s32 s3;
	_ =	sdelay $0x1  }
0xa1: {  	s23 =	simm.s32 $0x1B8B  }
0xa2: {  	_ =	swait.ge [sflag:s23], $0x1  }
0xa3: {  	[sflag:s23] =	ssyncset.done $0x0  }
0xa4: {  	s25 =	simm.s32 $0x1B8E;
	s24 =	sld [smem:$0x3FFE];
	[sflag:s23] =	ssyncadd.s32 $0xFFFFFFFF  }
0xa5: {  	s26 =	simm.s32 $execute0_lowered;
	[smem:$0x3FD2] =	sst s25  }
0xa6: {  	s4 =	sshll.u32 s26, $0x1;
	_ =	strace $0x80000046;
	[dreg:$0x1] =	wrdreg $0xFFFFFFFF  }
0xa7: {  	s28 =	simm.s32 $_size_execute0_lowered;
	s2 =	sadd.s32 s2, s4;
	[dreg:$0x0] =	wrdreg $0x0  }
0xa8: {  	s4 =	sshll.u32 s28, $0x1;
	[dreg:$0x2] =	wrdreg s2  }
0xa9: {  	[dreg:$0x3] =	wrdreg s4  }
0xaa: {  	[dreg:$0x4] =	wrdreg $0xC0  }
0xab: {  	_ =	task [dreg:s6], $0x5FFFF  }
0xac: {  	[dreg:$0x1] =	wrdreg $0xFFFFFFFF  }
0xad: {  	[dreg:$0x0] =	wrdreg $0x60  }
0xae: {  	[dreg:$0x2] =	wrdreg s24  }
0xaf: {  	[dreg:$0x3] =	wrdreg $0x9  }
0xb0: {  	_ =	task.clear_ibuf [dreg:s6], $0x4FFFF;
	_ =	strace $0x90000046  }
0xb1: {  	s29 =	simm.s32 $0x9;
	_ =	strace $0x80000048  }
0xb2: {  	_ =	swait.ge [sflag:s29], $0x1  }
0xb3: {  	[sflag:s29] =	ssyncadd.s32 $0xFFFFFFFF  }
0xb4: {  	_ =	strace $0x90000048  }
0xb5: {  	_ =	sfence  }
0xb6: {  	s30 =	sld [smem:$0x0];
	_ =	sdelay $0x2  }
0xb7: {  	s31 =	sshll.u32 s1, $0xD;
	s1 =	sshrl.u32 s1, $0x2  }
0xb8: {  	s3 =	sand.u32 $0x4000, s31;
	s1 =	sadd.s32 s1, s30  }
0xb9: {  	s0 =	sor.u32 s3, s0;
	s1 =	sshll.u32 s1, $0x11  }
0xba: {  	s0 =	sor.u32 s1, s0  }
0xbb: {  	s0 =	sadd.s32 $0x8F2B, s0  }
0xbc: {  	[sflag:s0] =	ssyncadd.remote.s32 $0x1  }
0xbd: {  	_ =	sfence.sel $0xFFFF  }
0xbe: {  	[dreg:$0x0] =	wrdreg $0xFFFFFFFF;
	(pc) =	sbr.abs _section_cstart, $3  }
0xbf: {  	[dreg:$0x1] =	wrdreg $0xFFFFFFFF  }
0xc0: {  	_ =	task.clear_ibuf [dreg:s6], $0x2FFFF;
	_ =	strace $0x9FFFFFFF  }
0xc1: {  	(tm) =	ssettm $0x7FFFFFFF  }
tec
execute0_lowered:
.L_overlay_start_1:
0x0: {  	(tag) =	ssettag $0x1  }
0x1: {  	s0 =	srdreg.scid  }
0x2: {  	s2 =	stileid.u32;
	s1 =	rddreg [dreg:$0x0]  }
0x3: {  	s11 =	simm.s32 $0xA;
	s13 =	simm.s32 $0x80;
	s14 =	simm.s32 $0x2800  }
0x4: {  	s16 =	simm.s32 $0x6800;
	s19 =	simm.s32 $0x1;
	s20 =	simm.s32 $0x4  }
0x5: {  	s21 =	simm.s32 $0x9;
	s22 =	simm.s32 $0xA800;
	s23 =	simm.s32 $0x16800  }
0x6: {  	s24 =	simm.s32 $0x100;
	s25 =	simm.s32 $0x2;
	s28 =	simm.s32 $0x3  }
0x7: {  	s29 =	simm.s32 $0x6;
	s0 =	sand.u32 $0x1, s0;
	s3 =	sshll.u32 s2, $0x1  }
0x8: {  	s30 =	simm.s32 $0x7;
	s31 =	simm.s32 $0x8;
	s3 =	sor.u32 s0, s3  }
0x9: {  	s2 =	simm.s32 $0x0;
	s4 =	sadd.s32 $0x15C00, s1;
	s6 =	smul.u32 $0x280, s3  }
0xa: {  	s5 =	sadd.s32 $0x3CE00, s1;
	s0 =	ssub.s32 $0x2, s0;
	s3 =	smul.u32 $0x28, s3  }
.Ltmp0:
0xb: {  	[smem:$0x7FF] =	sst s2;
	s7 =	sshrl.u32 s0, $0x1;
	(pc) =	sbr.rel .LBB2_1-.Ltmp0, $4  }
0xc: {  	_ =	strace $0x80000047;
	s0 =	ssub.s32 s0, s7;
	s9 =	sadd.s32 s6, s1  }
0xd: {  	s8 =	ssub.s32 $0x4E2, s3;
	s6 =	sadd.s32 $0x8B200, s1;
	s10 =	smax.u32 s0, $0x1  }
0xe: {  	s1 =	simm.s32 $0x0;
	s7 =	smin.u32 s8, $0x28;
	s26 =	sadd.s32 $0x10C00, s9  }
0xf: {  	s9 =	sadd.s32 $0xBC00, s9;
	[dreg:$0x2] =	wrdreg s26;
	s26 =	simm.s32 $0x5  }
.LBB2_19:
0x10: {  	_ =	swait.ge [sflag:s30], $0x4000  }
0x11: {  	[sflag:s30] =	ssyncset.done $0x0  }
0x12: {  	s1 =	sadd.s32 $0x1, s1;
	[sflag:s30] =	ssyncadd.s32 $0xFFFFC000  }
0x13: {  	p0 =	sne.s32 s1, s10;
	_ =	swait.ge [sflag:s31], $0x4000  }
.Ltmp1:
0x14: {  	[sflag:s31] =	ssyncset.done $0x0;
	(pc) =	sbr.rel @!p0 .LBB2_20-.Ltmp1, $4  }
0x15: {  	[sflag:s31] =	ssyncadd.s32 $0xFFFFC000  }
0x16: {  	_ =	swait.ge [sflag:s21], $0x4000  }
0x17: {  	[sflag:s21] =	ssyncset.done $0x0  }
0x18: {  	[sflag:s21] =	ssyncadd.s32 $0xFFFFC000  }
.LBB2_1:
0x19: {  	s0 =	rddreg [dreg:$0x2]  }
0x1a: {  	[tilespmem:s2], [sflag:$0xA] =	stream.linear.gather [hbm4b:s0+s2], $0x1400, $0x38;
	[tilespmem:$0x1A800] =	vst v63  }
0x1b: {  	_ =	swait.ge [sflag:s11], $0x1400  }
0x1c: {  	[sflag:s11] =	ssyncset.done $0x0  }
0x1d: {  	s15 =	simm.s32 $0x1400;
	[sflag:s11] =	ssyncadd.s32 $0xFFFFEC00  }
0x1e: {  	[tilespmem:s15], [sflag:$0xA] =	stream.linear.gather [hbm4b:s9+s2], $0x1400, $0x38;
	[tilespmem:$0x1A800] =	vst v63  }
0x1f: {  	_ =	swait.ge [sflag:s11], $0x1400  }
0x20: {  	[sflag:s11] =	ssyncset.done $0x0  }
0x21: {  	[sflag:s11] =	ssyncadd.s32 $0xFFFFEC00  }
0x22: {  	[tilespmem:s14], [sflag:$0x1] =	stream.indirect.gather [hbm4b:s4+s13], $0x80, s2, s13, $0xb8;
	[tilespmem:$0x1A800] =	vst v63  }
0x23: {  	s8 =	simm.s32 $0xE800  }
0x24: {  	[tilespmem:s8], [sflag:$0x4] =	stream.indirect.gather [hbm4b:s5+s13], $0x80, s15, s13, $0xb8;
	[tilespmem:$0x1A800] =	vst v63  }
.Ltmp2:
0x25: {  	_ = 	snop;
	(pc) =	sbr.rel .LBB2_2-.Ltmp2, $4  }
0x26: {  	_ = 	snop  }
0x27: {  	[tilespmem:s16], [sflag:$0x2] =	stream.indirect.gather [hbm4b:s4+s13], $0x80, s13, s13, $0xb8;
	[tilespmem:$0x1A800] =	vst v63  }
0x28: {  	s17 =	simm.s32 $0x1480;
	s18 =	simm.s32 $0x12800;
	s0 =	simm.s32 $0x0  }
0x29: {  	[tilespmem:s18], [sflag:$0x5] =	stream.indirect.gather [hbm4b:s5+s13], $0x80, s17, s13, $0xb8;
	[tilespmem:$0x1A800] =	vst v63  }
.LBB2_18:
0x2a: {  	s0 =	sadd.s32 $0x1, s0  }
0x2b: {  	p0 =	sne.s32 s0, $0xE  }
.Ltmp3:
0x2c: {  	_ = 	snop;
	(pc) =	sbr.rel @!p0 .LBB2_19-.Ltmp3, $1  }
0x2d: {  	_ =	sdelay $0x3  }
.LBB2_2:
0x2e: {  	s15 =	smul.u32 $0x3, s0;
	_ =	sdelay $0x1  }
0x2f: {  	p0 =	sge.u32 s15, s7  }
.Ltmp4:
0x30: {  	_ = 	snop;
	(pc) =	sbr.rel @p0 .LBB2_10-.Ltmp4, $1  }
0x31: {  	_ =	sdelay $0x3  }
0x32: {  	_ =	swait.ge [sflag:s19], $0x4000  }
0x33: {  	[sflag:s19] =	ssyncset.done $0x0  }
0x34: {  	[sflag:s19] =	ssyncadd.s32 $0xFFFFC000  }
0x35: {  	_ =	swait.ge [sflag:s20], $0x4000  }
0x36: {  	[sflag:s20] =	ssyncset.done $0x0  }
0x37: {  	s17 =	simm.s32 $0x0;
	[sflag:s20] =	ssyncadd.s32 $0xFFFFC000  }
0x38: {  	v7 =	vld [tilespmem:s17+$0xE800]  }
0x39: {  	v11 =	vld [tilespmem:s17+$0xE810]  }
0x3a: {  	v5 =	vld [tilespmem:s17+$0xE820]  }
0x3b: {  	v4 =	vld [tilespmem:s17+$0xE830]  }
0x3c: {  	v3 =	vld [tilespmem:s17+$0xE840]  }
0x3d: {  	v2 =	vld [tilespmem:s17+$0xE850]  }
0x3e: {  	v1 =	vld [tilespmem:s17+$0xE860]  }
0x3f: {  	v0 =	vld [tilespmem:s17+$0xE870]  }
0x40: {  	v12 =	vld [tilespmem:s17+$0x2800]  }
0x41: {  	v13 =	vld [tilespmem:s17+$0x2810]  }
0x42: {  	v10 =	vld [tilespmem:s17+$0x2820]  }
0x43: {  	v9 =	vld [tilespmem:s17+$0x2830]  }
0x44: {  	v8 =	vld [tilespmem:s17+$0x2840]  }
0x45: {  	v6 =	vld [tilespmem:s17+$0x2850];
	v12 =	vadd.f32 v7, v12  }
0x46: {  	s18 =	simm.s32 $0x200;
	v11 =	vadd.f32 v11, v13;
	v7 =	vld [tilespmem:s17+$0x2860]  }
.LBB2_4:
0x47: {  	s12 =	sshra.s32 s18, $0x2;
	p0 =	sne.s32 s18, $0xFE00;
	[tilespmem:s17+$0x2800] =	vst v12;
	v5 =	vadd.f32 v5, v10;
	v10 =	vld [tilespmem:s17+$0x2870]  }
0x48: {  	v12 =	vld [tilespmem:s12+$0xE800];
	[tilespmem:s17+$0x2810] =	vst v11;
	v4 =	vadd.f32 v4, v9  }
0x49: {  	v11 =	vld [tilespmem:s12+$0xE810];
	[tilespmem:s17+$0x2820] =	vst v5;
	v3 =	vadd.f32 v3, v8  }
0x4a: {  	v5 =	vld [tilespmem:s12+$0xE820];
	[tilespmem:s17+$0x2830] =	vst v4;
	v2 =	vadd.f32 v2, v6  }
0x4b: {  	v4 =	vld [tilespmem:s12+$0xE830];
	[tilespmem:s17+$0x2840] =	vst v3;
	v1 =	vadd.f32 v1, v7  }
0x4c: {  	v3 =	vld [tilespmem:s12+$0xE840];
	[tilespmem:s17+$0x2850] =	vst v2;
	v0 =	vadd.f32 v0, v10  }
0x4d: {  	v2 =	vld [tilespmem:s12+$0xE850];
	[tilespmem:s17+$0x2860] =	vst v1  }
0x4e: {  	v1 =	vld [tilespmem:s12+$0xE860];
	[tilespmem:s17+$0x2870] =	vst v0;
	s17 =	smov.u32 s12  }
0x4f: {  	v0 =	vld [tilespmem:s17+$0xE870]  }
0x50: {  	v6 =	vld [tilespmem:s17+$0x2800]  }
0x51: {  	v7 =	vld [tilespmem:s17+$0x2810]  }
.Ltmp5:
0x52: {  	v10 =	vld [tilespmem:s17+$0x2820];
	(pc) =	sbr.rel @p0 .LBB2_4-.Ltmp5, $4  }
0x53: {  	v9 =	vld [tilespmem:s17+$0x2830]  }
0x54: {  	v8 =	vld [tilespmem:s17+$0x2840]  }
0x55: {  	v12 =	vadd.f32 v12, v6;
	v6 =	vld [tilespmem:s17+$0x2850]  }
0x56: {  	s18 =	sadd.s32 $0x200, s18;
	v11 =	vadd.f32 v11, v7;
	v7 =	vld [tilespmem:s17+$0x2860]  }
0x57: {  	[tilespmem:s17+$0x2800] =	vst v12;
	v5 =	vadd.f32 v5, v10;
	v63 =	vld [tilespmem:s17+$0x2870]  }
0x58: {  	[tilespmem:s17+$0x2810] =	vst v11;
	v4 =	vadd.f32 v4, v9  }
0x59: {  	[tilespmem:s17+$0x2820] =	vst v5;
	v3 =	vadd.f32 v3, v8  }
0x5a: {  	[tilespmem:s17+$0x2830] =	vst v4;
	v2 =	vadd.f32 v2, v6  }
0x5b: {  	[tilespmem:s17+$0x2840] =	vst v3;
	v1 =	vadd.f32 v1, v7  }
0x5c: {  	s12 =	sadd.s32 s3, s15;
	[tilespmem:s17+$0x2850] =	vst v2;
	v0 =	vadd.f32 v0, v63  }
0x5d: {  	s12 =	sshll.u32 s12, $0xB;
	[tilespmem:s17+$0x2860] =	vst v1  }
0x5e: {  	s12 =	sadd.s32 s6, s12;
	[tilespmem:s17+$0x2870] =	vst v0  }
0x5f: {  	[hbm4b:s12+s2] =	stream.linear.scatter [tilespmem:s14], [sflag:$0x7], $0x4000, $0x38;
	[tilespmem:$0x1A800] =	vst v63  }
0x60: {  	p0 =	seq.s32 s0, $0x0;
	s12 =	sadd.s32 $0x2, s15  }
0x61: {  	p1 =	sge.u32 @!p0 s12, s7  }
0x62: {  	p0 =	por p0, p1  }
.Ltmp6:
0x63: {  	_ = 	snop;
	(pc) =	sbr.rel @p0 .LBB2_7-.Ltmp6, $1  }
0x64: {  	_ =	sdelay $0x3  }
.Ltmp7:
0x65: {  	_ =	swait.ge [sflag:s21], $0x4000;
	(pc) =	sbr.rel .LBB2_9-.Ltmp7, $4  }
0x66: {  	[sflag:s21] =	ssyncset.done $0x0  }
0x67: {  	s12 =	sshll.u32 s12, $0x7;
	[sflag:s21] =	ssyncadd.s32 $0xFFFFC000  }
0x68: {  	[tilespmem:s22], [sflag:$0x3] =	stream.indirect.gather [hbm4b:s4+s13], $0x80, s12, s13, $0xb8;
	[tilespmem:$0x1A800] =	vst v63  }
0x69: {  	s12 =	sadd.s32 $0x1400, s12  }
.LBB2_7:
0x6a: {  	p0 =	sne.s32 s0, $0x0  }
0x6b: {  	p1 =	sge.u32 @!p0 s12, s7  }
0x6c: {  	p0 =	por p0, p1  }
.Ltmp8:
0x6d: {  	_ = 	snop;
	(pc) =	sbr.rel @p0 .LBB2_10-.Ltmp8, $1  }
0x6e: {  	_ =	sdelay $0x3  }
0x6f: {  	[tilespmem:s22], [sflag:$0x3] =	stream.indirect.gather [hbm4b:s4+s13], $0x80, s24, s13, $0xb8;
	[tilespmem:$0x1A800] =	vst v63  }
0x70: {  	s12 =	simm.s32 $0x1500  }
.LBB2_9:
0x71: {  	[tilespmem:s23], [sflag:$0x6] =	stream.indirect.gather [hbm4b:s5+s13], $0x80, s12, s13, $0xb8;
	[tilespmem:$0x1A800] =	vst v63  }
.LBB2_10:
0x72: {  	s17 =	sadd.s32 $0x1, s15  }
0x73: {  	p0 =	sge.u32 s17, s7  }
.Ltmp9:
0x74: {  	_ = 	snop;
	(pc) =	sbr.rel @p0 .LBB2_14-.Ltmp9, $1  }
0x75: {  	_ =	sdelay $0x3  }
0x76: {  	_ =	swait.ge [sflag:s25], $0x4000  }
0x77: {  	[sflag:s25] =	ssyncset.done $0x0  }
0x78: {  	[sflag:s25] =	ssyncadd.s32 $0xFFFFC000  }
0x79: {  	_ =	swait.ge [sflag:s26], $0x4000  }
0x7a: {  	[sflag:s26] =	ssyncset.done $0x0  }
0x7b: {  	s18 =	simm.s32 $0x0;
	[sflag:s26] =	ssyncadd.s32 $0xFFFFC000  }
0x7c: {  	v7 =	vld [tilespmem:s18+$0x12800]  }
0x7d: {  	v11 =	vld [tilespmem:s18+$0x12810]  }
0x7e: {  	v5 =	vld [tilespmem:s18+$0x12820]  }
0x7f: {  	v4 =	vld [tilespmem:s18+$0x12830]  }
0x80: {  	v3 =	vld [tilespmem:s18+$0x12840]  }
0x81: {  	v2 =	vld [tilespmem:s18+$0x12850]  }
0x82: {  	v1 =	vld [tilespmem:s18+$0x12860]  }
0x83: {  	v0 =	vld [tilespmem:s18+$0x12870]  }
0x84: {  	v12 =	vld [tilespmem:s18+$0x6800]  }
0x85: {  	v13 =	vld [tilespmem:s18+$0x6810]  }
0x86: {  	v10 =	vld [tilespmem:s18+$0x6820]  }
0x87: {  	v9 =	vld [tilespmem:s18+$0x6830]  }
0x88: {  	v8 =	vld [tilespmem:s18+$0x6840]  }
0x89: {  	v6 =	vld [tilespmem:s18+$0x6850];
	v12 =	vadd.f32 v7, v12  }
0x8a: {  	s12 =	simm.s32 $0x200;
	v11 =	vadd.f32 v11, v13;
	v7 =	vld [tilespmem:s18+$0x6860]  }
.LBB2_12:
0x8b: {  	s8 =	sshra.s32 s12, $0x2;
	p0 =	sne.s32 s12, $0xFE00;
	[tilespmem:s18+$0x6800] =	vst v12;
	v5 =	vadd.f32 v5, v10;
	v10 =	vld [tilespmem:s18+$0x6870]  }
0x8c: {  	v12 =	vld [tilespmem:s8+$0x12800];
	[tilespmem:s18+$0x6810] =	vst v11;
	v4 =	vadd.f32 v4, v9  }
0x8d: {  	v11 =	vld [tilespmem:s8+$0x12810];
	[tilespmem:s18+$0x6820] =	vst v5;
	v3 =	vadd.f32 v3, v8  }
0x8e: {  	v5 =	vld [tilespmem:s8+$0x12820];
	[tilespmem:s18+$0x6830] =	vst v4;
	v2 =	vadd.f32 v2, v6  }
0x8f: {  	v4 =	vld [tilespmem:s8+$0x12830];
	[tilespmem:s18+$0x6840] =	vst v3;
	v1 =	vadd.f32 v1, v7  }
0x90: {  	v3 =	vld [tilespmem:s8+$0x12840];
	[tilespmem:s18+$0x6850] =	vst v2;
	v0 =	vadd.f32 v0, v10  }
0x91: {  	v2 =	vld [tilespmem:s8+$0x12850];
	[tilespmem:s18+$0x6860] =	vst v1  }
0x92: {  	v1 =	vld [tilespmem:s8+$0x12860];
	[tilespmem:s18+$0x6870] =	vst v0;
	s18 =	smov.u32 s8  }
0x93: {  	v0 =	vld [tilespmem:s18+$0x12870]  }
0x94: {  	v6 =	vld [tilespmem:s18+$0x6800]  }
0x95: {  	v7 =	vld [tilespmem:s18+$0x6810]  }
.Ltmp10:
0x96: {  	v10 =	vld [tilespmem:s18+$0x6820];
	(pc) =	sbr.rel @p0 .LBB2_12-.Ltmp10, $4  }
0x97: {  	v9 =	vld [tilespmem:s18+$0x6830]  }
0x98: {  	v8 =	vld [tilespmem:s18+$0x6840]  }
0x99: {  	v12 =	vadd.f32 v12, v6;
	v6 =	vld [tilespmem:s18+$0x6850]  }
0x9a: {  	s12 =	sadd.s32 $0x200, s12;
	v11 =	vadd.f32 v11, v7;
	v7 =	vld [tilespmem:s18+$0x6860]  }
0x9b: {  	[tilespmem:s18+$0x6800] =	vst v12;
	v5 =	vadd.f32 v5, v10;
	v63 =	vld [tilespmem:s18+$0x6870]  }
0x9c: {  	[tilespmem:s18+$0x6810] =	vst v11;
	v4 =	vadd.f32 v4, v9  }
0x9d: {  	[tilespmem:s18+$0x6820] =	vst v5;
	v3 =	vadd.f32 v3, v8  }
0x9e: {  	[tilespmem:s18+$0x6830] =	vst v4;
	v2 =	vadd.f32 v2, v6  }
0x9f: {  	s8 =	sadd.s32 s3, s17;
	[tilespmem:s18+$0x6840] =	vst v3;
	v1 =	vadd.f32 v1, v7  }
0xa0: {  	s8 =	sshll.u32 s8, $0xB;
	[tilespmem:s18+$0x6850] =	vst v2;
	v0 =	vadd.f32 v0, v63  }
0xa1: {  	s8 =	sand.u32 $0x1FFFF800, s8;
	[tilespmem:s18+$0x6860] =	vst v1  }
0xa2: {  	s8 =	sadd.s32 s6, s8;
	[tilespmem:s18+$0x6870] =	vst v0  }
0xa3: {  	[hbm4b:s8+s2] =	stream.linear.scatter [tilespmem:s16], [sflag:$0x8], $0x4000, $0x38;
	[tilespmem:$0x1A800] =	vst v63  }
0xa4: {  	s8 =	sadd.s32 $0x3, s15  }
0xa5: {  	p0 =	sge.u32 s8, s7  }
0xa6: {  	s12 =	simm.s32 @!p0 $0x7  }
0xa7: {  	_ =	swait.ge @!p0 [sflag:s12], $0x4000  }
0xa8: {  	s8 =	sshll.u32 @!p0 s8, $0x7;
	[sflag:s12] =	ssyncset.done @!p0 $0x0  }
0xa9: {  	s17 =	simm.s32 @!p0 $0x2800;
	[sflag:s12] =	ssyncadd.s32 @!p0 $0xFFFFC000;
	s12 =	simm.s32 @!p0 $0x80  }
0xaa: {  	[tilespmem:s17], [sflag:$0x1] =	stream.indirect.gather @!p0 [hbm4b:s4+s12], $0x80, s8, s12, $0xb8;
	[tilespmem:$0x1A800] =	vst v63  }
0xab: {  	s8 =	sadd.s32 @!p0 $0x1400, s8;
	s17 =	simm.s32 @!p0 $0xE800  }
0xac: {  	[tilespmem:s17], [sflag:$0x4] =	stream.indirect.gather @!p0 [hbm4b:s5+s12], $0x80, s8, s12, $0xb8;
	[tilespmem:$0x1A800] =	vst v63  }
.LBB2_14:
0xad: {  	s17 =	sadd.s32 $0x2, s15  }
0xae: {  	p0 =	sge.u32 s17, s7  }
.Ltmp11:
0xaf: {  	_ = 	snop;
	(pc) =	sbr.rel @p0 .LBB2_18-.Ltmp11, $1  }
0xb0: {  	_ =	sdelay $0x3  }
0xb1: {  	_ =	swait.ge [sflag:s28], $0x4000  }
0xb2: {  	[sflag:s28] =	ssyncset.done $0x0  }
0xb3: {  	[sflag:s28] =	ssyncadd.s32 $0xFFFFC000  }
0xb4: {  	_ =	swait.ge [sflag:s29], $0x4000  }
0xb5: {  	[sflag:s29] =	ssyncset.done $0x0  }
0xb6: {  	s18 =	simm.s32 $0x0;
	[sflag:s29] =	ssyncadd.s32 $0xFFFFC000  }
0xb7: {  	v7 =	vld [tilespmem:s18+$0x16800]  }
0xb8: {  	v11 =	vld [tilespmem:s18+$0x16810]  }
0xb9: {  	v5 =	vld [tilespmem:s18+$0x16820]  }
0xba: {  	v4 =	vld [tilespmem:s18+$0x16830]  }
0xbb: {  	v3 =	vld [tilespmem:s18+$0x16840]  }
0xbc: {  	v2 =	vld [tilespmem:s18+$0x16850]  }
0xbd: {  	v1 =	vld [tilespmem:s18+$0x16860]  }
0xbe: {  	v0 =	vld [tilespmem:s18+$0x16870]  }
0xbf: {  	v12 =	vld [tilespmem:s18+$0xA800]  }
0xc0: {  	v13 =	vld [tilespmem:s18+$0xA810]  }
0xc1: {  	v10 =	vld [tilespmem:s18+$0xA820]  }
0xc2: {  	v9 =	vld [tilespmem:s18+$0xA830]  }
0xc3: {  	v8 =	vld [tilespmem:s18+$0xA840]  }
0xc4: {  	v6 =	vld [tilespmem:s18+$0xA850];
	v12 =	vadd.f32 v7, v12  }
0xc5: {  	s12 =	simm.s32 $0x200;
	v11 =	vadd.f32 v11, v13;
	v7 =	vld [tilespmem:s18+$0xA860]  }
.LBB2_16:
0xc6: {  	s8 =	sshra.s32 s12, $0x2;
	p0 =	sne.s32 s12, $0xFE00;
	[tilespmem:s18+$0xA800] =	vst v12;
	v5 =	vadd.f32 v5, v10;
	v10 =	vld [tilespmem:s18+$0xA870]  }
0xc7: {  	v12 =	vld [tilespmem:s8+$0x16800];
	[tilespmem:s18+$0xA810] =	vst v11;
	v4 =	vadd.f32 v4, v9  }
0xc8: {  	v11 =	vld [tilespmem:s8+$0x16810];
	[tilespmem:s18+$0xA820] =	vst v5;
	v3 =	vadd.f32 v3, v8  }
0xc9: {  	v5 =	vld [tilespmem:s8+$0x16820];
	[tilespmem:s18+$0xA830] =	vst v4;
	v2 =	vadd.f32 v2, v6  }
0xca: {  	v4 =	vld [tilespmem:s8+$0x16830];
	[tilespmem:s18+$0xA840] =	vst v3;
	v1 =	vadd.f32 v1, v7  }
0xcb: {  	v3 =	vld [tilespmem:s8+$0x16840];
	[tilespmem:s18+$0xA850] =	vst v2;
	v0 =	vadd.f32 v0, v10  }
0xcc: {  	v2 =	vld [tilespmem:s8+$0x16850];
	[tilespmem:s18+$0xA860] =	vst v1  }
0xcd: {  	v1 =	vld [tilespmem:s8+$0x16860];
	[tilespmem:s18+$0xA870] =	vst v0;
	s18 =	smov.u32 s8  }
0xce: {  	v0 =	vld [tilespmem:s18+$0x16870]  }
0xcf: {  	v6 =	vld [tilespmem:s18+$0xA800]  }
0xd0: {  	v7 =	vld [tilespmem:s18+$0xA810]  }
.Ltmp12:
0xd1: {  	v10 =	vld [tilespmem:s18+$0xA820];
	(pc) =	sbr.rel @p0 .LBB2_16-.Ltmp12, $4  }
0xd2: {  	v9 =	vld [tilespmem:s18+$0xA830]  }
0xd3: {  	v8 =	vld [tilespmem:s18+$0xA840]  }
0xd4: {  	v12 =	vadd.f32 v12, v6;
	v6 =	vld [tilespmem:s18+$0xA850]  }
0xd5: {  	s12 =	sadd.s32 $0x200, s12;
	v11 =	vadd.f32 v11, v7;
	v7 =	vld [tilespmem:s18+$0xA860]  }
0xd6: {  	[tilespmem:s18+$0xA800] =	vst v12;
	v5 =	vadd.f32 v5, v10;
	v63 =	vld [tilespmem:s18+$0xA870]  }
0xd7: {  	[tilespmem:s18+$0xA810] =	vst v11;
	v4 =	vadd.f32 v4, v9  }
0xd8: {  	[tilespmem:s18+$0xA820] =	vst v5;
	v3 =	vadd.f32 v3, v8  }
0xd9: {  	[tilespmem:s18+$0xA830] =	vst v4;
	v2 =	vadd.f32 v2, v6  }
0xda: {  	s8 =	sadd.s32 s3, s17;
	[tilespmem:s18+$0xA840] =	vst v3;
	v1 =	vadd.f32 v1, v7  }
0xdb: {  	s8 =	sshll.u32 s8, $0xB;
	[tilespmem:s18+$0xA850] =	vst v2;
	v0 =	vadd.f32 v0, v63  }
0xdc: {  	s8 =	sand.u32 $0x1FFFF800, s8;
	[tilespmem:s18+$0xA860] =	vst v1  }
0xdd: {  	s8 =	sadd.s32 s6, s8;
	[tilespmem:s18+$0xA870] =	vst v0  }
0xde: {  	[hbm4b:s8+s2] =	stream.linear.scatter [tilespmem:s22], [sflag:$0x9], $0x4000, $0x38;
	[tilespmem:$0x1A800] =	vst v63  }
0xdf: {  	s8 =	sadd.s32 $0x4, s15  }
0xe0: {  	p0 =	sge.u32 s8, s7  }
0xe1: {  	s12 =	simm.s32 @!p0 $0x8  }
0xe2: {  	_ =	swait.ge @!p0 [sflag:s12], $0x4000  }
.Ltmp13:
0xe3: {  	s8 =	sshll.u32 @!p0 s8, $0x7;
	[sflag:s12] =	ssyncset.done @!p0 $0x0;
	(pc) =	sbr.rel .LBB2_18-.Ltmp13, $4  }
0xe4: {  	s15 =	simm.s32 @!p0 $0x6800;
	[sflag:s12] =	ssyncadd.s32 @!p0 $0xFFFFC000;
	s12 =	simm.s32 @!p0 $0x80  }
0xe5: {  	[tilespmem:s15], [sflag:$0x2] =	stream.indirect.gather @!p0 [hbm4b:s4+s12], $0x80, s8, s12, $0xb8;
	[tilespmem:$0x1A800] =	vst v63  }
0xe6: {  	s8 =	sadd.s32 @!p0 $0x1400, s8;
	s15 =	simm.s32 @!p0 $0x12800  }
0xe7: {  	[tilespmem:s15], [sflag:$0x5] =	stream.indirect.gather @!p0 [hbm4b:s5+s12], $0x80, s8, s12, $0xb8;
	[tilespmem:$0x1A800] =	vst v63  }
.LBB2_20:
0xe8: {  	_ =	sfence.sel $0x180000  }
0xe9: {  	[bflag:$0x0] =	sbarrier.arrive $0xFFFF  }
0xea: {  	_ =	strace $0x90000047  }
0xeb: {  	s0 =	stileid.u32;
	[bflag:$0x2] =	sbarrier.arrive $0xFFFF  }
0xec: {  	p0 =	sne.s32 s0, $0x0;
	s0 =	rddreg [dreg:$0x1]  }
0xed: {  	s0 =	sadd.s32 @!p0 $0x100000, s0  }
0xee: {  	[sflag:s0] =	ssyncadd.tile.s32 @!p0 $0x1;
	_ =	shalt  }
.Lfunc_end2:
_tile_overlayer_lowered:
.L_overlay_start_2:
0xef: {  	(tag) =	ssettag $0x2  }
0xf0: {  	s0 =	rddreg [dreg:$0x0];
	s2 =	stileid.u32  }
0xf1: {  	s1 =	rddreg [dreg:$0x1];
	p0 =	sne.s32 s2, $0x0  }
0xf2: {  	s3 =	rddreg [dreg:$0x2];
	[bflag:$0x3] =	sbarrier.arrive $0xFFFF;
	s2 =	simm.s32 @!p0 $0x1C0A  }
0xf3: {  	[timem:s3], [sflag:s2] =	dma.local @!p0 [hbm:s0], s1  }
0xf4: {  	s0 =	simm.s32 @!p0 $0xA  }
0xf5: {  	_ =	swait.ge @!p0 [sflag:s0], s1  }
0xf6: {  	s1 =	ssub.s32 @!p0 $0x0, s1;
	[sflag:s0] =	ssyncset.done @!p0 $0x0  }
0xf7: {  	[sflag:s0] =	ssyncadd.s32 @!p0 s1  }
0xf8: {  	[bflag:$0x3] =	sbarrier.arrive $0xFFFF  }
0xf9: {  	_ =	shalt  }

// kernel: kernel.14.cloned.1.call-start
scs
__scs_entry_jumppad:
0x0: {  	(pc) =	sbr.rel $0x88, $3  }
0x1: {  	(tag) =	ssettag $0x0;
	lr =	simm.s32 $0x1  }
0x2: {  	[smem:$0x3F85] =	sst lr;
	_ =	strace $0xD0000000  }
0x3: {  	_ = 	snop  }
0x4: {  	_ = 	snop  }
0x5: {  	_ = 	snop  }
0x6: {  	_ = 	snop  }
0x7: {  	_ = 	snop  }
__scs_overlays_trampoline_lowered:
0x8: {  	[smem:$0x3F94] =	sst s0  }
0x9: {  	[smem:$0x3F95] =	sst s1  }
0xa: {  	[smem:$0x3F96] =	sst s2  }
0xb: {  	[smem:$0x3F97] =	sst s3  }
0xc: {  	[smem:$0x3F98] =	sst s4  }
0xd: {  	[smem:$0x3F99] =	sst s5  }
0xe: {  	[smem:$0x3F9A] =	sst s6  }
0xf: {  	[smem:$0x3F9B] =	sst s7  }
0x10: {  	[smem:$0x3F9C] =	sst s8  }
0x11: {  	[smem:$0x3F9D] =	sst s9;
	s0 =	simm.s32 @!p0 $0x0  }
0x12: {  	s1 =	sld [smem:$0x3F83];
	s0 =	simm.s32 @p0 $0x1  }
0x13: {  	[smem:$0x3F9E] =	sst s0;
	s0 =	simm.s32 @!p1 $0x0  }
0x14: {  	s2 =	sld [smem:$0x3F82];
	s0 =	simm.s32 @p1 $0x1  }
0x15: {  	[smem:$0x3F9F] =	sst s0;
	s0 =	simm.s32 @!p2 $0x0  }
0x16: {  	s3 =	sld [smem:$0x3FDB];
	s0 =	simm.s32 @p2 $0x1  }
0x17: {  	s4 =	simm.s32 $0x1BF5;
	[smem:$0x3FA1] =	sst s0  }
0x18: {  	s0 =	sld [smem:$0x3F84];
	_ =	swait.ge [sflag:s4], $0x0  }
0x19: {  	s7 =	sld [smem:$0x3F85]  }
0x1a: {  	s8 =	sadd.s32 $0xFFFFE003, lr  }
0x1b: {  	s9 =	sadd.s32 $0xFFFFFEF7, lr;
	s5 =	simm.s32 $0xFFFFFFFF;
	p2 =	slt.u32 s8, $0xFFFFF086  }
0x1c: {  	p1 =	slt.u32 s9, $0xF7A;
	s5 =	simm.s32 @!p2 $0x0  }
0x1d: {  	s5 =	simm.s32 @p1 $0x1;
	p0 =	seq.s32 s7, s2  }
0x1e: {  	s7 =	smul.u32 @!p0 $0xF7A, s2;
	p2 =	seq.s32 @!p0 s5, $0x0  }
0x1f: {  	s9 =	smul.u32 $0xF7A, s1;
	s8 =	simm.s32 @!p0 $0x1BF5;
	p2 =	por !p2, p0  }
0x20: {  	[sflag:s8] =	ssyncset.s32 @!p0 $0xFFFFF086;
	s6 =	sadd.s32 @!p0 s3, s7;
	s7 =	simm.s32 @!p0 $0x108  }
0x21: {  	s3 =	sadd.s32 s3, s9;
	s6 =	sadd.s32 @!p0 $0x88, s6;
	s7 =	simm.s32 @p2 $0x1082  }
0x22: {  	[simem:s7], [sflag:s8] =	dma.local @!p0 [hbm:s6], $0xF7A  }
0x23: {  	s9 =	sor.u32 $0xD0000000, s2;
	s6 =	simm.s32 $0x108;
	_ =	swait.ge @!p0 [sflag:s8], $0x0  }
0x24: {  	s3 =	sadd.s32 $0x88, s3;
	s6 =	simm.s32 @!p1 $0x1082;
	[sflag:s4] =	ssyncset.s32 $0xFFFFF086  }
0x25: {  	[simem:s6], [sflag:s4] =	dma.local [hbm:s3], $0xF7A  }
0x26: {  	[smem:$0x3F85] =	sst s1;
	(tag) =	ssettag s2;
	_ =	strace s9  }
0x27: {  	s1 =	sld [smem:$0x3F95]  }
0x28: {  	s2 =	sld [smem:$0x3F96]  }
0x29: {  	s4 =	sld [smem:$0x3F98]  }
0x2a: {  	p0 =	seq.s32 s5, $0x0;
	s5 =	sld [smem:$0x3F99]  }
0x2b: {  	s6 =	sld [smem:$0x3F9A]  }
0x2c: {  	s7 =	sld [smem:$0x3F9B]  }
0x2d: {  	s3 =	simm.s32 $0x108;
	s8 =	sld [smem:$0x3F9C]  }
0x2e: {  	s3 =	simm.s32 @!p0 $0x1082;
	s9 =	sld [smem:$0x3F9D]  }
0x2f: {  	lr =	sadd.s32 s0, s3;
	s0 =	sld [smem:$0x3F94]  }
0x30: {  	s3 =	sld [smem:$0x3F97]  }
0x31: {  	[smem:$0x3FA0] =	sst s10  }
0x32: {  	s10 =	sld [smem:$0x3F9E];
	_ =	sdelay $0x3  }
0x33: {  	p0 =	seq.s32 s10, $0x1;
	s10 =	sld [smem:$0x3FA0];
	_ =	sdelay $0x3  }
0x34: {  	[smem:$0x3FA0] =	sst s10  }
0x35: {  	s10 =	sld [smem:$0x3F9F];
	_ =	sdelay $0x3  }
0x36: {  	p1 =	seq.s32 s10, $0x1;
	s10 =	sld [smem:$0x3FA0];
	_ =	sdelay $0x3  }
0x37: {  	[smem:$0x3FA0] =	sst s10  }
0x38: {  	s10 =	sld [smem:$0x3FA1]  }
0x39: {  	_ = 	snop;
	(pc) =	sbr.ind lr, $3  }
0x3a: {  	_ = 	snop  }
0x3b: {  	_ = 	snop  }
0x3c: {  	p2 =	seq.s32 s10, $0x1;
	s10 =	sld [smem:$0x3FA0]  }
0x3d: {  	_ =	shalt  }
0x3e: {  	_ =	shalt  }
0x3f: {  	_ =	shalt  }
0x40: {  	_ =	shalt  }
0x41: {  	_ =	shalt  }
0x42: {  	_ =	shalt  }
0x43: {  	_ =	shalt  }
0x44: {  	_ =	shalt  }
0x45: {  	_ =	shalt  }
0x46: {  	_ =	shalt  }
0x47: {  	_ =	shalt  }
0x48: {  	_ =	shalt  }
0x49: {  	_ =	shalt  }
0x4a: {  	_ =	shalt  }
0x4b: {  	_ =	shalt  }
0x4c: {  	_ =	shalt  }
0x4d: {  	_ =	shalt  }
0x4e: {  	_ =	shalt  }
0x4f: {  	_ =	shalt  }
0x50: {  	_ =	shalt  }
0x51: {  	_ =	shalt  }
0x52: {  	_ =	shalt  }
0x53: {  	_ =	shalt  }
0x54: {  	_ =	shalt  }
0x55: {  	_ =	shalt  }
0x56: {  	_ =	shalt  }
0x57: {  	_ =	shalt  }
0x58: {  	_ =	shalt  }
0x59: {  	_ =	shalt  }
0x5a: {  	_ =	shalt  }
0x5b: {  	_ =	shalt  }
0x5c: {  	_ =	shalt  }
0x5d: {  	_ =	shalt  }
0x5e: {  	_ =	shalt  }
0x5f: {  	_ =	shalt  }
0x60: {  	_ =	shalt  }
0x61: {  	_ =	shalt  }
0x62: {  	_ =	shalt  }
0x63: {  	_ =	shalt  }
0x64: {  	_ =	shalt  }
0x65: {  	_ =	shalt  }
0x66: {  	_ =	shalt  }
0x67: {  	_ =	shalt  }
0x68: {  	_ =	shalt  }
0x69: {  	_ =	shalt  }
0x6a: {  	_ =	shalt  }
0x6b: {  	_ =	shalt  }
0x6c: {  	_ =	shalt  }
0x6d: {  	_ =	shalt  }
0x6e: {  	_ =	shalt  }
0x6f: {  	_ =	shalt  }
0x70: {  	_ =	shalt  }
0x71: {  	_ =	shalt  }
0x72: {  	_ =	shalt  }
0x73: {  	_ =	shalt  }
0x74: {  	_ =	shalt  }
0x75: {  	_ =	shalt  }
0x76: {  	_ =	shalt  }
0x77: {  	_ =	shalt  }
0x78: {  	_ =	shalt  }
0x79: {  	_ =	shalt  }
0x7a: {  	_ =	shalt  }
0x7b: {  	_ =	shalt  }
0x7c: {  	_ =	shalt  }
0x7d: {  	_ =	shalt  }
0x7e: {  	_ =	shalt  }
0x7f: {  	_ =	shalt  }
0x80: {  	_ =	shalt  }
0x81: {  	_ =	shalt  }
0x82: {  	_ =	shalt  }
0x83: {  	_ =	shalt  }
0x84: {  	_ =	shalt  }
0x85: {  	_ =	shalt  }
0x86: {  	_ =	shalt  }
0x87: {  	_ =	shalt  }
.Lfunc_end0:
.L_simem_size_0:
called_computation.1_lowered:
.L_overlay_start_0:
0x88: {  	s2 =	sld [smem:$0x3FD9]  }
0x89: {  	s3 =	sld [smem:$0x3FFE];
	_ =	sdelay $0x1  }
0x8a: {  	s1 =	srdreg.scid  }
0x8b: {  	s0 =	sand.u32 $0x1, s1  }
0x8c: {  	s16 =	sshll.u32 s0, $0xA;
	s2 =	sadd.s32 s3, s2  }
0x8d: {  	s2 =	sadd.s32 s2, s16  }
0x8e: {  	[smem:$0x3FAC] =	sst s2  }
0x8f: {  	_ = 	snop  }
0x90: {  	(tm) =	ssettm $0x1  }
0x91: {  	s17 =	sld [smem:$0x3FFB];
	_ =	sdelay $0x3  }
0x92: {  	_ =	strace s17  }
0x93: {  	s2 =	sld [smem:$0x3FFC];
	_ =	sdelay $0x3  }
0x94: {  	_ =	strace s2  }
0x95: {  	s2 =	sld [smem:$0x3FFD];
	_ =	sdelay $0x3  }
0x96: {  	_ =	strace s2  }
0x97: {  	_ =	strace $0x8FFFFFFF  }
0x98: {  	s18 =	sld [smem:$0x3FDB];
	_ =	sdelay $0x1  }
0x99: {  	s19 =	simm.s32 $_scs_section_size  }
0x9a: {  	s4 =	simm.s32 $_size__tile_overlayer_lowered;
	s5 =	simm.s32 $_tile_overlayer_lowered  }
0x9b: {  	s22 =	simm.s32 $0x1BFF;
	s21 =	sshll.u32 s5, $0x1;
	s2 =	sadd.s32 s19, s18  }
0x9c: {  	s6 =	simm.s32 $0x0;
	s20 =	sshll.u32 s4, $0x1;
	s4 =	sadd.s32 s21, s2  }
0x9d: {  	[timem:s6], [sflag:s22] =	dma.local [hbm:s4], s20  }
0x9e: {  	_ =	swait.ge [sflag:s22], s20  }
0x9f: {  	s3 =	ssub.s32 $0x0, s20;
	[sflag:s22] =	ssyncset.done $0x0  }
0xa0: {  	[sflag:s22] =	ssyncadd.s32 s3;
	_ =	sdelay $0x1  }
0xa1: {  	s23 =	simm.s32 $0x1B8B  }
0xa2: {  	_ =	swait.ge [sflag:s23], $0x1  }
0xa3: {  	[sflag:s23] =	ssyncset.done $0x0  }
0xa4: {  	s25 =	simm.s32 $0x1B8E;
	s24 =	sld [smem:$0x3FFE];
	[sflag:s23] =	ssyncadd.s32 $0xFFFFFFFF  }
0xa5: {  	s26 =	simm.s32 $execute0_lowered;
	[smem:$0x3FD2] =	sst s25  }
0xa6: {  	s4 =	sshll.u32 s26, $0x1;
	_ =	strace $0x80000049;
	[dreg:$0x1] =	wrdreg $0xFFFFFFFF  }
0xa7: {  	s28 =	simm.s32 $_size_execute0_lowered;
	s2 =	sadd.s32 s2, s4;
	[dreg:$0x0] =	wrdreg $0x0  }
0xa8: {  	s4 =	sshll.u32 s28, $0x1;
	[dreg:$0x2] =	wrdreg s2  }
0xa9: {  	[dreg:$0x3] =	wrdreg s4  }
0xaa: {  	[dreg:$0x4] =	wrdreg $0xC0  }
0xab: {  	_ =	task [dreg:s6], $0x5FFFF  }
0xac: {  	[dreg:$0x1] =	wrdreg $0xFFFFFFFF  }
0xad: {  	[dreg:$0x0] =	wrdreg $0x60  }
0xae: {  	[dreg:$0x2] =	wrdreg s24  }
0xaf: {  	[dreg:$0x3] =	wrdreg $0x0  }
0xb0: {  	[dreg:$0x4] =	wrdreg $0x9  }
0xb1: {  	_ =	task.clear_ibuf [dreg:s6], $0x5FFFF;
	_ =	strace $0x90000049  }
0xb2: {  	s29 =	simm.s32 $0x9;
	_ =	strace $0x8000004B  }
0xb3: {  	_ =	swait.ge [sflag:s29], $0x1  }
0xb4: {  	[sflag:s29] =	ssyncadd.s32 $0xFFFFFFFF  }
0xb5: {  	_ =	strace $0x9000004B  }
0xb6: {  	_ =	sfence  }
0xb7: {  	s30 =	sld [smem:$0x0];
	_ =	sdelay $0x2  }
0xb8: {  	s31 =	sshll.u32 s1, $0xD;
	s1 =	sshrl.u32 s1, $0x2  }
0xb9: {  	s3 =	sand.u32 $0x4000, s31;
	s1 =	sadd.s32 s1, s30  }
0xba: {  	s0 =	sor.u32 s3, s0;
	s1 =	sshll.u32 s1, $0x11  }
0xbb: {  	s0 =	sor.u32 s1, s0  }
0xbc: {  	s0 =	sadd.s32 $0x8F2B, s0  }
0xbd: {  	[sflag:s0] =	ssyncadd.remote.s32 $0x1  }
0xbe: {  	_ =	sfence.sel $0xFFFF  }
0xbf: {  	[dreg:$0x0] =	wrdreg $0xFFFFFFFF;
	(pc) =	sbr.abs _section_cstart, $3  }
0xc0: {  	[dreg:$0x1] =	wrdreg $0xFFFFFFFF  }
0xc1: {  	_ =	task.clear_ibuf [dreg:s6], $0x2FFFF;
	_ =	strace $0x9FFFFFFF  }
0xc2: {  	(tm) =	ssettm $0x7FFFFFFF  }
0xc3: {  	_ =	shalt  }
tec
execute0_lowered:
.L_overlay_start_1:
0x0: {  	(tag) =	ssettag $0x1  }
0x1: {  	s0 =	rddreg [dreg:$0x0];
	s9 =	stileid.u32  }
0x2: {  	s1 =	rddreg [dreg:$0x1];
	s5 =	smul.u32 $0x13800, s9  }
0x3: {  	s3 =	simm.s32 $0x0;
	s2 =	srdreg.scid;
	s8 =	smul.u32 $0x4E000, s9  }
0x4: {  	s20 =	simm.s32 $0x13880;
	s2 =	sand.u32 $0x1, s2;
	s13 =	smul.u32 $0x50, s9  }
0x5: {  	s21 =	simm.s32 $0x5;
	s6 =	sshll.u32 s9, $0x1;
	s4 =	smul.u32 $0x138800, s2  }
0x6: {  	s10 =	sor.u32 s2, s6;
	s23 =	ssub.s32 $0x2, s2;
	s2 =	smul.u32 $0x28, s2  }
0x7: {  	[smem:$0x7FF] =	sst s3;
	s18 =	sadd.s32 $0x56D200, s0;
	s6 =	smul.u32 $0x28, s10  }
0x8: {  	s17 =	sadd.s32 $0x6C00, s0;
	_ =	strace $0x8000004A;
	s11 =	smul.u32 $0x14000, s10  }
0x9: {  	s7 =	sshrl.u32 s23, $0x1;
	s25 =	sshrl.u32 s8, $0x2;
	s12 =	smul.u32 $0x1400, s10  }
0xa: {  	s14 =	smul.u32 $0x280, s10;
	s4 =	sadd.s32 s5, s4;
	s15 =	ssub.s32 s23, s7  }
0xb: {  	s5 =	sadd.s32 s25, s1;
	s2 =	sadd.s32 s2, s13;
	s4 =	sshrl.u32 s4, $0x3  }
0xc: {  	s24 =	ssub.s32 $0x4E2, s6;
	s26 =	sadd.s32 $0x4000, s5;
	s28 =	sadd.s32 $0x8000, s5  }
0xd: {  	s8 =	sadd.s32 $0xC000, s5;
	s9 =	sadd.s32 $0x10000, s5;
	s10 =	sadd.s32 s18, s11  }
0xe: {  	s16 =	sor.u32 $0x80, s12;
	s11 =	sadd.s32 s17, s14;
	s13 =	sor.u32 $0x2, s2  }
0xf: {  	s15 =	smax.u32 s15, $0x1;
	s31 =	sshll.u32 s2, $0x4;
	s2 =	sshll.u32 s2, $0xB  }
0x10: {  	s0 =	sadd.s32 s4, s0;
	s4 =	smin.u32 s24, $0x28;
	[dreg:$0x3] =	wrdreg s26  }
0x11: {  	[dreg:$0x4] =	wrdreg s28;
	s12 =	sshll.u32 s16, $0x4;
	s29 =	sshrl.u32 s16, $0x3  }
0x12: {  	s19 =	sshrl.u32 s13, $0x1;
	s2 =	sadd.s32 s2, s18;
	s12 =	sadd.s32 s18, s12  }
0x13: {  	s13 =	sadd.s32 s17, s29;
	s14 =	sadd.s32 $0x15C00, s0;
	s30 =	sshll.u32 s19, $0x5  }
0x14: {  	s19 =	sshll.u32 s19, $0xC;
	s0 =	sadd.s32 s31, s17;
	s16 =	sadd.s32 s30, s17  }
0x15: {  	v0 =	vimm.f32 $0.0e+00;
	s17 =	sadd.s32 s19, s18;
	s0 =	sadd.s32 $0x30, s0;
	s19 =	sadd.s32 $0x1800, s2  }
.LBB2_1:
0x16: {  	s2 =	simm.s32 $0x0;
	s18 =	simm.s32 $0x200  }
.LBB2_2:
0x17: {  	p0 =	sne.s32 s18, $0xFE00;
	[tilespmem:s2+$0x138F0] =	vst v0  }
0x18: {  	[tilespmem:s2+$0x13880] =	vst v0  }
0x19: {  	[tilespmem:s2+$0x13890] =	vst v0  }
.Ltmp0:
0x1a: {  	[tilespmem:s2+$0x138A0] =	vst v0;
	(pc) =	sbr.rel @p0 .LBB2_2-.Ltmp0, $4  }
0x1b: {  	[tilespmem:s2+$0x138B0] =	vst v0  }
0x1c: {  	[tilespmem:s2+$0x138C0] =	vst v0  }
0x1d: {  	[tilespmem:s2+$0x138D0] =	vst v0  }
0x1e: {  	[tilespmem:s2+$0x138E0] =	vst v0;
	s2 =	sshra.s32 s18, $0x2;
	s18 =	sadd.s32 $0x200, s18  }
0x1f: {  	[tilespmem:s2+$0x138F0] =	vst v0  }
0x20: {  	[tilespmem:s2+$0x13880] =	vst v0  }
0x21: {  	[tilespmem:s2+$0x13890] =	vst v0  }
0x22: {  	[tilespmem:s2+$0x138A0] =	vst v0  }
0x23: {  	[tilespmem:s2+$0x138B0] =	vst v0  }
0x24: {  	[tilespmem:s2+$0x138C0] =	vst v0  }
0x25: {  	[tilespmem:s2+$0x138D0] =	vst v0  }
0x26: {  	[tilespmem:s2+$0x138E0] =	vst v0  }
0x27: {  	[spmem:s5] =	stream.linear.scatter [tilespmem:s20], [sflag:$0x5], $0x4000, $0x38;
	[tilespmem:$0x1B980] =	vst v63  }
0x28: {  	_ =	swait.ge [sflag:s21], $0x4000  }
0x29: {  	[sflag:s21] =	ssyncset.done $0x0  }
0x2a: {  	s22 =	rddreg [dreg:$0x3];
	[sflag:s21] =	ssyncadd.s32 $0xFFFFC000  }
0x2b: {  	[spmem:s22] =	stream.linear.scatter [tilespmem:s20], [sflag:$0x5], $0x4000, $0x38;
	[tilespmem:$0x1B980] =	vst v63  }
0x2c: {  	_ =	swait.ge [sflag:s21], $0x4000  }
0x2d: {  	[sflag:s21] =	ssyncset.done $0x0  }
0x2e: {  	s23 =	rddreg [dreg:$0x4];
	[sflag:s21] =	ssyncadd.s32 $0xFFFFC000  }
0x2f: {  	[spmem:s23] =	stream.linear.scatter [tilespmem:s20], [sflag:$0x5], $0x4000, $0x38;
	[tilespmem:$0x1B980] =	vst v63  }
0x30: {  	_ =	swait.ge [sflag:s21], $0x4000  }
0x31: {  	[sflag:s21] =	ssyncset.done $0x0  }
0x32: {  	[sflag:s21] =	ssyncadd.s32 $0xFFFFC000  }
0x33: {  	[spmem:s8] =	stream.linear.scatter [tilespmem:s20], [sflag:$0x5], $0x4000, $0x38;
	[tilespmem:$0x1B980] =	vst v63  }
0x34: {  	_ =	swait.ge [sflag:s21], $0x4000  }
0x35: {  	[sflag:s21] =	ssyncset.done $0x0  }
0x36: {  	[sflag:s21] =	ssyncadd.s32 $0xFFFFC000  }
0x37: {  	[spmem:s9] =	stream.linear.scatter [tilespmem:s20], [sflag:$0x5], $0x4000, $0x38;
	[tilespmem:$0x1B980] =	vst v63  }
0x38: {  	_ =	swait.ge [sflag:s21], $0x4000  }
0x39: {  	[sflag:s21] =	ssyncset.done $0x0  }
0x3a: {  	[sflag:s21] =	ssyncadd.s32 $0xFFFFC000  }
0x3b: {  	s24 =	simm.s32 $0x0;
	[bflag:$0x0] =	sbarrier.arrive $0xFFFF  }
0x3c: {  	[tilespmem:s20], [sflag:$0x1] =	stream.linear.gather [hbm4b:s10+s24], $0x4000, $0x38;
	[tilespmem:$0x1B980] =	vst v63  }
0x3d: {  	s6 =	simm.s32 $0x1B880;
	p1 =	sle.u32 s4, $0x0  }
0x3e: {  	[tilespmem:s6], [sflag:$0x3] =	stream.linear.gather [hbm4b:s11+s24], $0x80, $0x38;
	[tilespmem:$0x1B980] =	vst v63  }
0x3f: {  	s25 =	simm.s32 $0x17880;
	p0 =	por p1, p1  }
0x40: {  	[tilespmem:s25], [sflag:$0x2] =	stream.linear.gather [hbm4b:s12+s24], $0x4000, $0x38;
	[tilespmem:$0x1B980] =	vst v63  }
0x41: {  	s26 =	simm.s32 $0x1B900;
	s2 =	simm.s32 @!p0 $0x1  }
0x42: {  	[tilespmem:s26], [sflag:$0x4] =	stream.linear.gather [hbm4b:s13+s24], $0x80, $0x38;
	[tilespmem:$0x1B980] =	vst v63  }
0x43: {  	_ =	swait.ge @!p0 [sflag:s2], $0x4000  }
0x44: {  	[sflag:s2] =	ssyncset.done @!p0 $0x0  }
0x45: {  	[sflag:s2] =	ssyncadd.s32 @!p0 $0xFFFFC000;
	s2 =	simm.s32 @!p0 $0x3  }
0x46: {  	p1 =	sle.u32 @!p1 s4, $0x2;
	_ =	swait.ge @!p0 [sflag:s2], $0x80  }
0x47: {  	s18 =	simm.s32 @!p0 $0x13880;
	s22 =	simm.s32 @!p0 $0x5;
	[sflag:s2] =	ssyncset.done @!p0 $0x0  }
0x48: {  	s23 =	simm.s32 @!p0 $0x1B880;
	[sflag:s2] =	ssyncadd.s32 @!p0 $0xFFFFFF80;
	s2 =	simm.s32 @!p0 $0x80  }
0x49: {  	[spmem:s1] =	stream.indirect.scatter.add.f32 @!p0 [tilespmem:s18], [sflag:$0x5], $0x80, s23, s2, $0xb8;
	[tilespmem:$0x1B980] =	vst v63  }
0x4a: {  	p1 =	por p1, p1;
	_ =	swait.ge @!p0 [sflag:s22], $0x4000  }
0x4b: {  	p2 =	por p1, p0;
	[sflag:s22] =	ssyncset.done @!p0 $0x0  }
0x4c: {  	s2 =	simm.s32 @!p2 $0x0;
	s18 =	simm.s32 @!p2 $0x13880;
	[sflag:s22] =	ssyncadd.s32 @!p0 $0xFFFFC000  }
0x4d: {  	[tilespmem:s18], [sflag:$0x1] =	stream.linear.gather @!p2 [hbm4b:s17+s2], $0x4000, $0x38;
	[tilespmem:$0x1B980] =	vst v63  }
0x4e: {  	s31 =	simm.s32 $0x4;
	p1 =	sle.u32 s4, $0x1;
	s18 =	simm.s32 @!p2 $0x1B880  }
0x4f: {  	[tilespmem:s18], [sflag:$0x3] =	stream.linear.gather @!p2 [hbm4b:s16+s2], $0x80, $0x38;
	[tilespmem:$0x1B980] =	vst v63  }
0x50: {  	s28 =	sadd.s32 $0x1000, s19;
	s30 =	sadd.s32 $0x1000, s17;
	s2 =	simm.s32 @!p1 $0x2  }
0x51: {  	s29 =	sadd.s32 $0x20, s16;
	p3 =	sle.u32 @!p1 s4, $0x3;
	_ =	swait.ge @!p1 [sflag:s2], $0x4000  }
0x52: {  	p4 =	por p3, p1;
	s25 =	simm.s32 $0x2;
	[sflag:s2] =	ssyncset.done @!p1 $0x0  }
0x53: {  	s26 =	sadd.s32 $0x20, s0;
	s18 =	simm.s32 @!p1 $0x4;
	[sflag:s2] =	ssyncadd.s32 @!p1 $0xFFFFC000  }
0x54: {  	s23 =	simm.s32 @!p1 $0x1B900;
	p0 =	sle.u32 s4, $0x2;
	_ =	swait.ge @!p1 [sflag:s18], $0x80  }
0x55: {  	s22 =	simm.s32 @!p1 $0x80;
	p2 =	sle.u32 @!p0 s4, $0x4;
	[sflag:s18] =	ssyncset.done @!p1 $0x0  }
0x56: {  	s2 =	simm.s32 @!p1 $0x17880;
	[sflag:s18] =	ssyncadd.s32 @!p1 $0xFFFFFF80;
	s18 =	simm.s32 @!p1 $0x5  }
0x57: {  	[spmem:s1] =	stream.indirect.scatter.add.f32 @!p1 [tilespmem:s2], [sflag:$0x5], $0x80, s23, s22, $0xb8;
	[tilespmem:$0x1B980] =	vst v63  }
0x58: {  	p0 =	por p0, p0;
	s22 =	simm.s32 @!p4 $0x0;
	_ =	swait.ge @!p1 [sflag:s18], $0x4000  }
0x59: {  	s2 =	simm.s32 @!p4 $0x17880;
	s23 =	simm.s32 @!p4 $0x1B900;
	[sflag:s18] =	ssyncset.done @!p1 $0x0  }
0x5a: {  	[sflag:s18] =	ssyncadd.s32 @!p1 $0xFFFFC000;
	p1 =	por p2, p2;
	s18 =	smov.u32 s0  }
0x5b: {  	[tilespmem:s2], [sflag:$0x2] =	stream.linear.gather @!p4 [hbm4b:s19+s22], $0x4000, $0x38;
	[tilespmem:$0x1B980] =	vst v63  }
.LBB2_4:
0x5c: {  	p3 =	sge.u32 s31, s4;
	s24 =	simm.s32 @!p0 $0x1  }
0x5d: {  	s6 =	smov.u32 s31;
	s31 =	sadd.s32 $0x2, s31;
	s2 =	smov.u32 s28  }
0x5e: {  	[tilespmem:s23], [sflag:$0x4] =	stream.linear.gather @!p4 [hbm4b:s18+s22], $0x80, $0x38;
	[tilespmem:$0x1B980] =	vst v63  }
0x5f: {  	s18 =	sadd.s32 @!p3 $0x2, s6;
	p2 =	sne.s32 s31, $0x28;
	_ =	swait.ge @!p0 [sflag:s24], $0x4000  }
0x60: {  	p4 =	sge.u32 @!p3 s18, s4;
	s18 =	smov.u32 s26;
	[sflag:s24] =	ssyncset.done @!p0 $0x0  }
0x61: {  	s22 =	simm.s32 @!p0 $0x3;
	[sflag:s24] =	ssyncadd.s32 @!p0 $0xFFFFC000  }
0x62: {  	_ =	swait.ge @!p0 [sflag:s22], $0x80  }
0x63: {  	s23 =	simm.s32 @!p0 $0x13880;
	s24 =	simm.s32 @!p0 $0x5;
	[sflag:s22] =	ssyncset.done @!p0 $0x0  }
0x64: {  	s7 =	simm.s32 @!p0 $0x1B880;
	[sflag:s22] =	ssyncadd.s32 @!p0 $0xFFFFFF80;
	s22 =	simm.s32 @!p0 $0x80  }
0x65: {  	[spmem:s1] =	stream.indirect.scatter.add.f32 @!p0 [tilespmem:s23], [sflag:$0x5], $0x80, s7, s22, $0xb8;
	[tilespmem:$0x1B980] =	vst v63  }
0x66: {  	_ =	swait.ge @!p0 [sflag:s24], $0x4000  }
0x67: {  	p1 =	por p1, p0;
	s7 =	sadd.s32 $0x1, s25;
	[sflag:s24] =	ssyncset.done @!p0 $0x0  }
0x68: {  	s22 =	simm.s32 @!p1 $0x0;
	s23 =	simm.s32 @!p1 $0x13880;
	[sflag:s24] =	ssyncadd.s32 @!p0 $0xFFFFC000  }
0x69: {  	[tilespmem:s23], [sflag:$0x1] =	stream.linear.gather @!p1 [hbm4b:s30+s22], $0x4000, $0x38;
	[tilespmem:$0x1B980] =	vst v63  }
0x6a: {  	p5 =	sge.u32 s7, s4;
	p0 =	por p3, p3;
	s23 =	simm.s32 @!p1 $0x1B880  }
0x6b: {  	[tilespmem:s23], [sflag:$0x3] =	stream.linear.gather @!p1 [hbm4b:s29+s22], $0x80, $0x38;
	[tilespmem:$0x1B980] =	vst v63  }
0x6c: {  	s7 =	simm.s32 @!p5 $0x2;
	s22 =	sadd.s32 @!p5 $0x3, s25;
	s25 =	smov.u32 s6  }
0x6d: {  	p1 =	por p4, p4;
	p3 =	sge.u32 @!p5 s22, s4;
	_ =	swait.ge @!p5 [sflag:s7], $0x4000  }
0x6e: {  	s6 =	simm.s32 @!p5 $0x4;
	[sflag:s7] =	ssyncset.done @!p5 $0x0  }
0x6f: {  	[sflag:s7] =	ssyncadd.s32 @!p5 $0xFFFFC000  }
0x70: {  	s28 =	sadd.s32 $0x1000, s28;
	s7 =	simm.s32 @!p5 $0x17880;
	_ =	swait.ge @!p5 [sflag:s6], $0x80  }
0x71: {  	s23 =	simm.s32 @!p5 $0x1B900;
	s22 =	simm.s32 @!p5 $0x80;
	[sflag:s6] =	ssyncset.done @!p5 $0x0  }
0x72: {  	s26 =	sadd.s32 $0x20, s26;
	[sflag:s6] =	ssyncadd.s32 @!p5 $0xFFFFFF80;
	s6 =	simm.s32 @!p5 $0x5  }
0x73: {  	[spmem:s1] =	stream.indirect.scatter.add.f32 @!p5 [tilespmem:s7], [sflag:$0x5], $0x80, s23, s22, $0xb8;
	[tilespmem:$0x1B980] =	vst v63  }
.Ltmp1:
0x74: {  	_ = 	snop;
	(pc) =	sbr.rel @p2 .LBB2_4-.Ltmp1, $4  }
0x75: {  	s30 =	sadd.s32 $0x1000, s30;
	p4 =	por p3, p5;
	_ =	swait.ge @!p5 [sflag:s6], $0x4000  }
0x76: {  	s22 =	simm.s32 @!p4 $0x0;
	s7 =	simm.s32 @!p4 $0x17880;
	[sflag:s6] =	ssyncset.done @!p5 $0x0  }
0x77: {  	s29 =	sadd.s32 $0x20, s29;
	s23 =	simm.s32 @!p4 $0x1B900;
	[sflag:s6] =	ssyncadd.s32 @!p5 $0xFFFFC000  }
0x78: {  	[tilespmem:s7], [sflag:$0x2] =	stream.linear.gather @!p4 [hbm4b:s2+s22], $0x4000, $0x38;
	[tilespmem:$0x1B980] =	vst v63  }
0x79: {  	s2 =	simm.s32 @!p0 $0x1  }
0x7a: {  	[tilespmem:s23], [sflag:$0x4] =	stream.linear.gather @!p4 [hbm4b:s18+s22], $0x80, $0x38;
	[tilespmem:$0x1B980] =	vst v63  }
0x7b: {  	_ =	swait.ge @!p0 [sflag:s2], $0x4000  }
0x7c: {  	[sflag:s2] =	ssyncset.done @!p0 $0x0  }
0x7d: {  	[sflag:s2] =	ssyncadd.s32 @!p0 $0xFFFFC000;
	s2 =	simm.s32 @!p0 $0x3  }
0x7e: {  	_ =	swait.ge @!p0 [sflag:s2], $0x80  }
0x7f: {  	s6 =	simm.s32 @!p0 $0x13880;
	s7 =	simm.s32 @!p0 $0x5;
	[sflag:s2] =	ssyncset.done @!p0 $0x0  }
0x80: {  	s18 =	simm.s32 @!p0 $0x1B880;
	[sflag:s2] =	ssyncadd.s32 @!p0 $0xFFFFFF80;
	s2 =	simm.s32 @!p0 $0x80  }
0x81: {  	[spmem:s1] =	stream.indirect.scatter.add.f32 @!p0 [tilespmem:s6], [sflag:$0x5], $0x80, s18, s2, $0xb8;
	[tilespmem:$0x1B980] =	vst v63  }
0x82: {  	p1 =	por p1, p0;
	_ =	swait.ge @!p0 [sflag:s7], $0x4000  }
0x83: {  	s24 =	sadd.s32 $0x1, s25;
	s6 =	simm.s32 @!p1 $0x0;
	[sflag:s7] =	ssyncset.done @!p0 $0x0  }
0x84: {  	[sflag:s7] =	ssyncadd.s32 @!p0 $0xFFFFC000;
	s7 =	simm.s32 @!p1 $0x13880;
	p0 =	sge.u32 s24, s4  }
0x85: {  	[tilespmem:s7], [sflag:$0x1] =	stream.linear.gather @!p1 [hbm4b:s30+s6], $0x4000, $0x38;
	[tilespmem:$0x1B980] =	vst v63  }
0x86: {  	s7 =	simm.s32 @!p1 $0x1B880;
	s2 =	simm.s32 @!p0 $0x2  }
0x87: {  	[tilespmem:s7], [sflag:$0x3] =	stream.linear.gather @!p1 [hbm4b:s29+s6], $0x80, $0x38;
	[tilespmem:$0x1B980] =	vst v63  }
0x88: {  	_ =	swait.ge @!p0 [sflag:s2], $0x4000  }
0x89: {  	[sflag:s2] =	ssyncset.done @!p0 $0x0  }
0x8a: {  	s6 =	simm.s32 @!p0 $0x4;
	[sflag:s2] =	ssyncadd.s32 @!p0 $0xFFFFC000  }
0x8b: {  	s18 =	simm.s32 @!p0 $0x80;
	_ =	swait.ge @!p0 [sflag:s6], $0x80  }
0x8c: {  	s22 =	simm.s32 @!p0 $0x1B900;
	s7 =	simm.s32 @!p0 $0x17880;
	[sflag:s6] =	ssyncset.done @!p0 $0x0  }
0x8d: {  	s2 =	sadd.s32 @!p0 $0x3, s25;
	[sflag:s6] =	ssyncadd.s32 @!p0 $0xFFFFFF80;
	s6 =	simm.s32 @!p0 $0x5  }
0x8e: {  	[spmem:s1] =	stream.indirect.scatter.add.f32 @!p0 [tilespmem:s7], [sflag:$0x5], $0x80, s22, s18, $0xb8;
	[tilespmem:$0x1B980] =	vst v63  }
0x8f: {  	p1 =	sge.u32 @!p0 s2, s4;
	_ =	swait.ge @!p0 [sflag:s6], $0x4000  }
0x90: {  	p1 =	por p1, p0;
	[sflag:s6] =	ssyncset.done @!p0 $0x0  }
0x91: {  	s2 =	simm.s32 @!p1 $0x0;
	s7 =	simm.s32 @!p1 $0x17880;
	[sflag:s6] =	ssyncadd.s32 @!p0 $0xFFFFC000  }
0x92: {  	[tilespmem:s7], [sflag:$0x2] =	stream.linear.gather @!p1 [hbm4b:s28+s2], $0x4000, $0x38;
	[tilespmem:$0x1B980] =	vst v63  }
0x93: {  	s3 =	sadd.s32 $0x1, s3;
	s30 =	stileid.u32;
	s6 =	simm.s32 @!p1 $0x1B900  }
0x94: {  	[tilespmem:s6], [sflag:$0x4] =	stream.linear.gather @!p1 [hbm4b:s26+s2], $0x80, $0x38;
	[tilespmem:$0x1B980] =	vst v63  }
0x95: {  	s31 =	sshrl.u32 s5, $0x3;
	p0 =	sne.s32 s3, s15;
	s2 =	sshll.u32 s30, $0x6  }
.Ltmp2:
0x96: {  	[bflag:$0x0] =	sbarrier.arrive $0xFFFF;
	s2 =	sor.u32 $0x1C05, s2;
	(pc) =	sbr.rel @p0 .LBB2_1-.Ltmp2, $4  }
0x97: {  	[hbm:s14], [sflag:s2] =	dma.local [spmem:s31], $0x2800  }
0x98: {  	_ =	swait.ge [sflag:s21], $0x2800  }
0x99: {  	[sflag:s21] =	ssyncset.done $0x0  }
0x9a: {  	[sflag:s21] =	ssyncadd.s32 $0xFFFFD800  }
0x9b: {  	_ =	sfence.sel $0x180000  }
0x9c: {  	[bflag:$0x0] =	sbarrier.arrive $0xFFFF  }
0x9d: {  	_ =	strace $0x9000004A  }
0x9e: {  	s0 =	stileid.u32;
	[bflag:$0x2] =	sbarrier.arrive $0xFFFF  }
0x9f: {  	p0 =	sne.s32 s0, $0x0;
	s0 =	rddreg [dreg:$0x2]  }
0xa0: {  	s0 =	sadd.s32 @!p0 $0x100000, s0  }
0xa1: {  	[sflag:s0] =	ssyncadd.tile.s32 @!p0 $0x1;
	_ =	shalt  }
.Lfunc_end2:
_tile_overlayer_lowered:
.L_overlay_start_2:
0xa2: {  	(tag) =	ssettag $0x2  }
0xa3: {  	s0 =	rddreg [dreg:$0x0];
	s2 =	stileid.u32  }
0xa4: {  	s1 =	rddreg [dreg:$0x1];
	p0 =	sne.s32 s2, $0x0  }
0xa5: {  	s3 =	rddreg [dreg:$0x2];
	[bflag:$0x3] =	sbarrier.arrive $0xFFFF;
	s2 =	simm.s32 @!p0 $0x1C05  }
0xa6: {  	[timem:s3], [sflag:s2] =	dma.local @!p0 [hbm:s0], s1  }
0xa7: {  	s0 =	simm.s32 @!p0 $0x5  }
0xa8: {  	_ =	swait.ge @!p0 [sflag:s0], s1  }
0xa9: {  	s1 =	ssub.s32 @!p0 $0x0, s1;
	[sflag:s0] =	ssyncset.done @!p0 $0x0  }
0xaa: {  	[sflag:s0] =	ssyncadd.s32 @!p0 s1  }
0xab: {  	[bflag:$0x3] =	sbarrier.arrive $0xFFFF  }
0xac: {  	_ =	shalt  }

// kernel: kernel.17.cloned.1.call-start
scs
__scs_entry_jumppad:
0x0: {  	(pc) =	sbr.rel $0x88, $3  }
0x1: {  	(tag) =	ssettag $0x0;
	lr =	simm.s32 $0x1  }
0x2: {  	[smem:$0x3F85] =	sst lr;
	_ =	strace $0xD0000000  }
0x3: {  	_ = 	snop  }
0x4: {  	_ = 	snop  }
0x5: {  	_ = 	snop  }
0x6: {  	_ = 	snop  }
0x7: {  	_ = 	snop  }
__scs_overlays_trampoline_lowered:
0x8: {  	[smem:$0x3F94] =	sst s0  }
0x9: {  	[smem:$0x3F95] =	sst s1  }
0xa: {  	[smem:$0x3F96] =	sst s2  }
0xb: {  	[smem:$0x3F97] =	sst s3  }
0xc: {  	[smem:$0x3F98] =	sst s4  }
0xd: {  	[smem:$0x3F99] =	sst s5  }
0xe: {  	[smem:$0x3F9A] =	sst s6  }
0xf: {  	[smem:$0x3F9B] =	sst s7  }
0x10: {  	[smem:$0x3F9C] =	sst s8  }
0x11: {  	[smem:$0x3F9D] =	sst s9;
	s0 =	simm.s32 @!p0 $0x0  }
0x12: {  	s1 =	sld [smem:$0x3F83];
	s0 =	simm.s32 @p0 $0x1  }
0x13: {  	[smem:$0x3F9E] =	sst s0;
	s0 =	simm.s32 @!p1 $0x0  }
0x14: {  	s2 =	sld [smem:$0x3F82];
	s0 =	simm.s32 @p1 $0x1  }
0x15: {  	[smem:$0x3F9F] =	sst s0;
	s0 =	simm.s32 @!p2 $0x0  }
0x16: {  	s3 =	sld [smem:$0x3FDB];
	s0 =	simm.s32 @p2 $0x1  }
0x17: {  	s4 =	simm.s32 $0x1BF5;
	[smem:$0x3FA1] =	sst s0  }
0x18: {  	s0 =	sld [smem:$0x3F84];
	_ =	swait.ge [sflag:s4], $0x0  }
0x19: {  	s7 =	sld [smem:$0x3F85]  }
0x1a: {  	s8 =	sadd.s32 $0xFFFFE003, lr  }
0x1b: {  	s9 =	sadd.s32 $0xFFFFFEF7, lr;
	s5 =	simm.s32 $0xFFFFFFFF;
	p2 =	slt.u32 s8, $0xFFFFF086  }
0x1c: {  	p1 =	slt.u32 s9, $0xF7A;
	s5 =	simm.s32 @!p2 $0x0  }
0x1d: {  	s5 =	simm.s32 @p1 $0x1;
	p0 =	seq.s32 s7, s2  }
0x1e: {  	s7 =	smul.u32 @!p0 $0xF7A, s2;
	p2 =	seq.s32 @!p0 s5, $0x0  }
0x1f: {  	s9 =	smul.u32 $0xF7A, s1;
	s8 =	simm.s32 @!p0 $0x1BF5;
	p2 =	por !p2, p0  }
0x20: {  	[sflag:s8] =	ssyncset.s32 @!p0 $0xFFFFF086;
	s6 =	sadd.s32 @!p0 s3, s7;
	s7 =	simm.s32 @!p0 $0x108  }
0x21: {  	s3 =	sadd.s32 s3, s9;
	s6 =	sadd.s32 @!p0 $0x88, s6;
	s7 =	simm.s32 @p2 $0x1082  }
0x22: {  	[simem:s7], [sflag:s8] =	dma.local @!p0 [hbm:s6], $0xF7A  }
0x23: {  	s9 =	sor.u32 $0xD0000000, s2;
	s6 =	simm.s32 $0x108;
	_ =	swait.ge @!p0 [sflag:s8], $0x0  }
0x24: {  	s3 =	sadd.s32 $0x88, s3;
	s6 =	simm.s32 @!p1 $0x1082;
	[sflag:s4] =	ssyncset.s32 $0xFFFFF086  }
0x25: {  	[simem:s6], [sflag:s4] =	dma.local [hbm:s3], $0xF7A  }
0x26: {  	[smem:$0x3F85] =	sst s1;
	(tag) =	ssettag s2;
	_ =	strace s9  }
0x27: {  	s1 =	sld [smem:$0x3F95]  }
0x28: {  	s2 =	sld [smem:$0x3F96]  }
0x29: {  	s4 =	sld [smem:$0x3F98]  }
0x2a: {  	p0 =	seq.s32 s5, $0x0;
	s5 =	sld [smem:$0x3F99]  }
0x2b: {  	s6 =	sld [smem:$0x3F9A]  }
0x2c: {  	s7 =	sld [smem:$0x3F9B]  }
0x2d: {  	s3 =	simm.s32 $0x108;
	s8 =	sld [smem:$0x3F9C]  }
0x2e: {  	s3 =	simm.s32 @!p0 $0x1082;
	s9 =	sld [smem:$0x3F9D]  }
0x2f: {  	lr =	sadd.s32 s0, s3;
	s0 =	sld [smem:$0x3F94]  }
0x30: {  	s3 =	sld [smem:$0x3F97]  }
0x31: {  	[smem:$0x3FA0] =	sst s10  }
0x32: {  	s10 =	sld [smem:$0x3F9E];
	_ =	sdelay $0x3  }
0x33: {  	p0 =	seq.s32 s10, $0x1;
	s10 =	sld [smem:$0x3FA0];
	_ =	sdelay $0x3  }
0x34: {  	[smem:$0x3FA0] =	sst s10  }
0x35: {  	s10 =	sld [smem:$0x3F9F];
	_ =	sdelay $0x3  }
0x36: {  	p1 =	seq.s32 s10, $0x1;
	s10 =	sld [smem:$0x3FA0];
	_ =	sdelay $0x3  }
0x37: {  	[smem:$0x3FA0] =	sst s10  }
0x38: {  	s10 =	sld [smem:$0x3FA1]  }
0x39: {  	_ = 	snop;
	(pc) =	sbr.ind lr, $3  }
0x3a: {  	_ = 	snop  }
0x3b: {  	_ = 	snop  }
0x3c: {  	p2 =	seq.s32 s10, $0x1;
	s10 =	sld [smem:$0x3FA0]  }
0x3d: {  	_ =	shalt  }
0x3e: {  	_ =	shalt  }
0x3f: {  	_ =	shalt  }
0x40: {  	_ =	shalt  }
0x41: {  	_ =	shalt  }
0x42: {  	_ =	shalt  }
0x43: {  	_ =	shalt  }
0x44: {  	_ =	shalt  }
0x45: {  	_ =	shalt  }
0x46: {  	_ =	shalt  }
0x47: {  	_ =	shalt  }
0x48: {  	_ =	shalt  }
0x49: {  	_ =	shalt  }
0x4a: {  	_ =	shalt  }
0x4b: {  	_ =	shalt  }
0x4c: {  	_ =	shalt  }
0x4d: {  	_ =	shalt  }
0x4e: {  	_ =	shalt  }
0x4f: {  	_ =	shalt  }
0x50: {  	_ =	shalt  }
0x51: {  	_ =	shalt  }
0x52: {  	_ =	shalt  }
0x53: {  	_ =	shalt  }
0x54: {  	_ =	shalt  }
0x55: {  	_ =	shalt  }
0x56: {  	_ =	shalt  }
0x57: {  	_ =	shalt  }
0x58: {  	_ =	shalt  }
0x59: {  	_ =	shalt  }
0x5a: {  	_ =	shalt  }
0x5b: {  	_ =	shalt  }
0x5c: {  	_ =	shalt  }
0x5d: {  	_ =	shalt  }
0x5e: {  	_ =	shalt  }
0x5f: {  	_ =	shalt  }
0x60: {  	_ =	shalt  }
0x61: {  	_ =	shalt  }
0x62: {  	_ =	shalt  }
0x63: {  	_ =	shalt  }
0x64: {  	_ =	shalt  }
0x65: {  	_ =	shalt  }
0x66: {  	_ =	shalt  }
0x67: {  	_ =	shalt  }
0x68: {  	_ =	shalt  }
0x69: {  	_ =	shalt  }
0x6a: {  	_ =	shalt  }
0x6b: {  	_ =	shalt  }
0x6c: {  	_ =	shalt  }
0x6d: {  	_ =	shalt  }
0x6e: {  	_ =	shalt  }
0x6f: {  	_ =	shalt  }
0x70: {  	_ =	shalt  }
0x71: {  	_ =	shalt  }
0x72: {  	_ =	shalt  }
0x73: {  	_ =	shalt  }
0x74: {  	_ =	shalt  }
0x75: {  	_ =	shalt  }
0x76: {  	_ =	shalt  }
0x77: {  	_ =	shalt  }
0x78: {  	_ =	shalt  }
0x79: {  	_ =	shalt  }
0x7a: {  	_ =	shalt  }
0x7b: {  	_ =	shalt  }
0x7c: {  	_ =	shalt  }
0x7d: {  	_ =	shalt  }
0x7e: {  	_ =	shalt  }
0x7f: {  	_ =	shalt  }
0x80: {  	_ =	shalt  }
0x81: {  	_ =	shalt  }
0x82: {  	_ =	shalt  }
0x83: {  	_ =	shalt  }
0x84: {  	_ =	shalt  }
0x85: {  	_ =	shalt  }
0x86: {  	_ =	shalt  }
0x87: {  	_ =	shalt  }
.Lfunc_end0:
.L_simem_size_0:
called_computation.2_lowered:
.L_overlay_start_0:
0x88: {  	s2 =	sld [smem:$0x3FD9]  }
0x89: {  	s3 =	sld [smem:$0x3FFE];
	_ =	sdelay $0x1  }
0x8a: {  	s1 =	srdreg.scid  }
0x8b: {  	s0 =	sand.u32 $0x1, s1  }
0x8c: {  	s16 =	sshll.u32 s0, $0xA;
	s2 =	sadd.s32 s3, s2  }
0x8d: {  	s2 =	sadd.s32 s2, s16  }
0x8e: {  	[smem:$0x3FAC] =	sst s2  }
0x8f: {  	_ = 	snop  }
0x90: {  	(tm) =	ssettm $0x1  }
0x91: {  	s17 =	sld [smem:$0x3FFB];
	_ =	sdelay $0x3  }
0x92: {  	_ =	strace s17  }
0x93: {  	s2 =	sld [smem:$0x3FFC];
	_ =	sdelay $0x3  }
0x94: {  	_ =	strace s2  }
0x95: {  	s2 =	sld [smem:$0x3FFD];
	_ =	sdelay $0x3  }
0x96: {  	_ =	strace s2  }
0x97: {  	_ =	strace $0x8FFFFFFF  }
0x98: {  	s18 =	sld [smem:$0x3FDB];
	_ =	sdelay $0x1  }
0x99: {  	s19 =	simm.s32 $_scs_section_size  }
0x9a: {  	s4 =	simm.s32 $_size__tile_overlayer_lowered;
	s5 =	simm.s32 $_tile_overlayer_lowered  }
0x9b: {  	s22 =	simm.s32 $0x1BFF;
	s21 =	sshll.u32 s5, $0x1;
	s2 =	sadd.s32 s19, s18  }
0x9c: {  	s6 =	simm.s32 $0x0;
	s20 =	sshll.u32 s4, $0x1;
	s4 =	sadd.s32 s21, s2  }
0x9d: {  	[timem:s6], [sflag:s22] =	dma.local [hbm:s4], s20  }
0x9e: {  	_ =	swait.ge [sflag:s22], s20  }
0x9f: {  	s3 =	ssub.s32 $0x0, s20;
	[sflag:s22] =	ssyncset.done $0x0  }
0xa0: {  	[sflag:s22] =	ssyncadd.s32 s3;
	_ =	sdelay $0x1  }
0xa1: {  	s23 =	simm.s32 $0x1B8B  }
0xa2: {  	_ =	swait.ge [sflag:s23], $0x1  }
0xa3: {  	[sflag:s23] =	ssyncset.done $0x0  }
0xa4: {  	s25 =	simm.s32 $0x1B8E;
	s24 =	sld [smem:$0x3FFE];
	[sflag:s23] =	ssyncadd.s32 $0xFFFFFFFF  }
0xa5: {  	s26 =	simm.s32 $execute0_lowered;
	[smem:$0x3FD2] =	sst s25  }
0xa6: {  	s4 =	sshll.u32 s26, $0x1;
	_ =	strace $0x8000004C;
	[dreg:$0x1] =	wrdreg $0xFFFFFFFF  }
0xa7: {  	s28 =	simm.s32 $_size_execute0_lowered;
	s2 =	sadd.s32 s2, s4;
	[dreg:$0x0] =	wrdreg $0x0  }
0xa8: {  	s4 =	sshll.u32 s28, $0x1;
	[dreg:$0x2] =	wrdreg s2  }
0xa9: {  	[dreg:$0x3] =	wrdreg s4  }
0xaa: {  	[dreg:$0x4] =	wrdreg $0xC0  }
0xab: {  	_ =	task [dreg:s6], $0x5FFFF  }
0xac: {  	[dreg:$0x1] =	wrdreg $0xFFFFFFFF  }
0xad: {  	[dreg:$0x0] =	wrdreg $0x60  }
0xae: {  	[dreg:$0x2] =	wrdreg s24  }
0xaf: {  	[dreg:$0x3] =	wrdreg $0x9  }
0xb0: {  	_ =	task.clear_ibuf [dreg:s6], $0x4FFFF;
	_ =	strace $0x9000004C  }
0xb1: {  	s29 =	simm.s32 $0x9;
	_ =	strace $0x8000004E  }
0xb2: {  	_ =	swait.ge [sflag:s29], $0x1  }
0xb3: {  	[sflag:s29] =	ssyncadd.s32 $0xFFFFFFFF  }
0xb4: {  	_ =	strace $0x9000004E  }
0xb5: {  	_ =	sfence  }
0xb6: {  	s30 =	sld [smem:$0x0];
	_ =	sdelay $0x2  }
0xb7: {  	s31 =	sshll.u32 s1, $0xD;
	s1 =	sshrl.u32 s1, $0x2  }
0xb8: {  	s3 =	sand.u32 $0x4000, s31;
	s1 =	sadd.s32 s1, s30  }
0xb9: {  	s0 =	sor.u32 s3, s0;
	s1 =	sshll.u32 s1, $0x11  }
0xba: {  	s0 =	sor.u32 s1, s0  }
0xbb: {  	s0 =	sadd.s32 $0x8F2B, s0  }
0xbc: {  	[sflag:s0] =	ssyncadd.remote.s32 $0x1  }
0xbd: {  	_ =	sfence.sel $0xFFFF  }
0xbe: {  	[dreg:$0x0] =	wrdreg $0xFFFFFFFF;
	(pc) =	sbr.abs _section_cstart, $3  }
0xbf: {  	[dreg:$0x1] =	wrdreg $0xFFFFFFFF  }
0xc0: {  	_ =	task.clear_ibuf [dreg:s6], $0x2FFFF;
	_ =	strace $0x9FFFFFFF  }
0xc1: {  	(tm) =	ssettm $0x7FFFFFFF  }
tec
execute0_lowered:
.L_overlay_start_1:
0x0: {  	(tag) =	ssettag $0x1  }
0x1: {  	s0 =	srdreg.scid  }
0x2: {  	s2 =	stileid.u32;
	s1 =	rddreg [dreg:$0x0]  }
0x3: {  	s11 =	simm.s32 $0xA;
	s13 =	simm.s32 $0x80;
	s14 =	simm.s32 $0x2800  }
0x4: {  	s16 =	simm.s32 $0x6800;
	s19 =	simm.s32 $0x1;
	s20 =	simm.s32 $0x4  }
0x5: {  	s21 =	simm.s32 $0x9;
	s22 =	simm.s32 $0xA800;
	s23 =	simm.s32 $0x16800  }
0x6: {  	s24 =	simm.s32 $0x100;
	s25 =	simm.s32 $0x2;
	s28 =	simm.s32 $0x3  }
0x7: {  	s29 =	simm.s32 $0x6;
	s0 =	sand.u32 $0x1, s0;
	s3 =	sshll.u32 s2, $0x1  }
0x8: {  	s30 =	simm.s32 $0x7;
	s31 =	simm.s32 $0x8;
	s3 =	sor.u32 s0, s3  }
0x9: {  	s2 =	simm.s32 $0x0;
	s4 =	sadd.s32 $0x15C00, s1;
	s6 =	smul.u32 $0x280, s3  }
0xa: {  	s5 =	sadd.s32 $0x3CE00, s1;
	s0 =	ssub.s32 $0x2, s0;
	s3 =	smul.u32 $0x28, s3  }
.Ltmp0:
0xb: {  	[smem:$0x7FF] =	sst s2;
	s7 =	sshrl.u32 s0, $0x1;
	(pc) =	sbr.rel .LBB2_1-.Ltmp0, $4  }
0xc: {  	_ =	strace $0x8000004D;
	s0 =	ssub.s32 s0, s7;
	s9 =	sadd.s32 s6, s1  }
0xd: {  	s8 =	ssub.s32 $0x4E2, s3;
	s6 =	sadd.s32 $0x8B200, s1;
	s10 =	smax.u32 s0, $0x1  }
0xe: {  	s1 =	simm.s32 $0x0;
	s7 =	smin.u32 s8, $0x28;
	s26 =	sadd.s32 $0x10C00, s9  }
0xf: {  	s9 =	sadd.s32 $0xBC00, s9;
	[dreg:$0x2] =	wrdreg s26;
	s26 =	simm.s32 $0x5  }
.LBB2_19:
0x10: {  	_ =	swait.ge [sflag:s30], $0x4000  }
0x11: {  	[sflag:s30] =	ssyncset.done $0x0  }
0x12: {  	s1 =	sadd.s32 $0x1, s1;
	[sflag:s30] =	ssyncadd.s32 $0xFFFFC000  }
0x13: {  	p0 =	sne.s32 s1, s10;
	_ =	swait.ge [sflag:s31], $0x4000  }
.Ltmp1:
0x14: {  	[sflag:s31] =	ssyncset.done $0x0;
	(pc) =	sbr.rel @!p0 .LBB2_20-.Ltmp1, $4  }
0x15: {  	[sflag:s31] =	ssyncadd.s32 $0xFFFFC000  }
0x16: {  	_ =	swait.ge [sflag:s21], $0x4000  }
0x17: {  	[sflag:s21] =	ssyncset.done $0x0  }
0x18: {  	[sflag:s21] =	ssyncadd.s32 $0xFFFFC000  }
.LBB2_1:
0x19: {  	s0 =	rddreg [dreg:$0x2]  }
0x1a: {  	[tilespmem:s2], [sflag:$0xA] =	stream.linear.gather [hbm4b:s0+s2], $0x1400, $0x38;
	[tilespmem:$0x1A800] =	vst v63  }
0x1b: {  	_ =	swait.ge [sflag:s11], $0x1400  }
0x1c: {  	[sflag:s11] =	ssyncset.done $0x0  }
0x1d: {  	s15 =	simm.s32 $0x1400;
	[sflag:s11] =	ssyncadd.s32 $0xFFFFEC00  }
0x1e: {  	[tilespmem:s15], [sflag:$0xA] =	stream.linear.gather [hbm4b:s9+s2], $0x1400, $0x38;
	[tilespmem:$0x1A800] =	vst v63  }
0x1f: {  	_ =	swait.ge [sflag:s11], $0x1400  }
0x20: {  	[sflag:s11] =	ssyncset.done $0x0  }
0x21: {  	[sflag:s11] =	ssyncadd.s32 $0xFFFFEC00  }
0x22: {  	[tilespmem:s14], [sflag:$0x1] =	stream.indirect.gather [hbm4b:s4+s13], $0x80, s2, s13, $0xb8;
	[tilespmem:$0x1A800] =	vst v63  }
0x23: {  	s8 =	simm.s32 $0xE800  }
0x24: {  	[tilespmem:s8], [sflag:$0x4] =	stream.indirect.gather [hbm4b:s5+s13], $0x80, s15, s13, $0xb8;
	[tilespmem:$0x1A800] =	vst v63  }
.Ltmp2:
0x25: {  	_ = 	snop;
	(pc) =	sbr.rel .LBB2_2-.Ltmp2, $4  }
0x26: {  	_ = 	snop  }
0x27: {  	[tilespmem:s16], [sflag:$0x2] =	stream.indirect.gather [hbm4b:s4+s13], $0x80, s13, s13, $0xb8;
	[tilespmem:$0x1A800] =	vst v63  }
0x28: {  	s17 =	simm.s32 $0x1480;
	s18 =	simm.s32 $0x12800;
	s0 =	simm.s32 $0x0  }
0x29: {  	[tilespmem:s18], [sflag:$0x5] =	stream.indirect.gather [hbm4b:s5+s13], $0x80, s17, s13, $0xb8;
	[tilespmem:$0x1A800] =	vst v63  }
.LBB2_18:
0x2a: {  	s0 =	sadd.s32 $0x1, s0  }
0x2b: {  	p0 =	sne.s32 s0, $0xE  }
.Ltmp3:
0x2c: {  	_ = 	snop;
	(pc) =	sbr.rel @!p0 .LBB2_19-.Ltmp3, $1  }
0x2d: {  	_ =	sdelay $0x3  }
.LBB2_2:
0x2e: {  	s15 =	smul.u32 $0x3, s0;
	_ =	sdelay $0x1  }
0x2f: {  	p0 =	sge.u32 s15, s7  }
.Ltmp4:
0x30: {  	_ = 	snop;
	(pc) =	sbr.rel @p0 .LBB2_10-.Ltmp4, $1  }
0x31: {  	_ =	sdelay $0x3  }
0x32: {  	_ =	swait.ge [sflag:s19], $0x4000  }
0x33: {  	[sflag:s19] =	ssyncset.done $0x0  }
0x34: {  	[sflag:s19] =	ssyncadd.s32 $0xFFFFC000  }
0x35: {  	_ =	swait.ge [sflag:s20], $0x4000  }
0x36: {  	[sflag:s20] =	ssyncset.done $0x0  }
0x37: {  	s17 =	simm.s32 $0x0;
	[sflag:s20] =	ssyncadd.s32 $0xFFFFC000  }
0x38: {  	v7 =	vld [tilespmem:s17+$0xE800]  }
0x39: {  	v11 =	vld [tilespmem:s17+$0xE810]  }
0x3a: {  	v5 =	vld [tilespmem:s17+$0xE820]  }
0x3b: {  	v4 =	vld [tilespmem:s17+$0xE830]  }
0x3c: {  	v3 =	vld [tilespmem:s17+$0xE840]  }
0x3d: {  	v2 =	vld [tilespmem:s17+$0xE850]  }
0x3e: {  	v1 =	vld [tilespmem:s17+$0xE860]  }
0x3f: {  	v0 =	vld [tilespmem:s17+$0xE870]  }
0x40: {  	v12 =	vld [tilespmem:s17+$0x2800]  }
0x41: {  	v13 =	vld [tilespmem:s17+$0x2810]  }
0x42: {  	v10 =	vld [tilespmem:s17+$0x2820]  }
0x43: {  	v9 =	vld [tilespmem:s17+$0x2830]  }
0x44: {  	v8 =	vld [tilespmem:s17+$0x2840]  }
0x45: {  	v6 =	vld [tilespmem:s17+$0x2850];
	v12 =	vadd.f32 v7, v12  }
0x46: {  	s18 =	simm.s32 $0x200;
	v11 =	vadd.f32 v11, v13;
	v7 =	vld [tilespmem:s17+$0x2860]  }
.LBB2_4:
0x47: {  	s12 =	sshra.s32 s18, $0x2;
	p0 =	sne.s32 s18, $0xFE00;
	[tilespmem:s17+$0x2800] =	vst v12;
	v5 =	vadd.f32 v5, v10;
	v10 =	vld [tilespmem:s17+$0x2870]  }
0x48: {  	v12 =	vld [tilespmem:s12+$0xE800];
	[tilespmem:s17+$0x2810] =	vst v11;
	v4 =	vadd.f32 v4, v9  }
0x49: {  	v11 =	vld [tilespmem:s12+$0xE810];
	[tilespmem:s17+$0x2820] =	vst v5;
	v3 =	vadd.f32 v3, v8  }
0x4a: {  	v5 =	vld [tilespmem:s12+$0xE820];
	[tilespmem:s17+$0x2830] =	vst v4;
	v2 =	vadd.f32 v2, v6  }
0x4b: {  	v4 =	vld [tilespmem:s12+$0xE830];
	[tilespmem:s17+$0x2840] =	vst v3;
	v1 =	vadd.f32 v1, v7  }
0x4c: {  	v3 =	vld [tilespmem:s12+$0xE840];
	[tilespmem:s17+$0x2850] =	vst v2;
	v0 =	vadd.f32 v0, v10  }
0x4d: {  	v2 =	vld [tilespmem:s12+$0xE850];
	[tilespmem:s17+$0x2860] =	vst v1  }
0x4e: {  	v1 =	vld [tilespmem:s12+$0xE860];
	[tilespmem:s17+$0x2870] =	vst v0;
	s17 =	smov.u32 s12  }
0x4f: {  	v0 =	vld [tilespmem:s17+$0xE870]  }
0x50: {  	v6 =	vld [tilespmem:s17+$0x2800]  }
0x51: {  	v7 =	vld [tilespmem:s17+$0x2810]  }
.Ltmp5:
0x52: {  	v10 =	vld [tilespmem:s17+$0x2820];
	(pc) =	sbr.rel @p0 .LBB2_4-.Ltmp5, $4  }
0x53: {  	v9 =	vld [tilespmem:s17+$0x2830]  }
0x54: {  	v8 =	vld [tilespmem:s17+$0x2840]  }
0x55: {  	v12 =	vadd.f32 v12, v6;
	v6 =	vld [tilespmem:s17+$0x2850]  }
0x56: {  	s18 =	sadd.s32 $0x200, s18;
	v11 =	vadd.f32 v11, v7;
	v7 =	vld [tilespmem:s17+$0x2860]  }
0x57: {  	[tilespmem:s17+$0x2800] =	vst v12;
	v5 =	vadd.f32 v5, v10;
	v63 =	vld [tilespmem:s17+$0x2870]  }
0x58: {  	[tilespmem:s17+$0x2810] =	vst v11;
	v4 =	vadd.f32 v4, v9  }
0x59: {  	[tilespmem:s17+$0x2820] =	vst v5;
	v3 =	vadd.f32 v3, v8  }
0x5a: {  	[tilespmem:s17+$0x2830] =	vst v4;
	v2 =	vadd.f32 v2, v6  }
0x5b: {  	[tilespmem:s17+$0x2840] =	vst v3;
	v1 =	vadd.f32 v1, v7  }
0x5c: {  	s12 =	sadd.s32 s3, s15;
	[tilespmem:s17+$0x2850] =	vst v2;
	v0 =	vadd.f32 v0, v63  }
0x5d: {  	s12 =	sshll.u32 s12, $0xB;
	[tilespmem:s17+$0x2860] =	vst v1  }
0x5e: {  	s12 =	sadd.s32 s6, s12;
	[tilespmem:s17+$0x2870] =	vst v0  }
0x5f: {  	[hbm4b:s12+s2] =	stream.linear.scatter [tilespmem:s14], [sflag:$0x7], $0x4000, $0x38;
	[tilespmem:$0x1A800] =	vst v63  }
0x60: {  	p0 =	seq.s32 s0, $0x0;
	s12 =	sadd.s32 $0x2, s15  }
0x61: {  	p1 =	sge.u32 @!p0 s12, s7  }
0x62: {  	p0 =	por p0, p1  }
.Ltmp6:
0x63: {  	_ = 	snop;
	(pc) =	sbr.rel @p0 .LBB2_7-.Ltmp6, $1  }
0x64: {  	_ =	sdelay $0x3  }
.Ltmp7:
0x65: {  	_ =	swait.ge [sflag:s21], $0x4000;
	(pc) =	sbr.rel .LBB2_9-.Ltmp7, $4  }
0x66: {  	[sflag:s21] =	ssyncset.done $0x0  }
0x67: {  	s12 =	sshll.u32 s12, $0x7;
	[sflag:s21] =	ssyncadd.s32 $0xFFFFC000  }
0x68: {  	[tilespmem:s22], [sflag:$0x3] =	stream.indirect.gather [hbm4b:s4+s13], $0x80, s12, s13, $0xb8;
	[tilespmem:$0x1A800] =	vst v63  }
0x69: {  	s12 =	sadd.s32 $0x1400, s12  }
.LBB2_7:
0x6a: {  	p0 =	sne.s32 s0, $0x0  }
0x6b: {  	p1 =	sge.u32 @!p0 s12, s7  }
0x6c: {  	p0 =	por p0, p1  }
.Ltmp8:
0x6d: {  	_ = 	snop;
	(pc) =	sbr.rel @p0 .LBB2_10-.Ltmp8, $1  }
0x6e: {  	_ =	sdelay $0x3  }
0x6f: {  	[tilespmem:s22], [sflag:$0x3] =	stream.indirect.gather [hbm4b:s4+s13], $0x80, s24, s13, $0xb8;
	[tilespmem:$0x1A800] =	vst v63  }
0x70: {  	s12 =	simm.s32 $0x1500  }
.LBB2_9:
0x71: {  	[tilespmem:s23], [sflag:$0x6] =	stream.indirect.gather [hbm4b:s5+s13], $0x80, s12, s13, $0xb8;
	[tilespmem:$0x1A800] =	vst v63  }
.LBB2_10:
0x72: {  	s17 =	sadd.s32 $0x1, s15  }
0x73: {  	p0 =	sge.u32 s17, s7  }
.Ltmp9:
0x74: {  	_ = 	snop;
	(pc) =	sbr.rel @p0 .LBB2_14-.Ltmp9, $1  }
0x75: {  	_ =	sdelay $0x3  }
0x76: {  	_ =	swait.ge [sflag:s25], $0x4000  }
0x77: {  	[sflag:s25] =	ssyncset.done $0x0  }
0x78: {  	[sflag:s25] =	ssyncadd.s32 $0xFFFFC000  }
0x79: {  	_ =	swait.ge [sflag:s26], $0x4000  }
0x7a: {  	[sflag:s26] =	ssyncset.done $0x0  }
0x7b: {  	s18 =	simm.s32 $0x0;
	[sflag:s26] =	ssyncadd.s32 $0xFFFFC000  }
0x7c: {  	v7 =	vld [tilespmem:s18+$0x12800]  }
0x7d: {  	v11 =	vld [tilespmem:s18+$0x12810]  }
0x7e: {  	v5 =	vld [tilespmem:s18+$0x12820]  }
0x7f: {  	v4 =	vld [tilespmem:s18+$0x12830]  }
0x80: {  	v3 =	vld [tilespmem:s18+$0x12840]  }
0x81: {  	v2 =	vld [tilespmem:s18+$0x12850]  }
0x82: {  	v1 =	vld [tilespmem:s18+$0x12860]  }
0x83: {  	v0 =	vld [tilespmem:s18+$0x12870]  }
0x84: {  	v12 =	vld [tilespmem:s18+$0x6800]  }
0x85: {  	v13 =	vld [tilespmem:s18+$0x6810]  }
0x86: {  	v10 =	vld [tilespmem:s18+$0x6820]  }
0x87: {  	v9 =	vld [tilespmem:s18+$0x6830]  }
0x88: {  	v8 =	vld [tilespmem:s18+$0x6840]  }
0x89: {  	v6 =	vld [tilespmem:s18+$0x6850];
	v12 =	vadd.f32 v7, v12  }
0x8a: {  	s12 =	simm.s32 $0x200;
	v11 =	vadd.f32 v11, v13;
	v7 =	vld [tilespmem:s18+$0x6860]  }
.LBB2_12:
0x8b: {  	s8 =	sshra.s32 s12, $0x2;
	p0 =	sne.s32 s12, $0xFE00;
	[tilespmem:s18+$0x6800] =	vst v12;
	v5 =	vadd.f32 v5, v10;
	v10 =	vld [tilespmem:s18+$0x6870]  }
0x8c: {  	v12 =	vld [tilespmem:s8+$0x12800];
	[tilespmem:s18+$0x6810] =	vst v11;
	v4 =	vadd.f32 v4, v9  }
0x8d: {  	v11 =	vld [tilespmem:s8+$0x12810];
	[tilespmem:s18+$0x6820] =	vst v5;
	v3 =	vadd.f32 v3, v8  }
0x8e: {  	v5 =	vld [tilespmem:s8+$0x12820];
	[tilespmem:s18+$0x6830] =	vst v4;
	v2 =	vadd.f32 v2, v6  }
0x8f: {  	v4 =	vld [tilespmem:s8+$0x12830];
	[tilespmem:s18+$0x6840] =	vst v3;
	v1 =	vadd.f32 v1, v7  }
0x90: {  	v3 =	vld [tilespmem:s8+$0x12840];
	[tilespmem:s18+$0x6850] =	vst v2;
	v0 =	vadd.f32 v0, v10  }
0x91: {  	v2 =	vld [tilespmem:s8+$0x12850];
	[tilespmem:s18+$0x6860] =	vst v1  }
0x92: {  	v1 =	vld [tilespmem:s8+$0x12860];
	[tilespmem:s18+$0x6870] =	vst v0;
	s18 =	smov.u32 s8  }
0x93: {  	v0 =	vld [tilespmem:s18+$0x12870]  }
0x94: {  	v6 =	vld [tilespmem:s18+$0x6800]  }
0x95: {  	v7 =	vld [tilespmem:s18+$0x6810]  }
.Ltmp10:
0x96: {  	v10 =	vld [tilespmem:s18+$0x6820];
	(pc) =	sbr.rel @p0 .LBB2_12-.Ltmp10, $4  }
0x97: {  	v9 =	vld [tilespmem:s18+$0x6830]  }
0x98: {  	v8 =	vld [tilespmem:s18+$0x6840]  }
0x99: {  	v12 =	vadd.f32 v12, v6;
	v6 =	vld [tilespmem:s18+$0x6850]  }
0x9a: {  	s12 =	sadd.s32 $0x200, s12;
	v11 =	vadd.f32 v11, v7;
	v7 =	vld [tilespmem:s18+$0x6860]  }
0x9b: {  	[tilespmem:s18+$0x6800] =	vst v12;
	v5 =	vadd.f32 v5, v10;
	v63 =	vld [tilespmem:s18+$0x6870]  }
0x9c: {  	[tilespmem:s18+$0x6810] =	vst v11;
	v4 =	vadd.f32 v4, v9  }
0x9d: {  	[tilespmem:s18+$0x6820] =	vst v5;
	v3 =	vadd.f32 v3, v8  }
0x9e: {  	[tilespmem:s18+$0x6830] =	vst v4;
	v2 =	vadd.f32 v2, v6  }
0x9f: {  	s8 =	sadd.s32 s3, s17;
	[tilespmem:s18+$0x6840] =	vst v3;
	v1 =	vadd.f32 v1, v7  }
0xa0: {  	s8 =	sshll.u32 s8, $0xB;
	[tilespmem:s18+$0x6850] =	vst v2;
	v0 =	vadd.f32 v0, v63  }
0xa1: {  	s8 =	sand.u32 $0x1FFFF800, s8;
	[tilespmem:s18+$0x6860] =	vst v1  }
0xa2: {  	s8 =	sadd.s32 s6, s8;
	[tilespmem:s18+$0x6870] =	vst v0  }
0xa3: {  	[hbm4b:s8+s2] =	stream.linear.scatter [tilespmem:s16], [sflag:$0x8], $0x4000, $0x38;
	[tilespmem:$0x1A800] =	vst v63  }
0xa4: {  	s8 =	sadd.s32 $0x3, s15  }
0xa5: {  	p0 =	sge.u32 s8, s7  }
0xa6: {  	s12 =	simm.s32 @!p0 $0x7  }
0xa7: {  	_ =	swait.ge @!p0 [sflag:s12], $0x4000  }
0xa8: {  	s8 =	sshll.u32 @!p0 s8, $0x7;
	[sflag:s12] =	ssyncset.done @!p0 $0x0  }
0xa9: {  	s17 =	simm.s32 @!p0 $0x2800;
	[sflag:s12] =	ssyncadd.s32 @!p0 $0xFFFFC000;
	s12 =	simm.s32 @!p0 $0x80  }
0xaa: {  	[tilespmem:s17], [sflag:$0x1] =	stream.indirect.gather @!p0 [hbm4b:s4+s12], $0x80, s8, s12, $0xb8;
	[tilespmem:$0x1A800] =	vst v63  }
0xab: {  	s8 =	sadd.s32 @!p0 $0x1400, s8;
	s17 =	simm.s32 @!p0 $0xE800  }
0xac: {  	[tilespmem:s17], [sflag:$0x4] =	stream.indirect.gather @!p0 [hbm4b:s5+s12], $0x80, s8, s12, $0xb8;
	[tilespmem:$0x1A800] =	vst v63  }
.LBB2_14:
0xad: {  	s17 =	sadd.s32 $0x2, s15  }
0xae: {  	p0 =	sge.u32 s17, s7  }
.Ltmp11:
0xaf: {  	_ = 	snop;
	(pc) =	sbr.rel @p0 .LBB2_18-.Ltmp11, $1  }
0xb0: {  	_ =	sdelay $0x3  }
0xb1: {  	_ =	swait.ge [sflag:s28], $0x4000  }
0xb2: {  	[sflag:s28] =	ssyncset.done $0x0  }
0xb3: {  	[sflag:s28] =	ssyncadd.s32 $0xFFFFC000  }
0xb4: {  	_ =	swait.ge [sflag:s29], $0x4000  }
0xb5: {  	[sflag:s29] =	ssyncset.done $0x0  }
0xb6: {  	s18 =	simm.s32 $0x0;
	[sflag:s29] =	ssyncadd.s32 $0xFFFFC000  }
0xb7: {  	v7 =	vld [tilespmem:s18+$0x16800]  }
0xb8: {  	v11 =	vld [tilespmem:s18+$0x16810]  }
0xb9: {  	v5 =	vld [tilespmem:s18+$0x16820]  }
0xba: {  	v4 =	vld [tilespmem:s18+$0x16830]  }
0xbb: {  	v3 =	vld [tilespmem:s18+$0x16840]  }
0xbc: {  	v2 =	vld [tilespmem:s18+$0x16850]  }
0xbd: {  	v1 =	vld [tilespmem:s18+$0x16860]  }
0xbe: {  	v0 =	vld [tilespmem:s18+$0x16870]  }
0xbf: {  	v12 =	vld [tilespmem:s18+$0xA800]  }
0xc0: {  	v13 =	vld [tilespmem:s18+$0xA810]  }
0xc1: {  	v10 =	vld [tilespmem:s18+$0xA820]  }
0xc2: {  	v9 =	vld [tilespmem:s18+$0xA830]  }
0xc3: {  	v8 =	vld [tilespmem:s18+$0xA840]  }
0xc4: {  	v6 =	vld [tilespmem:s18+$0xA850];
	v12 =	vadd.f32 v7, v12  }
0xc5: {  	s12 =	simm.s32 $0x200;
	v11 =	vadd.f32 v11, v13;
	v7 =	vld [tilespmem:s18+$0xA860]  }
.LBB2_16:
0xc6: {  	s8 =	sshra.s32 s12, $0x2;
	p0 =	sne.s32 s12, $0xFE00;
	[tilespmem:s18+$0xA800] =	vst v12;
	v5 =	vadd.f32 v5, v10;
	v10 =	vld [tilespmem:s18+$0xA870]  }
0xc7: {  	v12 =	vld [tilespmem:s8+$0x16800];
	[tilespmem:s18+$0xA810] =	vst v11;
	v4 =	vadd.f32 v4, v9  }
0xc8: {  	v11 =	vld [tilespmem:s8+$0x16810];
	[tilespmem:s18+$0xA820] =	vst v5;
	v3 =	vadd.f32 v3, v8  }
0xc9: {  	v5 =	vld [tilespmem:s8+$0x16820];
	[tilespmem:s18+$0xA830] =	vst v4;
	v2 =	vadd.f32 v2, v6  }
0xca: {  	v4 =	vld [tilespmem:s8+$0x16830];
	[tilespmem:s18+$0xA840] =	vst v3;
	v1 =	vadd.f32 v1, v7  }
0xcb: {  	v3 =	vld [tilespmem:s8+$0x16840];
	[tilespmem:s18+$0xA850] =	vst v2;
	v0 =	vadd.f32 v0, v10  }
0xcc: {  	v2 =	vld [tilespmem:s8+$0x16850];
	[tilespmem:s18+$0xA860] =	vst v1  }
0xcd: {  	v1 =	vld [tilespmem:s8+$0x16860];
	[tilespmem:s18+$0xA870] =	vst v0;
	s18 =	smov.u32 s8  }
0xce: {  	v0 =	vld [tilespmem:s18+$0x16870]  }
0xcf: {  	v6 =	vld [tilespmem:s18+$0xA800]  }
0xd0: {  	v7 =	vld [tilespmem:s18+$0xA810]  }
.Ltmp12:
0xd1: {  	v10 =	vld [tilespmem:s18+$0xA820];
	(pc) =	sbr.rel @p0 .LBB2_16-.Ltmp12, $4  }
0xd2: {  	v9 =	vld [tilespmem:s18+$0xA830]  }
0xd3: {  	v8 =	vld [tilespmem:s18+$0xA840]  }
0xd4: {  	v12 =	vadd.f32 v12, v6;
	v6 =	vld [tilespmem:s18+$0xA850]  }
0xd5: {  	s12 =	sadd.s32 $0x200, s12;
	v11 =	vadd.f32 v11, v7;
	v7 =	vld [tilespmem:s18+$0xA860]  }
0xd6: {  	[tilespmem:s18+$0xA800] =	vst v12;
	v5 =	vadd.f32 v5, v10;
	v63 =	vld [tilespmem:s18+$0xA870]  }
0xd7: {  	[tilespmem:s18+$0xA810] =	vst v11;
	v4 =	vadd.f32 v4, v9  }
0xd8: {  	[tilespmem:s18+$0xA820] =	vst v5;
	v3 =	vadd.f32 v3, v8  }
0xd9: {  	[tilespmem:s18+$0xA830] =	vst v4;
	v2 =	vadd.f32 v2, v6  }
0xda: {  	s8 =	sadd.s32 s3, s17;
	[tilespmem:s18+$0xA840] =	vst v3;
	v1 =	vadd.f32 v1, v7  }
0xdb: {  	s8 =	sshll.u32 s8, $0xB;
	[tilespmem:s18+$0xA850] =	vst v2;
	v0 =	vadd.f32 v0, v63  }
0xdc: {  	s8 =	sand.u32 $0x1FFFF800, s8;
	[tilespmem:s18+$0xA860] =	vst v1  }
0xdd: {  	s8 =	sadd.s32 s6, s8;
	[tilespmem:s18+$0xA870] =	vst v0  }
0xde: {  	[hbm4b:s8+s2] =	stream.linear.scatter [tilespmem:s22], [sflag:$0x9], $0x4000, $0x38;
	[tilespmem:$0x1A800] =	vst v63  }
0xdf: {  	s8 =	sadd.s32 $0x4, s15  }
0xe0: {  	p0 =	sge.u32 s8, s7  }
0xe1: {  	s12 =	simm.s32 @!p0 $0x8  }
0xe2: {  	_ =	swait.ge @!p0 [sflag:s12], $0x4000  }
.Ltmp13:
0xe3: {  	s8 =	sshll.u32 @!p0 s8, $0x7;
	[sflag:s12] =	ssyncset.done @!p0 $0x0;
	(pc) =	sbr.rel .LBB2_18-.Ltmp13, $4  }
0xe4: {  	s15 =	simm.s32 @!p0 $0x6800;
	[sflag:s12] =	ssyncadd.s32 @!p0 $0xFFFFC000;
	s12 =	simm.s32 @!p0 $0x80  }
0xe5: {  	[tilespmem:s15], [sflag:$0x2] =	stream.indirect.gather @!p0 [hbm4b:s4+s12], $0x80, s8, s12, $0xb8;
	[tilespmem:$0x1A800] =	vst v63  }
0xe6: {  	s8 =	sadd.s32 @!p0 $0x1400, s8;
	s15 =	simm.s32 @!p0 $0x12800  }
0xe7: {  	[tilespmem:s15], [sflag:$0x5] =	stream.indirect.gather @!p0 [hbm4b:s5+s12], $0x80, s8, s12, $0xb8;
	[tilespmem:$0x1A800] =	vst v63  }
.LBB2_20:
0xe8: {  	_ =	sfence.sel $0x180000  }
0xe9: {  	[bflag:$0x0] =	sbarrier.arrive $0xFFFF  }
0xea: {  	_ =	strace $0x9000004D  }
0xeb: {  	s0 =	stileid.u32;
	[bflag:$0x2] =	sbarrier.arrive $0xFFFF  }
0xec: {  	p0 =	sne.s32 s0, $0x0;
	s0 =	rddreg [dreg:$0x1]  }
0xed: {  	s0 =	sadd.s32 @!p0 $0x100000, s0  }
0xee: {  	[sflag:s0] =	ssyncadd.tile.s32 @!p0 $0x1;
	_ =	shalt  }
.Lfunc_end2:
_tile_overlayer_lowered:
.L_overlay_start_2:
0xef: {  	(tag) =	ssettag $0x2  }
0xf0: {  	s0 =	rddreg [dreg:$0x0];
	s2 =	stileid.u32  }
0xf1: {  	s1 =	rddreg [dreg:$0x1];
	p0 =	sne.s32 s2, $0x0  }
0xf2: {  	s3 =	rddreg [dreg:$0x2];
	[bflag:$0x3] =	sbarrier.arrive $0xFFFF;
	s2 =	simm.s32 @!p0 $0x1C0A  }
0xf3: {  	[timem:s3], [sflag:s2] =	dma.local @!p0 [hbm:s0], s1  }
0xf4: {  	s0 =	simm.s32 @!p0 $0xA  }
0xf5: {  	_ =	swait.ge @!p0 [sflag:s0], s1  }
0xf6: {  	s1 =	ssub.s32 @!p0 $0x0, s1;
	[sflag:s0] =	ssyncset.done @!p0 $0x0  }
0xf7: {  	[sflag:s0] =	ssyncadd.s32 @!p0 s1  }
0xf8: {  	[bflag:$0x3] =	sbarrier.arrive $0xFFFF  }
0xf9: {  	_ =	shalt  }

// kernel: kernel.20.cloned.1.call-start
scs
__scs_entry_jumppad:
0x0: {  	(pc) =	sbr.rel $0x88, $3  }
0x1: {  	(tag) =	ssettag $0x0;
	lr =	simm.s32 $0x1  }
0x2: {  	[smem:$0x3F85] =	sst lr;
	_ =	strace $0xD0000000  }
0x3: {  	_ = 	snop  }
0x4: {  	_ = 	snop  }
0x5: {  	_ = 	snop  }
0x6: {  	_ = 	snop  }
0x7: {  	_ = 	snop  }
__scs_overlays_trampoline_lowered:
0x8: {  	[smem:$0x3F94] =	sst s0  }
0x9: {  	[smem:$0x3F95] =	sst s1  }
0xa: {  	[smem:$0x3F96] =	sst s2  }
0xb: {  	[smem:$0x3F97] =	sst s3  }
0xc: {  	[smem:$0x3F98] =	sst s4  }
0xd: {  	[smem:$0x3F99] =	sst s5  }
0xe: {  	[smem:$0x3F9A] =	sst s6  }
0xf: {  	[smem:$0x3F9B] =	sst s7  }
0x10: {  	[smem:$0x3F9C] =	sst s8  }
0x11: {  	[smem:$0x3F9D] =	sst s9;
	s0 =	simm.s32 @!p0 $0x0  }
0x12: {  	s1 =	sld [smem:$0x3F83];
	s0 =	simm.s32 @p0 $0x1  }
0x13: {  	[smem:$0x3F9E] =	sst s0;
	s0 =	simm.s32 @!p1 $0x0  }
0x14: {  	s2 =	sld [smem:$0x3F82];
	s0 =	simm.s32 @p1 $0x1  }
0x15: {  	[smem:$0x3F9F] =	sst s0;
	s0 =	simm.s32 @!p2 $0x0  }
0x16: {  	s3 =	sld [smem:$0x3FDB];
	s0 =	simm.s32 @p2 $0x1  }
0x17: {  	s4 =	simm.s32 $0x1BF5;
	[smem:$0x3FA1] =	sst s0  }
0x18: {  	s0 =	sld [smem:$0x3F84];
	_ =	swait.ge [sflag:s4], $0x0  }
0x19: {  	s7 =	sld [smem:$0x3F85]  }
0x1a: {  	s8 =	sadd.s32 $0xFFFFE003, lr  }
0x1b: {  	s9 =	sadd.s32 $0xFFFFFEF7, lr;
	s5 =	simm.s32 $0xFFFFFFFF;
	p2 =	slt.u32 s8, $0xFFFFF086  }
0x1c: {  	p1 =	slt.u32 s9, $0xF7A;
	s5 =	simm.s32 @!p2 $0x0  }
0x1d: {  	s5 =	simm.s32 @p1 $0x1;
	p0 =	seq.s32 s7, s2  }
0x1e: {  	s7 =	smul.u32 @!p0 $0xF7A, s2;
	p2 =	seq.s32 @!p0 s5, $0x0  }
0x1f: {  	s9 =	smul.u32 $0xF7A, s1;
	s8 =	simm.s32 @!p0 $0x1BF5;
	p2 =	por !p2, p0  }
0x20: {  	[sflag:s8] =	ssyncset.s32 @!p0 $0xFFFFF086;
	s6 =	sadd.s32 @!p0 s3, s7;
	s7 =	simm.s32 @!p0 $0x108  }
0x21: {  	s3 =	sadd.s32 s3, s9;
	s6 =	sadd.s32 @!p0 $0x88, s6;
	s7 =	simm.s32 @p2 $0x1082  }
0x22: {  	[simem:s7], [sflag:s8] =	dma.local @!p0 [hbm:s6], $0xF7A  }
0x23: {  	s9 =	sor.u32 $0xD0000000, s2;
	s6 =	simm.s32 $0x108;
	_ =	swait.ge @!p0 [sflag:s8], $0x0  }
0x24: {  	s3 =	sadd.s32 $0x88, s3;
	s6 =	simm.s32 @!p1 $0x1082;
	[sflag:s4] =	ssyncset.s32 $0xFFFFF086  }
0x25: {  	[simem:s6], [sflag:s4] =	dma.local [hbm:s3], $0xF7A  }
0x26: {  	[smem:$0x3F85] =	sst s1;
	(tag) =	ssettag s2;
	_ =	strace s9  }
0x27: {  	s1 =	sld [smem:$0x3F95]  }
0x28: {  	s2 =	sld [smem:$0x3F96]  }
0x29: {  	s4 =	sld [smem:$0x3F98]  }
0x2a: {  	p0 =	seq.s32 s5, $0x0;
	s5 =	sld [smem:$0x3F99]  }
0x2b: {  	s6 =	sld [smem:$0x3F9A]  }
0x2c: {  	s7 =	sld [smem:$0x3F9B]  }
0x2d: {  	s3 =	simm.s32 $0x108;
	s8 =	sld [smem:$0x3F9C]  }
0x2e: {  	s3 =	simm.s32 @!p0 $0x1082;
	s9 =	sld [smem:$0x3F9D]  }
0x2f: {  	lr =	sadd.s32 s0, s3;
	s0 =	sld [smem:$0x3F94]  }
0x30: {  	s3 =	sld [smem:$0x3F97]  }
0x31: {  	[smem:$0x3FA0] =	sst s10  }
0x32: {  	s10 =	sld [smem:$0x3F9E];
	_ =	sdelay $0x3  }
0x33: {  	p0 =	seq.s32 s10, $0x1;
	s10 =	sld [smem:$0x3FA0];
	_ =	sdelay $0x3  }
0x34: {  	[smem:$0x3FA0] =	sst s10  }
0x35: {  	s10 =	sld [smem:$0x3F9F];
	_ =	sdelay $0x3  }
0x36: {  	p1 =	seq.s32 s10, $0x1;
	s10 =	sld [smem:$0x3FA0];
	_ =	sdelay $0x3  }
0x37: {  	[smem:$0x3FA0] =	sst s10  }
0x38: {  	s10 =	sld [smem:$0x3FA1]  }
0x39: {  	_ = 	snop;
	(pc) =	sbr.ind lr, $3  }
0x3a: {  	_ = 	snop  }
0x3b: {  	_ = 	snop  }
0x3c: {  	p2 =	seq.s32 s10, $0x1;
	s10 =	sld [smem:$0x3FA0]  }
0x3d: {  	_ =	shalt  }
0x3e: {  	_ =	shalt  }
0x3f: {  	_ =	shalt  }
0x40: {  	_ =	shalt  }
0x41: {  	_ =	shalt  }
0x42: {  	_ =	shalt  }
0x43: {  	_ =	shalt  }
0x44: {  	_ =	shalt  }
0x45: {  	_ =	shalt  }
0x46: {  	_ =	shalt  }
0x47: {  	_ =	shalt  }
0x48: {  	_ =	shalt  }
0x49: {  	_ =	shalt  }
0x4a: {  	_ =	shalt  }
0x4b: {  	_ =	shalt  }
0x4c: {  	_ =	shalt  }
0x4d: {  	_ =	shalt  }
0x4e: {  	_ =	shalt  }
0x4f: {  	_ =	shalt  }
0x50: {  	_ =	shalt  }
0x51: {  	_ =	shalt  }
0x52: {  	_ =	shalt  }
0x53: {  	_ =	shalt  }
0x54: {  	_ =	shalt  }
0x55: {  	_ =	shalt  }
0x56: {  	_ =	shalt  }
0x57: {  	_ =	shalt  }
0x58: {  	_ =	shalt  }
0x59: {  	_ =	shalt  }
0x5a: {  	_ =	shalt  }
0x5b: {  	_ =	shalt  }
0x5c: {  	_ =	shalt  }
0x5d: {  	_ =	shalt  }
0x5e: {  	_ =	shalt  }
0x5f: {  	_ =	shalt  }
0x60: {  	_ =	shalt  }
0x61: {  	_ =	shalt  }
0x62: {  	_ =	shalt  }
0x63: {  	_ =	shalt  }
0x64: {  	_ =	shalt  }
0x65: {  	_ =	shalt  }
0x66: {  	_ =	shalt  }
0x67: {  	_ =	shalt  }
0x68: {  	_ =	shalt  }
0x69: {  	_ =	shalt  }
0x6a: {  	_ =	shalt  }
0x6b: {  	_ =	shalt  }
0x6c: {  	_ =	shalt  }
0x6d: {  	_ =	shalt  }
0x6e: {  	_ =	shalt  }
0x6f: {  	_ =	shalt  }
0x70: {  	_ =	shalt  }
0x71: {  	_ =	shalt  }
0x72: {  	_ =	shalt  }
0x73: {  	_ =	shalt  }
0x74: {  	_ =	shalt  }
0x75: {  	_ =	shalt  }
0x76: {  	_ =	shalt  }
0x77: {  	_ =	shalt  }
0x78: {  	_ =	shalt  }
0x79: {  	_ =	shalt  }
0x7a: {  	_ =	shalt  }
0x7b: {  	_ =	shalt  }
0x7c: {  	_ =	shalt  }
0x7d: {  	_ =	shalt  }
0x7e: {  	_ =	shalt  }
0x7f: {  	_ =	shalt  }
0x80: {  	_ =	shalt  }
0x81: {  	_ =	shalt  }
0x82: {  	_ =	shalt  }
0x83: {  	_ =	shalt  }
0x84: {  	_ =	shalt  }
0x85: {  	_ =	shalt  }
0x86: {  	_ =	shalt  }
0x87: {  	_ =	shalt  }
.Lfunc_end0:
.L_simem_size_0:
called_computation.3_lowered:
.L_overlay_start_0:
0x88: {  	s2 =	sld [smem:$0x3FD9]  }
0x89: {  	s3 =	sld [smem:$0x3FFE];
	_ =	sdelay $0x1  }
0x8a: {  	s1 =	srdreg.scid  }
0x8b: {  	s0 =	sand.u32 $0x1, s1  }
0x8c: {  	s16 =	sshll.u32 s0, $0xA;
	s2 =	sadd.s32 s3, s2  }
0x8d: {  	s2 =	sadd.s32 s2, s16  }
0x8e: {  	[smem:$0x3FAC] =	sst s2  }
0x8f: {  	_ = 	snop  }
0x90: {  	(tm) =	ssettm $0x1  }
0x91: {  	s17 =	sld [smem:$0x3FFB];
	_ =	sdelay $0x3  }
0x92: {  	_ =	strace s17  }
0x93: {  	s2 =	sld [smem:$0x3FFC];
	_ =	sdelay $0x3  }
0x94: {  	_ =	strace s2  }
0x95: {  	s2 =	sld [smem:$0x3FFD];
	_ =	sdelay $0x3  }
0x96: {  	_ =	strace s2  }
0x97: {  	_ =	strace $0x8FFFFFFF  }
0x98: {  	s18 =	sld [smem:$0x3FDB];
	_ =	sdelay $0x1  }
0x99: {  	s19 =	simm.s32 $_scs_section_size  }
0x9a: {  	s4 =	simm.s32 $_size__tile_overlayer_lowered;
	s5 =	simm.s32 $_tile_overlayer_lowered  }
0x9b: {  	s22 =	simm.s32 $0x1BFF;
	s21 =	sshll.u32 s5, $0x1;
	s2 =	sadd.s32 s19, s18  }
0x9c: {  	s6 =	simm.s32 $0x0;
	s20 =	sshll.u32 s4, $0x1;
	s4 =	sadd.s32 s21, s2  }
0x9d: {  	[timem:s6], [sflag:s22] =	dma.local [hbm:s4], s20  }
0x9e: {  	_ =	swait.ge [sflag:s22], s20  }
0x9f: {  	s3 =	ssub.s32 $0x0, s20;
	[sflag:s22] =	ssyncset.done $0x0  }
0xa0: {  	[sflag:s22] =	ssyncadd.s32 s3;
	_ =	sdelay $0x1  }
0xa1: {  	s23 =	simm.s32 $0x1B8B  }
0xa2: {  	_ =	swait.ge [sflag:s23], $0x1  }
0xa3: {  	[sflag:s23] =	ssyncset.done $0x0  }
0xa4: {  	s25 =	simm.s32 $0x1B8E;
	s24 =	sld [smem:$0x3FFE];
	[sflag:s23] =	ssyncadd.s32 $0xFFFFFFFF  }
0xa5: {  	s26 =	simm.s32 $execute0_lowered;
	[smem:$0x3FD2] =	sst s25  }
0xa6: {  	s4 =	sshll.u32 s26, $0x1;
	_ =	strace $0x8000004F;
	[dreg:$0x1] =	wrdreg $0xFFFFFFFF  }
0xa7: {  	s28 =	simm.s32 $_size_execute0_lowered;
	s2 =	sadd.s32 s2, s4;
	[dreg:$0x0] =	wrdreg $0x0  }
0xa8: {  	s4 =	sshll.u32 s28, $0x1;
	[dreg:$0x2] =	wrdreg s2  }
0xa9: {  	[dreg:$0x3] =	wrdreg s4  }
0xaa: {  	[dreg:$0x4] =	wrdreg $0xC0  }
0xab: {  	_ =	task [dreg:s6], $0x5FFFF  }
0xac: {  	[dreg:$0x1] =	wrdreg $0xFFFFFFFF  }
0xad: {  	[dreg:$0x0] =	wrdreg $0x60  }
0xae: {  	[dreg:$0x2] =	wrdreg s24  }
0xaf: {  	[dreg:$0x3] =	wrdreg $0x0  }
0xb0: {  	[dreg:$0x4] =	wrdreg $0x9  }
0xb1: {  	_ =	task.clear_ibuf [dreg:s6], $0x5FFFF;
	_ =	strace $0x9000004F  }
0xb2: {  	s29 =	simm.s32 $0x9;
	_ =	strace $0x80000051  }
0xb3: {  	_ =	swait.ge [sflag:s29], $0x1  }
0xb4: {  	[sflag:s29] =	ssyncadd.s32 $0xFFFFFFFF  }
0xb5: {  	_ =	strace $0x90000051  }
0xb6: {  	_ =	sfence  }
0xb7: {  	s30 =	sld [smem:$0x0];
	_ =	sdelay $0x2  }
0xb8: {  	s31 =	sshll.u32 s1, $0xD;
	s1 =	sshrl.u32 s1, $0x2  }
0xb9: {  	s3 =	sand.u32 $0x4000, s31;
	s1 =	sadd.s32 s1, s30  }
0xba: {  	s0 =	sor.u32 s3, s0;
	s1 =	sshll.u32 s1, $0x11  }
0xbb: {  	s0 =	sor.u32 s1, s0  }
0xbc: {  	s0 =	sadd.s32 $0x8F2B, s0  }
0xbd: {  	[sflag:s0] =	ssyncadd.remote.s32 $0x1  }
0xbe: {  	_ =	sfence.sel $0xFFFF  }
0xbf: {  	[dreg:$0x0] =	wrdreg $0xFFFFFFFF;
	(pc) =	sbr.abs _section_cstart, $3  }
0xc0: {  	[dreg:$0x1] =	wrdreg $0xFFFFFFFF  }
0xc1: {  	_ =	task.clear_ibuf [dreg:s6], $0x2FFFF;
	_ =	strace $0x9FFFFFFF  }
0xc2: {  	(tm) =	ssettm $0x7FFFFFFF  }
0xc3: {  	_ =	shalt  }
tec
execute0_lowered:
.L_overlay_start_1:
0x0: {  	(tag) =	ssettag $0x1  }
0x1: {  	s0 =	rddreg [dreg:$0x0];
	s9 =	stileid.u32  }
0x2: {  	s1 =	rddreg [dreg:$0x1];
	s5 =	smul.u32 $0x13800, s9  }
0x3: {  	s3 =	simm.s32 $0x0;
	s2 =	srdreg.scid;
	s8 =	smul.u32 $0x4E000, s9  }
0x4: {  	s20 =	simm.s32 $0x13880;
	s2 =	sand.u32 $0x1, s2;
	s13 =	smul.u32 $0x50, s9  }
0x5: {  	s21 =	simm.s32 $0x5;
	s6 =	sshll.u32 s9, $0x1;
	s4 =	smul.u32 $0x138800, s2  }
0x6: {  	s10 =	sor.u32 s2, s6;
	s23 =	ssub.s32 $0x2, s2;
	s2 =	smul.u32 $0x28, s2  }
0x7: {  	[smem:$0x7FF] =	sst s3;
	s18 =	sadd.s32 $0x56D200, s0;
	s6 =	smul.u32 $0x28, s10  }
0x8: {  	s17 =	sadd.s32 $0x6C00, s0;
	_ =	strace $0x80000050;
	s11 =	smul.u32 $0x14000, s10  }
0x9: {  	s7 =	sshrl.u32 s23, $0x1;
	s25 =	sshrl.u32 s8, $0x2;
	s12 =	smul.u32 $0x1400, s10  }
0xa: {  	s14 =	smul.u32 $0x280, s10;
	s4 =	sadd.s32 s5, s4;
	s15 =	ssub.s32 s23, s7  }
0xb: {  	s5 =	sadd.s32 s25, s1;
	s2 =	sadd.s32 s2, s13;
	s4 =	sshrl.u32 s4, $0x3  }
0xc: {  	s24 =	ssub.s32 $0x4E2, s6;
	s26 =	sadd.s32 $0x4000, s5;
	s28 =	sadd.s32 $0x8000, s5  }
0xd: {  	s8 =	sadd.s32 $0xC000, s5;
	s9 =	sadd.s32 $0x10000, s5;
	s10 =	sadd.s32 s18, s11  }
0xe: {  	s16 =	sor.u32 $0x80, s12;
	s11 =	sadd.s32 s17, s14;
	s13 =	sor.u32 $0x2, s2  }
0xf: {  	s15 =	smax.u32 s15, $0x1;
	s31 =	sshll.u32 s2, $0x4;
	s2 =	sshll.u32 s2, $0xB  }
0x10: {  	s0 =	sadd.s32 s4, s0;
	s4 =	smin.u32 s24, $0x28;
	[dreg:$0x3] =	wrdreg s26  }
0x11: {  	[dreg:$0x4] =	wrdreg s28;
	s12 =	sshll.u32 s16, $0x4;
	s29 =	sshrl.u32 s16, $0x3  }
0x12: {  	s19 =	sshrl.u32 s13, $0x1;
	s2 =	sadd.s32 s2, s18;
	s12 =	sadd.s32 s18, s12  }
0x13: {  	s13 =	sadd.s32 s17, s29;
	s14 =	sadd.s32 $0xBC00, s0;
	s30 =	sshll.u32 s19, $0x5  }
0x14: {  	s19 =	sshll.u32 s19, $0xC;
	s0 =	sadd.s32 s31, s17;
	s16 =	sadd.s32 s30, s17  }
0x15: {  	v0 =	vimm.f32 $0.0e+00;
	s17 =	sadd.s32 s19, s18;
	s0 =	sadd.s32 $0x30, s0;
	s19 =	sadd.s32 $0x1800, s2  }
.LBB2_1:
0x16: {  	s2 =	simm.s32 $0x0;
	s18 =	simm.s32 $0x200  }
.LBB2_2:
0x17: {  	p0 =	sne.s32 s18, $0xFE00;
	[tilespmem:s2+$0x138F0] =	vst v0  }
0x18: {  	[tilespmem:s2+$0x13880] =	vst v0  }
0x19: {  	[tilespmem:s2+$0x13890] =	vst v0  }
.Ltmp0:
0x1a: {  	[tilespmem:s2+$0x138A0] =	vst v0;
	(pc) =	sbr.rel @p0 .LBB2_2-.Ltmp0, $4  }
0x1b: {  	[tilespmem:s2+$0x138B0] =	vst v0  }
0x1c: {  	[tilespmem:s2+$0x138C0] =	vst v0  }
0x1d: {  	[tilespmem:s2+$0x138D0] =	vst v0  }
0x1e: {  	[tilespmem:s2+$0x138E0] =	vst v0;
	s2 =	sshra.s32 s18, $0x2;
	s18 =	sadd.s32 $0x200, s18  }
0x1f: {  	[tilespmem:s2+$0x138F0] =	vst v0  }
0x20: {  	[tilespmem:s2+$0x13880] =	vst v0  }
0x21: {  	[tilespmem:s2+$0x13890] =	vst v0  }
0x22: {  	[tilespmem:s2+$0x138A0] =	vst v0  }
0x23: {  	[tilespmem:s2+$0x138B0] =	vst v0  }
0x24: {  	[tilespmem:s2+$0x138C0] =	vst v0  }
0x25: {  	[tilespmem:s2+$0x138D0] =	vst v0  }
0x26: {  	[tilespmem:s2+$0x138E0] =	vst v0  }
0x27: {  	[spmem:s5] =	stream.linear.scatter [tilespmem:s20], [sflag:$0x5], $0x4000, $0x38;
	[tilespmem:$0x1B980] =	vst v63  }
0x28: {  	_ =	swait.ge [sflag:s21], $0x4000  }
0x29: {  	[sflag:s21] =	ssyncset.done $0x0  }
0x2a: {  	s22 =	rddreg [dreg:$0x3];
	[sflag:s21] =	ssyncadd.s32 $0xFFFFC000  }
0x2b: {  	[spmem:s22] =	stream.linear.scatter [tilespmem:s20], [sflag:$0x5], $0x4000, $0x38;
	[tilespmem:$0x1B980] =	vst v63  }
0x2c: {  	_ =	swait.ge [sflag:s21], $0x4000  }
0x2d: {  	[sflag:s21] =	ssyncset.done $0x0  }
0x2e: {  	s23 =	rddreg [dreg:$0x4];
	[sflag:s21] =	ssyncadd.s32 $0xFFFFC000  }
0x2f: {  	[spmem:s23] =	stream.linear.scatter [tilespmem:s20], [sflag:$0x5], $0x4000, $0x38;
	[tilespmem:$0x1B980] =	vst v63  }
0x30: {  	_ =	swait.ge [sflag:s21], $0x4000  }
0x31: {  	[sflag:s21] =	ssyncset.done $0x0  }
0x32: {  	[sflag:s21] =	ssyncadd.s32 $0xFFFFC000  }
0x33: {  	[spmem:s8] =	stream.linear.scatter [tilespmem:s20], [sflag:$0x5], $0x4000, $0x38;
	[tilespmem:$0x1B980] =	vst v63  }
0x34: {  	_ =	swait.ge [sflag:s21], $0x4000  }
0x35: {  	[sflag:s21] =	ssyncset.done $0x0  }
0x36: {  	[sflag:s21] =	ssyncadd.s32 $0xFFFFC000  }
0x37: {  	[spmem:s9] =	stream.linear.scatter [tilespmem:s20], [sflag:$0x5], $0x4000, $0x38;
	[tilespmem:$0x1B980] =	vst v63  }
0x38: {  	_ =	swait.ge [sflag:s21], $0x4000  }
0x39: {  	[sflag:s21] =	ssyncset.done $0x0  }
0x3a: {  	[sflag:s21] =	ssyncadd.s32 $0xFFFFC000  }
0x3b: {  	s24 =	simm.s32 $0x0;
	[bflag:$0x0] =	sbarrier.arrive $0xFFFF  }
0x3c: {  	[tilespmem:s20], [sflag:$0x1] =	stream.linear.gather [hbm4b:s10+s24], $0x4000, $0x38;
	[tilespmem:$0x1B980] =	vst v63  }
0x3d: {  	s6 =	simm.s32 $0x1B880;
	p1 =	sle.u32 s4, $0x0  }
0x3e: {  	[tilespmem:s6], [sflag:$0x3] =	stream.linear.gather [hbm4b:s11+s24], $0x80, $0x38;
	[tilespmem:$0x1B980] =	vst v63  }
0x3f: {  	s25 =	simm.s32 $0x17880;
	p0 =	por p1, p1  }
0x40: {  	[tilespmem:s25], [sflag:$0x2] =	stream.linear.gather [hbm4b:s12+s24], $0x4000, $0x38;
	[tilespmem:$0x1B980] =	vst v63  }
0x41: {  	s26 =	simm.s32 $0x1B900;
	s2 =	simm.s32 @!p0 $0x1  }
0x42: {  	[tilespmem:s26], [sflag:$0x4] =	stream.linear.gather [hbm4b:s13+s24], $0x80, $0x38;
	[tilespmem:$0x1B980] =	vst v63  }
0x43: {  	_ =	swait.ge @!p0 [sflag:s2], $0x4000  }
0x44: {  	[sflag:s2] =	ssyncset.done @!p0 $0x0  }
0x45: {  	[sflag:s2] =	ssyncadd.s32 @!p0 $0xFFFFC000;
	s2 =	simm.s32 @!p0 $0x3  }
0x46: {  	p1 =	sle.u32 @!p1 s4, $0x2;
	_ =	swait.ge @!p0 [sflag:s2], $0x80  }
0x47: {  	s18 =	simm.s32 @!p0 $0x13880;
	s22 =	simm.s32 @!p0 $0x5;
	[sflag:s2] =	ssyncset.done @!p0 $0x0  }
0x48: {  	s23 =	simm.s32 @!p0 $0x1B880;
	[sflag:s2] =	ssyncadd.s32 @!p0 $0xFFFFFF80;
	s2 =	simm.s32 @!p0 $0x80  }
0x49: {  	[spmem:s1] =	stream.indirect.scatter.add.f32 @!p0 [tilespmem:s18], [sflag:$0x5], $0x80, s23, s2, $0xb8;
	[tilespmem:$0x1B980] =	vst v63  }
0x4a: {  	p1 =	por p1, p1;
	_ =	swait.ge @!p0 [sflag:s22], $0x4000  }
0x4b: {  	p2 =	por p1, p0;
	[sflag:s22] =	ssyncset.done @!p0 $0x0  }
0x4c: {  	s2 =	simm.s32 @!p2 $0x0;
	s18 =	simm.s32 @!p2 $0x13880;
	[sflag:s22] =	ssyncadd.s32 @!p0 $0xFFFFC000  }
0x4d: {  	[tilespmem:s18], [sflag:$0x1] =	stream.linear.gather @!p2 [hbm4b:s17+s2], $0x4000, $0x38;
	[tilespmem:$0x1B980] =	vst v63  }
0x4e: {  	s31 =	simm.s32 $0x4;
	p1 =	sle.u32 s4, $0x1;
	s18 =	simm.s32 @!p2 $0x1B880  }
0x4f: {  	[tilespmem:s18], [sflag:$0x3] =	stream.linear.gather @!p2 [hbm4b:s16+s2], $0x80, $0x38;
	[tilespmem:$0x1B980] =	vst v63  }
0x50: {  	s28 =	sadd.s32 $0x1000, s19;
	s30 =	sadd.s32 $0x1000, s17;
	s2 =	simm.s32 @!p1 $0x2  }
0x51: {  	s29 =	sadd.s32 $0x20, s16;
	p3 =	sle.u32 @!p1 s4, $0x3;
	_ =	swait.ge @!p1 [sflag:s2], $0x4000  }
0x52: {  	p4 =	por p3, p1;
	s25 =	simm.s32 $0x2;
	[sflag:s2] =	ssyncset.done @!p1 $0x0  }
0x53: {  	s26 =	sadd.s32 $0x20, s0;
	s18 =	simm.s32 @!p1 $0x4;
	[sflag:s2] =	ssyncadd.s32 @!p1 $0xFFFFC000  }
0x54: {  	s23 =	simm.s32 @!p1 $0x1B900;
	p0 =	sle.u32 s4, $0x2;
	_ =	swait.ge @!p1 [sflag:s18], $0x80  }
0x55: {  	s22 =	simm.s32 @!p1 $0x80;
	p2 =	sle.u32 @!p0 s4, $0x4;
	[sflag:s18] =	ssyncset.done @!p1 $0x0  }
0x56: {  	s2 =	simm.s32 @!p1 $0x17880;
	[sflag:s18] =	ssyncadd.s32 @!p1 $0xFFFFFF80;
	s18 =	simm.s32 @!p1 $0x5  }
0x57: {  	[spmem:s1] =	stream.indirect.scatter.add.f32 @!p1 [tilespmem:s2], [sflag:$0x5], $0x80, s23, s22, $0xb8;
	[tilespmem:$0x1B980] =	vst v63  }
0x58: {  	p0 =	por p0, p0;
	s22 =	simm.s32 @!p4 $0x0;
	_ =	swait.ge @!p1 [sflag:s18], $0x4000  }
0x59: {  	s2 =	simm.s32 @!p4 $0x17880;
	s23 =	simm.s32 @!p4 $0x1B900;
	[sflag:s18] =	ssyncset.done @!p1 $0x0  }
0x5a: {  	[sflag:s18] =	ssyncadd.s32 @!p1 $0xFFFFC000;
	p1 =	por p2, p2;
	s18 =	smov.u32 s0  }
0x5b: {  	[tilespmem:s2], [sflag:$0x2] =	stream.linear.gather @!p4 [hbm4b:s19+s22], $0x4000, $0x38;
	[tilespmem:$0x1B980] =	vst v63  }
.LBB2_4:
0x5c: {  	p3 =	sge.u32 s31, s4;
	s24 =	simm.s32 @!p0 $0x1  }
0x5d: {  	s6 =	smov.u32 s31;
	s31 =	sadd.s32 $0x2, s31;
	s2 =	smov.u32 s28  }
0x5e: {  	[tilespmem:s23], [sflag:$0x4] =	stream.linear.gather @!p4 [hbm4b:s18+s22], $0x80, $0x38;
	[tilespmem:$0x1B980] =	vst v63  }
0x5f: {  	s18 =	sadd.s32 @!p3 $0x2, s6;
	p2 =	sne.s32 s31, $0x28;
	_ =	swait.ge @!p0 [sflag:s24], $0x4000  }
0x60: {  	p4 =	sge.u32 @!p3 s18, s4;
	s18 =	smov.u32 s26;
	[sflag:s24] =	ssyncset.done @!p0 $0x0  }
0x61: {  	s22 =	simm.s32 @!p0 $0x3;
	[sflag:s24] =	ssyncadd.s32 @!p0 $0xFFFFC000  }
0x62: {  	_ =	swait.ge @!p0 [sflag:s22], $0x80  }
0x63: {  	s23 =	simm.s32 @!p0 $0x13880;
	s24 =	simm.s32 @!p0 $0x5;
	[sflag:s22] =	ssyncset.done @!p0 $0x0  }
0x64: {  	s7 =	simm.s32 @!p0 $0x1B880;
	[sflag:s22] =	ssyncadd.s32 @!p0 $0xFFFFFF80;
	s22 =	simm.s32 @!p0 $0x80  }
0x65: {  	[spmem:s1] =	stream.indirect.scatter.add.f32 @!p0 [tilespmem:s23], [sflag:$0x5], $0x80, s7, s22, $0xb8;
	[tilespmem:$0x1B980] =	vst v63  }
0x66: {  	_ =	swait.ge @!p0 [sflag:s24], $0x4000  }
0x67: {  	p1 =	por p1, p0;
	s7 =	sadd.s32 $0x1, s25;
	[sflag:s24] =	ssyncset.done @!p0 $0x0  }
0x68: {  	s22 =	simm.s32 @!p1 $0x0;
	s23 =	simm.s32 @!p1 $0x13880;
	[sflag:s24] =	ssyncadd.s32 @!p0 $0xFFFFC000  }
0x69: {  	[tilespmem:s23], [sflag:$0x1] =	stream.linear.gather @!p1 [hbm4b:s30+s22], $0x4000, $0x38;
	[tilespmem:$0x1B980] =	vst v63  }
0x6a: {  	p5 =	sge.u32 s7, s4;
	p0 =	por p3, p3;
	s23 =	simm.s32 @!p1 $0x1B880  }
0x6b: {  	[tilespmem:s23], [sflag:$0x3] =	stream.linear.gather @!p1 [hbm4b:s29+s22], $0x80, $0x38;
	[tilespmem:$0x1B980] =	vst v63  }
0x6c: {  	s7 =	simm.s32 @!p5 $0x2;
	s22 =	sadd.s32 @!p5 $0x3, s25;
	s25 =	smov.u32 s6  }
0x6d: {  	p1 =	por p4, p4;
	p3 =	sge.u32 @!p5 s22, s4;
	_ =	swait.ge @!p5 [sflag:s7], $0x4000  }
0x6e: {  	s6 =	simm.s32 @!p5 $0x4;
	[sflag:s7] =	ssyncset.done @!p5 $0x0  }
0x6f: {  	[sflag:s7] =	ssyncadd.s32 @!p5 $0xFFFFC000  }
0x70: {  	s28 =	sadd.s32 $0x1000, s28;
	s7 =	simm.s32 @!p5 $0x17880;
	_ =	swait.ge @!p5 [sflag:s6], $0x80  }
0x71: {  	s23 =	simm.s32 @!p5 $0x1B900;
	s22 =	simm.s32 @!p5 $0x80;
	[sflag:s6] =	ssyncset.done @!p5 $0x0  }
0x72: {  	s26 =	sadd.s32 $0x20, s26;
	[sflag:s6] =	ssyncadd.s32 @!p5 $0xFFFFFF80;
	s6 =	simm.s32 @!p5 $0x5  }
0x73: {  	[spmem:s1] =	stream.indirect.scatter.add.f32 @!p5 [tilespmem:s7], [sflag:$0x5], $0x80, s23, s22, $0xb8;
	[tilespmem:$0x1B980] =	vst v63  }
.Ltmp1:
0x74: {  	_ = 	snop;
	(pc) =	sbr.rel @p2 .LBB2_4-.Ltmp1, $4  }
0x75: {  	s30 =	sadd.s32 $0x1000, s30;
	p4 =	por p3, p5;
	_ =	swait.ge @!p5 [sflag:s6], $0x4000  }
0x76: {  	s22 =	simm.s32 @!p4 $0x0;
	s7 =	simm.s32 @!p4 $0x17880;
	[sflag:s6] =	ssyncset.done @!p5 $0x0  }
0x77: {  	s29 =	sadd.s32 $0x20, s29;
	s23 =	simm.s32 @!p4 $0x1B900;
	[sflag:s6] =	ssyncadd.s32 @!p5 $0xFFFFC000  }
0x78: {  	[tilespmem:s7], [sflag:$0x2] =	stream.linear.gather @!p4 [hbm4b:s2+s22], $0x4000, $0x38;
	[tilespmem:$0x1B980] =	vst v63  }
0x79: {  	s2 =	simm.s32 @!p0 $0x1  }
0x7a: {  	[tilespmem:s23], [sflag:$0x4] =	stream.linear.gather @!p4 [hbm4b:s18+s22], $0x80, $0x38;
	[tilespmem:$0x1B980] =	vst v63  }
0x7b: {  	_ =	swait.ge @!p0 [sflag:s2], $0x4000  }
0x7c: {  	[sflag:s2] =	ssyncset.done @!p0 $0x0  }
0x7d: {  	[sflag:s2] =	ssyncadd.s32 @!p0 $0xFFFFC000;
	s2 =	simm.s32 @!p0 $0x3  }
0x7e: {  	_ =	swait.ge @!p0 [sflag:s2], $0x80  }
0x7f: {  	s6 =	simm.s32 @!p0 $0x13880;
	s7 =	simm.s32 @!p0 $0x5;
	[sflag:s2] =	ssyncset.done @!p0 $0x0  }
0x80: {  	s18 =	simm.s32 @!p0 $0x1B880;
	[sflag:s2] =	ssyncadd.s32 @!p0 $0xFFFFFF80;
	s2 =	simm.s32 @!p0 $0x80  }
0x81: {  	[spmem:s1] =	stream.indirect.scatter.add.f32 @!p0 [tilespmem:s6], [sflag:$0x5], $0x80, s18, s2, $0xb8;
	[tilespmem:$0x1B980] =	vst v63  }
0x82: {  	p1 =	por p1, p0;
	_ =	swait.ge @!p0 [sflag:s7], $0x4000  }
0x83: {  	s24 =	sadd.s32 $0x1, s25;
	s6 =	simm.s32 @!p1 $0x0;
	[sflag:s7] =	ssyncset.done @!p0 $0x0  }
0x84: {  	[sflag:s7] =	ssyncadd.s32 @!p0 $0xFFFFC000;
	s7 =	simm.s32 @!p1 $0x13880;
	p0 =	sge.u32 s24, s4  }
0x85: {  	[tilespmem:s7], [sflag:$0x1] =	stream.linear.gather @!p1 [hbm4b:s30+s6], $0x4000, $0x38;
	[tilespmem:$0x1B980] =	vst v63  }
0x86: {  	s7 =	simm.s32 @!p1 $0x1B880;
	s2 =	simm.s32 @!p0 $0x2  }
0x87: {  	[tilespmem:s7], [sflag:$0x3] =	stream.linear.gather @!p1 [hbm4b:s29+s6], $0x80, $0x38;
	[tilespmem:$0x1B980] =	vst v63  }
0x88: {  	_ =	swait.ge @!p0 [sflag:s2], $0x4000  }
0x89: {  	[sflag:s2] =	ssyncset.done @!p0 $0x0  }
0x8a: {  	s6 =	simm.s32 @!p0 $0x4;
	[sflag:s2] =	ssyncadd.s32 @!p0 $0xFFFFC000  }
0x8b: {  	s18 =	simm.s32 @!p0 $0x80;
	_ =	swait.ge @!p0 [sflag:s6], $0x80  }
0x8c: {  	s22 =	simm.s32 @!p0 $0x1B900;
	s7 =	simm.s32 @!p0 $0x17880;
	[sflag:s6] =	ssyncset.done @!p0 $0x0  }
0x8d: {  	s2 =	sadd.s32 @!p0 $0x3, s25;
	[sflag:s6] =	ssyncadd.s32 @!p0 $0xFFFFFF80;
	s6 =	simm.s32 @!p0 $0x5  }
0x8e: {  	[spmem:s1] =	stream.indirect.scatter.add.f32 @!p0 [tilespmem:s7], [sflag:$0x5], $0x80, s22, s18, $0xb8;
	[tilespmem:$0x1B980] =	vst v63  }
0x8f: {  	p1 =	sge.u32 @!p0 s2, s4;
	_ =	swait.ge @!p0 [sflag:s6], $0x4000  }
0x90: {  	p1 =	por p1, p0;
	[sflag:s6] =	ssyncset.done @!p0 $0x0  }
0x91: {  	s2 =	simm.s32 @!p1 $0x0;
	s7 =	simm.s32 @!p1 $0x17880;
	[sflag:s6] =	ssyncadd.s32 @!p0 $0xFFFFC000  }
0x92: {  	[tilespmem:s7], [sflag:$0x2] =	stream.linear.gather @!p1 [hbm4b:s28+s2], $0x4000, $0x38;
	[tilespmem:$0x1B980] =	vst v63  }
0x93: {  	s3 =	sadd.s32 $0x1, s3;
	s30 =	stileid.u32;
	s6 =	simm.s32 @!p1 $0x1B900  }
0x94: {  	[tilespmem:s6], [sflag:$0x4] =	stream.linear.gather @!p1 [hbm4b:s26+s2], $0x80, $0x38;
	[tilespmem:$0x1B980] =	vst v63  }
0x95: {  	s31 =	sshrl.u32 s5, $0x3;
	p0 =	sne.s32 s3, s15;
	s2 =	sshll.u32 s30, $0x6  }
.Ltmp2:
0x96: {  	[bflag:$0x0] =	sbarrier.arrive $0xFFFF;
	s2 =	sor.u32 $0x1C05, s2;
	(pc) =	sbr.rel @p0 .LBB2_1-.Ltmp2, $4  }
0x97: {  	[hbm:s14], [sflag:s2] =	dma.local [spmem:s31], $0x2800  }
0x98: {  	_ =	swait.ge [sflag:s21], $0x2800  }
0x99: {  	[sflag:s21] =	ssyncset.done $0x0  }
0x9a: {  	[sflag:s21] =	ssyncadd.s32 $0xFFFFD800  }
0x9b: {  	_ =	sfence.sel $0x180000  }
0x9c: {  	[bflag:$0x0] =	sbarrier.arrive $0xFFFF  }
0x9d: {  	_ =	strace $0x90000050  }
0x9e: {  	s0 =	stileid.u32;
	[bflag:$0x2] =	sbarrier.arrive $0xFFFF  }
0x9f: {  	p0 =	sne.s32 s0, $0x0;
	s0 =	rddreg [dreg:$0x2]  }
0xa0: {  	s0 =	sadd.s32 @!p0 $0x100000, s0  }
0xa1: {  	[sflag:s0] =	ssyncadd.tile.s32 @!p0 $0x1;
	_ =	shalt  }
.Lfunc_end2:
_tile_overlayer_lowered:
.L_overlay_start_2:
0xa2: {  	(tag) =	ssettag $0x2  }
0xa3: {  	s0 =	rddreg [dreg:$0x0];
	s2 =	stileid.u32  }
0xa4: {  	s1 =	rddreg [dreg:$0x1];
	p0 =	sne.s32 s2, $0x0  }
0xa5: {  	s3 =	rddreg [dreg:$0x2];
	[bflag:$0x3] =	sbarrier.arrive $0xFFFF;
	s2 =	simm.s32 @!p0 $0x1C05  }
0xa6: {  	[timem:s3], [sflag:s2] =	dma.local @!p0 [hbm:s0], s1  }
0xa7: {  	s0 =	simm.s32 @!p0 $0x5  }
0xa8: {  	_ =	swait.ge @!p0 [sflag:s0], s1  }
0xa9: {  	s1 =	ssub.s32 @!p0 $0x0, s1;
	[sflag:s0] =	ssyncset.done @!p0 $0x0  }
0xaa: {  	[sflag:s0] =	ssyncadd.s32 @!p0 s1  }
0xab: {  	[bflag:$0x3] =	sbarrier.arrive $0xFFFF  }
0xac: {  	_ =	shalt  }

</sc_bundles>
